<compile_context>
chip_gen: v7x
topology: tpu7x:2x2x1
jax: 0.10.2.dev20260603
libtpu: 0.0.44.dev20260713+nightly
codegen_flags: <defaults>
</compile_context>

<pallas_src>
import functools

import jax
import jax.numpy as jnp
from jax import lax
from jax.experimental import pallas as pl
from jax.experimental.pallas import tpu as pltpu
from jax.experimental.pallas import tpu_sc as plsc

N = 50000
E = 800000
DIN = 64
DH = 64
DE = 32
B = 16384

NC = 2
NS = 16
R = 3128
N_PAD = NS * R
K2 = 1000
DE2 = DE // 2


@functools.cache
def _get_mesh():
    return plsc.VectorSubcoreMesh(core_axis_name="c", subcore_axis_name="s",
                                  num_cores=NC, num_subcores=NS)


def _fill_1d(ref, n, value):
    def body(i, _):
        ref[pl.ds(i * 16, 16)] = jnp.full((16,), value, jnp.float32)
        return 0
    lax.fori_loop(0, n // 16, body, 0)


def _make_scatter(n_tables: int, k: int, do_deg: bool):
    passes = n_tables // NC
    n = E // NS // k
    W = 16

    out_types = [jax.ShapeDtypeStruct((n_tables * N_PAD, W), jnp.float32)]
    if do_deg:
        out_types.append(jax.ShapeDtypeStruct((NC * N_PAD,), jnp.float32))

    scratch = [
        pltpu.VMEM_SHARED((N_PAD, W), jnp.float32),
        pltpu.VMEM((k,), jnp.int32), pltpu.VMEM((k,), jnp.int32),
        pltpu.VMEM((k,), jnp.int32), pltpu.VMEM((k,), jnp.int32),
        pltpu.VMEM((k, W), jnp.float32), pltpu.VMEM((k, W), jnp.float32),
        pltpu.SemaphoreType.DMA, pltpu.SemaphoreType.DMA,
        pltpu.SemaphoreType.DMA, pltpu.SemaphoreType.DMA,
    ]
    if do_deg:
        scratch += [
            pltpu.VMEM_SHARED((N_PAD,), jnp.float32),
            pltpu.VMEM((1024,), jnp.float32),
            pltpu.VMEM((1024,), jnp.float32),
            pltpu.SemaphoreType.DMA,
        ]

    def body(*refs):
        tables = refs[:n_tables]
        src_hbm, dst_hbm = refs[n_tables], refs[n_tables + 1]
        refs = refs[n_tables + 2:]
        if do_deg:
            out_hbm, degp_hbm = refs[0], refs[1]
            (acc, sidx0, sidx1, didx0, didx1, rows0, rows1,
             sg0, sg1, ss0, ss1, deg_acc, ones_v, zflat_v, sem_d) = refs[2:]
        else:
            out_hbm = refs[0]
            (acc, sidx0, sidx1, didx0, didx1, rows0, rows1,
             sg0, sg1, ss0, ss1) = refs[1:]
        sidx, didx = (sidx0, sidx1), (didx0, didx1)
        rows, sem_g, sem_s = (rows0, rows1), (sg0, sg1), (ss0, ss1)

        c = lax.axis_index("c")
        s = lax.axis_index("s")
        base_r = s * R
        base_t = s * (E // NS)
        nfull, rem = R // k, R % k

        if do_deg:
            _fill_1d(zflat_v, 1024, 0.0)
            _fill_1d(ones_v, 1024, 1.0)

        def pipeline(tbl, dodeg, ci):
            for b in range(2):
                pltpu.sync_copy(src_hbm.at[pl.ds(base_t + b * k, k)], sidx[b])
                pltpu.sync_copy(dst_hbm.at[pl.ds(base_t + b * k, k)], didx[b])
                pltpu.async_copy(tbl.at[sidx[b]], rows[b], sem_g[b])

            @pl.loop(0, n, step=2)
            def _(i):
                for b in range(2):
                    j = i + b
                    pltpu.make_async_copy(tbl.at[pl.ds(0, k)], rows[b],
                                          sem_g[b]).wait()
                    sd = pltpu.async_copy(rows[b], acc.at[didx[b]],
                                          sem_s[b], add=True)
                    if dodeg:
                        cond = s < NS // NC if ci == 0 else s >= NS // NC

                        @pl.when(cond)
                        def _():
                            pltpu.async_copy(ones_v.at[pl.ds(0, k)],
                                             deg_acc.at[didx[b]],
                                             sem_d, add=True).wait()

                    @pl.when(j + 2 < n)
                    def _():
                        pltpu.sync_copy(src_hbm.at[pl.ds(base_t + (j + 2) * k,
                                                         k)], sidx[b])
                    sd.wait()

                    @pl.when(j + 2 < n)
                    def _():
                        pltpu.sync_copy(dst_hbm.at[pl.ds(base_t + (j + 2) * k,
                                                         k)], didx[b])
                        pltpu.async_copy(tbl.at[sidx[b]], rows[b], sem_g[b])

        for q in range(passes):
            def zb(i, _):
                rows0[i, pl.ds(0, 16)] = jnp.zeros((16,), jnp.float32)
                return 0
            lax.fori_loop(0, k, zb, 0)
            for j2 in range(nfull):
                pltpu.sync_copy(rows0, acc.at[pl.ds(base_r + j2 * k, k)])
            if rem:
                pltpu.sync_copy(rows0.at[pl.ds(0, rem)],
                                acc.at[pl.ds(base_r + nfull * k, rem)])
            dodeg = do_deg and q == 0
            if dodeg:
                for j2 in range(3):
                    pltpu.sync_copy(zflat_v,
                                    deg_acc.at[pl.ds(base_r + j2 * 1024, 1024)])
                pltpu.sync_copy(zflat_v.at[pl.ds(0, R - 3 * 1024)],
                                deg_acc.at[pl.ds(base_r + 3 * 1024,
                                                 R - 3 * 1024)])
            plsc.subcore_barrier()

            @pl.when(c == 0)
            def _():
                pipeline(tables[q], dodeg, 0)

            @pl.when(c == 1)
            def _():
                pipeline(tables[passes + q], dodeg, 1)

            plsc.subcore_barrier()

            out_base = (c * passes + q) * N_PAD + base_r
            pltpu.sync_copy(acc.at[pl.ds(base_r, R)],
                            out_hbm.at[pl.ds(out_base, R)])
            if dodeg:
                pltpu.sync_copy(deg_acc.at[pl.ds(base_r, R)],
                                degp_hbm.at[pl.ds(c * N_PAD + base_r, R)])

    return pl.kernel(body, out_type=tuple(out_types), mesh=_get_mesh(),
                     scratch_types=scratch,
                     compiler_params=pltpu.CompilerParams(
                         use_tc_tiling_on_sc=False))


_scatter_cache = {}


def _get_scatter(n_tables: int, k: int, do_deg: bool):
    key = (n_tables, k, do_deg)
    if key not in _scatter_cache:
        _scatter_cache[key] = _make_scatter(n_tables, k, do_deg)
    return _scatter_cache[key]


B3 = B * 3
_TG = B3 // (NC * NS)
_TB = B // (NC * NS)


def _team_body(emb_hbm, tidx_hbm, wp_hbm, bp_hbm, dur_hbm,
               idx_v, rows_v, wp_v, bp_v, dur_v, sem):
    c = lax.axis_index("c")
    s = lax.axis_index("s")
    w = s * NC + c
    base = w * _TG
    pltpu.sync_copy(wp_hbm.at[pl.ds(0, 3 * DE)], wp_v)
    pltpu.sync_copy(bp_hbm.at[pl.ds(0, 16)], bp_v)
    pltpu.sync_copy(tidx_hbm.at[pl.ds(base, _TG)], idx_v)
    pltpu.async_copy(emb_hbm.at[idx_v], rows_v, sem).wait()

    wvs = [wp_v[pl.ds(seg * 16, 16)] for seg in range(6)]
    bpv = bp_v[pl.ds(0, 16)]
    lane = lax.iota(jnp.int32, 16)

    def group(g, _):
        dvec = jnp.zeros((16,), jnp.float32)
        for ln in range(16):
            t = g * 16 + ln
            acc = jnp.zeros((16,), jnp.float32)
            for r in range(3):
                for hh in range(2):
                    v = rows_v[3 * t + r, pl.ds(hh * 16, 16)]
                    acc = acc + v * wvs[r * 2 + hh]
            dvec = jnp.where(lane == ln, jnp.sum(acc), dvec)
        dur_v[pl.ds(g * 16, 16)] = dvec + bpv
        return 0
    lax.fori_loop(0, _TB // 16, group, 0)
    pltpu.sync_copy(dur_v, dur_hbm.at[pl.ds(w * _TB, _TB)])


@functools.cache
def _get_team():
    return pl.kernel(
        _team_body,
        out_type=jax.ShapeDtypeStruct((B,), jnp.float32),
        mesh=_get_mesh(),
        scratch_types=[
            pltpu.VMEM((_TG,), jnp.int32),
            pltpu.VMEM((_TG, DE), jnp.float32),
            pltpu.VMEM((3 * DE,), jnp.float32),
            pltpu.VMEM((16,), jnp.float32),
            pltpu.VMEM((_TB,), jnp.float32),
            pltpu.SemaphoreType.DMA,
        ],
        compiler_params=pltpu.CompilerParams(use_tc_tiling_on_sc=False,
                                             needs_layout_passes=False),
    )



BN = 1024
GRID_N = -(-N // BN)


def _prep_body(x_ref, w1lt_ref, w1rt_ref, b1_ref,
               t0_ref, t1_ref, t2_ref, t3_ref, q_ref):
    xb = x_ref[...]
    t = jnp.dot(xb, w1lt_ref[...], preferred_element_type=jnp.float32)
    t0_ref[...] = t[:, 0 * DE2:1 * DE2]
    t1_ref[...] = t[:, 1 * DE2:2 * DE2]
    t2_ref[...] = t[:, 2 * DE2:3 * DE2]
    t3_ref[...] = t[:, 3 * DE2:4 * DE2]
    q_ref[...] = jnp.dot(xb, w1rt_ref[...],
                         preferred_element_type=jnp.float32) + b1_ref[...]


def _prep(x, w1lt, w1rt, b1row):
    return pl.pallas_call(
        _prep_body,
        grid=(GRID_N,),
        in_specs=[
            pl.BlockSpec((BN, DIN), lambda i: (i, 0)),
            pl.BlockSpec((DIN, DH), lambda i: (0, 0)),
            pl.BlockSpec((DIN, DH), lambda i: (0, 0)),
            pl.BlockSpec((1, DH), lambda i: (0, 0)),
        ],
        out_specs=[pl.BlockSpec((BN, DE2), lambda i: (i, 0))] * 4
        + [pl.BlockSpec((BN, DH), lambda i: (i, 0))],
        out_shape=[jax.ShapeDtypeStruct((N, DE2), jnp.float32)] * 4
        + [jax.ShapeDtypeStruct((N, DH), jnp.float32)],
    )(x, w1lt, w1rt, b1row)


def _mid_body(s1_ref, degp_ref, q_ref, w2lt_ref, w2rt_ref, b2_ref,
              m2a_ref, m2b_ref, r2_ref, recip_ref):
    deg = degp_ref[0] + degp_ref[1]
    rc = 1.0 / jnp.maximum(deg, 1.0)
    mean = jnp.concatenate([s1_ref[0], s1_ref[1], s1_ref[2], s1_ref[3]],
                           axis=1) * rc[:, None]
    h = jnp.maximum(mean + q_ref[...], 0.0)
    m2 = jnp.dot(h, w2lt_ref[...], preferred_element_type=jnp.float32)
    m2a_ref[...] = m2[:, :DE2]
    m2b_ref[...] = m2[:, DE2:]
    r2_ref[...] = jnp.dot(h, w2rt_ref[...],
                          preferred_element_type=jnp.float32) + b2_ref[...]
    recip_ref[...] = rc


def _mid(s1, degp, q, w2lt, w2rt, b2row):
    return pl.pallas_call(
        _mid_body,
        grid=(GRID_N,),
        in_specs=[
            pl.BlockSpec((2 * NC, BN, DE2), lambda i: (0, i, 0)),
            pl.BlockSpec((NC, BN), lambda i: (0, i)),
            pl.BlockSpec((BN, DH), lambda i: (i, 0)),
            pl.BlockSpec((DH, DE), lambda i: (0, 0)),
            pl.BlockSpec((DH, DE), lambda i: (0, 0)),
            pl.BlockSpec((1, DE), lambda i: (0, 0)),
        ],
        out_specs=[
            pl.BlockSpec((BN, DE2), lambda i: (i, 0)),
            pl.BlockSpec((BN, DE2), lambda i: (i, 0)),
            pl.BlockSpec((BN, DE), lambda i: (i, 0)),
            pl.BlockSpec((BN,), lambda i: (i,)),
        ],
        out_shape=[
            jax.ShapeDtypeStruct((N, DE2), jnp.float32),
            jax.ShapeDtypeStruct((N, DE2), jnp.float32),
            jax.ShapeDtypeStruct((N, DE), jnp.float32),
            jax.ShapeDtypeStruct((N,), jnp.float32),
        ],
    )(s1, degp, q, w2lt, w2rt, b2row)


def _post_body(s2_ref, recip_ref, r2_ref, emb_ref):
    mean2 = jnp.concatenate([s2_ref[0], s2_ref[1]], axis=1)
    emb_ref[...] = mean2 * recip_ref[...][:, None] + r2_ref[...]


def _post(s2, recip, r2):
    return pl.pallas_call(
        _post_body,
        grid=(GRID_N,),
        in_specs=[
            pl.BlockSpec((NC, BN, DE2), lambda i: (0, i, 0)),
            pl.BlockSpec((BN,), lambda i: (i,)),
            pl.BlockSpec((BN, DE), lambda i: (i, 0)),
        ],
        out_specs=pl.BlockSpec((BN, DE), lambda i: (i, 0)),
        out_shape=jax.ShapeDtypeStruct((N, DE), jnp.float32),
    )(s2, recip, r2)


BD = 1024


def _dur_body(tvec_ref, wpt_ref, bp_ref, out_ref):
    out_ref[...] = jnp.dot(tvec_ref[...], wpt_ref[...],
                           preferred_element_type=jnp.float32) + bp_ref[...]


def _dur(tvec, wpt, bp11):
    return pl.pallas_call(
        _dur_body,
        grid=(B // BD,),
        in_specs=[
            pl.BlockSpec((BD, 3 * DE), lambda i: (i, 0)),
            pl.BlockSpec((3 * DE, 1), lambda i: (0, 0)),
            pl.BlockSpec((1, 1), lambda i: (0, 0)),
        ],
        out_specs=pl.BlockSpec((BD, 1), lambda i: (i, 0)),
        out_shape=jax.ShapeDtypeStruct((B, 1), jnp.float32),
    )(tvec, wpt, bp11)


def kernel(x, edge_index, team_indices, W1l, b1, W1r, W2l, b2, W2r, Wp, bp):
    src = edge_index[0]
    dst = edge_index[1]

    t0, t1, t2, t3, q = _prep(x, W1l.T, W1r.T, b1.reshape(1, DH))
    s1_flat, degp_flat = _get_scatter(4, K2, True)(t0, t1, t2, t3, src, dst)
    s1 = s1_flat.reshape(2 * NC, N_PAD, DE2)
    degp = degp_flat.reshape(NC, N_PAD)

    m2a, m2b, r2, recip = _mid(s1, degp, q, W2l.T, W2r.T, b2.reshape(1, DE))
    (s2_flat,) = _get_scatter(2, K2, False)(m2a, m2b, src, dst)
    s2 = s2_flat.reshape(NC, N_PAD, DE2)

    emb = _post(s2, recip, r2)

    dur = _get_team()(emb, team_indices.reshape(B3), Wp.reshape(3 * DE),
                      jnp.broadcast_to(bp, (16,)))
    return emb, dur

# --- scband reference (transcript-rebuilt; emitter-appended) ---
"""Pipeline reference for scband-surgical-synergy-gnn-1494648619017 (READ-ONLY COPY).

The authoritative reference and input builder live on the scoring server;
editing this copy changes nothing except your own understanding.
"""

import jax, jax.numpy as jnp
import numpy as np

N = 50000
E = 800000
DIN = 64
DH = 64
DE = 32
B = 16384

def setup_inputs(seed: int = 0):
    key = jax.random.key(seed)
    ks = jax.random.split(key, 12)
    x = jax.random.normal(ks[0], (N, DIN), jnp.float32)
    edge_index = jax.random.randint(ks[1], (2, E), 0, N, dtype=jnp.int32)
    team_indices = jax.random.randint(ks[2], (B, 3), 0, N, dtype=jnp.int32)
    W1l = jax.random.normal(ks[3], (DH, DIN), jnp.float32) * 0.1
    b1 = jax.random.normal(ks[4], (DH,), jnp.float32) * 0.1
    W1r = jax.random.normal(ks[5], (DH, DIN), jnp.float32) * 0.1
    W2l = jax.random.normal(ks[6], (DE, DH), jnp.float32) * 0.1
    b2 = jax.random.normal(ks[7], (DE,), jnp.float32) * 0.1
    W2r = jax.random.normal(ks[8], (DE, DH), jnp.float32) * 0.1
    Wp = jax.random.normal(ks[9], (1, DE * 3), jnp.float32) * 0.1
    bp = jax.random.normal(ks[10], (1,), jnp.float32) * 0.1
    return {"x": x, "edge_index": edge_index, "team_indices": team_indices,
            "W1l": W1l, "b1": b1, "W1r": W1r,
            "W2l": W2l, "b2": b2, "W2r": W2r,
            "Wp": Wp, "bp": bp}

def _sage(x, edge_index, Wl, bl, Wr):
    # PyG SAGEConv (aggr='mean'): out = lin_l(mean_{j in N(i)} x_j) + lin_r(x_i)
    src = edge_index[0]
    dst = edge_index[1]
    msg = jnp.take(x, src, axis=0)
    agg = jax.ops.segment_sum(msg, dst, num_segments=x.shape[0])
    deg = jax.ops.segment_sum(jnp.ones((edge_index.shape[1],), jnp.float32), dst, num_segments=x.shape[0])
    mean = agg / jnp.maximum(deg, 1.0)[:, None]
    return mean @ Wl.T + bl + x @ Wr.T

def reference(x, edge_index, team_indices, W1l, b1, W1r, W2l, b2, W2r, Wp, bp):
    h = jax.nn.relu(_sage(x, edge_index, W1l, b1, W1r))
    # F.dropout(p=0.2) is a no-op in eval mode
    emb = _sage(h, edge_index, W2l, b2, W2r)
    team_embeds = jnp.take(emb, team_indices, axis=0)
    team_vec = team_embeds.reshape(team_embeds.shape[0], -1)
    duration = (team_vec @ Wp.T + bp).squeeze(-1)
    return (emb, duration)

if __name__ == "__main__":
    import jax
    _d = setup_inputs()
    print(jax.jit(kernel)(*tuple(_d.values())))

</pallas_src>

<mosaic_0001>
#map = affine_map<(d0, d1) -> (0, 0)>
#map1 = affine_map<(d0, d1) -> (0)>
module attributes {stable_mosaic.version = 14 : i64} {
  func.func @body(%arg0: i32, %arg1: i32, %arg2: memref<50000x16xf32, #tpu.memory_space<hbm>>, %arg3: memref<50000x16xf32, #tpu.memory_space<hbm>>, %arg4: memref<50000x16xf32, #tpu.memory_space<hbm>>, %arg5: memref<50000x16xf32, #tpu.memory_space<hbm>>, %arg6: memref<800000xi32, #tpu.memory_space<hbm>>, %arg7: memref<800000xi32, #tpu.memory_space<hbm>>, %arg8: memref<200192x16xf32, #tpu.memory_space<hbm>>, %arg9: memref<100096xf32, #tpu.memory_space<hbm>>, %arg10: memref<50048x16xf32, #tpu.memory_space<vmem_shared>>, %arg11: memref<1000xi32, #tpu.memory_space<vmem>>, %arg12: memref<1000xi32, #tpu.memory_space<vmem>>, %arg13: memref<1000xi32, #tpu.memory_space<vmem>>, %arg14: memref<1000xi32, #tpu.memory_space<vmem>>, %arg15: memref<1000x16xf32, #tpu.memory_space<vmem>>, %arg16: memref<1000x16xf32, #tpu.memory_space<vmem>>, %arg17: memref<!tpu.dma_semaphore, #tpu.memory_space<semaphore_mem>>, %arg18: memref<!tpu.dma_semaphore, #tpu.memory_space<semaphore_mem>>, %arg19: memref<!tpu.dma_semaphore, #tpu.memory_space<semaphore_mem>>, %arg20: memref<!tpu.dma_semaphore, #tpu.memory_space<semaphore_mem>>, %arg21: memref<50048xf32, #tpu.memory_space<vmem_shared>>, %arg22: memref<1024xf32, #tpu.memory_space<vmem>>, %arg23: memref<1024xf32, #tpu.memory_space<vmem>>, %arg24: memref<!tpu.dma_semaphore, #tpu.memory_space<semaphore_mem>>) attributes {dimension_semantics = [#tpu.dimension_semantics<core_parallel>, #tpu.dimension_semantics<subcore_parallel>], iteration_bounds = array<i64: 2, 16>, scalar_prefetch = 0 : i64, scratch_operands = 15 : i64, tpu.core_type = #tpu.core_type<sc_vector_subcore>, window_params = [{transform_indices = #map}, {transform_indices = #map}, {transform_indices = #map}, {transform_indices = #map}, {transform_indices = #map1}, {transform_indices = #map1}, {transform_indices = #map}, {transform_indices = #map1}]} {
    %mul3A = arith.constant 3128 : i32
    %mul3A_0 = arith.muli %arg1, %mul3A : i32
    %mul3A_1 = arith.constant 50000 : i32
    %mul3A_2 = arith.muli %arg1, %mul3A_1 : i32
    %scan3A = arith.constant 0 : i32
    %scan3A_3 = arith.constant 0 : i32
    %scan3A_4 = arith.constant 64 : i32
    %scan3A_5 = arith.addi %scan3A_3, %scan3A_4 : i32
    %scan3A_6 = arith.constant 1 : i32
    %scan3A_7 = scf.for %scan3A_90 = %scan3A_3 to %scan3A_5 step %scan3A_6 iter_args(%scan3A_91 = %scan3A) -> (i32)  : i32 {
      %broadcast_in_dim3A = arith.constant 0.000000e+00 : f32
      %broadcast_in_dim3A_92 = vector.broadcast %broadcast_in_dim3A : f32 to vector<16xf32>
      %mul3A_93 = arith.constant 16 : i32
      %mul3A_94 = arith.muli %scan3A_90, %mul3A_93 : i32
      %swap3A = arith.index_cast %mul3A_94 : i32 to index
      %swap3A_95 = tpu.vector_load %arg23[%swap3A] {strides = array<i32>} : memref<1024xf32, #tpu.memory_space<vmem>>, vector<16xf32>,
      %swap3A_96 = vector.shape_cast %swap3A_95 : vector<16xf32> to vector<16xf32>
      %swap3A_97 = vector.shape_cast %broadcast_in_dim3A_92 : vector<16xf32> to vector<16xf32>
      tpu.vector_store %arg23[%swap3A], %swap3A_97 {strides = array<i32>} : memref<1024xf32, #tpu.memory_space<vmem>>, vector<16xf32>,
      %scan3A_98 = arith.constant 0 : i32
      scf.yield %scan3A_98 : i32
    }
    %scan3A_8 = arith.constant 64 : i32
    %scan3A_9 = arith.constant 0 : i32
    %scan3A_10 = arith.constant 0 : i32
    %scan3A_11 = arith.constant 64 : i32
    %scan3A_12 = arith.addi %scan3A_10, %scan3A_11 : i32
    %scan3A_13 = arith.constant 1 : i32
    %scan3A_14 = scf.for %scan3A_90 = %scan3A_10 to %scan3A_12 step %scan3A_13 iter_args(%scan3A_91 = %scan3A_9) -> (i32)  : i32 {
      %broadcast_in_dim3A = arith.constant 1.000000e+00 : f32
      %broadcast_in_dim3A_92 = vector.broadcast %broadcast_in_dim3A : f32 to vector<16xf32>
      %mul3A_93 = arith.constant 16 : i32
      %mul3A_94 = arith.muli %scan3A_90, %mul3A_93 : i32
      %swap3A = arith.index_cast %mul3A_94 : i32 to index
      %swap3A_95 = tpu.vector_load %arg22[%swap3A] {strides = array<i32>} : memref<1024xf32, #tpu.memory_space<vmem>>, vector<16xf32>,
      %swap3A_96 = vector.shape_cast %swap3A_95 : vector<16xf32> to vector<16xf32>
      %swap3A_97 = vector.shape_cast %broadcast_in_dim3A_92 : vector<16xf32> to vector<16xf32>
      tpu.vector_store %arg22[%swap3A], %swap3A_97 {strides = array<i32>} : memref<1024xf32, #tpu.memory_space<vmem>>, vector<16xf32>,
      %scan3A_98 = arith.constant 0 : i32
      scf.yield %scan3A_98 : i32
    }
    %scan3A_15 = arith.constant 64 : i32
    %scan3A_16 = arith.constant 0 : i32
    %scan3A_17 = arith.constant 0 : i32
    %scan3A_18 = arith.constant 1000 : i32
    %scan3A_19 = arith.addi %scan3A_17, %scan3A_18 : i32
    %scan3A_20 = arith.constant 1 : i32
    %scan3A_21 = scf.for %scan3A_90 = %scan3A_17 to %scan3A_19 step %scan3A_20 iter_args(%scan3A_91 = %scan3A_16) -> (i32)  : i32 {
      %broadcast_in_dim3A = arith.constant 0.000000e+00 : f32
      %broadcast_in_dim3A_92 = vector.broadcast %broadcast_in_dim3A : f32 to vector<16xf32>
      %swap3A = arith.index_cast %scan3A_90 : i32 to index
      %swap3A_93 = arith.constant 0 : index
      %swap3A_94 = tpu.vector_load %arg15[%swap3A, %swap3A_93] {strides = array<i32>} : memref<1000x16xf32, #tpu.memory_space<vmem>>, vector<1x16xf32>,
      %swap3A_95 = vector.shape_cast %swap3A_94 : vector<1x16xf32> to vector<16xf32>
      %swap3A_96 = vector.shape_cast %broadcast_in_dim3A_92 : vector<16xf32> to vector<1x16xf32>
      tpu.vector_store %arg15[%swap3A, %swap3A_93], %swap3A_96 {strides = array<i32>} : memref<1000x16xf32, #tpu.memory_space<vmem>>, vector<1x16xf32>,
      %scan3A_97 = arith.constant 0 : i32
      scf.yield %scan3A_97 : i32
    }
    %scan3A_22 = arith.constant 1000 : i32
    %add3A = arith.constant 0 : i32
    %add3A_23 = arith.addi %mul3A_0, %add3A : i32
    "tpu.region"() ({
      %run_scoped3A = tpu.sem_alloc : memref<!tpu.dma_semaphore, #tpu.memory_space<semaphore_mem>>
      %dma_start3A = arith.constant 0 : i32
      %dma_start3A_90 = tpu.memref_slice %arg10[%add3A_23, %dma_start3A] : memref<50048x16xf32, #tpu.memory_space<vmem_shared>> -> memref<1000x16xf32, #tpu.memory_space<vmem_shared>>
      %dma_start3A_91 = arith.constant 0 : i32
      %dma_start3A_92 = tpu.memref_slice %arg10[%add3A_23, %dma_start3A_91] : memref<50048x16xf32, #tpu.memory_space<vmem_shared>> -> memref<1000x16xf32, #tpu.memory_space<vmem_shared>>
      tpu.enqueue_dma source(%arg15 : memref<1000x16xf32, #tpu.memory_space<vmem>>) target(%dma_start3A_92 : memref<1000x16xf32, #tpu.memory_space<vmem_shared>>) target_semaphore(%run_scoped3A : memref<!tpu.dma_semaphore, #tpu.memory_space<semaphore_mem>>)
      %dma_wait3A = arith.constant 0 : i32
      %dma_wait3A_93 = tpu.memref_slice %arg10[%add3A_23, %dma_wait3A] : memref<50048x16xf32, #tpu.memory_space<vmem_shared>> -> memref<1000x16xf32, #tpu.memory_space<vmem_shared>>
      %dma_wait3A_94 = arith.constant 0 : i32
      %dma_wait3A_95 = tpu.memref_slice %arg10[%add3A_23, %dma_wait3A_94] : memref<50048x16xf32, #tpu.memory_space<vmem_shared>> -> memref<1000x16xf32, #tpu.memory_space<vmem_shared>>
      tpu.wait_dma2 semaphore(%run_scoped3A : memref<!tpu.dma_semaphore, #tpu.memory_space<semaphore_mem>>) src(%arg15 : memref<1000x16xf32, #tpu.memory_space<vmem>>) dst(%dma_wait3A_95 : memref<1000x16xf32, #tpu.memory_space<vmem_shared>>)
      tpu.yield
    }) : () -> ()
    %add3A_24 = arith.constant 1000 : i32
    %add3A_25 = arith.addi %mul3A_0, %add3A_24 : i32
    "tpu.region"() ({
      %run_scoped3A = tpu.sem_alloc : memref<!tpu.dma_semaphore, #tpu.memory_space<semaphore_mem>>
      %dma_start3A = arith.constant 0 : i32
      %dma_start3A_90 = tpu.memref_slice %arg10[%add3A_25, %dma_start3A] : memref<50048x16xf32, #tpu.memory_space<vmem_shared>> -> memref<1000x16xf32, #tpu.memory_space<vmem_shared>>
      %dma_start3A_91 = arith.constant 0 : i32
      %dma_start3A_92 = tpu.memref_slice %arg10[%add3A_25, %dma_start3A_91] : memref<50048x16xf32, #tpu.memory_space<vmem_shared>> -> memref<1000x16xf32, #tpu.memory_space<vmem_shared>>
      tpu.enqueue_dma source(%arg15 : memref<1000x16xf32, #tpu.memory_space<vmem>>) target(%dma_start3A_92 : memref<1000x16xf32, #tpu.memory_space<vmem_shared>>) target_semaphore(%run_scoped3A : memref<!tpu.dma_semaphore, #tpu.memory_space<semaphore_mem>>)
      %dma_wait3A = arith.constant 0 : i32
      %dma_wait3A_93 = tpu.memref_slice %arg10[%add3A_25, %dma_wait3A] : memref<50048x16xf32, #tpu.memory_space<vmem_shared>> -> memref<1000x16xf32, #tpu.memory_space<vmem_shared>>
      %dma_wait3A_94 = arith.constant 0 : i32
      %dma_wait3A_95 = tpu.memref_slice %arg10[%add3A_25, %dma_wait3A_94] : memref<50048x16xf32, #tpu.memory_space<vmem_shared>> -> memref<1000x16xf32, #tpu.memory_space<vmem_shared>>
      tpu.wait_dma2 semaphore(%run_scoped3A : memref<!tpu.dma_semaphore, #tpu.memory_space<semaphore_mem>>) src(%arg15 : memref<1000x16xf32, #tpu.memory_space<vmem>>) dst(%dma_wait3A_95 : memref<1000x16xf32, #tpu.memory_space<vmem_shared>>)
      tpu.yield
    }) : () -> ()
    %add3A_26 = arith.constant 2000 : i32
    %add3A_27 = arith.addi %mul3A_0, %add3A_26 : i32
    "tpu.region"() ({
      %run_scoped3A = tpu.sem_alloc : memref<!tpu.dma_semaphore, #tpu.memory_space<semaphore_mem>>
      %dma_start3A = arith.constant 0 : i32
      %dma_start3A_90 = tpu.memref_slice %arg10[%add3A_27, %dma_start3A] : memref<50048x16xf32, #tpu.memory_space<vmem_shared>> -> memref<1000x16xf32, #tpu.memory_space<vmem_shared>>
      %dma_start3A_91 = arith.constant 0 : i32
      %dma_start3A_92 = tpu.memref_slice %arg10[%add3A_27, %dma_start3A_91] : memref<50048x16xf32, #tpu.memory_space<vmem_shared>> -> memref<1000x16xf32, #tpu.memory_space<vmem_shared>>
      tpu.enqueue_dma source(%arg15 : memref<1000x16xf32, #tpu.memory_space<vmem>>) target(%dma_start3A_92 : memref<1000x16xf32, #tpu.memory_space<vmem_shared>>) target_semaphore(%run_scoped3A : memref<!tpu.dma_semaphore, #tpu.memory_space<semaphore_mem>>)
      %dma_wait3A = arith.constant 0 : i32
      %dma_wait3A_93 = tpu.memref_slice %arg10[%add3A_27, %dma_wait3A] : memref<50048x16xf32, #tpu.memory_space<vmem_shared>> -> memref<1000x16xf32, #tpu.memory_space<vmem_shared>>
      %dma_wait3A_94 = arith.constant 0 : i32
      %dma_wait3A_95 = tpu.memref_slice %arg10[%add3A_27, %dma_wait3A_94] : memref<50048x16xf32, #tpu.memory_space<vmem_shared>> -> memref<1000x16xf32, #tpu.memory_space<vmem_shared>>
      tpu.wait_dma2 semaphore(%run_scoped3A : memref<!tpu.dma_semaphore, #tpu.memory_space<semaphore_mem>>) src(%arg15 : memref<1000x16xf32, #tpu.memory_space<vmem>>) dst(%dma_wait3A_95 : memref<1000x16xf32, #tpu.memory_space<vmem_shared>>)
      tpu.yield
    }) : () -> ()
    %add3A_28 = arith.constant 3000 : i32
    %add3A_29 = arith.addi %mul3A_0, %add3A_28 : i32
    "tpu.region"() ({
      %run_scoped3A = tpu.sem_alloc : memref<!tpu.dma_semaphore, #tpu.memory_space<semaphore_mem>>
      %dma_start3A = arith.constant 0 : i32
      %dma_start3A_90 = arith.constant 0 : i32
      %dma_start3A_91 = tpu.memref_slice %arg15[%dma_start3A, %dma_start3A_90] : memref<1000x16xf32, #tpu.memory_space<vmem>> -> memref<128x16xf32, #tpu.memory_space<vmem>>
      %dma_start3A_92 = arith.constant 0 : i32
      %dma_start3A_93 = tpu.memref_slice %arg10[%add3A_29, %dma_start3A_92] : memref<50048x16xf32, #tpu.memory_space<vmem_shared>> -> memref<128x16xf32, #tpu.memory_space<vmem_shared>>
      %dma_start3A_94 = arith.constant 0 : i32
      %dma_start3A_95 = tpu.memref_slice %arg10[%add3A_29, %dma_start3A_94] : memref<50048x16xf32, #tpu.memory_space<vmem_shared>> -> memref<128x16xf32, #tpu.memory_space<vmem_shared>>
      %dma_start3A_96 = arith.constant 0 : i32
      %dma_start3A_97 = arith.constant 0 : i32
      %dma_start3A_98 = tpu.memref_slice %arg15[%dma_start3A_96, %dma_start3A_97] : memref<1000x16xf32, #tpu.memory_space<vmem>> -> memref<128x16xf32, #tpu.memory_space<vmem>>
      tpu.enqueue_dma source(%dma_start3A_98 : memref<128x16xf32, #tpu.memory_space<vmem>>) target(%dma_start3A_95 : memref<128x16xf32, #tpu.memory_space<vmem_shared>>) target_semaphore(%run_scoped3A : memref<!tpu.dma_semaphore, #tpu.memory_space<semaphore_mem>>)
      %dma_wait3A = arith.constant 0 : i32
      %dma_wait3A_99 = arith.constant 0 : i32
      %dma_wait3A_100 = tpu.memref_slice %arg15[%dma_wait3A, %dma_wait3A_99] : memref<1000x16xf32, #tpu.memory_space<vmem>> -> memref<128x16xf32, #tpu.memory_space<vmem>>
      %dma_wait3A_101 = arith.constant 0 : i32
      %dma_wait3A_102 = tpu.memref_slice %arg10[%add3A_29, %dma_wait3A_101] : memref<50048x16xf32, #tpu.memory_space<vmem_shared>> -> memref<128x16xf32, #tpu.memory_space<vmem_shared>>
      %dma_wait3A_103 = arith.constant 0 : i32
      %dma_wait3A_104 = tpu.memref_slice %arg10[%add3A_29, %dma_wait3A_103] : memref<50048x16xf32, #tpu.memory_space<vmem_shared>> -> memref<128x16xf32, #tpu.memory_space<vmem_shared>>
      %dma_wait3A_105 = arith.constant 0 : i32
      %dma_wait3A_106 = arith.constant 0 : i32
      %dma_wait3A_107 = tpu.memref_slice %arg15[%dma_wait3A_105, %dma_wait3A_106] : memref<1000x16xf32, #tpu.memory_space<vmem>> -> memref<128x16xf32, #tpu.memory_space<vmem>>
      tpu.wait_dma2 semaphore(%run_scoped3A : memref<!tpu.dma_semaphore, #tpu.memory_space<semaphore_mem>>) src(%dma_wait3A_107 : memref<128x16xf32, #tpu.memory_space<vmem>>) dst(%dma_wait3A_104 : memref<128x16xf32, #tpu.memory_space<vmem_shared>>)
      tpu.yield
    }) : () -> ()
    %add3A_30 = arith.constant 0 : i32
    %add3A_31 = arith.addi %mul3A_0, %add3A_30 : i32
    "tpu.region"() ({
      %run_scoped3A = tpu.sem_alloc : memref<!tpu.dma_semaphore, #tpu.memory_space<semaphore_mem>>
      %dma_start3A = tpu.memref_slice %arg21[%add3A_31] : memref<50048xf32, #tpu.memory_space<vmem_shared>> -> memref<1024xf32, #tpu.memory_space<vmem_shared>>
      %dma_start3A_90 = tpu.memref_slice %arg21[%add3A_31] : memref<50048xf32, #tpu.memory_space<vmem_shared>> -> memref<1024xf32, #tpu.memory_space<vmem_shared>>
      tpu.enqueue_dma source(%arg23 : memref<1024xf32, #tpu.memory_space<vmem>>) target(%dma_start3A_90 : memref<1024xf32, #tpu.memory_space<vmem_shared>>) target_semaphore(%run_scoped3A : memref<!tpu.dma_semaphore, #tpu.memory_space<semaphore_mem>>)
      %dma_wait3A = tpu.memref_slice %arg21[%add3A_31] : memref<50048xf32, #tpu.memory_space<vmem_shared>> -> memref<1024xf32, #tpu.memory_space<vmem_shared>>
      %dma_wait3A_91 = tpu.memref_slice %arg21[%add3A_31] : memref<50048xf32, #tpu.memory_space<vmem_shared>> -> memref<1024xf32, #tpu.memory_space<vmem_shared>>
      tpu.wait_dma2 semaphore(%run_scoped3A : memref<!tpu.dma_semaphore, #tpu.memory_space<semaphore_mem>>) src(%arg23 : memref<1024xf32, #tpu.memory_space<vmem>>) dst(%dma_wait3A_91 : memref<1024xf32, #tpu.memory_space<vmem_shared>>)
      tpu.yield
    }) : () -> ()
    %add3A_32 = arith.constant 1024 : i32
    %add3A_33 = arith.addi %mul3A_0, %add3A_32 : i32
    "tpu.region"() ({
      %run_scoped3A = tpu.sem_alloc : memref<!tpu.dma_semaphore, #tpu.memory_space<semaphore_mem>>
      %dma_start3A = tpu.memref_slice %arg21[%add3A_33] : memref<50048xf32, #tpu.memory_space<vmem_shared>> -> memref<1024xf32, #tpu.memory_space<vmem_shared>>
      %dma_start3A_90 = tpu.memref_slice %arg21[%add3A_33] : memref<50048xf32, #tpu.memory_space<vmem_shared>> -> memref<1024xf32, #tpu.memory_space<vmem_shared>>
      tpu.enqueue_dma source(%arg23 : memref<1024xf32, #tpu.memory_space<vmem>>) target(%dma_start3A_90 : memref<1024xf32, #tpu.memory_space<vmem_shared>>) target_semaphore(%run_scoped3A : memref<!tpu.dma_semaphore, #tpu.memory_space<semaphore_mem>>)
      %dma_wait3A = tpu.memref_slice %arg21[%add3A_33] : memref<50048xf32, #tpu.memory_space<vmem_shared>> -> memref<1024xf32, #tpu.memory_space<vmem_shared>>
      %dma_wait3A_91 = tpu.memref_slice %arg21[%add3A_33] : memref<50048xf32, #tpu.memory_space<vmem_shared>> -> memref<1024xf32, #tpu.memory_space<vmem_shared>>
      tpu.wait_dma2 semaphore(%run_scoped3A : memref<!tpu.dma_semaphore, #tpu.memory_space<semaphore_mem>>) src(%arg23 : memref<1024xf32, #tpu.memory_space<vmem>>) dst(%dma_wait3A_91 : memref<1024xf32, #tpu.memory_space<vmem_shared>>)
      tpu.yield
    }) : () -> ()
    %add3A_34 = arith.constant 2048 : i32
    %add3A_35 = arith.addi %mul3A_0, %add3A_34 : i32
    "tpu.region"() ({
      %run_scoped3A = tpu.sem_alloc : memref<!tpu.dma_semaphore, #tpu.memory_space<semaphore_mem>>
      %dma_start3A = tpu.memref_slice %arg21[%add3A_35] : memref<50048xf32, #tpu.memory_space<vmem_shared>> -> memref<1024xf32, #tpu.memory_space<vmem_shared>>
      %dma_start3A_90 = tpu.memref_slice %arg21[%add3A_35] : memref<50048xf32, #tpu.memory_space<vmem_shared>> -> memref<1024xf32, #tpu.memory_space<vmem_shared>>
      tpu.enqueue_dma source(%arg23 : memref<1024xf32, #tpu.memory_space<vmem>>) target(%dma_start3A_90 : memref<1024xf32, #tpu.memory_space<vmem_shared>>) target_semaphore(%run_scoped3A : memref<!tpu.dma_semaphore, #tpu.memory_space<semaphore_mem>>)
      %dma_wait3A = tpu.memref_slice %arg21[%add3A_35] : memref<50048xf32, #tpu.memory_space<vmem_shared>> -> memref<1024xf32, #tpu.memory_space<vmem_shared>>
      %dma_wait3A_91 = tpu.memref_slice %arg21[%add3A_35] : memref<50048xf32, #tpu.memory_space<vmem_shared>> -> memref<1024xf32, #tpu.memory_space<vmem_shared>>
      tpu.wait_dma2 semaphore(%run_scoped3A : memref<!tpu.dma_semaphore, #tpu.memory_space<semaphore_mem>>) src(%arg23 : memref<1024xf32, #tpu.memory_space<vmem>>) dst(%dma_wait3A_91 : memref<1024xf32, #tpu.memory_space<vmem_shared>>)
      tpu.yield
    }) : () -> ()
    %add3A_36 = arith.constant 3072 : i32
    %add3A_37 = arith.addi %mul3A_0, %add3A_36 : i32
    "tpu.region"() ({
      %run_scoped3A = tpu.sem_alloc : memref<!tpu.dma_semaphore, #tpu.memory_space<semaphore_mem>>
      %dma_start3A = arith.constant 0 : i32
      %dma_start3A_90 = tpu.memref_slice %arg23[%dma_start3A] : memref<1024xf32, #tpu.memory_space<vmem>> -> memref<56xf32, #tpu.memory_space<vmem>>
      %dma_start3A_91 = tpu.memref_slice %arg21[%add3A_37] : memref<50048xf32, #tpu.memory_space<vmem_shared>> -> memref<56xf32, #tpu.memory_space<vmem_shared>>
      %dma_start3A_92 = tpu.memref_slice %arg21[%add3A_37] : memref<50048xf32, #tpu.memory_space<vmem_shared>> -> memref<56xf32, #tpu.memory_space<vmem_shared>>
      %dma_start3A_93 = arith.constant 0 : i32
      %dma_start3A_94 = tpu.memref_slice %arg23[%dma_start3A_93] : memref<1024xf32, #tpu.memory_space<vmem>> -> memref<56xf32, #tpu.memory_space<vmem>>
      tpu.enqueue_dma source(%dma_start3A_94 : memref<56xf32, #tpu.memory_space<vmem>>) target(%dma_start3A_92 : memref<56xf32, #tpu.memory_space<vmem_shared>>) target_semaphore(%run_scoped3A : memref<!tpu.dma_semaphore, #tpu.memory_space<semaphore_mem>>)
      %dma_wait3A = arith.constant 0 : i32
      %dma_wait3A_95 = tpu.memref_slice %arg23[%dma_wait3A] : memref<1024xf32, #tpu.memory_space<vmem>> -> memref<56xf32, #tpu.memory_space<vmem>>
      %dma_wait3A_96 = tpu.memref_slice %arg21[%add3A_37] : memref<50048xf32, #tpu.memory_space<vmem_shared>> -> memref<56xf32, #tpu.memory_space<vmem_shared>>
      %dma_wait3A_97 = tpu.memref_slice %arg21[%add3A_37] : memref<50048xf32, #tpu.memory_space<vmem_shared>> -> memref<56xf32, #tpu.memory_space<vmem_shared>>
      %dma_wait3A_98 = arith.constant 0 : i32
      %dma_wait3A_99 = tpu.memref_slice %arg23[%dma_wait3A_98] : memref<1024xf32, #tpu.memory_space<vmem>> -> memref<56xf32, #tpu.memory_space<vmem>>
      tpu.wait_dma2 semaphore(%run_scoped3A : memref<!tpu.dma_semaphore, #tpu.memory_space<semaphore_mem>>) src(%dma_wait3A_99 : memref<56xf32, #tpu.memory_space<vmem>>) dst(%dma_wait3A_97 : memref<56xf32, #tpu.memory_space<vmem_shared>>)
      tpu.yield
    }) : () -> ()
    %barrier3A = arith.constant 0 : index
    tpu.barrier barrier_id(%barrier3A)
    %eq3A = arith.constant 0 : i32
    %eq3A_38 = arith.cmpi eq, %arg0, %eq3A : i32
    %convert_element_type3A = arith.extui %eq3A_38 : i1 to i32
    %cond3A = arith.constant 0 : i32
    %cond3A_39 = arith.cmpi ne, %convert_element_type3A, %cond3A : i32
    scf.if %cond3A_39 {
      %add3A_90 = arith.constant 0 : i32
      %add3A_91 = arith.addi %mul3A_2, %add3A_90 : i32
      "tpu.region"() ({
        %run_scoped3A = tpu.sem_alloc : memref<!tpu.dma_semaphore, #tpu.memory_space<semaphore_mem>>
        %dma_start3A_108 = tpu.memref_slice %arg6[%add3A_91] : memref<800000xi32, #tpu.memory_space<hbm>> -> memref<1000xi32, #tpu.memory_space<hbm>>
        %dma_start3A_109 = tpu.memref_slice %arg6[%add3A_91] : memref<800000xi32, #tpu.memory_space<hbm>> -> memref<1000xi32, #tpu.memory_space<hbm>>
        tpu.enqueue_dma source(%dma_start3A_109 : memref<1000xi32, #tpu.memory_space<hbm>>) target(%arg11 : memref<1000xi32, #tpu.memory_space<vmem>>) target_semaphore(%run_scoped3A : memref<!tpu.dma_semaphore, #tpu.memory_space<semaphore_mem>>)
        %dma_wait3A = tpu.memref_slice %arg6[%add3A_91] : memref<800000xi32, #tpu.memory_space<hbm>> -> memref<1000xi32, #tpu.memory_space<hbm>>
        %dma_wait3A_110 = tpu.memref_slice %arg6[%add3A_91] : memref<800000xi32, #tpu.memory_space<hbm>> -> memref<1000xi32, #tpu.memory_space<hbm>>
        tpu.wait_dma2 semaphore(%run_scoped3A : memref<!tpu.dma_semaphore, #tpu.memory_space<semaphore_mem>>) src(%dma_wait3A_110 : memref<1000xi32, #tpu.memory_space<hbm>>) dst(%arg11 : memref<1000xi32, #tpu.memory_space<vmem>>)
        tpu.yield
      }) : () -> ()
      %add3A_92 = arith.constant 0 : i32
      %add3A_93 = arith.addi %mul3A_2, %add3A_92 : i32
      "tpu.region"() ({
        %run_scoped3A = tpu.sem_alloc : memref<!tpu.dma_semaphore, #tpu.memory_space<semaphore_mem>>
        %dma_start3A_108 = tpu.memref_slice %arg7[%add3A_93] : memref<800000xi32, #tpu.memory_space<hbm>> -> memref<1000xi32, #tpu.memory_space<hbm>>
        %dma_start3A_109 = tpu.memref_slice %arg7[%add3A_93] : memref<800000xi32, #tpu.memory_space<hbm>> -> memref<1000xi32, #tpu.memory_space<hbm>>
        tpu.enqueue_dma source(%dma_start3A_109 : memref<1000xi32, #tpu.memory_space<hbm>>) target(%arg13 : memref<1000xi32, #tpu.memory_space<vmem>>) target_semaphore(%run_scoped3A : memref<!tpu.dma_semaphore, #tpu.memory_space<semaphore_mem>>)
        %dma_wait3A = tpu.memref_slice %arg7[%add3A_93] : memref<800000xi32, #tpu.memory_space<hbm>> -> memref<1000xi32, #tpu.memory_space<hbm>>
        %dma_wait3A_110 = tpu.memref_slice %arg7[%add3A_93] : memref<800000xi32, #tpu.memory_space<hbm>> -> memref<1000xi32, #tpu.memory_space<hbm>>
        tpu.wait_dma2 semaphore(%run_scoped3A : memref<!tpu.dma_semaphore, #tpu.memory_space<semaphore_mem>>) src(%dma_wait3A_110 : memref<1000xi32, #tpu.memory_space<hbm>>) dst(%arg13 : memref<1000xi32, #tpu.memory_space<vmem>>)
        tpu.yield
      }) : () -> ()
      %dma_start3A = arith.constant 0 : i32
      %dma_start3A_94 = arith.constant 0 : i32
      %dma_start3A_95 = tpu.memref_slice %arg2[%dma_start3A, %dma_start3A_94] : memref<50000x16xf32, #tpu.memory_space<hbm>> -> memref<50000x16xf32, #tpu.memory_space<hbm>>
      tpu.enqueue_indirect_dma source(%dma_start3A_95 : memref<50000x16xf32, #tpu.memory_space<hbm>>) target(%arg15 : memref<1000x16xf32, #tpu.memory_space<vmem>>) offsets(%arg11 : memref<1000xi32, #tpu.memory_space<vmem>>) semaphore(%arg17 : memref<!tpu.dma_semaphore, #tpu.memory_space<semaphore_mem>>)
      %add3A_96 = arith.constant 1000 : i32
      %add3A_97 = arith.addi %mul3A_2, %add3A_96 : i32
      "tpu.region"() ({
        %run_scoped3A = tpu.sem_alloc : memref<!tpu.dma_semaphore, #tpu.memory_space<semaphore_mem>>
        %dma_start3A_108 = tpu.memref_slice %arg6[%add3A_97] : memref<800000xi32, #tpu.memory_space<hbm>> -> memref<1000xi32, #tpu.memory_space<hbm>>
        %dma_start3A_109 = tpu.memref_slice %arg6[%add3A_97] : memref<800000xi32, #tpu.memory_space<hbm>> -> memref<1000xi32, #tpu.memory_space<hbm>>
        tpu.enqueue_dma source(%dma_start3A_109 : memref<1000xi32, #tpu.memory_space<hbm>>) target(%arg12 : memref<1000xi32, #tpu.memory_space<vmem>>) target_semaphore(%run_scoped3A : memref<!tpu.dma_semaphore, #tpu.memory_space<semaphore_mem>>)
        %dma_wait3A = tpu.memref_slice %arg6[%add3A_97] : memref<800000xi32, #tpu.memory_space<hbm>> -> memref<1000xi32, #tpu.memory_space<hbm>>
        %dma_wait3A_110 = tpu.memref_slice %arg6[%add3A_97] : memref<800000xi32, #tpu.memory_space<hbm>> -> memref<1000xi32, #tpu.memory_space<hbm>>
        tpu.wait_dma2 semaphore(%run_scoped3A : memref<!tpu.dma_semaphore, #tpu.memory_space<semaphore_mem>>) src(%dma_wait3A_110 : memref<1000xi32, #tpu.memory_space<hbm>>) dst(%arg12 : memref<1000xi32, #tpu.memory_space<vmem>>)
        tpu.yield
      }) : () -> ()
      %add3A_98 = arith.constant 1000 : i32
      %add3A_99 = arith.addi %mul3A_2, %add3A_98 : i32
      "tpu.region"() ({
        %run_scoped3A = tpu.sem_alloc : memref<!tpu.dma_semaphore, #tpu.memory_space<semaphore_mem>>
        %dma_start3A_108 = tpu.memref_slice %arg7[%add3A_99] : memref<800000xi32, #tpu.memory_space<hbm>> -> memref<1000xi32, #tpu.memory_space<hbm>>
        %dma_start3A_109 = tpu.memref_slice %arg7[%add3A_99] : memref<800000xi32, #tpu.memory_space<hbm>> -> memref<1000xi32, #tpu.memory_space<hbm>>
        tpu.enqueue_dma source(%dma_start3A_109 : memref<1000xi32, #tpu.memory_space<hbm>>) target(%arg14 : memref<1000xi32, #tpu.memory_space<vmem>>) target_semaphore(%run_scoped3A : memref<!tpu.dma_semaphore, #tpu.memory_space<semaphore_mem>>)
        %dma_wait3A = tpu.memref_slice %arg7[%add3A_99] : memref<800000xi32, #tpu.memory_space<hbm>> -> memref<1000xi32, #tpu.memory_space<hbm>>
        %dma_wait3A_110 = tpu.memref_slice %arg7[%add3A_99] : memref<800000xi32, #tpu.memory_space<hbm>> -> memref<1000xi32, #tpu.memory_space<hbm>>
        tpu.wait_dma2 semaphore(%run_scoped3A : memref<!tpu.dma_semaphore, #tpu.memory_space<semaphore_mem>>) src(%dma_wait3A_110 : memref<1000xi32, #tpu.memory_space<hbm>>) dst(%arg14 : memref<1000xi32, #tpu.memory_space<vmem>>)
        tpu.yield
      }) : () -> ()
      %dma_start3A_100 = arith.constant 0 : i32
      %dma_start3A_101 = arith.constant 0 : i32
      %dma_start3A_102 = tpu.memref_slice %arg2[%dma_start3A_100, %dma_start3A_101] : memref<50000x16xf32, #tpu.memory_space<hbm>> -> memref<50000x16xf32, #tpu.memory_space<hbm>>
      tpu.enqueue_indirect_dma source(%dma_start3A_102 : memref<50000x16xf32, #tpu.memory_space<hbm>>) target(%arg16 : memref<1000x16xf32, #tpu.memory_space<vmem>>) offsets(%arg12 : memref<1000xi32, #tpu.memory_space<vmem>>) semaphore(%arg18 : memref<!tpu.dma_semaphore, #tpu.memory_space<semaphore_mem>>)
      %scan3A_103 = arith.constant 0 : i32
      %scan3A_104 = arith.constant 25 : i32
      %scan3A_105 = arith.addi %scan3A_103, %scan3A_104 : i32
      %scan3A_106 = arith.constant 1 : i32
      scf.for %scan3A_108 = %scan3A_103 to %scan3A_105 step %scan3A_106  : i32 {
        %mul3A_109 = arith.constant 2 : i32
        %mul3A_110 = arith.muli %scan3A_108, %mul3A_109 : i32
        %add3A_111 = arith.constant 0 : i32
        %add3A_112 = arith.addi %add3A_111, %mul3A_110 : i32
        %add3A_113 = arith.constant 0 : i32
        %add3A_114 = arith.addi %add3A_112, %add3A_113 : i32
        %dma_wait3A = arith.constant 0 : i32
        %dma_wait3A_115 = arith.constant 0 : i32
        %dma_wait3A_116 = tpu.memref_slice %arg2[%dma_wait3A, %dma_wait3A_115] : memref<50000x16xf32, #tpu.memory_space<hbm>> -> memref<1000x16xf32, #tpu.memory_space<hbm>>
        %dma_wait3A_117 = arith.constant 0 : i32
        %dma_wait3A_118 = arith.constant 0 : i32
        %dma_wait3A_119 = tpu.memref_slice %arg2[%dma_wait3A_117, %dma_wait3A_118] : memref<50000x16xf32, #tpu.memory_space<hbm>> -> memref<1000x16xf32, #tpu.memory_space<hbm>>
        tpu.wait_dma2 semaphore(%arg17 : memref<!tpu.dma_semaphore, #tpu.memory_space<semaphore_mem>>) src(%dma_wait3A_119 : memref<1000x16xf32, #tpu.memory_space<hbm>>) dst(%arg15 : memref<1000x16xf32, #tpu.memory_space<vmem>>)
        %dma_start3A_120 = arith.constant 0 : i32
        %dma_start3A_121 = arith.constant 0 : i32
        %dma_start3A_122 = tpu.memref_slice %arg10[%dma_start3A_120, %dma_start3A_121] : memref<50048x16xf32, #tpu.memory_space<vmem_shared>> -> memref<50048x16xf32, #tpu.memory_space<vmem_shared>>
        tpu.enqueue_indirect_dma source(%arg15 : memref<1000x16xf32, #tpu.memory_space<vmem>>) target(%dma_start3A_122 : memref<50048x16xf32, #tpu.memory_space<vmem_shared>>) offsets(%arg13 : memref<1000xi32, #tpu.memory_space<vmem>>) semaphore(%arg19 : memref<!tpu.dma_semaphore, #tpu.memory_space<semaphore_mem>>) {add = true}
        %lt3A = arith.constant 8 : i32
        %lt3A_123 = arith.cmpi slt, %arg1, %lt3A : i32
        %convert_element_type3A_124 = arith.extui %lt3A_123 : i1 to i32
        %cond3A_125 = arith.constant 0 : i32
        %cond3A_126 = arith.cmpi ne, %convert_element_type3A_124, %cond3A_125 : i32
        scf.if %cond3A_126 {
          %dma_start3A_177 = arith.constant 0 : i32
          %dma_start3A_178 = tpu.memref_slice %arg22[%dma_start3A_177] : memref<1024xf32, #tpu.memory_space<vmem>> -> memref<1000xf32, #tpu.memory_space<vmem>>
          %dma_start3A_179 = arith.constant 0 : i32
          %dma_start3A_180 = tpu.memref_slice %arg21[%dma_start3A_179] : memref<50048xf32, #tpu.memory_space<vmem_shared>> -> memref<50048xf32, #tpu.memory_space<vmem_shared>>
          tpu.enqueue_indirect_dma source(%dma_start3A_178 : memref<1000xf32, #tpu.memory_space<vmem>>) target(%dma_start3A_180 : memref<50048xf32, #tpu.memory_space<vmem_shared>>) offsets(%arg13 : memref<1000xi32, #tpu.memory_space<vmem>>) semaphore(%arg24 : memref<!tpu.dma_semaphore, #tpu.memory_space<semaphore_mem>>) {add = true}
          %dma_wait3A_181 = arith.constant 0 : i32
          %dma_wait3A_182 = tpu.memref_slice %arg22[%dma_wait3A_181] : memref<1024xf32, #tpu.memory_space<vmem>> -> memref<1000xf32, #tpu.memory_space<vmem>>
          %dma_wait3A_183 = arith.constant 0 : i32
          %dma_wait3A_184 = tpu.memref_slice %arg21[%dma_wait3A_183] : memref<50048xf32, #tpu.memory_space<vmem_shared>> -> memref<50048xf32, #tpu.memory_space<vmem_shared>>
          tpu.wait_indirect_dma semaphore(%arg24 : memref<!tpu.dma_semaphore, #tpu.memory_space<semaphore_mem>>) src(%dma_wait3A_182 : memref<1000xf32, #tpu.memory_space<vmem>>) dst(%dma_wait3A_184 : memref<50048xf32, #tpu.memory_space<vmem_shared>>)
        } else {
        }
        %add3A_127 = arith.constant 2 : i32
        %add3A_128 = arith.addi %add3A_114, %add3A_127 : i32
        %lt3A_129 = arith.constant 50 : i32
        %lt3A_130 = arith.cmpi slt, %add3A_128, %lt3A_129 : i32
        %convert_element_type3A_131 = arith.extui %lt3A_130 : i1 to i32
        %cond3A_132 = arith.constant 0 : i32
        %cond3A_133 = arith.cmpi ne, %convert_element_type3A_131, %cond3A_132 : i32
        scf.if %cond3A_133 {
          %add3A_177 = arith.constant 2 : i32
          %add3A_178 = arith.addi %add3A_114, %add3A_177 : i32
          %mul3A_179 = arith.constant 1000 : i32
          %mul3A_180 = arith.muli %add3A_178, %mul3A_179 : i32
          %add3A_181 = arith.addi %mul3A_2, %mul3A_180 : i32
          "tpu.region"() ({
            %run_scoped3A = tpu.sem_alloc : memref<!tpu.dma_semaphore, #tpu.memory_space<semaphore_mem>>
            %dma_start3A_182 = tpu.memref_slice %arg6[%add3A_181] : memref<800000xi32, #tpu.memory_space<hbm>> -> memref<1000xi32, #tpu.memory_space<hbm>>
            %dma_start3A_183 = tpu.memref_slice %arg6[%add3A_181] : memref<800000xi32, #tpu.memory_space<hbm>> -> memref<1000xi32, #tpu.memory_space<hbm>>
            tpu.enqueue_dma source(%dma_start3A_183 : memref<1000xi32, #tpu.memory_space<hbm>>) target(%arg11 : memref<1000xi32, #tpu.memory_space<vmem>>) target_semaphore(%run_scoped3A : memref<!tpu.dma_semaphore, #tpu.memory_space<semaphore_mem>>)
            %dma_wait3A_184 = tpu.memref_slice %arg6[%add3A_181] : memref<800000xi32, #tpu.memory_space<hbm>> -> memref<1000xi32, #tpu.memory_space<hbm>>
            %dma_wait3A_185 = tpu.memref_slice %arg6[%add3A_181] : memref<800000xi32, #tpu.memory_space<hbm>> -> memref<1000xi32, #tpu.memory_space<hbm>>
            tpu.wait_dma2 semaphore(%run_scoped3A : memref<!tpu.dma_semaphore, #tpu.memory_space<semaphore_mem>>) src(%dma_wait3A_185 : memref<1000xi32, #tpu.memory_space<hbm>>) dst(%arg11 : memref<1000xi32, #tpu.memory_space<vmem>>)
            tpu.yield
          }) : () -> ()
        } else {
        }
        %dma_wait3A_134 = arith.constant 0 : i32
        %dma_wait3A_135 = arith.constant 0 : i32
        %dma_wait3A_136 = tpu.memref_slice %arg10[%dma_wait3A_134, %dma_wait3A_135] : memref<50048x16xf32, #tpu.memory_space<vmem_shared>> -> memref<50048x16xf32, #tpu.memory_space<vmem_shared>>
        tpu.wait_indirect_dma semaphore(%arg19 : memref<!tpu.dma_semaphore, #tpu.memory_space<semaphore_mem>>) src(%arg15 : memref<1000x16xf32, #tpu.memory_space<vmem>>) dst(%dma_wait3A_136 : memref<50048x16xf32, #tpu.memory_space<vmem_shared>>)
        %add3A_137 = arith.constant 2 : i32
        %add3A_138 = arith.addi %add3A_114, %add3A_137 : i32
        %lt3A_139 = arith.constant 50 : i32
        %lt3A_140 = arith.cmpi slt, %add3A_138, %lt3A_139 : i32
        %convert_element_type3A_141 = arith.extui %lt3A_140 : i1 to i32
        %cond3A_142 = arith.constant 0 : i32
        %cond3A_143 = arith.cmpi ne, %convert_element_type3A_141, %cond3A_142 : i32
        scf.if %cond3A_143 {
          %add3A_177 = arith.constant 2 : i32
          %add3A_178 = arith.addi %add3A_114, %add3A_177 : i32
          %mul3A_179 = arith.constant 1000 : i32
          %mul3A_180 = arith.muli %add3A_178, %mul3A_179 : i32
          %add3A_181 = arith.addi %mul3A_2, %mul3A_180 : i32
          "tpu.region"() ({
            %run_scoped3A = tpu.sem_alloc : memref<!tpu.dma_semaphore, #tpu.memory_space<semaphore_mem>>
            %dma_start3A_185 = tpu.memref_slice %arg7[%add3A_181] : memref<800000xi32, #tpu.memory_space<hbm>> -> memref<1000xi32, #tpu.memory_space<hbm>>
            %dma_start3A_186 = tpu.memref_slice %arg7[%add3A_181] : memref<800000xi32, #tpu.memory_space<hbm>> -> memref<1000xi32, #tpu.memory_space<hbm>>
            tpu.enqueue_dma source(%dma_start3A_186 : memref<1000xi32, #tpu.memory_space<hbm>>) target(%arg13 : memref<1000xi32, #tpu.memory_space<vmem>>) target_semaphore(%run_scoped3A : memref<!tpu.dma_semaphore, #tpu.memory_space<semaphore_mem>>)
            %dma_wait3A_187 = tpu.memref_slice %arg7[%add3A_181] : memref<800000xi32, #tpu.memory_space<hbm>> -> memref<1000xi32, #tpu.memory_space<hbm>>
            %dma_wait3A_188 = tpu.memref_slice %arg7[%add3A_181] : memref<800000xi32, #tpu.memory_space<hbm>> -> memref<1000xi32, #tpu.memory_space<hbm>>
            tpu.wait_dma2 semaphore(%run_scoped3A : memref<!tpu.dma_semaphore, #tpu.memory_space<semaphore_mem>>) src(%dma_wait3A_188 : memref<1000xi32, #tpu.memory_space<hbm>>) dst(%arg13 : memref<1000xi32, #tpu.memory_space<vmem>>)
            tpu.yield
          }) : () -> ()
          %dma_start3A_182 = arith.constant 0 : i32
          %dma_start3A_183 = arith.constant 0 : i32
          %dma_start3A_184 = tpu.memref_slice %arg2[%dma_start3A_182, %dma_start3A_183] : memref<50000x16xf32, #tpu.memory_space<hbm>> -> memref<50000x16xf32, #tpu.memory_space<hbm>>
          tpu.enqueue_indirect_dma source(%dma_start3A_184 : memref<50000x16xf32, #tpu.memory_space<hbm>>) target(%arg15 : memref<1000x16xf32, #tpu.memory_space<vmem>>) offsets(%arg11 : memref<1000xi32, #tpu.memory_space<vmem>>) semaphore(%arg17 : memref<!tpu.dma_semaphore, #tpu.memory_space<semaphore_mem>>)
        } else {
        }
        %add3A_144 = arith.constant 1 : i32
        %add3A_145 = arith.addi %add3A_112, %add3A_144 : i32
        %dma_wait3A_146 = arith.constant 0 : i32
        %dma_wait3A_147 = arith.constant 0 : i32
        %dma_wait3A_148 = tpu.memref_slice %arg2[%dma_wait3A_146, %dma_wait3A_147] : memref<50000x16xf32, #tpu.memory_space<hbm>> -> memref<1000x16xf32, #tpu.memory_space<hbm>>
        %dma_wait3A_149 = arith.constant 0 : i32
        %dma_wait3A_150 = arith.constant 0 : i32
        %dma_wait3A_151 = tpu.memref_slice %arg2[%dma_wait3A_149, %dma_wait3A_150] : memref<50000x16xf32, #tpu.memory_space<hbm>> -> memref<1000x16xf32, #tpu.memory_space<hbm>>
        tpu.wait_dma2 semaphore(%arg18 : memref<!tpu.dma_semaphore, #tpu.memory_space<semaphore_mem>>) src(%dma_wait3A_151 : memref<1000x16xf32, #tpu.memory_space<hbm>>) dst(%arg16 : memref<1000x16xf32, #tpu.memory_space<vmem>>)
        %dma_start3A_152 = arith.constant 0 : i32
        %dma_start3A_153 = arith.constant 0 : i32
        %dma_start3A_154 = tpu.memref_slice %arg10[%dma_start3A_152, %dma_start3A_153] : memref<50048x16xf32, #tpu.memory_space<vmem_shared>> -> memref<50048x16xf32, #tpu.memory_space<vmem_shared>>
        tpu.enqueue_indirect_dma source(%arg16 : memref<1000x16xf32, #tpu.memory_space<vmem>>) target(%dma_start3A_154 : memref<50048x16xf32, #tpu.memory_space<vmem_shared>>) offsets(%arg14 : memref<1000xi32, #tpu.memory_space<vmem>>) semaphore(%arg20 : memref<!tpu.dma_semaphore, #tpu.memory_space<semaphore_mem>>) {add = true}
        %lt3A_155 = arith.constant 8 : i32
        %lt3A_156 = arith.cmpi slt, %arg1, %lt3A_155 : i32
        %convert_element_type3A_157 = arith.extui %lt3A_156 : i1 to i32
        %cond3A_158 = arith.constant 0 : i32
        %cond3A_159 = arith.cmpi ne, %convert_element_type3A_157, %cond3A_158 : i32
        scf.if %cond3A_159 {
          %dma_start3A_177 = arith.constant 0 : i32
          %dma_start3A_178 = tpu.memref_slice %arg22[%dma_start3A_177] : memref<1024xf32, #tpu.memory_space<vmem>> -> memref<1000xf32, #tpu.memory_space<vmem>>
          %dma_start3A_179 = arith.constant 0 : i32
          %dma_start3A_180 = tpu.memref_slice %arg21[%dma_start3A_179] : memref<50048xf32, #tpu.memory_space<vmem_shared>> -> memref<50048xf32, #tpu.memory_space<vmem_shared>>
          tpu.enqueue_indirect_dma source(%dma_start3A_178 : memref<1000xf32, #tpu.memory_space<vmem>>) target(%dma_start3A_180 : memref<50048xf32, #tpu.memory_space<vmem_shared>>) offsets(%arg14 : memref<1000xi32, #tpu.memory_space<vmem>>) semaphore(%arg24 : memref<!tpu.dma_semaphore, #tpu.memory_space<semaphore_mem>>) {add = true}
          %dma_wait3A_181 = arith.constant 0 : i32
          %dma_wait3A_182 = tpu.memref_slice %arg22[%dma_wait3A_181] : memref<1024xf32, #tpu.memory_space<vmem>> -> memref<1000xf32, #tpu.memory_space<vmem>>
          %dma_wait3A_183 = arith.constant 0 : i32
          %dma_wait3A_184 = tpu.memref_slice %arg21[%dma_wait3A_183] : memref<50048xf32, #tpu.memory_space<vmem_shared>> -> memref<50048xf32, #tpu.memory_space<vmem_shared>>
          tpu.wait_indirect_dma semaphore(%arg24 : memref<!tpu.dma_semaphore, #tpu.memory_space<semaphore_mem>>) src(%dma_wait3A_182 : memref<1000xf32, #tpu.memory_space<vmem>>) dst(%dma_wait3A_184 : memref<50048xf32, #tpu.memory_space<vmem_shared>>)
        } else {
        }
        %add3A_160 = arith.constant 2 : i32
        %add3A_161 = arith.addi %add3A_145, %add3A_160 : i32
        %lt3A_162 = arith.constant 50 : i32
        %lt3A_163 = arith.cmpi slt, %add3A_161, %lt3A_162 : i32
        %convert_element_type3A_164 = arith.extui %lt3A_163 : i1 to i32
        %cond3A_165 = arith.constant 0 : i32
        %cond3A_166 = arith.cmpi ne, %convert_element_type3A_164, %cond3A_165 : i32
        scf.if %cond3A_166 {
          %add3A_177 = arith.constant 2 : i32
          %add3A_178 = arith.addi %add3A_145, %add3A_177 : i32
          %mul3A_179 = arith.constant 1000 : i32
          %mul3A_180 = arith.muli %add3A_178, %mul3A_179 : i32
          %add3A_181 = arith.addi %mul3A_2, %mul3A_180 : i32
          "tpu.region"() ({
            %run_scoped3A = tpu.sem_alloc : memref<!tpu.dma_semaphore, #tpu.memory_space<semaphore_mem>>
            %dma_start3A_182 = tpu.memref_slice %arg6[%add3A_181] : memref<800000xi32, #tpu.memory_space<hbm>> -> memref<1000xi32, #tpu.memory_space<hbm>>
            %dma_start3A_183 = tpu.memref_slice %arg6[%add3A_181] : memref<800000xi32, #tpu.memory_space<hbm>> -> memref<1000xi32, #tpu.memory_space<hbm>>
            tpu.enqueue_dma source(%dma_start3A_183 : memref<1000xi32, #tpu.memory_space<hbm>>) target(%arg12 : memref<1000xi32, #tpu.memory_space<vmem>>) target_semaphore(%run_scoped3A : memref<!tpu.dma_semaphore, #tpu.memory_space<semaphore_mem>>)
            %dma_wait3A_184 = tpu.memref_slice %arg6[%add3A_181] : memref<800000xi32, #tpu.memory_space<hbm>> -> memref<1000xi32, #tpu.memory_space<hbm>>
            %dma_wait3A_185 = tpu.memref_slice %arg6[%add3A_181] : memref<800000xi32, #tpu.memory_space<hbm>> -> memref<1000xi32, #tpu.memory_space<hbm>>
            tpu.wait_dma2 semaphore(%run_scoped3A : memref<!tpu.dma_semaphore, #tpu.memory_space<semaphore_mem>>) src(%dma_wait3A_185 : memref<1000xi32, #tpu.memory_space<hbm>>) dst(%arg12 : memref<1000xi32, #tpu.memory_space<vmem>>)
            tpu.yield
          }) : () -> ()
        } else {
        }
        %dma_wait3A_167 = arith.constant 0 : i32
        %dma_wait3A_168 = arith.constant 0 : i32
        %dma_wait3A_169 = tpu.memref_slice %arg10[%dma_wait3A_167, %dma_wait3A_168] : memref<50048x16xf32, #tpu.memory_space<vmem_shared>> -> memref<50048x16xf32, #tpu.memory_space<vmem_shared>>
        tpu.wait_indirect_dma semaphore(%arg20 : memref<!tpu.dma_semaphore, #tpu.memory_space<semaphore_mem>>) src(%arg16 : memref<1000x16xf32, #tpu.memory_space<vmem>>) dst(%dma_wait3A_169 : memref<50048x16xf32, #tpu.memory_space<vmem_shared>>)
        %add3A_170 = arith.constant 2 : i32
        %add3A_171 = arith.addi %add3A_145, %add3A_170 : i32
        %lt3A_172 = arith.constant 50 : i32
        %lt3A_173 = arith.cmpi slt, %add3A_171, %lt3A_172 : i32
        %convert_element_type3A_174 = arith.extui %lt3A_173 : i1 to i32
        %cond3A_175 = arith.constant 0 : i32
        %cond3A_176 = arith.cmpi ne, %convert_element_type3A_174, %cond3A_175 : i32
        scf.if %cond3A_176 {
          %add3A_177 = arith.constant 2 : i32
          %add3A_178 = arith.addi %add3A_145, %add3A_177 : i32
          %mul3A_179 = arith.constant 1000 : i32
          %mul3A_180 = arith.muli %add3A_178, %mul3A_179 : i32
          %add3A_181 = arith.addi %mul3A_2, %mul3A_180 : i32
          "tpu.region"() ({
            %run_scoped3A = tpu.sem_alloc : memref<!tpu.dma_semaphore, #tpu.memory_space<semaphore_mem>>
            %dma_start3A_185 = tpu.memref_slice %arg7[%add3A_181] : memref<800000xi32, #tpu.memory_space<hbm>> -> memref<1000xi32, #tpu.memory_space<hbm>>
            %dma_start3A_186 = tpu.memref_slice %arg7[%add3A_181] : memref<800000xi32, #tpu.memory_space<hbm>> -> memref<1000xi32, #tpu.memory_space<hbm>>
            tpu.enqueue_dma source(%dma_start3A_186 : memref<1000xi32, #tpu.memory_space<hbm>>) target(%arg14 : memref<1000xi32, #tpu.memory_space<vmem>>) target_semaphore(%run_scoped3A : memref<!tpu.dma_semaphore, #tpu.memory_space<semaphore_mem>>)
            %dma_wait3A_187 = tpu.memref_slice %arg7[%add3A_181] : memref<800000xi32, #tpu.memory_space<hbm>> -> memref<1000xi32, #tpu.memory_space<hbm>>
            %dma_wait3A_188 = tpu.memref_slice %arg7[%add3A_181] : memref<800000xi32, #tpu.memory_space<hbm>> -> memref<1000xi32, #tpu.memory_space<hbm>>
            tpu.wait_dma2 semaphore(%run_scoped3A : memref<!tpu.dma_semaphore, #tpu.memory_space<semaphore_mem>>) src(%dma_wait3A_188 : memref<1000xi32, #tpu.memory_space<hbm>>) dst(%arg14 : memref<1000xi32, #tpu.memory_space<vmem>>)
            tpu.yield
          }) : () -> ()
          %dma_start3A_182 = arith.constant 0 : i32
          %dma_start3A_183 = arith.constant 0 : i32
          %dma_start3A_184 = tpu.memref_slice %arg2[%dma_start3A_182, %dma_start3A_183] : memref<50000x16xf32, #tpu.memory_space<hbm>> -> memref<50000x16xf32, #tpu.memory_space<hbm>>
          tpu.enqueue_indirect_dma source(%dma_start3A_184 : memref<50000x16xf32, #tpu.memory_space<hbm>>) target(%arg16 : memref<1000x16xf32, #tpu.memory_space<vmem>>) offsets(%arg12 : memref<1000xi32, #tpu.memory_space<vmem>>) semaphore(%arg18 : memref<!tpu.dma_semaphore, #tpu.memory_space<semaphore_mem>>)
        } else {
        }
      }
      %scan3A_107 = arith.constant 25 : i32
    } else {
    }
    %eq3A_40 = arith.constant 1 : i32
    %eq3A_41 = arith.cmpi eq, %arg0, %eq3A_40 : i32
    %convert_element_type3A_42 = arith.extui %eq3A_41 : i1 to i32
    %cond3A_43 = arith.constant 0 : i32
    %cond3A_44 = arith.cmpi ne, %convert_element_type3A_42, %cond3A_43 : i32
    scf.if %cond3A_44 {
      %add3A_90 = arith.constant 0 : i32
      %add3A_91 = arith.addi %mul3A_2, %add3A_90 : i32
      "tpu.region"() ({
        %run_scoped3A = tpu.sem_alloc : memref<!tpu.dma_semaphore, #tpu.memory_space<semaphore_mem>>
        %dma_start3A_108 = tpu.memref_slice %arg6[%add3A_91] : memref<800000xi32, #tpu.memory_space<hbm>> -> memref<1000xi32, #tpu.memory_space<hbm>>
        %dma_start3A_109 = tpu.memref_slice %arg6[%add3A_91] : memref<800000xi32, #tpu.memory_space<hbm>> -> memref<1000xi32, #tpu.memory_space<hbm>>
        tpu.enqueue_dma source(%dma_start3A_109 : memref<1000xi32, #tpu.memory_space<hbm>>) target(%arg11 : memref<1000xi32, #tpu.memory_space<vmem>>) target_semaphore(%run_scoped3A : memref<!tpu.dma_semaphore, #tpu.memory_space<semaphore_mem>>)
        %dma_wait3A = tpu.memref_slice %arg6[%add3A_91] : memref<800000xi32, #tpu.memory_space<hbm>> -> memref<1000xi32, #tpu.memory_space<hbm>>
        %dma_wait3A_110 = tpu.memref_slice %arg6[%add3A_91] : memref<800000xi32, #tpu.memory_space<hbm>> -> memref<1000xi32, #tpu.memory_space<hbm>>
        tpu.wait_dma2 semaphore(%run_scoped3A : memref<!tpu.dma_semaphore, #tpu.memory_space<semaphore_mem>>) src(%dma_wait3A_110 : memref<1000xi32, #tpu.memory_space<hbm>>) dst(%arg11 : memref<1000xi32, #tpu.memory_space<vmem>>)
        tpu.yield
      }) : () -> ()
      %add3A_92 = arith.constant 0 : i32
      %add3A_93 = arith.addi %mul3A_2, %add3A_92 : i32
      "tpu.region"() ({
        %run_scoped3A = tpu.sem_alloc : memref<!tpu.dma_semaphore, #tpu.memory_space<semaphore_mem>>
        %dma_start3A_108 = tpu.memref_slice %arg7[%add3A_93] : memref<800000xi32, #tpu.memory_space<hbm>> -> memref<1000xi32, #tpu.memory_space<hbm>>
        %dma_start3A_109 = tpu.memref_slice %arg7[%add3A_93] : memref<800000xi32, #tpu.memory_space<hbm>> -> memref<1000xi32, #tpu.memory_space<hbm>>
        tpu.enqueue_dma source(%dma_start3A_109 : memref<1000xi32, #tpu.memory_space<hbm>>) target(%arg13 : memref<1000xi32, #tpu.memory_space<vmem>>) target_semaphore(%run_scoped3A : memref<!tpu.dma_semaphore, #tpu.memory_space<semaphore_mem>>)
        %dma_wait3A = tpu.memref_slice %arg7[%add3A_93] : memref<800000xi32, #tpu.memory_space<hbm>> -> memref<1000xi32, #tpu.memory_space<hbm>>
        %dma_wait3A_110 = tpu.memref_slice %arg7[%add3A_93] : memref<800000xi32, #tpu.memory_space<hbm>> -> memref<1000xi32, #tpu.memory_space<hbm>>
        tpu.wait_dma2 semaphore(%run_scoped3A : memref<!tpu.dma_semaphore, #tpu.memory_space<semaphore_mem>>) src(%dma_wait3A_110 : memref<1000xi32, #tpu.memory_space<hbm>>) dst(%arg13 : memref<1000xi32, #tpu.memory_space<vmem>>)
        tpu.yield
      }) : () -> ()
      %dma_start3A = arith.constant 0 : i32
      %dma_start3A_94 = arith.constant 0 : i32
      %dma_start3A_95 = tpu.memref_slice %arg4[%dma_start3A, %dma_start3A_94] : memref<50000x16xf32, #tpu.memory_space<hbm>> -> memref<50000x16xf32, #tpu.memory_space<hbm>>
      tpu.enqueue_indirect_dma source(%dma_start3A_95 : memref<50000x16xf32, #tpu.memory_space<hbm>>) target(%arg15 : memref<1000x16xf32, #tpu.memory_space<vmem>>) offsets(%arg11 : memref<1000xi32, #tpu.memory_space<vmem>>) semaphore(%arg17 : memref<!tpu.dma_semaphore, #tpu.memory_space<semaphore_mem>>)
      %add3A_96 = arith.constant 1000 : i32
      %add3A_97 = arith.addi %mul3A_2, %add3A_96 : i32
      "tpu.region"() ({
        %run_scoped3A = tpu.sem_alloc : memref<!tpu.dma_semaphore, #tpu.memory_space<semaphore_mem>>
        %dma_start3A_108 = tpu.memref_slice %arg6[%add3A_97] : memref<800000xi32, #tpu.memory_space<hbm>> -> memref<1000xi32, #tpu.memory_space<hbm>>
        %dma_start3A_109 = tpu.memref_slice %arg6[%add3A_97] : memref<800000xi32, #tpu.memory_space<hbm>> -> memref<1000xi32, #tpu.memory_space<hbm>>
        tpu.enqueue_dma source(%dma_start3A_109 : memref<1000xi32, #tpu.memory_space<hbm>>) target(%arg12 : memref<1000xi32, #tpu.memory_space<vmem>>) target_semaphore(%run_scoped3A : memref<!tpu.dma_semaphore, #tpu.memory_space<semaphore_mem>>)
        %dma_wait3A = tpu.memref_slice %arg6[%add3A_97] : memref<800000xi32, #tpu.memory_space<hbm>> -> memref<1000xi32, #tpu.memory_space<hbm>>
        %dma_wait3A_110 = tpu.memref_slice %arg6[%add3A_97] : memref<800000xi32, #tpu.memory_space<hbm>> -> memref<1000xi32, #tpu.memory_space<hbm>>
        tpu.wait_dma2 semaphore(%run_scoped3A : memref<!tpu.dma_semaphore, #tpu.memory_space<semaphore_mem>>) src(%dma_wait3A_110 : memref<1000xi32, #tpu.memory_space<hbm>>) dst(%arg12 : memref<1000xi32, #tpu.memory_space<vmem>>)
        tpu.yield
      }) : () -> ()
      %add3A_98 = arith.constant 1000 : i32
      %add3A_99 = arith.addi %mul3A_2, %add3A_98 : i32
      "tpu.region"() ({
        %run_scoped3A = tpu.sem_alloc : memref<!tpu.dma_semaphore, #tpu.memory_space<semaphore_mem>>
        %dma_start3A_108 = tpu.memref_slice %arg7[%add3A_99] : memref<800000xi32, #tpu.memory_space<hbm>> -> memref<1000xi32, #tpu.memory_space<hbm>>
        %dma_start3A_109 = tpu.memref_slice %arg7[%add3A_99] : memref<800000xi32, #tpu.memory_space<hbm>> -> memref<1000xi32, #tpu.memory_space<hbm>>
        tpu.enqueue_dma source(%dma_start3A_109 : memref<1000xi32, #tpu.memory_space<hbm>>) target(%arg14 : memref<1000xi32, #tpu.memory_space<vmem>>) target_semaphore(%run_scoped3A : memref<!tpu.dma_semaphore, #tpu.memory_space<semaphore_mem>>)
        %dma_wait3A = tpu.memref_slice %arg7[%add3A_99] : memref<800000xi32, #tpu.memory_space<hbm>> -> memref<1000xi32, #tpu.memory_space<hbm>>
        %dma_wait3A_110 = tpu.memref_slice %arg7[%add3A_99] : memref<800000xi32, #tpu.memory_space<hbm>> -> memref<1000xi32, #tpu.memory_space<hbm>>
        tpu.wait_dma2 semaphore(%run_scoped3A : memref<!tpu.dma_semaphore, #tpu.memory_space<semaphore_mem>>) src(%dma_wait3A_110 : memref<1000xi32, #tpu.memory_space<hbm>>) dst(%arg14 : memref<1000xi32, #tpu.memory_space<vmem>>)
        tpu.yield
      }) : () -> ()
      %dma_start3A_100 = arith.constant 0 : i32
      %dma_start3A_101 = arith.constant 0 : i32
      %dma_start3A_102 = tpu.memref_slice %arg4[%dma_start3A_100, %dma_start3A_101] : memref<50000x16xf32, #tpu.memory_space<hbm>> -> memref<50000x16xf32, #tpu.memory_space<hbm>>
      tpu.enqueue_indirect_dma source(%dma_start3A_102 : memref<50000x16xf32, #tpu.memory_space<hbm>>) target(%arg16 : memref<1000x16xf32, #tpu.memory_space<vmem>>) offsets(%arg12 : memref<1000xi32, #tpu.memory_space<vmem>>) semaphore(%arg18 : memref<!tpu.dma_semaphore, #tpu.memory_space<semaphore_mem>>)
      %scan3A_103 = arith.constant 0 : i32
      %scan3A_104 = arith.constant 25 : i32
      %scan3A_105 = arith.addi %scan3A_103, %scan3A_104 : i32
      %scan3A_106 = arith.constant 1 : i32
      scf.for %scan3A_108 = %scan3A_103 to %scan3A_105 step %scan3A_106  : i32 {
        %mul3A_109 = arith.constant 2 : i32
        %mul3A_110 = arith.muli %scan3A_108, %mul3A_109 : i32
        %add3A_111 = arith.constant 0 : i32
        %add3A_112 = arith.addi %add3A_111, %mul3A_110 : i32
        %add3A_113 = arith.constant 0 : i32
        %add3A_114 = arith.addi %add3A_112, %add3A_113 : i32
        %dma_wait3A = arith.constant 0 : i32
        %dma_wait3A_115 = arith.constant 0 : i32
        %dma_wait3A_116 = tpu.memref_slice %arg4[%dma_wait3A, %dma_wait3A_115] : memref<50000x16xf32, #tpu.memory_space<hbm>> -> memref<1000x16xf32, #tpu.memory_space<hbm>>
        %dma_wait3A_117 = arith.constant 0 : i32
        %dma_wait3A_118 = arith.constant 0 : i32
        %dma_wait3A_119 = tpu.memref_slice %arg4[%dma_wait3A_117, %dma_wait3A_118] : memref<50000x16xf32, #tpu.memory_space<hbm>> -> memref<1000x16xf32, #tpu.memory_space<hbm>>
        tpu.wait_dma2 semaphore(%arg17 : memref<!tpu.dma_semaphore, #tpu.memory_space<semaphore_mem>>) src(%dma_wait3A_119 : memref<1000x16xf32, #tpu.memory_space<hbm>>) dst(%arg15 : memref<1000x16xf32, #tpu.memory_space<vmem>>)
        %dma_start3A_120 = arith.constant 0 : i32
        %dma_start3A_121 = arith.constant 0 : i32
        %dma_start3A_122 = tpu.memref_slice %arg10[%dma_start3A_120, %dma_start3A_121] : memref<50048x16xf32, #tpu.memory_space<vmem_shared>> -> memref<50048x16xf32, #tpu.memory_space<vmem_shared>>
        tpu.enqueue_indirect_dma source(%arg15 : memref<1000x16xf32, #tpu.memory_space<vmem>>) target(%dma_start3A_122 : memref<50048x16xf32, #tpu.memory_space<vmem_shared>>) offsets(%arg13 : memref<1000xi32, #tpu.memory_space<vmem>>) semaphore(%arg19 : memref<!tpu.dma_semaphore, #tpu.memory_space<semaphore_mem>>) {add = true}
        %ge3A = arith.constant 8 : i32
        %ge3A_123 = arith.cmpi sge, %arg1, %ge3A : i32
        %convert_element_type3A_124 = arith.extui %ge3A_123 : i1 to i32
        %cond3A_125 = arith.constant 0 : i32
        %cond3A_126 = arith.cmpi ne, %convert_element_type3A_124, %cond3A_125 : i32
        scf.if %cond3A_126 {
          %dma_start3A_176 = arith.constant 0 : i32
          %dma_start3A_177 = tpu.memref_slice %arg22[%dma_start3A_176] : memref<1024xf32, #tpu.memory_space<vmem>> -> memref<1000xf32, #tpu.memory_space<vmem>>
          %dma_start3A_178 = arith.constant 0 : i32
          %dma_start3A_179 = tpu.memref_slice %arg21[%dma_start3A_178] : memref<50048xf32, #tpu.memory_space<vmem_shared>> -> memref<50048xf32, #tpu.memory_space<vmem_shared>>
          tpu.enqueue_indirect_dma source(%dma_start3A_177 : memref<1000xf32, #tpu.memory_space<vmem>>) target(%dma_start3A_179 : memref<50048xf32, #tpu.memory_space<vmem_shared>>) offsets(%arg13 : memref<1000xi32, #tpu.memory_space<vmem>>) semaphore(%arg24 : memref<!tpu.dma_semaphore, #tpu.memory_space<semaphore_mem>>) {add = true}
          %dma_wait3A_180 = arith.constant 0 : i32
          %dma_wait3A_181 = tpu.memref_slice %arg22[%dma_wait3A_180] : memref<1024xf32, #tpu.memory_space<vmem>> -> memref<1000xf32, #tpu.memory_space<vmem>>
          %dma_wait3A_182 = arith.constant 0 : i32
          %dma_wait3A_183 = tpu.memref_slice %arg21[%dma_wait3A_182] : memref<50048xf32, #tpu.memory_space<vmem_shared>> -> memref<50048xf32, #tpu.memory_space<vmem_shared>>
          tpu.wait_indirect_dma semaphore(%arg24 : memref<!tpu.dma_semaphore, #tpu.memory_space<semaphore_mem>>) src(%dma_wait3A_181 : memref<1000xf32, #tpu.memory_space<vmem>>) dst(%dma_wait3A_183 : memref<50048xf32, #tpu.memory_space<vmem_shared>>)
        } else {
        }
        %add3A_127 = arith.constant 2 : i32
        %add3A_128 = arith.addi %add3A_114, %add3A_127 : i32
        %lt3A = arith.constant 50 : i32
        %lt3A_129 = arith.cmpi slt, %add3A_128, %lt3A : i32
        %convert_element_type3A_130 = arith.extui %lt3A_129 : i1 to i32
        %cond3A_131 = arith.constant 0 : i32
        %cond3A_132 = arith.cmpi ne, %convert_element_type3A_130, %cond3A_131 : i32
        scf.if %cond3A_132 {
          %add3A_176 = arith.constant 2 : i32
          %add3A_177 = arith.addi %add3A_114, %add3A_176 : i32
          %mul3A_178 = arith.constant 1000 : i32
          %mul3A_179 = arith.muli %add3A_177, %mul3A_178 : i32
          %add3A_180 = arith.addi %mul3A_2, %mul3A_179 : i32
          "tpu.region"() ({
            %run_scoped3A = tpu.sem_alloc : memref<!tpu.dma_semaphore, #tpu.memory_space<semaphore_mem>>
            %dma_start3A_181 = tpu.memref_slice %arg6[%add3A_180] : memref<800000xi32, #tpu.memory_space<hbm>> -> memref<1000xi32, #tpu.memory_space<hbm>>
            %dma_start3A_182 = tpu.memref_slice %arg6[%add3A_180] : memref<800000xi32, #tpu.memory_space<hbm>> -> memref<1000xi32, #tpu.memory_space<hbm>>
            tpu.enqueue_dma source(%dma_start3A_182 : memref<1000xi32, #tpu.memory_space<hbm>>) target(%arg11 : memref<1000xi32, #tpu.memory_space<vmem>>) target_semaphore(%run_scoped3A : memref<!tpu.dma_semaphore, #tpu.memory_space<semaphore_mem>>)
            %dma_wait3A_183 = tpu.memref_slice %arg6[%add3A_180] : memref<800000xi32, #tpu.memory_space<hbm>> -> memref<1000xi32, #tpu.memory_space<hbm>>
            %dma_wait3A_184 = tpu.memref_slice %arg6[%add3A_180] : memref<800000xi32, #tpu.memory_space<hbm>> -> memref<1000xi32, #tpu.memory_space<hbm>>
            tpu.wait_dma2 semaphore(%run_scoped3A : memref<!tpu.dma_semaphore, #tpu.memory_space<semaphore_mem>>) src(%dma_wait3A_184 : memref<1000xi32, #tpu.memory_space<hbm>>) dst(%arg11 : memref<1000xi32, #tpu.memory_space<vmem>>)
            tpu.yield
          }) : () -> ()
        } else {
        }
        %dma_wait3A_133 = arith.constant 0 : i32
        %dma_wait3A_134 = arith.constant 0 : i32
        %dma_wait3A_135 = tpu.memref_slice %arg10[%dma_wait3A_133, %dma_wait3A_134] : memref<50048x16xf32, #tpu.memory_space<vmem_shared>> -> memref<50048x16xf32, #tpu.memory_space<vmem_shared>>
        tpu.wait_indirect_dma semaphore(%arg19 : memref<!tpu.dma_semaphore, #tpu.memory_space<semaphore_mem>>) src(%arg15 : memref<1000x16xf32, #tpu.memory_space<vmem>>) dst(%dma_wait3A_135 : memref<50048x16xf32, #tpu.memory_space<vmem_shared>>)
        %add3A_136 = arith.constant 2 : i32
        %add3A_137 = arith.addi %add3A_114, %add3A_136 : i32
        %lt3A_138 = arith.constant 50 : i32
        %lt3A_139 = arith.cmpi slt, %add3A_137, %lt3A_138 : i32
        %convert_element_type3A_140 = arith.extui %lt3A_139 : i1 to i32
        %cond3A_141 = arith.constant 0 : i32
        %cond3A_142 = arith.cmpi ne, %convert_element_type3A_140, %cond3A_141 : i32
        scf.if %cond3A_142 {
          %add3A_176 = arith.constant 2 : i32
          %add3A_177 = arith.addi %add3A_114, %add3A_176 : i32
          %mul3A_178 = arith.constant 1000 : i32
          %mul3A_179 = arith.muli %add3A_177, %mul3A_178 : i32
          %add3A_180 = arith.addi %mul3A_2, %mul3A_179 : i32
          "tpu.region"() ({
            %run_scoped3A = tpu.sem_alloc : memref<!tpu.dma_semaphore, #tpu.memory_space<semaphore_mem>>
            %dma_start3A_184 = tpu.memref_slice %arg7[%add3A_180] : memref<800000xi32, #tpu.memory_space<hbm>> -> memref<1000xi32, #tpu.memory_space<hbm>>
            %dma_start3A_185 = tpu.memref_slice %arg7[%add3A_180] : memref<800000xi32, #tpu.memory_space<hbm>> -> memref<1000xi32, #tpu.memory_space<hbm>>
            tpu.enqueue_dma source(%dma_start3A_185 : memref<1000xi32, #tpu.memory_space<hbm>>) target(%arg13 : memref<1000xi32, #tpu.memory_space<vmem>>) target_semaphore(%run_scoped3A : memref<!tpu.dma_semaphore, #tpu.memory_space<semaphore_mem>>)
            %dma_wait3A_186 = tpu.memref_slice %arg7[%add3A_180] : memref<800000xi32, #tpu.memory_space<hbm>> -> memref<1000xi32, #tpu.memory_space<hbm>>
            %dma_wait3A_187 = tpu.memref_slice %arg7[%add3A_180] : memref<800000xi32, #tpu.memory_space<hbm>> -> memref<1000xi32, #tpu.memory_space<hbm>>
            tpu.wait_dma2 semaphore(%run_scoped3A : memref<!tpu.dma_semaphore, #tpu.memory_space<semaphore_mem>>) src(%dma_wait3A_187 : memref<1000xi32, #tpu.memory_space<hbm>>) dst(%arg13 : memref<1000xi32, #tpu.memory_space<vmem>>)
            tpu.yield
          }) : () -> ()
          %dma_start3A_181 = arith.constant 0 : i32
          %dma_start3A_182 = arith.constant 0 : i32
          %dma_start3A_183 = tpu.memref_slice %arg4[%dma_start3A_181, %dma_start3A_182] : memref<50000x16xf32, #tpu.memory_space<hbm>> -> memref<50000x16xf32, #tpu.memory_space<hbm>>
          tpu.enqueue_indirect_dma source(%dma_start3A_183 : memref<50000x16xf32, #tpu.memory_space<hbm>>) target(%arg15 : memref<1000x16xf32, #tpu.memory_space<vmem>>) offsets(%arg11 : memref<1000xi32, #tpu.memory_space<vmem>>) semaphore(%arg17 : memref<!tpu.dma_semaphore, #tpu.memory_space<semaphore_mem>>)
        } else {
        }
        %add3A_143 = arith.constant 1 : i32
        %add3A_144 = arith.addi %add3A_112, %add3A_143 : i32
        %dma_wait3A_145 = arith.constant 0 : i32
        %dma_wait3A_146 = arith.constant 0 : i32
        %dma_wait3A_147 = tpu.memref_slice %arg4[%dma_wait3A_145, %dma_wait3A_146] : memref<50000x16xf32, #tpu.memory_space<hbm>> -> memref<1000x16xf32, #tpu.memory_space<hbm>>
        %dma_wait3A_148 = arith.constant 0 : i32
        %dma_wait3A_149 = arith.constant 0 : i32
        %dma_wait3A_150 = tpu.memref_slice %arg4[%dma_wait3A_148, %dma_wait3A_149] : memref<50000x16xf32, #tpu.memory_space<hbm>> -> memref<1000x16xf32, #tpu.memory_space<hbm>>
        tpu.wait_dma2 semaphore(%arg18 : memref<!tpu.dma_semaphore, #tpu.memory_space<semaphore_mem>>) src(%dma_wait3A_150 : memref<1000x16xf32, #tpu.memory_space<hbm>>) dst(%arg16 : memref<1000x16xf32, #tpu.memory_space<vmem>>)
        %dma_start3A_151 = arith.constant 0 : i32
        %dma_start3A_152 = arith.constant 0 : i32
        %dma_start3A_153 = tpu.memref_slice %arg10[%dma_start3A_151, %dma_start3A_152] : memref<50048x16xf32, #tpu.memory_space<vmem_shared>> -> memref<50048x16xf32, #tpu.memory_space<vmem_shared>>
        tpu.enqueue_indirect_dma source(%arg16 : memref<1000x16xf32, #tpu.memory_space<vmem>>) target(%dma_start3A_153 : memref<50048x16xf32, #tpu.memory_space<vmem_shared>>) offsets(%arg14 : memref<1000xi32, #tpu.memory_space<vmem>>) semaphore(%arg20 : memref<!tpu.dma_semaphore, #tpu.memory_space<semaphore_mem>>) {add = true}
        %ge3A_154 = arith.constant 8 : i32
        %ge3A_155 = arith.cmpi sge, %arg1, %ge3A_154 : i32
        %convert_element_type3A_156 = arith.extui %ge3A_155 : i1 to i32
        %cond3A_157 = arith.constant 0 : i32
        %cond3A_158 = arith.cmpi ne, %convert_element_type3A_156, %cond3A_157 : i32
        scf.if %cond3A_158 {
          %dma_start3A_176 = arith.constant 0 : i32
          %dma_start3A_177 = tpu.memref_slice %arg22[%dma_start3A_176] : memref<1024xf32, #tpu.memory_space<vmem>> -> memref<1000xf32, #tpu.memory_space<vmem>>
          %dma_start3A_178 = arith.constant 0 : i32
          %dma_start3A_179 = tpu.memref_slice %arg21[%dma_start3A_178] : memref<50048xf32, #tpu.memory_space<vmem_shared>> -> memref<50048xf32, #tpu.memory_space<vmem_shared>>
          tpu.enqueue_indirect_dma source(%dma_start3A_177 : memref<1000xf32, #tpu.memory_space<vmem>>) target(%dma_start3A_179 : memref<50048xf32, #tpu.memory_space<vmem_shared>>) offsets(%arg14 : memref<1000xi32, #tpu.memory_space<vmem>>) semaphore(%arg24 : memref<!tpu.dma_semaphore, #tpu.memory_space<semaphore_mem>>) {add = true}
          %dma_wait3A_180 = arith.constant 0 : i32
          %dma_wait3A_181 = tpu.memref_slice %arg22[%dma_wait3A_180] : memref<1024xf32, #tpu.memory_space<vmem>> -> memref<1000xf32, #tpu.memory_space<vmem>>
          %dma_wait3A_182 = arith.constant 0 : i32
          %dma_wait3A_183 = tpu.memref_slice %arg21[%dma_wait3A_182] : memref<50048xf32, #tpu.memory_space<vmem_shared>> -> memref<50048xf32, #tpu.memory_space<vmem_shared>>
          tpu.wait_indirect_dma semaphore(%arg24 : memref<!tpu.dma_semaphore, #tpu.memory_space<semaphore_mem>>) src(%dma_wait3A_181 : memref<1000xf32, #tpu.memory_space<vmem>>) dst(%dma_wait3A_183 : memref<50048xf32, #tpu.memory_space<vmem_shared>>)
        } else {
        }
        %add3A_159 = arith.constant 2 : i32
        %add3A_160 = arith.addi %add3A_144, %add3A_159 : i32
        %lt3A_161 = arith.constant 50 : i32
        %lt3A_162 = arith.cmpi slt, %add3A_160, %lt3A_161 : i32
        %convert_element_type3A_163 = arith.extui %lt3A_162 : i1 to i32
        %cond3A_164 = arith.constant 0 : i32
        %cond3A_165 = arith.cmpi ne, %convert_element_type3A_163, %cond3A_164 : i32
        scf.if %cond3A_165 {
          %add3A_176 = arith.constant 2 : i32
          %add3A_177 = arith.addi %add3A_144, %add3A_176 : i32
          %mul3A_178 = arith.constant 1000 : i32
          %mul3A_179 = arith.muli %add3A_177, %mul3A_178 : i32
          %add3A_180 = arith.addi %mul3A_2, %mul3A_179 : i32
          "tpu.region"() ({
            %run_scoped3A = tpu.sem_alloc : memref<!tpu.dma_semaphore, #tpu.memory_space<semaphore_mem>>
            %dma_start3A_181 = tpu.memref_slice %arg6[%add3A_180] : memref<800000xi32, #tpu.memory_space<hbm>> -> memref<1000xi32, #tpu.memory_space<hbm>>
            %dma_start3A_182 = tpu.memref_slice %arg6[%add3A_180] : memref<800000xi32, #tpu.memory_space<hbm>> -> memref<1000xi32, #tpu.memory_space<hbm>>
            tpu.enqueue_dma source(%dma_start3A_182 : memref<1000xi32, #tpu.memory_space<hbm>>) target(%arg12 : memref<1000xi32, #tpu.memory_space<vmem>>) target_semaphore(%run_scoped3A : memref<!tpu.dma_semaphore, #tpu.memory_space<semaphore_mem>>)
            %dma_wait3A_183 = tpu.memref_slice %arg6[%add3A_180] : memref<800000xi32, #tpu.memory_space<hbm>> -> memref<1000xi32, #tpu.memory_space<hbm>>
            %dma_wait3A_184 = tpu.memref_slice %arg6[%add3A_180] : memref<800000xi32, #tpu.memory_space<hbm>> -> memref<1000xi32, #tpu.memory_space<hbm>>
            tpu.wait_dma2 semaphore(%run_scoped3A : memref<!tpu.dma_semaphore, #tpu.memory_space<semaphore_mem>>) src(%dma_wait3A_184 : memref<1000xi32, #tpu.memory_space<hbm>>) dst(%arg12 : memref<1000xi32, #tpu.memory_space<vmem>>)
            tpu.yield
          }) : () -> ()
        } else {
        }
        %dma_wait3A_166 = arith.constant 0 : i32
        %dma_wait3A_167 = arith.constant 0 : i32
        %dma_wait3A_168 = tpu.memref_slice %arg10[%dma_wait3A_166, %dma_wait3A_167] : memref<50048x16xf32, #tpu.memory_space<vmem_shared>> -> memref<50048x16xf32, #tpu.memory_space<vmem_shared>>
        tpu.wait_indirect_dma semaphore(%arg20 : memref<!tpu.dma_semaphore, #tpu.memory_space<semaphore_mem>>) src(%arg16 : memref<1000x16xf32, #tpu.memory_space<vmem>>) dst(%dma_wait3A_168 : memref<50048x16xf32, #tpu.memory_space<vmem_shared>>)
        %add3A_169 = arith.constant 2 : i32
        %add3A_170 = arith.addi %add3A_144, %add3A_169 : i32
        %lt3A_171 = arith.constant 50 : i32
        %lt3A_172 = arith.cmpi slt, %add3A_170, %lt3A_171 : i32
        %convert_element_type3A_173 = arith.extui %lt3A_172 : i1 to i32
        %cond3A_174 = arith.constant 0 : i32
        %cond3A_175 = arith.cmpi ne, %convert_element_type3A_173, %cond3A_174 : i32
        scf.if %cond3A_175 {
          %add3A_176 = arith.constant 2 : i32
          %add3A_177 = arith.addi %add3A_144, %add3A_176 : i32
          %mul3A_178 = arith.constant 1000 : i32
          %mul3A_179 = arith.muli %add3A_177, %mul3A_178 : i32
          %add3A_180 = arith.addi %mul3A_2, %mul3A_179 : i32
          "tpu.region"() ({
            %run_scoped3A = tpu.sem_alloc : memref<!tpu.dma_semaphore, #tpu.memory_space<semaphore_mem>>
            %dma_start3A_184 = tpu.memref_slice %arg7[%add3A_180] : memref<800000xi32, #tpu.memory_space<hbm>> -> memref<1000xi32, #tpu.memory_space<hbm>>
            %dma_start3A_185 = tpu.memref_slice %arg7[%add3A_180] : memref<800000xi32, #tpu.memory_space<hbm>> -> memref<1000xi32, #tpu.memory_space<hbm>>
            tpu.enqueue_dma source(%dma_start3A_185 : memref<1000xi32, #tpu.memory_space<hbm>>) target(%arg14 : memref<1000xi32, #tpu.memory_space<vmem>>) target_semaphore(%run_scoped3A : memref<!tpu.dma_semaphore, #tpu.memory_space<semaphore_mem>>)
            %dma_wait3A_186 = tpu.memref_slice %arg7[%add3A_180] : memref<800000xi32, #tpu.memory_space<hbm>> -> memref<1000xi32, #tpu.memory_space<hbm>>
            %dma_wait3A_187 = tpu.memref_slice %arg7[%add3A_180] : memref<800000xi32, #tpu.memory_space<hbm>> -> memref<1000xi32, #tpu.memory_space<hbm>>
            tpu.wait_dma2 semaphore(%run_scoped3A : memref<!tpu.dma_semaphore, #tpu.memory_space<semaphore_mem>>) src(%dma_wait3A_187 : memref<1000xi32, #tpu.memory_space<hbm>>) dst(%arg14 : memref<1000xi32, #tpu.memory_space<vmem>>)
            tpu.yield
          }) : () -> ()
          %dma_start3A_181 = arith.constant 0 : i32
          %dma_start3A_182 = arith.constant 0 : i32
          %dma_start3A_183 = tpu.memref_slice %arg4[%dma_start3A_181, %dma_start3A_182] : memref<50000x16xf32, #tpu.memory_space<hbm>> -> memref<50000x16xf32, #tpu.memory_space<hbm>>
          tpu.enqueue_indirect_dma source(%dma_start3A_183 : memref<50000x16xf32, #tpu.memory_space<hbm>>) target(%arg16 : memref<1000x16xf32, #tpu.memory_space<vmem>>) offsets(%arg12 : memref<1000xi32, #tpu.memory_space<vmem>>) semaphore(%arg18 : memref<!tpu.dma_semaphore, #tpu.memory_space<semaphore_mem>>)
        } else {
        }
      }
      %scan3A_107 = arith.constant 25 : i32
    } else {
    }
    %barrier3A_45 = arith.constant 0 : index
    tpu.barrier barrier_id(%barrier3A_45)
    %mul3A_46 = arith.constant 2 : i32
    %mul3A_47 = arith.muli %arg0, %mul3A_46 : i32
    %add3A_48 = arith.constant 0 : i32
    %add3A_49 = arith.addi %mul3A_47, %add3A_48 : i32
    %mul3A_50 = arith.constant 50048 : i32
    %mul3A_51 = arith.muli %add3A_49, %mul3A_50 : i32
    %add3A_52 = arith.addi %mul3A_51, %mul3A_0 : i32
    "tpu.region"() ({
      %run_scoped3A = tpu.sem_alloc : memref<!tpu.dma_semaphore, #tpu.memory_space<semaphore_mem>>
      %dma_start3A = arith.constant 0 : i32
      %dma_start3A_90 = tpu.memref_slice %arg8[%add3A_52, %dma_start3A] : memref<200192x16xf32, #tpu.memory_space<hbm>> -> memref<3128x16xf32, #tpu.memory_space<hbm>>
      %dma_start3A_91 = arith.constant 0 : i32
      %dma_start3A_92 = tpu.memref_slice %arg10[%mul3A_0, %dma_start3A_91] : memref<50048x16xf32, #tpu.memory_space<vmem_shared>> -> memref<3128x16xf32, #tpu.memory_space<vmem_shared>>
      tpu.enqueue_dma source(%dma_start3A_92 : memref<3128x16xf32, #tpu.memory_space<vmem_shared>>) target(%dma_start3A_90 : memref<3128x16xf32, #tpu.memory_space<hbm>>) target_semaphore(%run_scoped3A : memref<!tpu.dma_semaphore, #tpu.memory_space<semaphore_mem>>)
      %dma_wait3A = arith.constant 0 : i32
      %dma_wait3A_93 = tpu.memref_slice %arg8[%add3A_52, %dma_wait3A] : memref<200192x16xf32, #tpu.memory_space<hbm>> -> memref<3128x16xf32, #tpu.memory_space<hbm>>
      %dma_wait3A_94 = arith.constant 0 : i32
      %dma_wait3A_95 = tpu.memref_slice %arg10[%mul3A_0, %dma_wait3A_94] : memref<50048x16xf32, #tpu.memory_space<vmem_shared>> -> memref<3128x16xf32, #tpu.memory_space<vmem_shared>>
      tpu.wait_dma2 semaphore(%run_scoped3A : memref<!tpu.dma_semaphore, #tpu.memory_space<semaphore_mem>>) src(%dma_wait3A_95 : memref<3128x16xf32, #tpu.memory_space<vmem_shared>>) dst(%dma_wait3A_93 : memref<3128x16xf32, #tpu.memory_space<hbm>>)
      tpu.yield
    }) : () -> ()
    %mul3A_53 = arith.constant 50048 : i32
    %mul3A_54 = arith.muli %arg0, %mul3A_53 : i32
    %add3A_55 = arith.addi %mul3A_54, %mul3A_0 : i32
    "tpu.region"() ({
      %run_scoped3A = tpu.sem_alloc : memref<!tpu.dma_semaphore, #tpu.memory_space<semaphore_mem>>
      %dma_start3A = tpu.memref_slice %arg9[%add3A_55] : memref<100096xf32, #tpu.memory_space<hbm>> -> memref<3128xf32, #tpu.memory_space<hbm>>
      %dma_start3A_90 = tpu.memref_slice %arg21[%mul3A_0] : memref<50048xf32, #tpu.memory_space<vmem_shared>> -> memref<3128xf32, #tpu.memory_space<vmem_shared>>
      tpu.enqueue_dma source(%dma_start3A_90 : memref<3128xf32, #tpu.memory_space<vmem_shared>>) target(%dma_start3A : memref<3128xf32, #tpu.memory_space<hbm>>) target_semaphore(%run_scoped3A : memref<!tpu.dma_semaphore, #tpu.memory_space<semaphore_mem>>)
      %dma_wait3A = tpu.memref_slice %arg9[%add3A_55] : memref<100096xf32, #tpu.memory_space<hbm>> -> memref<3128xf32, #tpu.memory_space<hbm>>
      %dma_wait3A_91 = tpu.memref_slice %arg21[%mul3A_0] : memref<50048xf32, #tpu.memory_space<vmem_shared>> -> memref<3128xf32, #tpu.memory_space<vmem_shared>>
      tpu.wait_dma2 semaphore(%run_scoped3A : memref<!tpu.dma_semaphore, #tpu.memory_space<semaphore_mem>>) src(%dma_wait3A_91 : memref<3128xf32, #tpu.memory_space<vmem_shared>>) dst(%dma_wait3A : memref<3128xf32, #tpu.memory_space<hbm>>)
      tpu.yield
    }) : () -> ()
    %scan3A_56 = arith.constant 0 : i32
    %scan3A_57 = arith.constant 0 : i32
    %scan3A_58 = arith.constant 1000 : i32
    %scan3A_59 = arith.addi %scan3A_57, %scan3A_58 : i32
    %scan3A_60 = arith.constant 1 : i32
    %scan3A_61 = scf.for %scan3A_90 = %scan3A_57 to %scan3A_59 step %scan3A_60 iter_args(%scan3A_91 = %scan3A_56) -> (i32)  : i32 {
      %broadcast_in_dim3A = arith.constant 0.000000e+00 : f32
      %broadcast_in_dim3A_92 = vector.broadcast %broadcast_in_dim3A : f32 to vector<16xf32>
      %swap3A = arith.index_cast %scan3A_90 : i32 to index
      %swap3A_93 = arith.constant 0 : index
      %swap3A_94 = tpu.vector_load %arg15[%swap3A, %swap3A_93] {strides = array<i32>} : memref<1000x16xf32, #tpu.memory_space<vmem>>, vector<1x16xf32>,
      %swap3A_95 = vector.shape_cast %swap3A_94 : vector<1x16xf32> to vector<16xf32>
      %swap3A_96 = vector.shape_cast %broadcast_in_dim3A_92 : vector<16xf32> to vector<1x16xf32>
      tpu.vector_store %arg15[%swap3A, %swap3A_93], %swap3A_96 {strides = array<i32>} : memref<1000x16xf32, #tpu.memory_space<vmem>>, vector<1x16xf32>,
      %scan3A_97 = arith.constant 0 : i32
      scf.yield %scan3A_97 : i32
    }
    %scan3A_62 = arith.constant 1000 : i32
    %add3A_63 = arith.constant 0 : i32
    %add3A_64 = arith.addi %mul3A_0, %add3A_63 : i32
    "tpu.region"() ({
      %run_scoped3A = tpu.sem_alloc : memref<!tpu.dma_semaphore, #tpu.memory_space<semaphore_mem>>
      %dma_start3A = arith.constant 0 : i32
      %dma_start3A_90 = tpu.memref_slice %arg10[%add3A_64, %dma_start3A] : memref<50048x16xf32, #tpu.memory_space<vmem_shared>> -> memref<1000x16xf32, #tpu.memory_space<vmem_shared>>
      %dma_start3A_91 = arith.constant 0 : i32
      %dma_start3A_92 = tpu.memref_slice %arg10[%add3A_64, %dma_start3A_91] : memref<50048x16xf32, #tpu.memory_space<vmem_shared>> -> memref<1000x16xf32, #tpu.memory_space<vmem_shared>>
      tpu.enqueue_dma source(%arg15 : memref<1000x16xf32, #tpu.memory_space<vmem>>) target(%dma_start3A_92 : memref<1000x16xf32, #tpu.memory_space<vmem_shared>>) target_semaphore(%run_scoped3A : memref<!tpu.dma_semaphore, #tpu.memory_space<semaphore_mem>>)
      %dma_wait3A = arith.constant 0 : i32
      %dma_wait3A_93 = tpu.memref_slice %arg10[%add3A_64, %dma_wait3A] : memref<50048x16xf32, #tpu.memory_space<vmem_shared>> -> memref<1000x16xf32, #tpu.memory_space<vmem_shared>>
      %dma_wait3A_94 = arith.constant 0 : i32
      %dma_wait3A_95 = tpu.memref_slice %arg10[%add3A_64, %dma_wait3A_94] : memref<50048x16xf32, #tpu.memory_space<vmem_shared>> -> memref<1000x16xf32, #tpu.memory_space<vmem_shared>>
      tpu.wait_dma2 semaphore(%run_scoped3A : memref<!tpu.dma_semaphore, #tpu.memory_space<semaphore_mem>>) src(%arg15 : memref<1000x16xf32, #tpu.memory_space<vmem>>) dst(%dma_wait3A_95 : memref<1000x16xf32, #tpu.memory_space<vmem_shared>>)
      tpu.yield
    }) : () -> ()
    %add3A_65 = arith.constant 1000 : i32
    %add3A_66 = arith.addi %mul3A_0, %add3A_65 : i32
    "tpu.region"() ({
      %run_scoped3A = tpu.sem_alloc : memref<!tpu.dma_semaphore, #tpu.memory_space<semaphore_mem>>
      %dma_start3A = arith.constant 0 : i32
      %dma_start3A_90 = tpu.memref_slice %arg10[%add3A_66, %dma_start3A] : memref<50048x16xf32, #tpu.memory_space<vmem_shared>> -> memref<1000x16xf32, #tpu.memory_space<vmem_shared>>
      %dma_start3A_91 = arith.constant 0 : i32
      %dma_start3A_92 = tpu.memref_slice %arg10[%add3A_66, %dma_start3A_91] : memref<50048x16xf32, #tpu.memory_space<vmem_shared>> -> memref<1000x16xf32, #tpu.memory_space<vmem_shared>>
      tpu.enqueue_dma source(%arg15 : memref<1000x16xf32, #tpu.memory_space<vmem>>) target(%dma_start3A_92 : memref<1000x16xf32, #tpu.memory_space<vmem_shared>>) target_semaphore(%run_scoped3A : memref<!tpu.dma_semaphore, #tpu.memory_space<semaphore_mem>>)
      %dma_wait3A = arith.constant 0 : i32
      %dma_wait3A_93 = tpu.memref_slice %arg10[%add3A_66, %dma_wait3A] : memref<50048x16xf32, #tpu.memory_space<vmem_shared>> -> memref<1000x16xf32, #tpu.memory_space<vmem_shared>>
      %dma_wait3A_94 = arith.constant 0 : i32
      %dma_wait3A_95 = tpu.memref_slice %arg10[%add3A_66, %dma_wait3A_94] : memref<50048x16xf32, #tpu.memory_space<vmem_shared>> -> memref<1000x16xf32, #tpu.memory_space<vmem_shared>>
      tpu.wait_dma2 semaphore(%run_scoped3A : memref<!tpu.dma_semaphore, #tpu.memory_space<semaphore_mem>>) src(%arg15 : memref<1000x16xf32, #tpu.memory_space<vmem>>) dst(%dma_wait3A_95 : memref<1000x16xf32, #tpu.memory_space<vmem_shared>>)
      tpu.yield
    }) : () -> ()
    %add3A_67 = arith.constant 2000 : i32
    %add3A_68 = arith.addi %mul3A_0, %add3A_67 : i32
    "tpu.region"() ({
      %run_scoped3A = tpu.sem_alloc : memref<!tpu.dma_semaphore, #tpu.memory_space<semaphore_mem>>
      %dma_start3A = arith.constant 0 : i32
      %dma_start3A_90 = tpu.memref_slice %arg10[%add3A_68, %dma_start3A] : memref<50048x16xf32, #tpu.memory_space<vmem_shared>> -> memref<1000x16xf32, #tpu.memory_space<vmem_shared>>
      %dma_start3A_91 = arith.constant 0 : i32
      %dma_start3A_92 = tpu.memref_slice %arg10[%add3A_68, %dma_start3A_91] : memref<50048x16xf32, #tpu.memory_space<vmem_shared>> -> memref<1000x16xf32, #tpu.memory_space<vmem_shared>>
      tpu.enqueue_dma source(%arg15 : memref<1000x16xf32, #tpu.memory_space<vmem>>) target(%dma_start3A_92 : memref<1000x16xf32, #tpu.memory_space<vmem_shared>>) target_semaphore(%run_scoped3A : memref<!tpu.dma_semaphore, #tpu.memory_space<semaphore_mem>>)
      %dma_wait3A = arith.constant 0 : i32
      %dma_wait3A_93 = tpu.memref_slice %arg10[%add3A_68, %dma_wait3A] : memref<50048x16xf32, #tpu.memory_space<vmem_shared>> -> memref<1000x16xf32, #tpu.memory_space<vmem_shared>>
      %dma_wait3A_94 = arith.constant 0 : i32
      %dma_wait3A_95 = tpu.memref_slice %arg10[%add3A_68, %dma_wait3A_94] : memref<50048x16xf32, #tpu.memory_space<vmem_shared>> -> memref<1000x16xf32, #tpu.memory_space<vmem_shared>>
      tpu.wait_dma2 semaphore(%run_scoped3A : memref<!tpu.dma_semaphore, #tpu.memory_space<semaphore_mem>>) src(%arg15 : memref<1000x16xf32, #tpu.memory_space<vmem>>) dst(%dma_wait3A_95 : memref<1000x16xf32, #tpu.memory_space<vmem_shared>>)
      tpu.yield
    }) : () -> ()
    %add3A_69 = arith.constant 3000 : i32
    %add3A_70 = arith.addi %mul3A_0, %add3A_69 : i32
    "tpu.region"() ({
      %run_scoped3A = tpu.sem_alloc : memref<!tpu.dma_semaphore, #tpu.memory_space<semaphore_mem>>
      %dma_start3A = arith.constant 0 : i32
      %dma_start3A_90 = arith.constant 0 : i32
      %dma_start3A_91 = tpu.memref_slice %arg15[%dma_start3A, %dma_start3A_90] : memref<1000x16xf32, #tpu.memory_space<vmem>> -> memref<128x16xf32, #tpu.memory_space<vmem>>
      %dma_start3A_92 = arith.constant 0 : i32
      %dma_start3A_93 = tpu.memref_slice %arg10[%add3A_70, %dma_start3A_92] : memref<50048x16xf32, #tpu.memory_space<vmem_shared>> -> memref<128x16xf32, #tpu.memory_space<vmem_shared>>
      %dma_start3A_94 = arith.constant 0 : i32
      %dma_start3A_95 = tpu.memref_slice %arg10[%add3A_70, %dma_start3A_94] : memref<50048x16xf32, #tpu.memory_space<vmem_shared>> -> memref<128x16xf32, #tpu.memory_space<vmem_shared>>
      %dma_start3A_96 = arith.constant 0 : i32
      %dma_start3A_97 = arith.constant 0 : i32
      %dma_start3A_98 = tpu.memref_slice %arg15[%dma_start3A_96, %dma_start3A_97] : memref<1000x16xf32, #tpu.memory_space<vmem>> -> memref<128x16xf32, #tpu.memory_space<vmem>>
      tpu.enqueue_dma source(%dma_start3A_98 : memref<128x16xf32, #tpu.memory_space<vmem>>) target(%dma_start3A_95 : memref<128x16xf32, #tpu.memory_space<vmem_shared>>) target_semaphore(%run_scoped3A : memref<!tpu.dma_semaphore, #tpu.memory_space<semaphore_mem>>)
      %dma_wait3A = arith.constant 0 : i32
      %dma_wait3A_99 = arith.constant 0 : i32
      %dma_wait3A_100 = tpu.memref_slice %arg15[%dma_wait3A, %dma_wait3A_99] : memref<1000x16xf32, #tpu.memory_space<vmem>> -> memref<128x16xf32, #tpu.memory_space<vmem>>
      %dma_wait3A_101 = arith.constant 0 : i32
      %dma_wait3A_102 = tpu.memref_slice %arg10[%add3A_70, %dma_wait3A_101] : memref<50048x16xf32, #tpu.memory_space<vmem_shared>> -> memref<128x16xf32, #tpu.memory_space<vmem_shared>>
      %dma_wait3A_103 = arith.constant 0 : i32
      %dma_wait3A_104 = tpu.memref_slice %arg10[%add3A_70, %dma_wait3A_103] : memref<50048x16xf32, #tpu.memory_space<vmem_shared>> -> memref<128x16xf32, #tpu.memory_space<vmem_shared>>
      %dma_wait3A_105 = arith.constant 0 : i32
      %dma_wait3A_106 = arith.constant 0 : i32
      %dma_wait3A_107 = tpu.memref_slice %arg15[%dma_wait3A_105, %dma_wait3A_106] : memref<1000x16xf32, #tpu.memory_space<vmem>> -> memref<128x16xf32, #tpu.memory_space<vmem>>
      tpu.wait_dma2 semaphore(%run_scoped3A : memref<!tpu.dma_semaphore, #tpu.memory_space<semaphore_mem>>) src(%dma_wait3A_107 : memref<128x16xf32, #tpu.memory_space<vmem>>) dst(%dma_wait3A_104 : memref<128x16xf32, #tpu.memory_space<vmem_shared>>)
      tpu.yield
    }) : () -> ()
    %barrier3A_71 = arith.constant 0 : index
    tpu.barrier barrier_id(%barrier3A_71)
    %eq3A_72 = arith.constant 0 : i32
    %eq3A_73 = arith.cmpi eq, %arg0, %eq3A_72 : i32
    %convert_element_type3A_74 = arith.extui %eq3A_73 : i1 to i32
    %cond3A_75 = arith.constant 0 : i32
    %cond3A_76 = arith.cmpi ne, %convert_element_type3A_74, %cond3A_75 : i32
    scf.if %cond3A_76 {
      %add3A_90 = arith.constant 0 : i32
      %add3A_91 = arith.addi %mul3A_2, %add3A_90 : i32
      "tpu.region"() ({
        %run_scoped3A = tpu.sem_alloc : memref<!tpu.dma_semaphore, #tpu.memory_space<semaphore_mem>>
        %dma_start3A_108 = tpu.memref_slice %arg6[%add3A_91] : memref<800000xi32, #tpu.memory_space<hbm>> -> memref<1000xi32, #tpu.memory_space<hbm>>
        %dma_start3A_109 = tpu.memref_slice %arg6[%add3A_91] : memref<800000xi32, #tpu.memory_space<hbm>> -> memref<1000xi32, #tpu.memory_space<hbm>>
        tpu.enqueue_dma source(%dma_start3A_109 : memref<1000xi32, #tpu.memory_space<hbm>>) target(%arg11 : memref<1000xi32, #tpu.memory_space<vmem>>) target_semaphore(%run_scoped3A : memref<!tpu.dma_semaphore, #tpu.memory_space<semaphore_mem>>)
        %dma_wait3A = tpu.memref_slice %arg6[%add3A_91] : memref<800000xi32, #tpu.memory_space<hbm>> -> memref<1000xi32, #tpu.memory_space<hbm>>
        %dma_wait3A_110 = tpu.memref_slice %arg6[%add3A_91] : memref<800000xi32, #tpu.memory_space<hbm>> -> memref<1000xi32, #tpu.memory_space<hbm>>
        tpu.wait_dma2 semaphore(%run_scoped3A : memref<!tpu.dma_semaphore, #tpu.memory_space<semaphore_mem>>) src(%dma_wait3A_110 : memref<1000xi32, #tpu.memory_space<hbm>>) dst(%arg11 : memref<1000xi32, #tpu.memory_space<vmem>>)
        tpu.yield
      }) : () -> ()
      %add3A_92 = arith.constant 0 : i32
      %add3A_93 = arith.addi %mul3A_2, %add3A_92 : i32
      "tpu.region"() ({
        %run_scoped3A = tpu.sem_alloc : memref<!tpu.dma_semaphore, #tpu.memory_space<semaphore_mem>>
        %dma_start3A_108 = tpu.memref_slice %arg7[%add3A_93] : memref<800000xi32, #tpu.memory_space<hbm>> -> memref<1000xi32, #tpu.memory_space<hbm>>
        %dma_start3A_109 = tpu.memref_slice %arg7[%add3A_93] : memref<800000xi32, #tpu.memory_space<hbm>> -> memref<1000xi32, #tpu.memory_space<hbm>>
        tpu.enqueue_dma source(%dma_start3A_109 : memref<1000xi32, #tpu.memory_space<hbm>>) target(%arg13 : memref<1000xi32, #tpu.memory_space<vmem>>) target_semaphore(%run_scoped3A : memref<!tpu.dma_semaphore, #tpu.memory_space<semaphore_mem>>)
        %dma_wait3A = tpu.memref_slice %arg7[%add3A_93] : memref<800000xi32, #tpu.memory_space<hbm>> -> memref<1000xi32, #tpu.memory_space<hbm>>
        %dma_wait3A_110 = tpu.memref_slice %arg7[%add3A_93] : memref<800000xi32, #tpu.memory_space<hbm>> -> memref<1000xi32, #tpu.memory_space<hbm>>
        tpu.wait_dma2 semaphore(%run_scoped3A : memref<!tpu.dma_semaphore, #tpu.memory_space<semaphore_mem>>) src(%dma_wait3A_110 : memref<1000xi32, #tpu.memory_space<hbm>>) dst(%arg13 : memref<1000xi32, #tpu.memory_space<vmem>>)
        tpu.yield
      }) : () -> ()
      %dma_start3A = arith.constant 0 : i32
      %dma_start3A_94 = arith.constant 0 : i32
      %dma_start3A_95 = tpu.memref_slice %arg3[%dma_start3A, %dma_start3A_94] : memref<50000x16xf32, #tpu.memory_space<hbm>> -> memref<50000x16xf32, #tpu.memory_space<hbm>>
      tpu.enqueue_indirect_dma source(%dma_start3A_95 : memref<50000x16xf32, #tpu.memory_space<hbm>>) target(%arg15 : memref<1000x16xf32, #tpu.memory_space<vmem>>) offsets(%arg11 : memref<1000xi32, #tpu.memory_space<vmem>>) semaphore(%arg17 : memref<!tpu.dma_semaphore, #tpu.memory_space<semaphore_mem>>)
      %add3A_96 = arith.constant 1000 : i32
      %add3A_97 = arith.addi %mul3A_2, %add3A_96 : i32
      "tpu.region"() ({
        %run_scoped3A = tpu.sem_alloc : memref<!tpu.dma_semaphore, #tpu.memory_space<semaphore_mem>>
        %dma_start3A_108 = tpu.memref_slice %arg6[%add3A_97] : memref<800000xi32, #tpu.memory_space<hbm>> -> memref<1000xi32, #tpu.memory_space<hbm>>
        %dma_start3A_109 = tpu.memref_slice %arg6[%add3A_97] : memref<800000xi32, #tpu.memory_space<hbm>> -> memref<1000xi32, #tpu.memory_space<hbm>>
        tpu.enqueue_dma source(%dma_start3A_109 : memref<1000xi32, #tpu.memory_space<hbm>>) target(%arg12 : memref<1000xi32, #tpu.memory_space<vmem>>) target_semaphore(%run_scoped3A : memref<!tpu.dma_semaphore, #tpu.memory_space<semaphore_mem>>)
        %dma_wait3A = tpu.memref_slice %arg6[%add3A_97] : memref<800000xi32, #tpu.memory_space<hbm>> -> memref<1000xi32, #tpu.memory_space<hbm>>
        %dma_wait3A_110 = tpu.memref_slice %arg6[%add3A_97] : memref<800000xi32, #tpu.memory_space<hbm>> -> memref<1000xi32, #tpu.memory_space<hbm>>
        tpu.wait_dma2 semaphore(%run_scoped3A : memref<!tpu.dma_semaphore, #tpu.memory_space<semaphore_mem>>) src(%dma_wait3A_110 : memref<1000xi32, #tpu.memory_space<hbm>>) dst(%arg12 : memref<1000xi32, #tpu.memory_space<vmem>>)
        tpu.yield
      }) : () -> ()
      %add3A_98 = arith.constant 1000 : i32
      %add3A_99 = arith.addi %mul3A_2, %add3A_98 : i32
      "tpu.region"() ({
        %run_scoped3A = tpu.sem_alloc : memref<!tpu.dma_semaphore, #tpu.memory_space<semaphore_mem>>
        %dma_start3A_108 = tpu.memref_slice %arg7[%add3A_99] : memref<800000xi32, #tpu.memory_space<hbm>> -> memref<1000xi32, #tpu.memory_space<hbm>>
        %dma_start3A_109 = tpu.memref_slice %arg7[%add3A_99] : memref<800000xi32, #tpu.memory_space<hbm>> -> memref<1000xi32, #tpu.memory_space<hbm>>
        tpu.enqueue_dma source(%dma_start3A_109 : memref<1000xi32, #tpu.memory_space<hbm>>) target(%arg14 : memref<1000xi32, #tpu.memory_space<vmem>>) target_semaphore(%run_scoped3A : memref<!tpu.dma_semaphore, #tpu.memory_space<semaphore_mem>>)
        %dma_wait3A = tpu.memref_slice %arg7[%add3A_99] : memref<800000xi32, #tpu.memory_space<hbm>> -> memref<1000xi32, #tpu.memory_space<hbm>>
        %dma_wait3A_110 = tpu.memref_slice %arg7[%add3A_99] : memref<800000xi32, #tpu.memory_space<hbm>> -> memref<1000xi32, #tpu.memory_space<hbm>>
        tpu.wait_dma2 semaphore(%run_scoped3A : memref<!tpu.dma_semaphore, #tpu.memory_space<semaphore_mem>>) src(%dma_wait3A_110 : memref<1000xi32, #tpu.memory_space<hbm>>) dst(%arg14 : memref<1000xi32, #tpu.memory_space<vmem>>)
        tpu.yield
      }) : () -> ()
      %dma_start3A_100 = arith.constant 0 : i32
      %dma_start3A_101 = arith.constant 0 : i32
      %dma_start3A_102 = tpu.memref_slice %arg3[%dma_start3A_100, %dma_start3A_101] : memref<50000x16xf32, #tpu.memory_space<hbm>> -> memref<50000x16xf32, #tpu.memory_space<hbm>>
      tpu.enqueue_indirect_dma source(%dma_start3A_102 : memref<50000x16xf32, #tpu.memory_space<hbm>>) target(%arg16 : memref<1000x16xf32, #tpu.memory_space<vmem>>) offsets(%arg12 : memref<1000xi32, #tpu.memory_space<vmem>>) semaphore(%arg18 : memref<!tpu.dma_semaphore, #tpu.memory_space<semaphore_mem>>)
      %scan3A_103 = arith.constant 0 : i32
      %scan3A_104 = arith.constant 25 : i32
      %scan3A_105 = arith.addi %scan3A_103, %scan3A_104 : i32
      %scan3A_106 = arith.constant 1 : i32
      scf.for %scan3A_108 = %scan3A_103 to %scan3A_105 step %scan3A_106  : i32 {
        %mul3A_109 = arith.constant 2 : i32
        %mul3A_110 = arith.muli %scan3A_108, %mul3A_109 : i32
        %add3A_111 = arith.constant 0 : i32
        %add3A_112 = arith.addi %add3A_111, %mul3A_110 : i32
        %add3A_113 = arith.constant 0 : i32
        %add3A_114 = arith.addi %add3A_112, %add3A_113 : i32
        %dma_wait3A = arith.constant 0 : i32
        %dma_wait3A_115 = arith.constant 0 : i32
        %dma_wait3A_116 = tpu.memref_slice %arg3[%dma_wait3A, %dma_wait3A_115] : memref<50000x16xf32, #tpu.memory_space<hbm>> -> memref<1000x16xf32, #tpu.memory_space<hbm>>
        %dma_wait3A_117 = arith.constant 0 : i32
        %dma_wait3A_118 = arith.constant 0 : i32
        %dma_wait3A_119 = tpu.memref_slice %arg3[%dma_wait3A_117, %dma_wait3A_118] : memref<50000x16xf32, #tpu.memory_space<hbm>> -> memref<1000x16xf32, #tpu.memory_space<hbm>>
        tpu.wait_dma2 semaphore(%arg17 : memref<!tpu.dma_semaphore, #tpu.memory_space<semaphore_mem>>) src(%dma_wait3A_119 : memref<1000x16xf32, #tpu.memory_space<hbm>>) dst(%arg15 : memref<1000x16xf32, #tpu.memory_space<vmem>>)
        %dma_start3A_120 = arith.constant 0 : i32
        %dma_start3A_121 = arith.constant 0 : i32
        %dma_start3A_122 = tpu.memref_slice %arg10[%dma_start3A_120, %dma_start3A_121] : memref<50048x16xf32, #tpu.memory_space<vmem_shared>> -> memref<50048x16xf32, #tpu.memory_space<vmem_shared>>
        tpu.enqueue_indirect_dma source(%arg15 : memref<1000x16xf32, #tpu.memory_space<vmem>>) target(%dma_start3A_122 : memref<50048x16xf32, #tpu.memory_space<vmem_shared>>) offsets(%arg13 : memref<1000xi32, #tpu.memory_space<vmem>>) semaphore(%arg19 : memref<!tpu.dma_semaphore, #tpu.memory_space<semaphore_mem>>) {add = true}
        %add3A_123 = arith.constant 2 : i32
        %add3A_124 = arith.addi %add3A_114, %add3A_123 : i32
        %lt3A = arith.constant 50 : i32
        %lt3A_125 = arith.cmpi slt, %add3A_124, %lt3A : i32
        %convert_element_type3A_126 = arith.extui %lt3A_125 : i1 to i32
        %cond3A_127 = arith.constant 0 : i32
        %cond3A_128 = arith.cmpi ne, %convert_element_type3A_126, %cond3A_127 : i32
        scf.if %cond3A_128 {
          %add3A_167 = arith.constant 2 : i32
          %add3A_168 = arith.addi %add3A_114, %add3A_167 : i32
          %mul3A_169 = arith.constant 1000 : i32
          %mul3A_170 = arith.muli %add3A_168, %mul3A_169 : i32
          %add3A_171 = arith.addi %mul3A_2, %mul3A_170 : i32
          "tpu.region"() ({
            %run_scoped3A = tpu.sem_alloc : memref<!tpu.dma_semaphore, #tpu.memory_space<semaphore_mem>>
            %dma_start3A_172 = tpu.memref_slice %arg6[%add3A_171] : memref<800000xi32, #tpu.memory_space<hbm>> -> memref<1000xi32, #tpu.memory_space<hbm>>
            %dma_start3A_173 = tpu.memref_slice %arg6[%add3A_171] : memref<800000xi32, #tpu.memory_space<hbm>> -> memref<1000xi32, #tpu.memory_space<hbm>>
            tpu.enqueue_dma source(%dma_start3A_173 : memref<1000xi32, #tpu.memory_space<hbm>>) target(%arg11 : memref<1000xi32, #tpu.memory_space<vmem>>) target_semaphore(%run_scoped3A : memref<!tpu.dma_semaphore, #tpu.memory_space<semaphore_mem>>)
            %dma_wait3A_174 = tpu.memref_slice %arg6[%add3A_171] : memref<800000xi32, #tpu.memory_space<hbm>> -> memref<1000xi32, #tpu.memory_space<hbm>>
            %dma_wait3A_175 = tpu.memref_slice %arg6[%add3A_171] : memref<800000xi32, #tpu.memory_space<hbm>> -> memref<1000xi32, #tpu.memory_space<hbm>>
            tpu.wait_dma2 semaphore(%run_scoped3A : memref<!tpu.dma_semaphore, #tpu.memory_space<semaphore_mem>>) src(%dma_wait3A_175 : memref<1000xi32, #tpu.memory_space<hbm>>) dst(%arg11 : memref<1000xi32, #tpu.memory_space<vmem>>)
            tpu.yield
          }) : () -> ()
        } else {
        }
        %dma_wait3A_129 = arith.constant 0 : i32
        %dma_wait3A_130 = arith.constant 0 : i32
        %dma_wait3A_131 = tpu.memref_slice %arg10[%dma_wait3A_129, %dma_wait3A_130] : memref<50048x16xf32, #tpu.memory_space<vmem_shared>> -> memref<50048x16xf32, #tpu.memory_space<vmem_shared>>
        tpu.wait_indirect_dma semaphore(%arg19 : memref<!tpu.dma_semaphore, #tpu.memory_space<semaphore_mem>>) src(%arg15 : memref<1000x16xf32, #tpu.memory_space<vmem>>) dst(%dma_wait3A_131 : memref<50048x16xf32, #tpu.memory_space<vmem_shared>>)
        %add3A_132 = arith.constant 2 : i32
        %add3A_133 = arith.addi %add3A_114, %add3A_132 : i32
        %lt3A_134 = arith.constant 50 : i32
        %lt3A_135 = arith.cmpi slt, %add3A_133, %lt3A_134 : i32
        %convert_element_type3A_136 = arith.extui %lt3A_135 : i1 to i32
        %cond3A_137 = arith.constant 0 : i32
        %cond3A_138 = arith.cmpi ne, %convert_element_type3A_136, %cond3A_137 : i32
        scf.if %cond3A_138 {
          %add3A_167 = arith.constant 2 : i32
          %add3A_168 = arith.addi %add3A_114, %add3A_167 : i32
          %mul3A_169 = arith.constant 1000 : i32
          %mul3A_170 = arith.muli %add3A_168, %mul3A_169 : i32
          %add3A_171 = arith.addi %mul3A_2, %mul3A_170 : i32
          "tpu.region"() ({
            %run_scoped3A = tpu.sem_alloc : memref<!tpu.dma_semaphore, #tpu.memory_space<semaphore_mem>>
            %dma_start3A_175 = tpu.memref_slice %arg7[%add3A_171] : memref<800000xi32, #tpu.memory_space<hbm>> -> memref<1000xi32, #tpu.memory_space<hbm>>
            %dma_start3A_176 = tpu.memref_slice %arg7[%add3A_171] : memref<800000xi32, #tpu.memory_space<hbm>> -> memref<1000xi32, #tpu.memory_space<hbm>>
            tpu.enqueue_dma source(%dma_start3A_176 : memref<1000xi32, #tpu.memory_space<hbm>>) target(%arg13 : memref<1000xi32, #tpu.memory_space<vmem>>) target_semaphore(%run_scoped3A : memref<!tpu.dma_semaphore, #tpu.memory_space<semaphore_mem>>)
            %dma_wait3A_177 = tpu.memref_slice %arg7[%add3A_171] : memref<800000xi32, #tpu.memory_space<hbm>> -> memref<1000xi32, #tpu.memory_space<hbm>>
            %dma_wait3A_178 = tpu.memref_slice %arg7[%add3A_171] : memref<800000xi32, #tpu.memory_space<hbm>> -> memref<1000xi32, #tpu.memory_space<hbm>>
            tpu.wait_dma2 semaphore(%run_scoped3A : memref<!tpu.dma_semaphore, #tpu.memory_space<semaphore_mem>>) src(%dma_wait3A_178 : memref<1000xi32, #tpu.memory_space<hbm>>) dst(%arg13 : memref<1000xi32, #tpu.memory_space<vmem>>)
            tpu.yield
          }) : () -> ()
          %dma_start3A_172 = arith.constant 0 : i32
          %dma_start3A_173 = arith.constant 0 : i32
          %dma_start3A_174 = tpu.memref_slice %arg3[%dma_start3A_172, %dma_start3A_173] : memref<50000x16xf32, #tpu.memory_space<hbm>> -> memref<50000x16xf32, #tpu.memory_space<hbm>>
          tpu.enqueue_indirect_dma source(%dma_start3A_174 : memref<50000x16xf32, #tpu.memory_space<hbm>>) target(%arg15 : memref<1000x16xf32, #tpu.memory_space<vmem>>) offsets(%arg11 : memref<1000xi32, #tpu.memory_space<vmem>>) semaphore(%arg17 : memref<!tpu.dma_semaphore, #tpu.memory_space<semaphore_mem>>)
        } else {
        }
        %add3A_139 = arith.constant 1 : i32
        %add3A_140 = arith.addi %add3A_112, %add3A_139 : i32
        %dma_wait3A_141 = arith.constant 0 : i32
        %dma_wait3A_142 = arith.constant 0 : i32
        %dma_wait3A_143 = tpu.memref_slice %arg3[%dma_wait3A_141, %dma_wait3A_142] : memref<50000x16xf32, #tpu.memory_space<hbm>> -> memref<1000x16xf32, #tpu.memory_space<hbm>>
        %dma_wait3A_144 = arith.constant 0 : i32
        %dma_wait3A_145 = arith.constant 0 : i32
        %dma_wait3A_146 = tpu.memref_slice %arg3[%dma_wait3A_144, %dma_wait3A_145] : memref<50000x16xf32, #tpu.memory_space<hbm>> -> memref<1000x16xf32, #tpu.memory_space<hbm>>
        tpu.wait_dma2 semaphore(%arg18 : memref<!tpu.dma_semaphore, #tpu.memory_space<semaphore_mem>>) src(%dma_wait3A_146 : memref<1000x16xf32, #tpu.memory_space<hbm>>) dst(%arg16 : memref<1000x16xf32, #tpu.memory_space<vmem>>)
        %dma_start3A_147 = arith.constant 0 : i32
        %dma_start3A_148 = arith.constant 0 : i32
        %dma_start3A_149 = tpu.memref_slice %arg10[%dma_start3A_147, %dma_start3A_148] : memref<50048x16xf32, #tpu.memory_space<vmem_shared>> -> memref<50048x16xf32, #tpu.memory_space<vmem_shared>>
        tpu.enqueue_indirect_dma source(%arg16 : memref<1000x16xf32, #tpu.memory_space<vmem>>) target(%dma_start3A_149 : memref<50048x16xf32, #tpu.memory_space<vmem_shared>>) offsets(%arg14 : memref<1000xi32, #tpu.memory_space<vmem>>) semaphore(%arg20 : memref<!tpu.dma_semaphore, #tpu.memory_space<semaphore_mem>>) {add = true}
        %add3A_150 = arith.constant 2 : i32
        %add3A_151 = arith.addi %add3A_140, %add3A_150 : i32
        %lt3A_152 = arith.constant 50 : i32
        %lt3A_153 = arith.cmpi slt, %add3A_151, %lt3A_152 : i32
        %convert_element_type3A_154 = arith.extui %lt3A_153 : i1 to i32
        %cond3A_155 = arith.constant 0 : i32
        %cond3A_156 = arith.cmpi ne, %convert_element_type3A_154, %cond3A_155 : i32
        scf.if %cond3A_156 {
          %add3A_167 = arith.constant 2 : i32
          %add3A_168 = arith.addi %add3A_140, %add3A_167 : i32
          %mul3A_169 = arith.constant 1000 : i32
          %mul3A_170 = arith.muli %add3A_168, %mul3A_169 : i32
          %add3A_171 = arith.addi %mul3A_2, %mul3A_170 : i32
          "tpu.region"() ({
            %run_scoped3A = tpu.sem_alloc : memref<!tpu.dma_semaphore, #tpu.memory_space<semaphore_mem>>
            %dma_start3A_172 = tpu.memref_slice %arg6[%add3A_171] : memref<800000xi32, #tpu.memory_space<hbm>> -> memref<1000xi32, #tpu.memory_space<hbm>>
            %dma_start3A_173 = tpu.memref_slice %arg6[%add3A_171] : memref<800000xi32, #tpu.memory_space<hbm>> -> memref<1000xi32, #tpu.memory_space<hbm>>
            tpu.enqueue_dma source(%dma_start3A_173 : memref<1000xi32, #tpu.memory_space<hbm>>) target(%arg12 : memref<1000xi32, #tpu.memory_space<vmem>>) target_semaphore(%run_scoped3A : memref<!tpu.dma_semaphore, #tpu.memory_space<semaphore_mem>>)
            %dma_wait3A_174 = tpu.memref_slice %arg6[%add3A_171] : memref<800000xi32, #tpu.memory_space<hbm>> -> memref<1000xi32, #tpu.memory_space<hbm>>
            %dma_wait3A_175 = tpu.memref_slice %arg6[%add3A_171] : memref<800000xi32, #tpu.memory_space<hbm>> -> memref<1000xi32, #tpu.memory_space<hbm>>
            tpu.wait_dma2 semaphore(%run_scoped3A : memref<!tpu.dma_semaphore, #tpu.memory_space<semaphore_mem>>) src(%dma_wait3A_175 : memref<1000xi32, #tpu.memory_space<hbm>>) dst(%arg12 : memref<1000xi32, #tpu.memory_space<vmem>>)
            tpu.yield
          }) : () -> ()
        } else {
        }
        %dma_wait3A_157 = arith.constant 0 : i32
        %dma_wait3A_158 = arith.constant 0 : i32
        %dma_wait3A_159 = tpu.memref_slice %arg10[%dma_wait3A_157, %dma_wait3A_158] : memref<50048x16xf32, #tpu.memory_space<vmem_shared>> -> memref<50048x16xf32, #tpu.memory_space<vmem_shared>>
        tpu.wait_indirect_dma semaphore(%arg20 : memref<!tpu.dma_semaphore, #tpu.memory_space<semaphore_mem>>) src(%arg16 : memref<1000x16xf32, #tpu.memory_space<vmem>>) dst(%dma_wait3A_159 : memref<50048x16xf32, #tpu.memory_space<vmem_shared>>)
        %add3A_160 = arith.constant 2 : i32
        %add3A_161 = arith.addi %add3A_140, %add3A_160 : i32
        %lt3A_162 = arith.constant 50 : i32
        %lt3A_163 = arith.cmpi slt, %add3A_161, %lt3A_162 : i32
        %convert_element_type3A_164 = arith.extui %lt3A_163 : i1 to i32
        %cond3A_165 = arith.constant 0 : i32
        %cond3A_166 = arith.cmpi ne, %convert_element_type3A_164, %cond3A_165 : i32
        scf.if %cond3A_166 {
          %add3A_167 = arith.constant 2 : i32
          %add3A_168 = arith.addi %add3A_140, %add3A_167 : i32
          %mul3A_169 = arith.constant 1000 : i32
          %mul3A_170 = arith.muli %add3A_168, %mul3A_169 : i32
          %add3A_171 = arith.addi %mul3A_2, %mul3A_170 : i32
          "tpu.region"() ({
            %run_scoped3A = tpu.sem_alloc : memref<!tpu.dma_semaphore, #tpu.memory_space<semaphore_mem>>
            %dma_start3A_175 = tpu.memref_slice %arg7[%add3A_171] : memref<800000xi32, #tpu.memory_space<hbm>> -> memref<1000xi32, #tpu.memory_space<hbm>>
            %dma_start3A_176 = tpu.memref_slice %arg7[%add3A_171] : memref<800000xi32, #tpu.memory_space<hbm>> -> memref<1000xi32, #tpu.memory_space<hbm>>
            tpu.enqueue_dma source(%dma_start3A_176 : memref<1000xi32, #tpu.memory_space<hbm>>) target(%arg14 : memref<1000xi32, #tpu.memory_space<vmem>>) target_semaphore(%run_scoped3A : memref<!tpu.dma_semaphore, #tpu.memory_space<semaphore_mem>>)
            %dma_wait3A_177 = tpu.memref_slice %arg7[%add3A_171] : memref<800000xi32, #tpu.memory_space<hbm>> -> memref<1000xi32, #tpu.memory_space<hbm>>
            %dma_wait3A_178 = tpu.memref_slice %arg7[%add3A_171] : memref<800000xi32, #tpu.memory_space<hbm>> -> memref<1000xi32, #tpu.memory_space<hbm>>
            tpu.wait_dma2 semaphore(%run_scoped3A : memref<!tpu.dma_semaphore, #tpu.memory_space<semaphore_mem>>) src(%dma_wait3A_178 : memref<1000xi32, #tpu.memory_space<hbm>>) dst(%arg14 : memref<1000xi32, #tpu.memory_space<vmem>>)
            tpu.yield
          }) : () -> ()
          %dma_start3A_172 = arith.constant 0 : i32
          %dma_start3A_173 = arith.constant 0 : i32
          %dma_start3A_174 = tpu.memref_slice %arg3[%dma_start3A_172, %dma_start3A_173] : memref<50000x16xf32, #tpu.memory_space<hbm>> -> memref<50000x16xf32, #tpu.memory_space<hbm>>
          tpu.enqueue_indirect_dma source(%dma_start3A_174 : memref<50000x16xf32, #tpu.memory_space<hbm>>) target(%arg16 : memref<1000x16xf32, #tpu.memory_space<vmem>>) offsets(%arg12 : memref<1000xi32, #tpu.memory_space<vmem>>) semaphore(%arg18 : memref<!tpu.dma_semaphore, #tpu.memory_space<semaphore_mem>>)
        } else {
        }
      }
      %scan3A_107 = arith.constant 25 : i32
    } else {
    }
    %eq3A_77 = arith.constant 1 : i32
    %eq3A_78 = arith.cmpi eq, %arg0, %eq3A_77 : i32
    %convert_element_type3A_79 = arith.extui %eq3A_78 : i1 to i32
    %cond3A_80 = arith.constant 0 : i32
    %cond3A_81 = arith.cmpi ne, %convert_element_type3A_79, %cond3A_80 : i32
    scf.if %cond3A_81 {
      %add3A_90 = arith.constant 0 : i32
      %add3A_91 = arith.addi %mul3A_2, %add3A_90 : i32
      "tpu.region"() ({
        %run_scoped3A = tpu.sem_alloc : memref<!tpu.dma_semaphore, #tpu.memory_space<semaphore_mem>>
        %dma_start3A_108 = tpu.memref_slice %arg6[%add3A_91] : memref<800000xi32, #tpu.memory_space<hbm>> -> memref<1000xi32, #tpu.memory_space<hbm>>
        %dma_start3A_109 = tpu.memref_slice %arg6[%add3A_91] : memref<800000xi32, #tpu.memory_space<hbm>> -> memref<1000xi32, #tpu.memory_space<hbm>>
        tpu.enqueue_dma source(%dma_start3A_109 : memref<1000xi32, #tpu.memory_space<hbm>>) target(%arg11 : memref<1000xi32, #tpu.memory_space<vmem>>) target_semaphore(%run_scoped3A : memref<!tpu.dma_semaphore, #tpu.memory_space<semaphore_mem>>)
        %dma_wait3A = tpu.memref_slice %arg6[%add3A_91] : memref<800000xi32, #tpu.memory_space<hbm>> -> memref<1000xi32, #tpu.memory_space<hbm>>
        %dma_wait3A_110 = tpu.memref_slice %arg6[%add3A_91] : memref<800000xi32, #tpu.memory_space<hbm>> -> memref<1000xi32, #tpu.memory_space<hbm>>
        tpu.wait_dma2 semaphore(%run_scoped3A : memref<!tpu.dma_semaphore, #tpu.memory_space<semaphore_mem>>) src(%dma_wait3A_110 : memref<1000xi32, #tpu.memory_space<hbm>>) dst(%arg11 : memref<1000xi32, #tpu.memory_space<vmem>>)
        tpu.yield
      }) : () -> ()
      %add3A_92 = arith.constant 0 : i32
      %add3A_93 = arith.addi %mul3A_2, %add3A_92 : i32
      "tpu.region"() ({
        %run_scoped3A = tpu.sem_alloc : memref<!tpu.dma_semaphore, #tpu.memory_space<semaphore_mem>>
        %dma_start3A_108 = tpu.memref_slice %arg7[%add3A_93] : memref<800000xi32, #tpu.memory_space<hbm>> -> memref<1000xi32, #tpu.memory_space<hbm>>
        %dma_start3A_109 = tpu.memref_slice %arg7[%add3A_93] : memref<800000xi32, #tpu.memory_space<hbm>> -> memref<1000xi32, #tpu.memory_space<hbm>>
        tpu.enqueue_dma source(%dma_start3A_109 : memref<1000xi32, #tpu.memory_space<hbm>>) target(%arg13 : memref<1000xi32, #tpu.memory_space<vmem>>) target_semaphore(%run_scoped3A : memref<!tpu.dma_semaphore, #tpu.memory_space<semaphore_mem>>)
        %dma_wait3A = tpu.memref_slice %arg7[%add3A_93] : memref<800000xi32, #tpu.memory_space<hbm>> -> memref<1000xi32, #tpu.memory_space<hbm>>
        %dma_wait3A_110 = tpu.memref_slice %arg7[%add3A_93] : memref<800000xi32, #tpu.memory_space<hbm>> -> memref<1000xi32, #tpu.memory_space<hbm>>
        tpu.wait_dma2 semaphore(%run_scoped3A : memref<!tpu.dma_semaphore, #tpu.memory_space<semaphore_mem>>) src(%dma_wait3A_110 : memref<1000xi32, #tpu.memory_space<hbm>>) dst(%arg13 : memref<1000xi32, #tpu.memory_space<vmem>>)
        tpu.yield
      }) : () -> ()
      %dma_start3A = arith.constant 0 : i32
      %dma_start3A_94 = arith.constant 0 : i32
      %dma_start3A_95 = tpu.memref_slice %arg5[%dma_start3A, %dma_start3A_94] : memref<50000x16xf32, #tpu.memory_space<hbm>> -> memref<50000x16xf32, #tpu.memory_space<hbm>>
      tpu.enqueue_indirect_dma source(%dma_start3A_95 : memref<50000x16xf32, #tpu.memory_space<hbm>>) target(%arg15 : memref<1000x16xf32, #tpu.memory_space<vmem>>) offsets(%arg11 : memref<1000xi32, #tpu.memory_space<vmem>>) semaphore(%arg17 : memref<!tpu.dma_semaphore, #tpu.memory_space<semaphore_mem>>)
      %add3A_96 = arith.constant 1000 : i32
      %add3A_97 = arith.addi %mul3A_2, %add3A_96 : i32
      "tpu.region"() ({
        %run_scoped3A = tpu.sem_alloc : memref<!tpu.dma_semaphore, #tpu.memory_space<semaphore_mem>>
        %dma_start3A_108 = tpu.memref_slice %arg6[%add3A_97] : memref<800000xi32, #tpu.memory_space<hbm>> -> memref<1000xi32, #tpu.memory_space<hbm>>
        %dma_start3A_109 = tpu.memref_slice %arg6[%add3A_97] : memref<800000xi32, #tpu.memory_space<hbm>> -> memref<1000xi32, #tpu.memory_space<hbm>>
        tpu.enqueue_dma source(%dma_start3A_109 : memref<1000xi32, #tpu.memory_space<hbm>>) target(%arg12 : memref<1000xi32, #tpu.memory_space<vmem>>) target_semaphore(%run_scoped3A : memref<!tpu.dma_semaphore, #tpu.memory_space<semaphore_mem>>)
        %dma_wait3A = tpu.memref_slice %arg6[%add3A_97] : memref<800000xi32, #tpu.memory_space<hbm>> -> memref<1000xi32, #tpu.memory_space<hbm>>
        %dma_wait3A_110 = tpu.memref_slice %arg6[%add3A_97] : memref<800000xi32, #tpu.memory_space<hbm>> -> memref<1000xi32, #tpu.memory_space<hbm>>
        tpu.wait_dma2 semaphore(%run_scoped3A : memref<!tpu.dma_semaphore, #tpu.memory_space<semaphore_mem>>) src(%dma_wait3A_110 : memref<1000xi32, #tpu.memory_space<hbm>>) dst(%arg12 : memref<1000xi32, #tpu.memory_space<vmem>>)
        tpu.yield
      }) : () -> ()
      %add3A_98 = arith.constant 1000 : i32
      %add3A_99 = arith.addi %mul3A_2, %add3A_98 : i32
      "tpu.region"() ({
        %run_scoped3A = tpu.sem_alloc : memref<!tpu.dma_semaphore, #tpu.memory_space<semaphore_mem>>
        %dma_start3A_108 = tpu.memref_slice %arg7[%add3A_99] : memref<800000xi32, #tpu.memory_space<hbm>> -> memref<1000xi32, #tpu.memory_space<hbm>>
        %dma_start3A_109 = tpu.memref_slice %arg7[%add3A_99] : memref<800000xi32, #tpu.memory_space<hbm>> -> memref<1000xi32, #tpu.memory_space<hbm>>
        tpu.enqueue_dma source(%dma_start3A_109 : memref<1000xi32, #tpu.memory_space<hbm>>) target(%arg14 : memref<1000xi32, #tpu.memory_space<vmem>>) target_semaphore(%run_scoped3A : memref<!tpu.dma_semaphore, #tpu.memory_space<semaphore_mem>>)
        %dma_wait3A = tpu.memref_slice %arg7[%add3A_99] : memref<800000xi32, #tpu.memory_space<hbm>> -> memref<1000xi32, #tpu.memory_space<hbm>>
        %dma_wait3A_110 = tpu.memref_slice %arg7[%add3A_99] : memref<800000xi32, #tpu.memory_space<hbm>> -> memref<1000xi32, #tpu.memory_space<hbm>>
        tpu.wait_dma2 semaphore(%run_scoped3A : memref<!tpu.dma_semaphore, #tpu.memory_space<semaphore_mem>>) src(%dma_wait3A_110 : memref<1000xi32, #tpu.memory_space<hbm>>) dst(%arg14 : memref<1000xi32, #tpu.memory_space<vmem>>)
        tpu.yield
      }) : () -> ()
      %dma_start3A_100 = arith.constant 0 : i32
      %dma_start3A_101 = arith.constant 0 : i32
      %dma_start3A_102 = tpu.memref_slice %arg5[%dma_start3A_100, %dma_start3A_101] : memref<50000x16xf32, #tpu.memory_space<hbm>> -> memref<50000x16xf32, #tpu.memory_space<hbm>>
      tpu.enqueue_indirect_dma source(%dma_start3A_102 : memref<50000x16xf32, #tpu.memory_space<hbm>>) target(%arg16 : memref<1000x16xf32, #tpu.memory_space<vmem>>) offsets(%arg12 : memref<1000xi32, #tpu.memory_space<vmem>>) semaphore(%arg18 : memref<!tpu.dma_semaphore, #tpu.memory_space<semaphore_mem>>)
      %scan3A_103 = arith.constant 0 : i32
      %scan3A_104 = arith.constant 25 : i32
      %scan3A_105 = arith.addi %scan3A_103, %scan3A_104 : i32
      %scan3A_106 = arith.constant 1 : i32
      scf.for %scan3A_108 = %scan3A_103 to %scan3A_105 step %scan3A_106  : i32 {
        %mul3A_109 = arith.constant 2 : i32
        %mul3A_110 = arith.muli %scan3A_108, %mul3A_109 : i32
        %add3A_111 = arith.constant 0 : i32
        %add3A_112 = arith.addi %add3A_111, %mul3A_110 : i32
        %add3A_113 = arith.constant 0 : i32
        %add3A_114 = arith.addi %add3A_112, %add3A_113 : i32
        %dma_wait3A = arith.constant 0 : i32
        %dma_wait3A_115 = arith.constant 0 : i32
        %dma_wait3A_116 = tpu.memref_slice %arg5[%dma_wait3A, %dma_wait3A_115] : memref<50000x16xf32, #tpu.memory_space<hbm>> -> memref<1000x16xf32, #tpu.memory_space<hbm>>
        %dma_wait3A_117 = arith.constant 0 : i32
        %dma_wait3A_118 = arith.constant 0 : i32
        %dma_wait3A_119 = tpu.memref_slice %arg5[%dma_wait3A_117, %dma_wait3A_118] : memref<50000x16xf32, #tpu.memory_space<hbm>> -> memref<1000x16xf32, #tpu.memory_space<hbm>>
        tpu.wait_dma2 semaphore(%arg17 : memref<!tpu.dma_semaphore, #tpu.memory_space<semaphore_mem>>) src(%dma_wait3A_119 : memref<1000x16xf32, #tpu.memory_space<hbm>>) dst(%arg15 : memref<1000x16xf32, #tpu.memory_space<vmem>>)
        %dma_start3A_120 = arith.constant 0 : i32
        %dma_start3A_121 = arith.constant 0 : i32
        %dma_start3A_122 = tpu.memref_slice %arg10[%dma_start3A_120, %dma_start3A_121] : memref<50048x16xf32, #tpu.memory_space<vmem_shared>> -> memref<50048x16xf32, #tpu.memory_space<vmem_shared>>
        tpu.enqueue_indirect_dma source(%arg15 : memref<1000x16xf32, #tpu.memory_space<vmem>>) target(%dma_start3A_122 : memref<50048x16xf32, #tpu.memory_space<vmem_shared>>) offsets(%arg13 : memref<1000xi32, #tpu.memory_space<vmem>>) semaphore(%arg19 : memref<!tpu.dma_semaphore, #tpu.memory_space<semaphore_mem>>) {add = true}
        %add3A_123 = arith.constant 2 : i32
        %add3A_124 = arith.addi %add3A_114, %add3A_123 : i32
        %lt3A = arith.constant 50 : i32
        %lt3A_125 = arith.cmpi slt, %add3A_124, %lt3A : i32
        %convert_element_type3A_126 = arith.extui %lt3A_125 : i1 to i32
        %cond3A_127 = arith.constant 0 : i32
        %cond3A_128 = arith.cmpi ne, %convert_element_type3A_126, %cond3A_127 : i32
        scf.if %cond3A_128 {
          %add3A_167 = arith.constant 2 : i32
          %add3A_168 = arith.addi %add3A_114, %add3A_167 : i32
          %mul3A_169 = arith.constant 1000 : i32
          %mul3A_170 = arith.muli %add3A_168, %mul3A_169 : i32
          %add3A_171 = arith.addi %mul3A_2, %mul3A_170 : i32
          "tpu.region"() ({
            %run_scoped3A = tpu.sem_alloc : memref<!tpu.dma_semaphore, #tpu.memory_space<semaphore_mem>>
            %dma_start3A_172 = tpu.memref_slice %arg6[%add3A_171] : memref<800000xi32, #tpu.memory_space<hbm>> -> memref<1000xi32, #tpu.memory_space<hbm>>
            %dma_start3A_173 = tpu.memref_slice %arg6[%add3A_171] : memref<800000xi32, #tpu.memory_space<hbm>> -> memref<1000xi32, #tpu.memory_space<hbm>>
            tpu.enqueue_dma source(%dma_start3A_173 : memref<1000xi32, #tpu.memory_space<hbm>>) target(%arg11 : memref<1000xi32, #tpu.memory_space<vmem>>) target_semaphore(%run_scoped3A : memref<!tpu.dma_semaphore, #tpu.memory_space<semaphore_mem>>)
            %dma_wait3A_174 = tpu.memref_slice %arg6[%add3A_171] : memref<800000xi32, #tpu.memory_space<hbm>> -> memref<1000xi32, #tpu.memory_space<hbm>>
            %dma_wait3A_175 = tpu.memref_slice %arg6[%add3A_171] : memref<800000xi32, #tpu.memory_space<hbm>> -> memref<1000xi32, #tpu.memory_space<hbm>>
            tpu.wait_dma2 semaphore(%run_scoped3A : memref<!tpu.dma_semaphore, #tpu.memory_space<semaphore_mem>>) src(%dma_wait3A_175 : memref<1000xi32, #tpu.memory_space<hbm>>) dst(%arg11 : memref<1000xi32, #tpu.memory_space<vmem>>)
            tpu.yield
          }) : () -> ()
        } else {
        }
        %dma_wait3A_129 = arith.constant 0 : i32
        %dma_wait3A_130 = arith.constant 0 : i32
        %dma_wait3A_131 = tpu.memref_slice %arg10[%dma_wait3A_129, %dma_wait3A_130] : memref<50048x16xf32, #tpu.memory_space<vmem_shared>> -> memref<50048x16xf32, #tpu.memory_space<vmem_shared>>
        tpu.wait_indirect_dma semaphore(%arg19 : memref<!tpu.dma_semaphore, #tpu.memory_space<semaphore_mem>>) src(%arg15 : memref<1000x16xf32, #tpu.memory_space<vmem>>) dst(%dma_wait3A_131 : memref<50048x16xf32, #tpu.memory_space<vmem_shared>>)
        %add3A_132 = arith.constant 2 : i32
        %add3A_133 = arith.addi %add3A_114, %add3A_132 : i32
        %lt3A_134 = arith.constant 50 : i32
        %lt3A_135 = arith.cmpi slt, %add3A_133, %lt3A_134 : i32
        %convert_element_type3A_136 = arith.extui %lt3A_135 : i1 to i32
        %cond3A_137 = arith.constant 0 : i32
        %cond3A_138 = arith.cmpi ne, %convert_element_type3A_136, %cond3A_137 : i32
        scf.if %cond3A_138 {
          %add3A_167 = arith.constant 2 : i32
          %add3A_168 = arith.addi %add3A_114, %add3A_167 : i32
          %mul3A_169 = arith.constant 1000 : i32
          %mul3A_170 = arith.muli %add3A_168, %mul3A_169 : i32
          %add3A_171 = arith.addi %mul3A_2, %mul3A_170 : i32
          "tpu.region"() ({
            %run_scoped3A = tpu.sem_alloc : memref<!tpu.dma_semaphore, #tpu.memory_space<semaphore_mem>>
            %dma_start3A_175 = tpu.memref_slice %arg7[%add3A_171] : memref<800000xi32, #tpu.memory_space<hbm>> -> memref<1000xi32, #tpu.memory_space<hbm>>
            %dma_start3A_176 = tpu.memref_slice %arg7[%add3A_171] : memref<800000xi32, #tpu.memory_space<hbm>> -> memref<1000xi32, #tpu.memory_space<hbm>>
            tpu.enqueue_dma source(%dma_start3A_176 : memref<1000xi32, #tpu.memory_space<hbm>>) target(%arg13 : memref<1000xi32, #tpu.memory_space<vmem>>) target_semaphore(%run_scoped3A : memref<!tpu.dma_semaphore, #tpu.memory_space<semaphore_mem>>)
            %dma_wait3A_177 = tpu.memref_slice %arg7[%add3A_171] : memref<800000xi32, #tpu.memory_space<hbm>> -> memref<1000xi32, #tpu.memory_space<hbm>>
            %dma_wait3A_178 = tpu.memref_slice %arg7[%add3A_171] : memref<800000xi32, #tpu.memory_space<hbm>> -> memref<1000xi32, #tpu.memory_space<hbm>>
            tpu.wait_dma2 semaphore(%run_scoped3A : memref<!tpu.dma_semaphore, #tpu.memory_space<semaphore_mem>>) src(%dma_wait3A_178 : memref<1000xi32, #tpu.memory_space<hbm>>) dst(%arg13 : memref<1000xi32, #tpu.memory_space<vmem>>)
            tpu.yield
          }) : () -> ()
          %dma_start3A_172 = arith.constant 0 : i32
          %dma_start3A_173 = arith.constant 0 : i32
          %dma_start3A_174 = tpu.memref_slice %arg5[%dma_start3A_172, %dma_start3A_173] : memref<50000x16xf32, #tpu.memory_space<hbm>> -> memref<50000x16xf32, #tpu.memory_space<hbm>>
          tpu.enqueue_indirect_dma source(%dma_start3A_174 : memref<50000x16xf32, #tpu.memory_space<hbm>>) target(%arg15 : memref<1000x16xf32, #tpu.memory_space<vmem>>) offsets(%arg11 : memref<1000xi32, #tpu.memory_space<vmem>>) semaphore(%arg17 : memref<!tpu.dma_semaphore, #tpu.memory_space<semaphore_mem>>)
        } else {
        }
        %add3A_139 = arith.constant 1 : i32
        %add3A_140 = arith.addi %add3A_112, %add3A_139 : i32
        %dma_wait3A_141 = arith.constant 0 : i32
        %dma_wait3A_142 = arith.constant 0 : i32
        %dma_wait3A_143 = tpu.memref_slice %arg5[%dma_wait3A_141, %dma_wait3A_142] : memref<50000x16xf32, #tpu.memory_space<hbm>> -> memref<1000x16xf32, #tpu.memory_space<hbm>>
        %dma_wait3A_144 = arith.constant 0 : i32
        %dma_wait3A_145 = arith.constant 0 : i32
        %dma_wait3A_146 = tpu.memref_slice %arg5[%dma_wait3A_144, %dma_wait3A_145] : memref<50000x16xf32, #tpu.memory_space<hbm>> -> memref<1000x16xf32, #tpu.memory_space<hbm>>
        tpu.wait_dma2 semaphore(%arg18 : memref<!tpu.dma_semaphore, #tpu.memory_space<semaphore_mem>>) src(%dma_wait3A_146 : memref<1000x16xf32, #tpu.memory_space<hbm>>) dst(%arg16 : memref<1000x16xf32, #tpu.memory_space<vmem>>)
        %dma_start3A_147 = arith.constant 0 : i32
        %dma_start3A_148 = arith.constant 0 : i32
        %dma_start3A_149 = tpu.memref_slice %arg10[%dma_start3A_147, %dma_start3A_148] : memref<50048x16xf32, #tpu.memory_space<vmem_shared>> -> memref<50048x16xf32, #tpu.memory_space<vmem_shared>>
        tpu.enqueue_indirect_dma source(%arg16 : memref<1000x16xf32, #tpu.memory_space<vmem>>) target(%dma_start3A_149 : memref<50048x16xf32, #tpu.memory_space<vmem_shared>>) offsets(%arg14 : memref<1000xi32, #tpu.memory_space<vmem>>) semaphore(%arg20 : memref<!tpu.dma_semaphore, #tpu.memory_space<semaphore_mem>>) {add = true}
        %add3A_150 = arith.constant 2 : i32
        %add3A_151 = arith.addi %add3A_140, %add3A_150 : i32
        %lt3A_152 = arith.constant 50 : i32
        %lt3A_153 = arith.cmpi slt, %add3A_151, %lt3A_152 : i32
        %convert_element_type3A_154 = arith.extui %lt3A_153 : i1 to i32
        %cond3A_155 = arith.constant 0 : i32
        %cond3A_156 = arith.cmpi ne, %convert_element_type3A_154, %cond3A_155 : i32
        scf.if %cond3A_156 {
          %add3A_167 = arith.constant 2 : i32
          %add3A_168 = arith.addi %add3A_140, %add3A_167 : i32
          %mul3A_169 = arith.constant 1000 : i32
          %mul3A_170 = arith.muli %add3A_168, %mul3A_169 : i32
          %add3A_171 = arith.addi %mul3A_2, %mul3A_170 : i32
          "tpu.region"() ({
            %run_scoped3A = tpu.sem_alloc : memref<!tpu.dma_semaphore, #tpu.memory_space<semaphore_mem>>
            %dma_start3A_172 = tpu.memref_slice %arg6[%add3A_171] : memref<800000xi32, #tpu.memory_space<hbm>> -> memref<1000xi32, #tpu.memory_space<hbm>>
            %dma_start3A_173 = tpu.memref_slice %arg6[%add3A_171] : memref<800000xi32, #tpu.memory_space<hbm>> -> memref<1000xi32, #tpu.memory_space<hbm>>
            tpu.enqueue_dma source(%dma_start3A_173 : memref<1000xi32, #tpu.memory_space<hbm>>) target(%arg12 : memref<1000xi32, #tpu.memory_space<vmem>>) target_semaphore(%run_scoped3A : memref<!tpu.dma_semaphore, #tpu.memory_space<semaphore_mem>>)
            %dma_wait3A_174 = tpu.memref_slice %arg6[%add3A_171] : memref<800000xi32, #tpu.memory_space<hbm>> -> memref<1000xi32, #tpu.memory_space<hbm>>
            %dma_wait3A_175 = tpu.memref_slice %arg6[%add3A_171] : memref<800000xi32, #tpu.memory_space<hbm>> -> memref<1000xi32, #tpu.memory_space<hbm>>
            tpu.wait_dma2 semaphore(%run_scoped3A : memref<!tpu.dma_semaphore, #tpu.memory_space<semaphore_mem>>) src(%dma_wait3A_175 : memref<1000xi32, #tpu.memory_space<hbm>>) dst(%arg12 : memref<1000xi32, #tpu.memory_space<vmem>>)
            tpu.yield
          }) : () -> ()
        } else {
        }
        %dma_wait3A_157 = arith.constant 0 : i32
        %dma_wait3A_158 = arith.constant 0 : i32
        %dma_wait3A_159 = tpu.memref_slice %arg10[%dma_wait3A_157, %dma_wait3A_158] : memref<50048x16xf32, #tpu.memory_space<vmem_shared>> -> memref<50048x16xf32, #tpu.memory_space<vmem_shared>>
        tpu.wait_indirect_dma semaphore(%arg20 : memref<!tpu.dma_semaphore, #tpu.memory_space<semaphore_mem>>) src(%arg16 : memref<1000x16xf32, #tpu.memory_space<vmem>>) dst(%dma_wait3A_159 : memref<50048x16xf32, #tpu.memory_space<vmem_shared>>)
        %add3A_160 = arith.constant 2 : i32
        %add3A_161 = arith.addi %add3A_140, %add3A_160 : i32
        %lt3A_162 = arith.constant 50 : i32
        %lt3A_163 = arith.cmpi slt, %add3A_161, %lt3A_162 : i32
        %convert_element_type3A_164 = arith.extui %lt3A_163 : i1 to i32
        %cond3A_165 = arith.constant 0 : i32
        %cond3A_166 = arith.cmpi ne, %convert_element_type3A_164, %cond3A_165 : i32
        scf.if %cond3A_166 {
          %add3A_167 = arith.constant 2 : i32
          %add3A_168 = arith.addi %add3A_140, %add3A_167 : i32
          %mul3A_169 = arith.constant 1000 : i32
          %mul3A_170 = arith.muli %add3A_168, %mul3A_169 : i32
          %add3A_171 = arith.addi %mul3A_2, %mul3A_170 : i32
          "tpu.region"() ({
            %run_scoped3A = tpu.sem_alloc : memref<!tpu.dma_semaphore, #tpu.memory_space<semaphore_mem>>
            %dma_start3A_175 = tpu.memref_slice %arg7[%add3A_171] : memref<800000xi32, #tpu.memory_space<hbm>> -> memref<1000xi32, #tpu.memory_space<hbm>>
            %dma_start3A_176 = tpu.memref_slice %arg7[%add3A_171] : memref<800000xi32, #tpu.memory_space<hbm>> -> memref<1000xi32, #tpu.memory_space<hbm>>
            tpu.enqueue_dma source(%dma_start3A_176 : memref<1000xi32, #tpu.memory_space<hbm>>) target(%arg14 : memref<1000xi32, #tpu.memory_space<vmem>>) target_semaphore(%run_scoped3A : memref<!tpu.dma_semaphore, #tpu.memory_space<semaphore_mem>>)
            %dma_wait3A_177 = tpu.memref_slice %arg7[%add3A_171] : memref<800000xi32, #tpu.memory_space<hbm>> -> memref<1000xi32, #tpu.memory_space<hbm>>
            %dma_wait3A_178 = tpu.memref_slice %arg7[%add3A_171] : memref<800000xi32, #tpu.memory_space<hbm>> -> memref<1000xi32, #tpu.memory_space<hbm>>
            tpu.wait_dma2 semaphore(%run_scoped3A : memref<!tpu.dma_semaphore, #tpu.memory_space<semaphore_mem>>) src(%dma_wait3A_178 : memref<1000xi32, #tpu.memory_space<hbm>>) dst(%arg14 : memref<1000xi32, #tpu.memory_space<vmem>>)
            tpu.yield
          }) : () -> ()
          %dma_start3A_172 = arith.constant 0 : i32
          %dma_start3A_173 = arith.constant 0 : i32
          %dma_start3A_174 = tpu.memref_slice %arg5[%dma_start3A_172, %dma_start3A_173] : memref<50000x16xf32, #tpu.memory_space<hbm>> -> memref<50000x16xf32, #tpu.memory_space<hbm>>
          tpu.enqueue_indirect_dma source(%dma_start3A_174 : memref<50000x16xf32, #tpu.memory_space<hbm>>) target(%arg16 : memref<1000x16xf32, #tpu.memory_space<vmem>>) offsets(%arg12 : memref<1000xi32, #tpu.memory_space<vmem>>) semaphore(%arg18 : memref<!tpu.dma_semaphore, #tpu.memory_space<semaphore_mem>>)
        } else {
        }
      }
      %scan3A_107 = arith.constant 25 : i32
    } else {
    }
    %barrier3A_82 = arith.constant 0 : index
    tpu.barrier barrier_id(%barrier3A_82)
    %mul3A_83 = arith.constant 2 : i32
    %mul3A_84 = arith.muli %arg0, %mul3A_83 : i32
    %add3A_85 = arith.constant 1 : i32
    %add3A_86 = arith.addi %mul3A_84, %add3A_85 : i32
    %mul3A_87 = arith.constant 50048 : i32
    %mul3A_88 = arith.muli %add3A_86, %mul3A_87 : i32
    %add3A_89 = arith.addi %mul3A_88, %mul3A_0 : i32
    "tpu.region"() ({
      %run_scoped3A = tpu.sem_alloc : memref<!tpu.dma_semaphore, #tpu.memory_space<semaphore_mem>>
      %dma_start3A = arith.constant 0 : i32
      %dma_start3A_90 = tpu.memref_slice %arg8[%add3A_89, %dma_start3A] : memref<200192x16xf32, #tpu.memory_space<hbm>> -> memref<3128x16xf32, #tpu.memory_space<hbm>>
      %dma_start3A_91 = arith.constant 0 : i32
      %dma_start3A_92 = tpu.memref_slice %arg10[%mul3A_0, %dma_start3A_91] : memref<50048x16xf32, #tpu.memory_space<vmem_shared>> -> memref<3128x16xf32, #tpu.memory_space<vmem_shared>>
      tpu.enqueue_dma source(%dma_start3A_92 : memref<3128x16xf32, #tpu.memory_space<vmem_shared>>) target(%dma_start3A_90 : memref<3128x16xf32, #tpu.memory_space<hbm>>) target_semaphore(%run_scoped3A : memref<!tpu.dma_semaphore, #tpu.memory_space<semaphore_mem>>)
      %dma_wait3A = arith.constant 0 : i32
      %dma_wait3A_93 = tpu.memref_slice %arg8[%add3A_89, %dma_wait3A] : memref<200192x16xf32, #tpu.memory_space<hbm>> -> memref<3128x16xf32, #tpu.memory_space<hbm>>
      %dma_wait3A_94 = arith.constant 0 : i32
      %dma_wait3A_95 = tpu.memref_slice %arg10[%mul3A_0, %dma_wait3A_94] : memref<50048x16xf32, #tpu.memory_space<vmem_shared>> -> memref<3128x16xf32, #tpu.memory_space<vmem_shared>>
      tpu.wait_dma2 semaphore(%run_scoped3A : memref<!tpu.dma_semaphore, #tpu.memory_space<semaphore_mem>>) src(%dma_wait3A_95 : memref<3128x16xf32, #tpu.memory_space<vmem_shared>>) dst(%dma_wait3A_93 : memref<3128x16xf32, #tpu.memory_space<hbm>>)
      tpu.yield
    }) : () -> ()
    return
  }
}

#map = affine_map<(d0, d1) -> (0, 0)>
#map1 = affine_map<(d0, d1) -> (0)>
module attributes {stable_mosaic.version = 14 : i64} {
  func.func @_team_body(%arg0: i32, %arg1: i32, %arg2: memref<50000x32xf32, #tpu.memory_space<hbm>>, %arg3: memref<49152xi32, #tpu.memory_space<hbm>>, %arg4: memref<96xf32, #tpu.memory_space<hbm>>, %arg5: memref<16xf32, #tpu.memory_space<hbm>>, %arg6: memref<16384xf32, #tpu.memory_space<hbm>>, %arg7: memref<1536xi32, #tpu.memory_space<vmem>>, %arg8: memref<1536x32xf32, #tpu.memory_space<vmem>>, %arg9: memref<96xf32, #tpu.memory_space<vmem>>, %arg10: memref<16xf32, #tpu.memory_space<vmem>>, %arg11: memref<512xf32, #tpu.memory_space<vmem>>, %arg12: memref<!tpu.dma_semaphore, #tpu.memory_space<semaphore_mem>>) attributes {dimension_semantics = [#tpu.dimension_semantics<core_parallel>, #tpu.dimension_semantics<subcore_parallel>], iteration_bounds = array<i64: 2, 16>, scalar_prefetch = 0 : i64, scratch_operands = 6 : i64, tpu.core_type = #tpu.core_type<sc_vector_subcore>, window_params = [{transform_indices = #map}, {transform_indices = #map1}, {transform_indices = #map1}, {transform_indices = #map1}, {transform_indices = #map1}]} {
    %mul3A = arith.constant 2 : i32
    %mul3A_0 = arith.muli %arg1, %mul3A : i32
    %add3A = arith.addi %mul3A_0, %arg0 : i32
    %mul3A_1 = arith.constant 1536 : i32
    %mul3A_2 = arith.muli %add3A, %mul3A_1 : i32
    "tpu.region"() ({
      %run_scoped3A = tpu.sem_alloc : memref<!tpu.dma_semaphore, #tpu.memory_space<semaphore_mem>>
      %dma_start3A_28 = arith.constant 0 : i32
      %dma_start3A_29 = tpu.memref_slice %arg4[%dma_start3A_28] : memref<96xf32, #tpu.memory_space<hbm>> -> memref<96xf32, #tpu.memory_space<hbm>>
      %dma_start3A_30 = arith.constant 0 : i32
      %dma_start3A_31 = tpu.memref_slice %arg4[%dma_start3A_30] : memref<96xf32, #tpu.memory_space<hbm>> -> memref<96xf32, #tpu.memory_space<hbm>>
      tpu.enqueue_dma source(%dma_start3A_31 : memref<96xf32, #tpu.memory_space<hbm>>) target(%arg9 : memref<96xf32, #tpu.memory_space<vmem>>) target_semaphore(%run_scoped3A : memref<!tpu.dma_semaphore, #tpu.memory_space<semaphore_mem>>)
      %dma_wait3A_32 = arith.constant 0 : i32
      %dma_wait3A_33 = tpu.memref_slice %arg4[%dma_wait3A_32] : memref<96xf32, #tpu.memory_space<hbm>> -> memref<96xf32, #tpu.memory_space<hbm>>
      %dma_wait3A_34 = arith.constant 0 : i32
      %dma_wait3A_35 = tpu.memref_slice %arg4[%dma_wait3A_34] : memref<96xf32, #tpu.memory_space<hbm>> -> memref<96xf32, #tpu.memory_space<hbm>>
      tpu.wait_dma2 semaphore(%run_scoped3A : memref<!tpu.dma_semaphore, #tpu.memory_space<semaphore_mem>>) src(%dma_wait3A_35 : memref<96xf32, #tpu.memory_space<hbm>>) dst(%arg9 : memref<96xf32, #tpu.memory_space<vmem>>)
      tpu.yield
    }) : () -> ()
    "tpu.region"() ({
      %run_scoped3A = tpu.sem_alloc : memref<!tpu.dma_semaphore, #tpu.memory_space<semaphore_mem>>
      %dma_start3A_28 = arith.constant 0 : i32
      %dma_start3A_29 = tpu.memref_slice %arg5[%dma_start3A_28] : memref<16xf32, #tpu.memory_space<hbm>> -> memref<16xf32, #tpu.memory_space<hbm>>
      %dma_start3A_30 = arith.constant 0 : i32
      %dma_start3A_31 = tpu.memref_slice %arg5[%dma_start3A_30] : memref<16xf32, #tpu.memory_space<hbm>> -> memref<16xf32, #tpu.memory_space<hbm>>
      tpu.enqueue_dma source(%dma_start3A_31 : memref<16xf32, #tpu.memory_space<hbm>>) target(%arg10 : memref<16xf32, #tpu.memory_space<vmem>>) target_semaphore(%run_scoped3A : memref<!tpu.dma_semaphore, #tpu.memory_space<semaphore_mem>>)
      %dma_wait3A_32 = arith.constant 0 : i32
      %dma_wait3A_33 = tpu.memref_slice %arg5[%dma_wait3A_32] : memref<16xf32, #tpu.memory_space<hbm>> -> memref<16xf32, #tpu.memory_space<hbm>>
      %dma_wait3A_34 = arith.constant 0 : i32
      %dma_wait3A_35 = tpu.memref_slice %arg5[%dma_wait3A_34] : memref<16xf32, #tpu.memory_space<hbm>> -> memref<16xf32, #tpu.memory_space<hbm>>
      tpu.wait_dma2 semaphore(%run_scoped3A : memref<!tpu.dma_semaphore, #tpu.memory_space<semaphore_mem>>) src(%dma_wait3A_35 : memref<16xf32, #tpu.memory_space<hbm>>) dst(%arg10 : memref<16xf32, #tpu.memory_space<vmem>>)
      tpu.yield
    }) : () -> ()
    "tpu.region"() ({
      %run_scoped3A = tpu.sem_alloc : memref<!tpu.dma_semaphore, #tpu.memory_space<semaphore_mem>>
      %dma_start3A_28 = tpu.memref_slice %arg3[%mul3A_2] : memref<49152xi32, #tpu.memory_space<hbm>> -> memref<1536xi32, #tpu.memory_space<hbm>>
      %dma_start3A_29 = tpu.memref_slice %arg3[%mul3A_2] : memref<49152xi32, #tpu.memory_space<hbm>> -> memref<1536xi32, #tpu.memory_space<hbm>>
      tpu.enqueue_dma source(%dma_start3A_29 : memref<1536xi32, #tpu.memory_space<hbm>>) target(%arg7 : memref<1536xi32, #tpu.memory_space<vmem>>) target_semaphore(%run_scoped3A : memref<!tpu.dma_semaphore, #tpu.memory_space<semaphore_mem>>)
      %dma_wait3A_30 = tpu.memref_slice %arg3[%mul3A_2] : memref<49152xi32, #tpu.memory_space<hbm>> -> memref<1536xi32, #tpu.memory_space<hbm>>
      %dma_wait3A_31 = tpu.memref_slice %arg3[%mul3A_2] : memref<49152xi32, #tpu.memory_space<hbm>> -> memref<1536xi32, #tpu.memory_space<hbm>>
      tpu.wait_dma2 semaphore(%run_scoped3A : memref<!tpu.dma_semaphore, #tpu.memory_space<semaphore_mem>>) src(%dma_wait3A_31 : memref<1536xi32, #tpu.memory_space<hbm>>) dst(%arg7 : memref<1536xi32, #tpu.memory_space<vmem>>)
      tpu.yield
    }) : () -> ()
    %dma_start3A = arith.constant 0 : i32
    %dma_start3A_3 = arith.constant 0 : i32
    %dma_start3A_4 = tpu.memref_slice %arg2[%dma_start3A, %dma_start3A_3] : memref<50000x32xf32, #tpu.memory_space<hbm>> -> memref<50000x32xf32, #tpu.memory_space<hbm>>
    tpu.enqueue_indirect_dma source(%dma_start3A_4 : memref<50000x32xf32, #tpu.memory_space<hbm>>) target(%arg8 : memref<1536x32xf32, #tpu.memory_space<vmem>>) offsets(%arg7 : memref<1536xi32, #tpu.memory_space<vmem>>) semaphore(%arg12 : memref<!tpu.dma_semaphore, #tpu.memory_space<semaphore_mem>>)
    %dma_wait3A = arith.constant 0 : i32
    %dma_wait3A_5 = arith.constant 0 : i32
    %dma_wait3A_6 = tpu.memref_slice %arg2[%dma_wait3A, %dma_wait3A_5] : memref<50000x32xf32, #tpu.memory_space<hbm>> -> memref<50000x32xf32, #tpu.memory_space<hbm>>
    tpu.wait_indirect_dma semaphore(%arg12 : memref<!tpu.dma_semaphore, #tpu.memory_space<semaphore_mem>>) src(%dma_wait3A_6 : memref<50000x32xf32, #tpu.memory_space<hbm>>) dst(%arg8 : memref<1536x32xf32, #tpu.memory_space<vmem>>)
    %get3A = arith.constant 0 : index
    %get3A_7 = tpu.vector_load %arg9[%get3A] {strides = array<i32>} : memref<96xf32, #tpu.memory_space<vmem>>, vector<16xf32>,
    %get3A_8 = arith.constant 16 : index
    %get3A_9 = tpu.vector_load %arg9[%get3A_8] {strides = array<i32>} : memref<96xf32, #tpu.memory_space<vmem>>, vector<16xf32>,
    %get3A_10 = arith.constant 32 : index
    %get3A_11 = tpu.vector_load %arg9[%get3A_10] {strides = array<i32>} : memref<96xf32, #tpu.memory_space<vmem>>, vector<16xf32>,
    %get3A_12 = arith.constant 48 : index
    %get3A_13 = tpu.vector_load %arg9[%get3A_12] {strides = array<i32>} : memref<96xf32, #tpu.memory_space<vmem>>, vector<16xf32>,
    %get3A_14 = arith.constant 64 : index
    %get3A_15 = tpu.vector_load %arg9[%get3A_14] {strides = array<i32>} : memref<96xf32, #tpu.memory_space<vmem>>, vector<16xf32>,
    %get3A_16 = arith.constant 80 : index
    %get3A_17 = tpu.vector_load %arg9[%get3A_16] {strides = array<i32>} : memref<96xf32, #tpu.memory_space<vmem>>, vector<16xf32>,
    %get3A_18 = arith.constant 0 : index
    %get3A_19 = tpu.vector_load %arg10[%get3A_18] {strides = array<i32>} : memref<16xf32, #tpu.memory_space<vmem>>, vector<16xf32>,
    %iota3A = tpu.iota {dimensions = array<i32: 0>} : vector<16xi32>
    %scan3A = arith.constant 0 : i32
    %scan3A_20 = arith.constant 0 : i32
    %scan3A_21 = arith.constant 32 : i32
    %scan3A_22 = arith.addi %scan3A_20, %scan3A_21 : i32
    %scan3A_23 = arith.constant 1 : i32
    %scan3A_24 = scf.for %scan3A_28 = %scan3A_20 to %scan3A_22 step %scan3A_23 iter_args(%scan3A_29 = %scan3A) -> (i32)  : i32 {
      %broadcast_in_dim3A = arith.constant 0.000000e+00 : f32
      %broadcast_in_dim3A_30 = vector.broadcast %broadcast_in_dim3A : f32 to vector<16xf32>
      %mul3A_31 = arith.constant 16 : i32
      %mul3A_32 = arith.muli %scan3A_28, %mul3A_31 : i32
      %add3A_33 = arith.constant 0 : i32
      %add3A_34 = arith.addi %mul3A_32, %add3A_33 : i32
      %broadcast_in_dim3A_35 = arith.constant 0.000000e+00 : f32
      %broadcast_in_dim3A_36 = vector.broadcast %broadcast_in_dim3A_35 : f32 to vector<16xf32>
      %mul3A_37 = arith.constant 3 : i32
      %mul3A_38 = arith.muli %mul3A_37, %add3A_34 : i32
      %add3A_39 = arith.constant 0 : i32
      %add3A_40 = arith.addi %mul3A_38, %add3A_39 : i32
      %get3A_41 = arith.index_cast %add3A_40 : i32 to index
      %get3A_42 = arith.constant 0 : index
      %get3A_43 = tpu.vector_load %arg8[%get3A_41, %get3A_42] {strides = array<i32>} : memref<1536x32xf32, #tpu.memory_space<vmem>>, vector<16xf32>,
      %mul3A_44 = arith.mulf %get3A_43, %get3A_7 : vector<16xf32>
      %add3A_45 = arith.addf %broadcast_in_dim3A_36, %mul3A_44 : vector<16xf32>
      %mul3A_46 = arith.constant 3 : i32
      %mul3A_47 = arith.muli %mul3A_46, %add3A_34 : i32
      %add3A_48 = arith.constant 0 : i32
      %add3A_49 = arith.addi %mul3A_47, %add3A_48 : i32
      %get3A_50 = arith.index_cast %add3A_49 : i32 to index
      %get3A_51 = arith.constant 16 : index
      %get3A_52 = tpu.vector_load %arg8[%get3A_50, %get3A_51] {strides = array<i32>} : memref<1536x32xf32, #tpu.memory_space<vmem>>, vector<16xf32>,
      %mul3A_53 = arith.mulf %get3A_52, %get3A_9 : vector<16xf32>
      %add3A_54 = arith.addf %add3A_45, %mul3A_53 : vector<16xf32>
      %mul3A_55 = arith.constant 3 : i32
      %mul3A_56 = arith.muli %mul3A_55, %add3A_34 : i32
      %add3A_57 = arith.constant 1 : i32
      %add3A_58 = arith.addi %mul3A_56, %add3A_57 : i32
      %get3A_59 = arith.index_cast %add3A_58 : i32 to index
      %get3A_60 = arith.constant 0 : index
      %get3A_61 = tpu.vector_load %arg8[%get3A_59, %get3A_60] {strides = array<i32>} : memref<1536x32xf32, #tpu.memory_space<vmem>>, vector<16xf32>,
      %mul3A_62 = arith.mulf %get3A_61, %get3A_11 : vector<16xf32>
      %add3A_63 = arith.addf %add3A_54, %mul3A_62 : vector<16xf32>
      %mul3A_64 = arith.constant 3 : i32
      %mul3A_65 = arith.muli %mul3A_64, %add3A_34 : i32
      %add3A_66 = arith.constant 1 : i32
      %add3A_67 = arith.addi %mul3A_65, %add3A_66 : i32
      %get3A_68 = arith.index_cast %add3A_67 : i32 to index
      %get3A_69 = arith.constant 16 : index
      %get3A_70 = tpu.vector_load %arg8[%get3A_68, %get3A_69] {strides = array<i32>} : memref<1536x32xf32, #tpu.memory_space<vmem>>, vector<16xf32>,
      %mul3A_71 = arith.mulf %get3A_70, %get3A_13 : vector<16xf32>
      %add3A_72 = arith.addf %add3A_63, %mul3A_71 : vector<16xf32>
      %mul3A_73 = arith.constant 3 : i32
      %mul3A_74 = arith.muli %mul3A_73, %add3A_34 : i32
      %add3A_75 = arith.constant 2 : i32
      %add3A_76 = arith.addi %mul3A_74, %add3A_75 : i32
      %get3A_77 = arith.index_cast %add3A_76 : i32 to index
      %get3A_78 = arith.constant 0 : index
      %get3A_79 = tpu.vector_load %arg8[%get3A_77, %get3A_78] {strides = array<i32>} : memref<1536x32xf32, #tpu.memory_space<vmem>>, vector<16xf32>,
      %mul3A_80 = arith.mulf %get3A_79, %get3A_15 : vector<16xf32>
      %add3A_81 = arith.addf %add3A_72, %mul3A_80 : vector<16xf32>
      %mul3A_82 = arith.constant 3 : i32
      %mul3A_83 = arith.muli %mul3A_82, %add3A_34 : i32
      %add3A_84 = arith.constant 2 : i32
      %add3A_85 = arith.addi %mul3A_83, %add3A_84 : i32
      %get3A_86 = arith.index_cast %add3A_85 : i32 to index
      %get3A_87 = arith.constant 16 : index
      %get3A_88 = tpu.vector_load %arg8[%get3A_86, %get3A_87] {strides = array<i32>} : memref<1536x32xf32, #tpu.memory_space<vmem>>, vector<16xf32>,
      %mul3A_89 = arith.mulf %get3A_88, %get3A_17 : vector<16xf32>
      %add3A_90 = arith.addf %add3A_81, %mul3A_89 : vector<16xf32>
      %eq3A = arith.constant 0 : i32
      %eq3A_91 = vector.broadcast %eq3A : i32 to vector<16xi32>
      %eq3A_92 = arith.cmpi eq, %iota3A, %eq3A_91 : vector<16xi32>
      %reduce_sum3A = arith.constant true
      %reduce_sum3A_93 = vector.broadcast %reduce_sum3A : i1 to vector<16xi1>
      %reduce_sum3A_94 = tpu.scan <sum>, %add3A_90 masked %reduce_sum3A_93 : vector<16xf32>, vector<16xi1> -> vector<16xf32>
      %reduce_sum3A_95 = vector.extract %reduce_sum3A_94[15] : f32 from vector<16xf32>
      %broadcast_in_dim3A_96 = vector.broadcast %reduce_sum3A_95 : f32 to vector<16xf32>
      %select_n3A = arith.select %eq3A_92, %broadcast_in_dim3A_96, %broadcast_in_dim3A_30 : vector<16xi1>, vector<16xf32>
      %mul3A_97 = arith.constant 16 : i32
      %mul3A_98 = arith.muli %scan3A_28, %mul3A_97 : i32
      %add3A_99 = arith.constant 1 : i32
      %add3A_100 = arith.addi %mul3A_98, %add3A_99 : i32
      %broadcast_in_dim3A_101 = arith.constant 0.000000e+00 : f32
      %broadcast_in_dim3A_102 = vector.broadcast %broadcast_in_dim3A_101 : f32 to vector<16xf32>
      %mul3A_103 = arith.constant 3 : i32
      %mul3A_104 = arith.muli %mul3A_103, %add3A_100 : i32
      %add3A_105 = arith.constant 0 : i32
      %add3A_106 = arith.addi %mul3A_104, %add3A_105 : i32
      %get3A_107 = arith.index_cast %add3A_106 : i32 to index
      %get3A_108 = arith.constant 0 : index
      %get3A_109 = tpu.vector_load %arg8[%get3A_107, %get3A_108] {strides = array<i32>} : memref<1536x32xf32, #tpu.memory_space<vmem>>, vector<16xf32>,
      %mul3A_110 = arith.mulf %get3A_109, %get3A_7 : vector<16xf32>
      %add3A_111 = arith.addf %broadcast_in_dim3A_102, %mul3A_110 : vector<16xf32>
      %mul3A_112 = arith.constant 3 : i32
      %mul3A_113 = arith.muli %mul3A_112, %add3A_100 : i32
      %add3A_114 = arith.constant 0 : i32
      %add3A_115 = arith.addi %mul3A_113, %add3A_114 : i32
      %get3A_116 = arith.index_cast %add3A_115 : i32 to index
      %get3A_117 = arith.constant 16 : index
      %get3A_118 = tpu.vector_load %arg8[%get3A_116, %get3A_117] {strides = array<i32>} : memref<1536x32xf32, #tpu.memory_space<vmem>>, vector<16xf32>,
      %mul3A_119 = arith.mulf %get3A_118, %get3A_9 : vector<16xf32>
      %add3A_120 = arith.addf %add3A_111, %mul3A_119 : vector<16xf32>
      %mul3A_121 = arith.constant 3 : i32
      %mul3A_122 = arith.muli %mul3A_121, %add3A_100 : i32
      %add3A_123 = arith.constant 1 : i32
      %add3A_124 = arith.addi %mul3A_122, %add3A_123 : i32
      %get3A_125 = arith.index_cast %add3A_124 : i32 to index
      %get3A_126 = arith.constant 0 : index
      %get3A_127 = tpu.vector_load %arg8[%get3A_125, %get3A_126] {strides = array<i32>} : memref<1536x32xf32, #tpu.memory_space<vmem>>, vector<16xf32>,
      %mul3A_128 = arith.mulf %get3A_127, %get3A_11 : vector<16xf32>
      %add3A_129 = arith.addf %add3A_120, %mul3A_128 : vector<16xf32>
      %mul3A_130 = arith.constant 3 : i32
      %mul3A_131 = arith.muli %mul3A_130, %add3A_100 : i32
      %add3A_132 = arith.constant 1 : i32
      %add3A_133 = arith.addi %mul3A_131, %add3A_132 : i32
      %get3A_134 = arith.index_cast %add3A_133 : i32 to index
      %get3A_135 = arith.constant 16 : index
      %get3A_136 = tpu.vector_load %arg8[%get3A_134, %get3A_135] {strides = array<i32>} : memref<1536x32xf32, #tpu.memory_space<vmem>>, vector<16xf32>,
      %mul3A_137 = arith.mulf %get3A_136, %get3A_13 : vector<16xf32>
      %add3A_138 = arith.addf %add3A_129, %mul3A_137 : vector<16xf32>
      %mul3A_139 = arith.constant 3 : i32
      %mul3A_140 = arith.muli %mul3A_139, %add3A_100 : i32
      %add3A_141 = arith.constant 2 : i32
      %add3A_142 = arith.addi %mul3A_140, %add3A_141 : i32
      %get3A_143 = arith.index_cast %add3A_142 : i32 to index
      %get3A_144 = arith.constant 0 : index
      %get3A_145 = tpu.vector_load %arg8[%get3A_143, %get3A_144] {strides = array<i32>} : memref<1536x32xf32, #tpu.memory_space<vmem>>, vector<16xf32>,
      %mul3A_146 = arith.mulf %get3A_145, %get3A_15 : vector<16xf32>
      %add3A_147 = arith.addf %add3A_138, %mul3A_146 : vector<16xf32>
      %mul3A_148 = arith.constant 3 : i32
      %mul3A_149 = arith.muli %mul3A_148, %add3A_100 : i32
      %add3A_150 = arith.constant 2 : i32
      %add3A_151 = arith.addi %mul3A_149, %add3A_150 : i32
      %get3A_152 = arith.index_cast %add3A_151 : i32 to index
      %get3A_153 = arith.constant 16 : index
      %get3A_154 = tpu.vector_load %arg8[%get3A_152, %get3A_153] {strides = array<i32>} : memref<1536x32xf32, #tpu.memory_space<vmem>>, vector<16xf32>,
      %mul3A_155 = arith.mulf %get3A_154, %get3A_17 : vector<16xf32>
      %add3A_156 = arith.addf %add3A_147, %mul3A_155 : vector<16xf32>
      %eq3A_157 = arith.constant 1 : i32
      %eq3A_158 = vector.broadcast %eq3A_157 : i32 to vector<16xi32>
      %eq3A_159 = arith.cmpi eq, %iota3A, %eq3A_158 : vector<16xi32>
      %reduce_sum3A_160 = arith.constant true
      %reduce_sum3A_161 = vector.broadcast %reduce_sum3A_160 : i1 to vector<16xi1>
      %reduce_sum3A_162 = tpu.scan <sum>, %add3A_156 masked %reduce_sum3A_161 : vector<16xf32>, vector<16xi1> -> vector<16xf32>
      %reduce_sum3A_163 = vector.extract %reduce_sum3A_162[15] : f32 from vector<16xf32>
      %broadcast_in_dim3A_164 = vector.broadcast %reduce_sum3A_163 : f32 to vector<16xf32>
      %select_n3A_165 = arith.select %eq3A_159, %broadcast_in_dim3A_164, %select_n3A : vector<16xi1>, vector<16xf32>
      %mul3A_166 = arith.constant 16 : i32
      %mul3A_167 = arith.muli %scan3A_28, %mul3A_166 : i32
      %add3A_168 = arith.constant 2 : i32
      %add3A_169 = arith.addi %mul3A_167, %add3A_168 : i32
      %broadcast_in_dim3A_170 = arith.constant 0.000000e+00 : f32
      %broadcast_in_dim3A_171 = vector.broadcast %broadcast_in_dim3A_170 : f32 to vector<16xf32>
      %mul3A_172 = arith.constant 3 : i32
      %mul3A_173 = arith.muli %mul3A_172, %add3A_169 : i32
      %add3A_174 = arith.constant 0 : i32
      %add3A_175 = arith.addi %mul3A_173, %add3A_174 : i32
      %get3A_176 = arith.index_cast %add3A_175 : i32 to index
      %get3A_177 = arith.constant 0 : index
      %get3A_178 = tpu.vector_load %arg8[%get3A_176, %get3A_177] {strides = array<i32>} : memref<1536x32xf32, #tpu.memory_space<vmem>>, vector<16xf32>,
      %mul3A_179 = arith.mulf %get3A_178, %get3A_7 : vector<16xf32>
      %add3A_180 = arith.addf %broadcast_in_dim3A_171, %mul3A_179 : vector<16xf32>
      %mul3A_181 = arith.constant 3 : i32
      %mul3A_182 = arith.muli %mul3A_181, %add3A_169 : i32
      %add3A_183 = arith.constant 0 : i32
      %add3A_184 = arith.addi %mul3A_182, %add3A_183 : i32
      %get3A_185 = arith.index_cast %add3A_184 : i32 to index
      %get3A_186 = arith.constant 16 : index
      %get3A_187 = tpu.vector_load %arg8[%get3A_185, %get3A_186] {strides = array<i32>} : memref<1536x32xf32, #tpu.memory_space<vmem>>, vector<16xf32>,
      %mul3A_188 = arith.mulf %get3A_187, %get3A_9 : vector<16xf32>
      %add3A_189 = arith.addf %add3A_180, %mul3A_188 : vector<16xf32>
      %mul3A_190 = arith.constant 3 : i32
      %mul3A_191 = arith.muli %mul3A_190, %add3A_169 : i32
      %add3A_192 = arith.constant 1 : i32
      %add3A_193 = arith.addi %mul3A_191, %add3A_192 : i32
      %get3A_194 = arith.index_cast %add3A_193 : i32 to index
      %get3A_195 = arith.constant 0 : index
      %get3A_196 = tpu.vector_load %arg8[%get3A_194, %get3A_195] {strides = array<i32>} : memref<1536x32xf32, #tpu.memory_space<vmem>>, vector<16xf32>,
      %mul3A_197 = arith.mulf %get3A_196, %get3A_11 : vector<16xf32>
      %add3A_198 = arith.addf %add3A_189, %mul3A_197 : vector<16xf32>
      %mul3A_199 = arith.constant 3 : i32
      %mul3A_200 = arith.muli %mul3A_199, %add3A_169 : i32
      %add3A_201 = arith.constant 1 : i32
      %add3A_202 = arith.addi %mul3A_200, %add3A_201 : i32
      %get3A_203 = arith.index_cast %add3A_202 : i32 to index
      %get3A_204 = arith.constant 16 : index
      %get3A_205 = tpu.vector_load %arg8[%get3A_203, %get3A_204] {strides = array<i32>} : memref<1536x32xf32, #tpu.memory_space<vmem>>, vector<16xf32>,
      %mul3A_206 = arith.mulf %get3A_205, %get3A_13 : vector<16xf32>
      %add3A_207 = arith.addf %add3A_198, %mul3A_206 : vector<16xf32>
      %mul3A_208 = arith.constant 3 : i32
      %mul3A_209 = arith.muli %mul3A_208, %add3A_169 : i32
      %add3A_210 = arith.constant 2 : i32
      %add3A_211 = arith.addi %mul3A_209, %add3A_210 : i32
      %get3A_212 = arith.index_cast %add3A_211 : i32 to index
      %get3A_213 = arith.constant 0 : index
      %get3A_214 = tpu.vector_load %arg8[%get3A_212, %get3A_213] {strides = array<i32>} : memref<1536x32xf32, #tpu.memory_space<vmem>>, vector<16xf32>,
      %mul3A_215 = arith.mulf %get3A_214, %get3A_15 : vector<16xf32>
      %add3A_216 = arith.addf %add3A_207, %mul3A_215 : vector<16xf32>
      %mul3A_217 = arith.constant 3 : i32
      %mul3A_218 = arith.muli %mul3A_217, %add3A_169 : i32
      %add3A_219 = arith.constant 2 : i32
      %add3A_220 = arith.addi %mul3A_218, %add3A_219 : i32
      %get3A_221 = arith.index_cast %add3A_220 : i32 to index
      %get3A_222 = arith.constant 16 : index
      %get3A_223 = tpu.vector_load %arg8[%get3A_221, %get3A_222] {strides = array<i32>} : memref<1536x32xf32, #tpu.memory_space<vmem>>, vector<16xf32>,
      %mul3A_224 = arith.mulf %get3A_223, %get3A_17 : vector<16xf32>
      %add3A_225 = arith.addf %add3A_216, %mul3A_224 : vector<16xf32>
      %eq3A_226 = arith.constant 2 : i32
      %eq3A_227 = vector.broadcast %eq3A_226 : i32 to vector<16xi32>
      %eq3A_228 = arith.cmpi eq, %iota3A, %eq3A_227 : vector<16xi32>
      %reduce_sum3A_229 = arith.constant true
      %reduce_sum3A_230 = vector.broadcast %reduce_sum3A_229 : i1 to vector<16xi1>
      %reduce_sum3A_231 = tpu.scan <sum>, %add3A_225 masked %reduce_sum3A_230 : vector<16xf32>, vector<16xi1> -> vector<16xf32>
      %reduce_sum3A_232 = vector.extract %reduce_sum3A_231[15] : f32 from vector<16xf32>
      %broadcast_in_dim3A_233 = vector.broadcast %reduce_sum3A_232 : f32 to vector<16xf32>
      %select_n3A_234 = arith.select %eq3A_228, %broadcast_in_dim3A_233, %select_n3A_165 : vector<16xi1>, vector<16xf32>
      %mul3A_235 = arith.constant 16 : i32
      %mul3A_236 = arith.muli %scan3A_28, %mul3A_235 : i32
      %add3A_237 = arith.constant 3 : i32
      %add3A_238 = arith.addi %mul3A_236, %add3A_237 : i32
      %broadcast_in_dim3A_239 = arith.constant 0.000000e+00 : f32
      %broadcast_in_dim3A_240 = vector.broadcast %broadcast_in_dim3A_239 : f32 to vector<16xf32>
      %mul3A_241 = arith.constant 3 : i32
      %mul3A_242 = arith.muli %mul3A_241, %add3A_238 : i32
      %add3A_243 = arith.constant 0 : i32
      %add3A_244 = arith.addi %mul3A_242, %add3A_243 : i32
      %get3A_245 = arith.index_cast %add3A_244 : i32 to index
      %get3A_246 = arith.constant 0 : index
      %get3A_247 = tpu.vector_load %arg8[%get3A_245, %get3A_246] {strides = array<i32>} : memref<1536x32xf32, #tpu.memory_space<vmem>>, vector<16xf32>,
      %mul3A_248 = arith.mulf %get3A_247, %get3A_7 : vector<16xf32>
      %add3A_249 = arith.addf %broadcast_in_dim3A_240, %mul3A_248 : vector<16xf32>
      %mul3A_250 = arith.constant 3 : i32
      %mul3A_251 = arith.muli %mul3A_250, %add3A_238 : i32
      %add3A_252 = arith.constant 0 : i32
      %add3A_253 = arith.addi %mul3A_251, %add3A_252 : i32
      %get3A_254 = arith.index_cast %add3A_253 : i32 to index
      %get3A_255 = arith.constant 16 : index
      %get3A_256 = tpu.vector_load %arg8[%get3A_254, %get3A_255] {strides = array<i32>} : memref<1536x32xf32, #tpu.memory_space<vmem>>, vector<16xf32>,
      %mul3A_257 = arith.mulf %get3A_256, %get3A_9 : vector<16xf32>
      %add3A_258 = arith.addf %add3A_249, %mul3A_257 : vector<16xf32>
      %mul3A_259 = arith.constant 3 : i32
      %mul3A_260 = arith.muli %mul3A_259, %add3A_238 : i32
      %add3A_261 = arith.constant 1 : i32
      %add3A_262 = arith.addi %mul3A_260, %add3A_261 : i32
      %get3A_263 = arith.index_cast %add3A_262 : i32 to index
      %get3A_264 = arith.constant 0 : index
      %get3A_265 = tpu.vector_load %arg8[%get3A_263, %get3A_264] {strides = array<i32>} : memref<1536x32xf32, #tpu.memory_space<vmem>>, vector<16xf32>,
      %mul3A_266 = arith.mulf %get3A_265, %get3A_11 : vector<16xf32>
      %add3A_267 = arith.addf %add3A_258, %mul3A_266 : vector<16xf32>
      %mul3A_268 = arith.constant 3 : i32
      %mul3A_269 = arith.muli %mul3A_268, %add3A_238 : i32
      %add3A_270 = arith.constant 1 : i32
      %add3A_271 = arith.addi %mul3A_269, %add3A_270 : i32
      %get3A_272 = arith.index_cast %add3A_271 : i32 to index
      %get3A_273 = arith.constant 16 : index
      %get3A_274 = tpu.vector_load %arg8[%get3A_272, %get3A_273] {strides = array<i32>} : memref<1536x32xf32, #tpu.memory_space<vmem>>, vector<16xf32>,
      %mul3A_275 = arith.mulf %get3A_274, %get3A_13 : vector<16xf32>
      %add3A_276 = arith.addf %add3A_267, %mul3A_275 : vector<16xf32>
      %mul3A_277 = arith.constant 3 : i32
      %mul3A_278 = arith.muli %mul3A_277, %add3A_238 : i32
      %add3A_279 = arith.constant 2 : i32
      %add3A_280 = arith.addi %mul3A_278, %add3A_279 : i32
      %get3A_281 = arith.index_cast %add3A_280 : i32 to index
      %get3A_282 = arith.constant 0 : index
      %get3A_283 = tpu.vector_load %arg8[%get3A_281, %get3A_282] {strides = array<i32>} : memref<1536x32xf32, #tpu.memory_space<vmem>>, vector<16xf32>,
      %mul3A_284 = arith.mulf %get3A_283, %get3A_15 : vector<16xf32>
      %add3A_285 = arith.addf %add3A_276, %mul3A_284 : vector<16xf32>
      %mul3A_286 = arith.constant 3 : i32
      %mul3A_287 = arith.muli %mul3A_286, %add3A_238 : i32
      %add3A_288 = arith.constant 2 : i32
      %add3A_289 = arith.addi %mul3A_287, %add3A_288 : i32
      %get3A_290 = arith.index_cast %add3A_289 : i32 to index
      %get3A_291 = arith.constant 16 : index
      %get3A_292 = tpu.vector_load %arg8[%get3A_290, %get3A_291] {strides = array<i32>} : memref<1536x32xf32, #tpu.memory_space<vmem>>, vector<16xf32>,
      %mul3A_293 = arith.mulf %get3A_292, %get3A_17 : vector<16xf32>
      %add3A_294 = arith.addf %add3A_285, %mul3A_293 : vector<16xf32>
      %eq3A_295 = arith.constant 3 : i32
      %eq3A_296 = vector.broadcast %eq3A_295 : i32 to vector<16xi32>
      %eq3A_297 = arith.cmpi eq, %iota3A, %eq3A_296 : vector<16xi32>
      %reduce_sum3A_298 = arith.constant true
      %reduce_sum3A_299 = vector.broadcast %reduce_sum3A_298 : i1 to vector<16xi1>
      %reduce_sum3A_300 = tpu.scan <sum>, %add3A_294 masked %reduce_sum3A_299 : vector<16xf32>, vector<16xi1> -> vector<16xf32>
      %reduce_sum3A_301 = vector.extract %reduce_sum3A_300[15] : f32 from vector<16xf32>
      %broadcast_in_dim3A_302 = vector.broadcast %reduce_sum3A_301 : f32 to vector<16xf32>
      %select_n3A_303 = arith.select %eq3A_297, %broadcast_in_dim3A_302, %select_n3A_234 : vector<16xi1>, vector<16xf32>
      %mul3A_304 = arith.constant 16 : i32
      %mul3A_305 = arith.muli %scan3A_28, %mul3A_304 : i32
      %add3A_306 = arith.constant 4 : i32
      %add3A_307 = arith.addi %mul3A_305, %add3A_306 : i32
      %broadcast_in_dim3A_308 = arith.constant 0.000000e+00 : f32
      %broadcast_in_dim3A_309 = vector.broadcast %broadcast_in_dim3A_308 : f32 to vector<16xf32>
      %mul3A_310 = arith.constant 3 : i32
      %mul3A_311 = arith.muli %mul3A_310, %add3A_307 : i32
      %add3A_312 = arith.constant 0 : i32
      %add3A_313 = arith.addi %mul3A_311, %add3A_312 : i32
      %get3A_314 = arith.index_cast %add3A_313 : i32 to index
      %get3A_315 = arith.constant 0 : index
      %get3A_316 = tpu.vector_load %arg8[%get3A_314, %get3A_315] {strides = array<i32>} : memref<1536x32xf32, #tpu.memory_space<vmem>>, vector<16xf32>,
      %mul3A_317 = arith.mulf %get3A_316, %get3A_7 : vector<16xf32>
      %add3A_318 = arith.addf %broadcast_in_dim3A_309, %mul3A_317 : vector<16xf32>
      %mul3A_319 = arith.constant 3 : i32
      %mul3A_320 = arith.muli %mul3A_319, %add3A_307 : i32
      %add3A_321 = arith.constant 0 : i32
      %add3A_322 = arith.addi %mul3A_320, %add3A_321 : i32
      %get3A_323 = arith.index_cast %add3A_322 : i32 to index
      %get3A_324 = arith.constant 16 : index
      %get3A_325 = tpu.vector_load %arg8[%get3A_323, %get3A_324] {strides = array<i32>} : memref<1536x32xf32, #tpu.memory_space<vmem>>, vector<16xf32>,
      %mul3A_326 = arith.mulf %get3A_325, %get3A_9 : vector<16xf32>
      %add3A_327 = arith.addf %add3A_318, %mul3A_326 : vector<16xf32>
      %mul3A_328 = arith.constant 3 : i32
      %mul3A_329 = arith.muli %mul3A_328, %add3A_307 : i32
      %add3A_330 = arith.constant 1 : i32
      %add3A_331 = arith.addi %mul3A_329, %add3A_330 : i32
      %get3A_332 = arith.index_cast %add3A_331 : i32 to index
      %get3A_333 = arith.constant 0 : index
      %get3A_334 = tpu.vector_load %arg8[%get3A_332, %get3A_333] {strides = array<i32>} : memref<1536x32xf32, #tpu.memory_space<vmem>>, vector<16xf32>,
      %mul3A_335 = arith.mulf %get3A_334, %get3A_11 : vector<16xf32>
      %add3A_336 = arith.addf %add3A_327, %mul3A_335 : vector<16xf32>
      %mul3A_337 = arith.constant 3 : i32
      %mul3A_338 = arith.muli %mul3A_337, %add3A_307 : i32
      %add3A_339 = arith.constant 1 : i32
      %add3A_340 = arith.addi %mul3A_338, %add3A_339 : i32
      %get3A_341 = arith.index_cast %add3A_340 : i32 to index
      %get3A_342 = arith.constant 16 : index
      %get3A_343 = tpu.vector_load %arg8[%get3A_341, %get3A_342] {strides = array<i32>} : memref<1536x32xf32, #tpu.memory_space<vmem>>, vector<16xf32>,
      %mul3A_344 = arith.mulf %get3A_343, %get3A_13 : vector<16xf32>
      %add3A_345 = arith.addf %add3A_336, %mul3A_344 : vector<16xf32>
      %mul3A_346 = arith.constant 3 : i32
      %mul3A_347 = arith.muli %mul3A_346, %add3A_307 : i32
      %add3A_348 = arith.constant 2 : i32
      %add3A_349 = arith.addi %mul3A_347, %add3A_348 : i32
      %get3A_350 = arith.index_cast %add3A_349 : i32 to index
      %get3A_351 = arith.constant 0 : index
      %get3A_352 = tpu.vector_load %arg8[%get3A_350, %get3A_351] {strides = array<i32>} : memref<1536x32xf32, #tpu.memory_space<vmem>>, vector<16xf32>,
      %mul3A_353 = arith.mulf %get3A_352, %get3A_15 : vector<16xf32>
      %add3A_354 = arith.addf %add3A_345, %mul3A_353 : vector<16xf32>
      %mul3A_355 = arith.constant 3 : i32
      %mul3A_356 = arith.muli %mul3A_355, %add3A_307 : i32
      %add3A_357 = arith.constant 2 : i32
      %add3A_358 = arith.addi %mul3A_356, %add3A_357 : i32
      %get3A_359 = arith.index_cast %add3A_358 : i32 to index
      %get3A_360 = arith.constant 16 : index
      %get3A_361 = tpu.vector_load %arg8[%get3A_359, %get3A_360] {strides = array<i32>} : memref<1536x32xf32, #tpu.memory_space<vmem>>, vector<16xf32>,
      %mul3A_362 = arith.mulf %get3A_361, %get3A_17 : vector<16xf32>
      %add3A_363 = arith.addf %add3A_354, %mul3A_362 : vector<16xf32>
      %eq3A_364 = arith.constant 4 : i32
      %eq3A_365 = vector.broadcast %eq3A_364 : i32 to vector<16xi32>
      %eq3A_366 = arith.cmpi eq, %iota3A, %eq3A_365 : vector<16xi32>
      %reduce_sum3A_367 = arith.constant true
      %reduce_sum3A_368 = vector.broadcast %reduce_sum3A_367 : i1 to vector<16xi1>
      %reduce_sum3A_369 = tpu.scan <sum>, %add3A_363 masked %reduce_sum3A_368 : vector<16xf32>, vector<16xi1> -> vector<16xf32>
      %reduce_sum3A_370 = vector.extract %reduce_sum3A_369[15] : f32 from vector<16xf32>
      %broadcast_in_dim3A_371 = vector.broadcast %reduce_sum3A_370 : f32 to vector<16xf32>
      %select_n3A_372 = arith.select %eq3A_366, %broadcast_in_dim3A_371, %select_n3A_303 : vector<16xi1>, vector<16xf32>
      %mul3A_373 = arith.constant 16 : i32
      %mul3A_374 = arith.muli %scan3A_28, %mul3A_373 : i32
      %add3A_375 = arith.constant 5 : i32
      %add3A_376 = arith.addi %mul3A_374, %add3A_375 : i32
      %broadcast_in_dim3A_377 = arith.constant 0.000000e+00 : f32
      %broadcast_in_dim3A_378 = vector.broadcast %broadcast_in_dim3A_377 : f32 to vector<16xf32>
      %mul3A_379 = arith.constant 3 : i32
      %mul3A_380 = arith.muli %mul3A_379, %add3A_376 : i32
      %add3A_381 = arith.constant 0 : i32
      %add3A_382 = arith.addi %mul3A_380, %add3A_381 : i32
      %get3A_383 = arith.index_cast %add3A_382 : i32 to index
      %get3A_384 = arith.constant 0 : index
      %get3A_385 = tpu.vector_load %arg8[%get3A_383, %get3A_384] {strides = array<i32>} : memref<1536x32xf32, #tpu.memory_space<vmem>>, vector<16xf32>,
      %mul3A_386 = arith.mulf %get3A_385, %get3A_7 : vector<16xf32>
      %add3A_387 = arith.addf %broadcast_in_dim3A_378, %mul3A_386 : vector<16xf32>
      %mul3A_388 = arith.constant 3 : i32
      %mul3A_389 = arith.muli %mul3A_388, %add3A_376 : i32
      %add3A_390 = arith.constant 0 : i32
      %add3A_391 = arith.addi %mul3A_389, %add3A_390 : i32
      %get3A_392 = arith.index_cast %add3A_391 : i32 to index
      %get3A_393 = arith.constant 16 : index
      %get3A_394 = tpu.vector_load %arg8[%get3A_392, %get3A_393] {strides = array<i32>} : memref<1536x32xf32, #tpu.memory_space<vmem>>, vector<16xf32>,
      %mul3A_395 = arith.mulf %get3A_394, %get3A_9 : vector<16xf32>
      %add3A_396 = arith.addf %add3A_387, %mul3A_395 : vector<16xf32>
      %mul3A_397 = arith.constant 3 : i32
      %mul3A_398 = arith.muli %mul3A_397, %add3A_376 : i32
      %add3A_399 = arith.constant 1 : i32
      %add3A_400 = arith.addi %mul3A_398, %add3A_399 : i32
      %get3A_401 = arith.index_cast %add3A_400 : i32 to index
      %get3A_402 = arith.constant 0 : index
      %get3A_403 = tpu.vector_load %arg8[%get3A_401, %get3A_402] {strides = array<i32>} : memref<1536x32xf32, #tpu.memory_space<vmem>>, vector<16xf32>,
      %mul3A_404 = arith.mulf %get3A_403, %get3A_11 : vector<16xf32>
      %add3A_405 = arith.addf %add3A_396, %mul3A_404 : vector<16xf32>
      %mul3A_406 = arith.constant 3 : i32
      %mul3A_407 = arith.muli %mul3A_406, %add3A_376 : i32
      %add3A_408 = arith.constant 1 : i32
      %add3A_409 = arith.addi %mul3A_407, %add3A_408 : i32
      %get3A_410 = arith.index_cast %add3A_409 : i32 to index
      %get3A_411 = arith.constant 16 : index
      %get3A_412 = tpu.vector_load %arg8[%get3A_410, %get3A_411] {strides = array<i32>} : memref<1536x32xf32, #tpu.memory_space<vmem>>, vector<16xf32>,
      %mul3A_413 = arith.mulf %get3A_412, %get3A_13 : vector<16xf32>
      %add3A_414 = arith.addf %add3A_405, %mul3A_413 : vector<16xf32>
      %mul3A_415 = arith.constant 3 : i32
      %mul3A_416 = arith.muli %mul3A_415, %add3A_376 : i32
      %add3A_417 = arith.constant 2 : i32
      %add3A_418 = arith.addi %mul3A_416, %add3A_417 : i32
      %get3A_419 = arith.index_cast %add3A_418 : i32 to index
      %get3A_420 = arith.constant 0 : index
      %get3A_421 = tpu.vector_load %arg8[%get3A_419, %get3A_420] {strides = array<i32>} : memref<1536x32xf32, #tpu.memory_space<vmem>>, vector<16xf32>,
      %mul3A_422 = arith.mulf %get3A_421, %get3A_15 : vector<16xf32>
      %add3A_423 = arith.addf %add3A_414, %mul3A_422 : vector<16xf32>
      %mul3A_424 = arith.constant 3 : i32
      %mul3A_425 = arith.muli %mul3A_424, %add3A_376 : i32
      %add3A_426 = arith.constant 2 : i32
      %add3A_427 = arith.addi %mul3A_425, %add3A_426 : i32
      %get3A_428 = arith.index_cast %add3A_427 : i32 to index
      %get3A_429 = arith.constant 16 : index
      %get3A_430 = tpu.vector_load %arg8[%get3A_428, %get3A_429] {strides = array<i32>} : memref<1536x32xf32, #tpu.memory_space<vmem>>, vector<16xf32>,
      %mul3A_431 = arith.mulf %get3A_430, %get3A_17 : vector<16xf32>
      %add3A_432 = arith.addf %add3A_423, %mul3A_431 : vector<16xf32>
      %eq3A_433 = arith.constant 5 : i32
      %eq3A_434 = vector.broadcast %eq3A_433 : i32 to vector<16xi32>
      %eq3A_435 = arith.cmpi eq, %iota3A, %eq3A_434 : vector<16xi32>
      %reduce_sum3A_436 = arith.constant true
      %reduce_sum3A_437 = vector.broadcast %reduce_sum3A_436 : i1 to vector<16xi1>
      %reduce_sum3A_438 = tpu.scan <sum>, %add3A_432 masked %reduce_sum3A_437 : vector<16xf32>, vector<16xi1> -> vector<16xf32>
      %reduce_sum3A_439 = vector.extract %reduce_sum3A_438[15] : f32 from vector<16xf32>
      %broadcast_in_dim3A_440 = vector.broadcast %reduce_sum3A_439 : f32 to vector<16xf32>
      %select_n3A_441 = arith.select %eq3A_435, %broadcast_in_dim3A_440, %select_n3A_372 : vector<16xi1>, vector<16xf32>
      %mul3A_442 = arith.constant 16 : i32
      %mul3A_443 = arith.muli %scan3A_28, %mul3A_442 : i32
      %add3A_444 = arith.constant 6 : i32
      %add3A_445 = arith.addi %mul3A_443, %add3A_444 : i32
      %broadcast_in_dim3A_446 = arith.constant 0.000000e+00 : f32
      %broadcast_in_dim3A_447 = vector.broadcast %broadcast_in_dim3A_446 : f32 to vector<16xf32>
      %mul3A_448 = arith.constant 3 : i32
      %mul3A_449 = arith.muli %mul3A_448, %add3A_445 : i32
      %add3A_450 = arith.constant 0 : i32
      %add3A_451 = arith.addi %mul3A_449, %add3A_450 : i32
      %get3A_452 = arith.index_cast %add3A_451 : i32 to index
      %get3A_453 = arith.constant 0 : index
      %get3A_454 = tpu.vector_load %arg8[%get3A_452, %get3A_453] {strides = array<i32>} : memref<1536x32xf32, #tpu.memory_space<vmem>>, vector<16xf32>,
      %mul3A_455 = arith.mulf %get3A_454, %get3A_7 : vector<16xf32>
      %add3A_456 = arith.addf %broadcast_in_dim3A_447, %mul3A_455 : vector<16xf32>
      %mul3A_457 = arith.constant 3 : i32
      %mul3A_458 = arith.muli %mul3A_457, %add3A_445 : i32
      %add3A_459 = arith.constant 0 : i32
      %add3A_460 = arith.addi %mul3A_458, %add3A_459 : i32
      %get3A_461 = arith.index_cast %add3A_460 : i32 to index
      %get3A_462 = arith.constant 16 : index
      %get3A_463 = tpu.vector_load %arg8[%get3A_461, %get3A_462] {strides = array<i32>} : memref<1536x32xf32, #tpu.memory_space<vmem>>, vector<16xf32>,
      %mul3A_464 = arith.mulf %get3A_463, %get3A_9 : vector<16xf32>
      %add3A_465 = arith.addf %add3A_456, %mul3A_464 : vector<16xf32>
      %mul3A_466 = arith.constant 3 : i32
      %mul3A_467 = arith.muli %mul3A_466, %add3A_445 : i32
      %add3A_468 = arith.constant 1 : i32
      %add3A_469 = arith.addi %mul3A_467, %add3A_468 : i32
      %get3A_470 = arith.index_cast %add3A_469 : i32 to index
      %get3A_471 = arith.constant 0 : index
      %get3A_472 = tpu.vector_load %arg8[%get3A_470, %get3A_471] {strides = array<i32>} : memref<1536x32xf32, #tpu.memory_space<vmem>>, vector<16xf32>,
      %mul3A_473 = arith.mulf %get3A_472, %get3A_11 : vector<16xf32>
      %add3A_474 = arith.addf %add3A_465, %mul3A_473 : vector<16xf32>
      %mul3A_475 = arith.constant 3 : i32
      %mul3A_476 = arith.muli %mul3A_475, %add3A_445 : i32
      %add3A_477 = arith.constant 1 : i32
      %add3A_478 = arith.addi %mul3A_476, %add3A_477 : i32
      %get3A_479 = arith.index_cast %add3A_478 : i32 to index
      %get3A_480 = arith.constant 16 : index
      %get3A_481 = tpu.vector_load %arg8[%get3A_479, %get3A_480] {strides = array<i32>} : memref<1536x32xf32, #tpu.memory_space<vmem>>, vector<16xf32>,
      %mul3A_482 = arith.mulf %get3A_481, %get3A_13 : vector<16xf32>
      %add3A_483 = arith.addf %add3A_474, %mul3A_482 : vector<16xf32>
      %mul3A_484 = arith.constant 3 : i32
      %mul3A_485 = arith.muli %mul3A_484, %add3A_445 : i32
      %add3A_486 = arith.constant 2 : i32
      %add3A_487 = arith.addi %mul3A_485, %add3A_486 : i32
      %get3A_488 = arith.index_cast %add3A_487 : i32 to index
      %get3A_489 = arith.constant 0 : index
      %get3A_490 = tpu.vector_load %arg8[%get3A_488, %get3A_489] {strides = array<i32>} : memref<1536x32xf32, #tpu.memory_space<vmem>>, vector<16xf32>,
      %mul3A_491 = arith.mulf %get3A_490, %get3A_15 : vector<16xf32>
      %add3A_492 = arith.addf %add3A_483, %mul3A_491 : vector<16xf32>
      %mul3A_493 = arith.constant 3 : i32
      %mul3A_494 = arith.muli %mul3A_493, %add3A_445 : i32
      %add3A_495 = arith.constant 2 : i32
      %add3A_496 = arith.addi %mul3A_494, %add3A_495 : i32
      %get3A_497 = arith.index_cast %add3A_496 : i32 to index
      %get3A_498 = arith.constant 16 : index
      %get3A_499 = tpu.vector_load %arg8[%get3A_497, %get3A_498] {strides = array<i32>} : memref<1536x32xf32, #tpu.memory_space<vmem>>, vector<16xf32>,
      %mul3A_500 = arith.mulf %get3A_499, %get3A_17 : vector<16xf32>
      %add3A_501 = arith.addf %add3A_492, %mul3A_500 : vector<16xf32>
      %eq3A_502 = arith.constant 6 : i32
      %eq3A_503 = vector.broadcast %eq3A_502 : i32 to vector<16xi32>
      %eq3A_504 = arith.cmpi eq, %iota3A, %eq3A_503 : vector<16xi32>
      %reduce_sum3A_505 = arith.constant true
      %reduce_sum3A_506 = vector.broadcast %reduce_sum3A_505 : i1 to vector<16xi1>
      %reduce_sum3A_507 = tpu.scan <sum>, %add3A_501 masked %reduce_sum3A_506 : vector<16xf32>, vector<16xi1> -> vector<16xf32>
      %reduce_sum3A_508 = vector.extract %reduce_sum3A_507[15] : f32 from vector<16xf32>
      %broadcast_in_dim3A_509 = vector.broadcast %reduce_sum3A_508 : f32 to vector<16xf32>
      %select_n3A_510 = arith.select %eq3A_504, %broadcast_in_dim3A_509, %select_n3A_441 : vector<16xi1>, vector<16xf32>
      %mul3A_511 = arith.constant 16 : i32
      %mul3A_512 = arith.muli %scan3A_28, %mul3A_511 : i32
      %add3A_513 = arith.constant 7 : i32
      %add3A_514 = arith.addi %mul3A_512, %add3A_513 : i32
      %broadcast_in_dim3A_515 = arith.constant 0.000000e+00 : f32
      %broadcast_in_dim3A_516 = vector.broadcast %broadcast_in_dim3A_515 : f32 to vector<16xf32>
      %mul3A_517 = arith.constant 3 : i32
      %mul3A_518 = arith.muli %mul3A_517, %add3A_514 : i32
      %add3A_519 = arith.constant 0 : i32
      %add3A_520 = arith.addi %mul3A_518, %add3A_519 : i32
      %get3A_521 = arith.index_cast %add3A_520 : i32 to index
      %get3A_522 = arith.constant 0 : index
      %get3A_523 = tpu.vector_load %arg8[%get3A_521, %get3A_522] {strides = array<i32>} : memref<1536x32xf32, #tpu.memory_space<vmem>>, vector<16xf32>,
      %mul3A_524 = arith.mulf %get3A_523, %get3A_7 : vector<16xf32>
      %add3A_525 = arith.addf %broadcast_in_dim3A_516, %mul3A_524 : vector<16xf32>
      %mul3A_526 = arith.constant 3 : i32
      %mul3A_527 = arith.muli %mul3A_526, %add3A_514 : i32
      %add3A_528 = arith.constant 0 : i32
      %add3A_529 = arith.addi %mul3A_527, %add3A_528 : i32
      %get3A_530 = arith.index_cast %add3A_529 : i32 to index
      %get3A_531 = arith.constant 16 : index
      %get3A_532 = tpu.vector_load %arg8[%get3A_530, %get3A_531] {strides = array<i32>} : memref<1536x32xf32, #tpu.memory_space<vmem>>, vector<16xf32>,
      %mul3A_533 = arith.mulf %get3A_532, %get3A_9 : vector<16xf32>
      %add3A_534 = arith.addf %add3A_525, %mul3A_533 : vector<16xf32>
      %mul3A_535 = arith.constant 3 : i32
      %mul3A_536 = arith.muli %mul3A_535, %add3A_514 : i32
      %add3A_537 = arith.constant 1 : i32
      %add3A_538 = arith.addi %mul3A_536, %add3A_537 : i32
      %get3A_539 = arith.index_cast %add3A_538 : i32 to index
      %get3A_540 = arith.constant 0 : index
      %get3A_541 = tpu.vector_load %arg8[%get3A_539, %get3A_540] {strides = array<i32>} : memref<1536x32xf32, #tpu.memory_space<vmem>>, vector<16xf32>,
      %mul3A_542 = arith.mulf %get3A_541, %get3A_11 : vector<16xf32>
      %add3A_543 = arith.addf %add3A_534, %mul3A_542 : vector<16xf32>
      %mul3A_544 = arith.constant 3 : i32
      %mul3A_545 = arith.muli %mul3A_544, %add3A_514 : i32
      %add3A_546 = arith.constant 1 : i32
      %add3A_547 = arith.addi %mul3A_545, %add3A_546 : i32
      %get3A_548 = arith.index_cast %add3A_547 : i32 to index
      %get3A_549 = arith.constant 16 : index
      %get3A_550 = tpu.vector_load %arg8[%get3A_548, %get3A_549] {strides = array<i32>} : memref<1536x32xf32, #tpu.memory_space<vmem>>, vector<16xf32>,
      %mul3A_551 = arith.mulf %get3A_550, %get3A_13 : vector<16xf32>
      %add3A_552 = arith.addf %add3A_543, %mul3A_551 : vector<16xf32>
      %mul3A_553 = arith.constant 3 : i32
      %mul3A_554 = arith.muli %mul3A_553, %add3A_514 : i32
      %add3A_555 = arith.constant 2 : i32
      %add3A_556 = arith.addi %mul3A_554, %add3A_555 : i32
      %get3A_557 = arith.index_cast %add3A_556 : i32 to index
      %get3A_558 = arith.constant 0 : index
      %get3A_559 = tpu.vector_load %arg8[%get3A_557, %get3A_558] {strides = array<i32>} : memref<1536x32xf32, #tpu.memory_space<vmem>>, vector<16xf32>,
      %mul3A_560 = arith.mulf %get3A_559, %get3A_15 : vector<16xf32>
      %add3A_561 = arith.addf %add3A_552, %mul3A_560 : vector<16xf32>
      %mul3A_562 = arith.constant 3 : i32
      %mul3A_563 = arith.muli %mul3A_562, %add3A_514 : i32
      %add3A_564 = arith.constant 2 : i32
      %add3A_565 = arith.addi %mul3A_563, %add3A_564 : i32
      %get3A_566 = arith.index_cast %add3A_565 : i32 to index
      %get3A_567 = arith.constant 16 : index
      %get3A_568 = tpu.vector_load %arg8[%get3A_566, %get3A_567] {strides = array<i32>} : memref<1536x32xf32, #tpu.memory_space<vmem>>, vector<16xf32>,
      %mul3A_569 = arith.mulf %get3A_568, %get3A_17 : vector<16xf32>
      %add3A_570 = arith.addf %add3A_561, %mul3A_569 : vector<16xf32>
      %eq3A_571 = arith.constant 7 : i32
      %eq3A_572 = vector.broadcast %eq3A_571 : i32 to vector<16xi32>
      %eq3A_573 = arith.cmpi eq, %iota3A, %eq3A_572 : vector<16xi32>
      %reduce_sum3A_574 = arith.constant true
      %reduce_sum3A_575 = vector.broadcast %reduce_sum3A_574 : i1 to vector<16xi1>
      %reduce_sum3A_576 = tpu.scan <sum>, %add3A_570 masked %reduce_sum3A_575 : vector<16xf32>, vector<16xi1> -> vector<16xf32>
      %reduce_sum3A_577 = vector.extract %reduce_sum3A_576[15] : f32 from vector<16xf32>
      %broadcast_in_dim3A_578 = vector.broadcast %reduce_sum3A_577 : f32 to vector<16xf32>
      %select_n3A_579 = arith.select %eq3A_573, %broadcast_in_dim3A_578, %select_n3A_510 : vector<16xi1>, vector<16xf32>
      %mul3A_580 = arith.constant 16 : i32
      %mul3A_581 = arith.muli %scan3A_28, %mul3A_580 : i32
      %add3A_582 = arith.constant 8 : i32
      %add3A_583 = arith.addi %mul3A_581, %add3A_582 : i32
      %broadcast_in_dim3A_584 = arith.constant 0.000000e+00 : f32
      %broadcast_in_dim3A_585 = vector.broadcast %broadcast_in_dim3A_584 : f32 to vector<16xf32>
      %mul3A_586 = arith.constant 3 : i32
      %mul3A_587 = arith.muli %mul3A_586, %add3A_583 : i32
      %add3A_588 = arith.constant 0 : i32
      %add3A_589 = arith.addi %mul3A_587, %add3A_588 : i32
      %get3A_590 = arith.index_cast %add3A_589 : i32 to index
      %get3A_591 = arith.constant 0 : index
      %get3A_592 = tpu.vector_load %arg8[%get3A_590, %get3A_591] {strides = array<i32>} : memref<1536x32xf32, #tpu.memory_space<vmem>>, vector<16xf32>,
      %mul3A_593 = arith.mulf %get3A_592, %get3A_7 : vector<16xf32>
      %add3A_594 = arith.addf %broadcast_in_dim3A_585, %mul3A_593 : vector<16xf32>
      %mul3A_595 = arith.constant 3 : i32
      %mul3A_596 = arith.muli %mul3A_595, %add3A_583 : i32
      %add3A_597 = arith.constant 0 : i32
      %add3A_598 = arith.addi %mul3A_596, %add3A_597 : i32
      %get3A_599 = arith.index_cast %add3A_598 : i32 to index
      %get3A_600 = arith.constant 16 : index
      %get3A_601 = tpu.vector_load %arg8[%get3A_599, %get3A_600] {strides = array<i32>} : memref<1536x32xf32, #tpu.memory_space<vmem>>, vector<16xf32>,
      %mul3A_602 = arith.mulf %get3A_601, %get3A_9 : vector<16xf32>
      %add3A_603 = arith.addf %add3A_594, %mul3A_602 : vector<16xf32>
      %mul3A_604 = arith.constant 3 : i32
      %mul3A_605 = arith.muli %mul3A_604, %add3A_583 : i32
      %add3A_606 = arith.constant 1 : i32
      %add3A_607 = arith.addi %mul3A_605, %add3A_606 : i32
      %get3A_608 = arith.index_cast %add3A_607 : i32 to index
      %get3A_609 = arith.constant 0 : index
      %get3A_610 = tpu.vector_load %arg8[%get3A_608, %get3A_609] {strides = array<i32>} : memref<1536x32xf32, #tpu.memory_space<vmem>>, vector<16xf32>,
      %mul3A_611 = arith.mulf %get3A_610, %get3A_11 : vector<16xf32>
      %add3A_612 = arith.addf %add3A_603, %mul3A_611 : vector<16xf32>
      %mul3A_613 = arith.constant 3 : i32
      %mul3A_614 = arith.muli %mul3A_613, %add3A_583 : i32
      %add3A_615 = arith.constant 1 : i32
      %add3A_616 = arith.addi %mul3A_614, %add3A_615 : i32
      %get3A_617 = arith.index_cast %add3A_616 : i32 to index
      %get3A_618 = arith.constant 16 : index
      %get3A_619 = tpu.vector_load %arg8[%get3A_617, %get3A_618] {strides = array<i32>} : memref<1536x32xf32, #tpu.memory_space<vmem>>, vector<16xf32>,
      %mul3A_620 = arith.mulf %get3A_619, %get3A_13 : vector<16xf32>
      %add3A_621 = arith.addf %add3A_612, %mul3A_620 : vector<16xf32>
      %mul3A_622 = arith.constant 3 : i32
      %mul3A_623 = arith.muli %mul3A_622, %add3A_583 : i32
      %add3A_624 = arith.constant 2 : i32
      %add3A_625 = arith.addi %mul3A_623, %add3A_624 : i32
      %get3A_626 = arith.index_cast %add3A_625 : i32 to index
      %get3A_627 = arith.constant 0 : index
      %get3A_628 = tpu.vector_load %arg8[%get3A_626, %get3A_627] {strides = array<i32>} : memref<1536x32xf32, #tpu.memory_space<vmem>>, vector<16xf32>,
      %mul3A_629 = arith.mulf %get3A_628, %get3A_15 : vector<16xf32>
      %add3A_630 = arith.addf %add3A_621, %mul3A_629 : vector<16xf32>
      %mul3A_631 = arith.constant 3 : i32
      %mul3A_632 = arith.muli %mul3A_631, %add3A_583 : i32
      %add3A_633 = arith.constant 2 : i32
      %add3A_634 = arith.addi %mul3A_632, %add3A_633 : i32
      %get3A_635 = arith.index_cast %add3A_634 : i32 to index
      %get3A_636 = arith.constant 16 : index
      %get3A_637 = tpu.vector_load %arg8[%get3A_635, %get3A_636] {strides = array<i32>} : memref<1536x32xf32, #tpu.memory_space<vmem>>, vector<16xf32>,
      %mul3A_638 = arith.mulf %get3A_637, %get3A_17 : vector<16xf32>
      %add3A_639 = arith.addf %add3A_630, %mul3A_638 : vector<16xf32>
      %eq3A_640 = arith.constant 8 : i32
      %eq3A_641 = vector.broadcast %eq3A_640 : i32 to vector<16xi32>
      %eq3A_642 = arith.cmpi eq, %iota3A, %eq3A_641 : vector<16xi32>
      %reduce_sum3A_643 = arith.constant true
      %reduce_sum3A_644 = vector.broadcast %reduce_sum3A_643 : i1 to vector<16xi1>
      %reduce_sum3A_645 = tpu.scan <sum>, %add3A_639 masked %reduce_sum3A_644 : vector<16xf32>, vector<16xi1> -> vector<16xf32>
      %reduce_sum3A_646 = vector.extract %reduce_sum3A_645[15] : f32 from vector<16xf32>
      %broadcast_in_dim3A_647 = vector.broadcast %reduce_sum3A_646 : f32 to vector<16xf32>
      %select_n3A_648 = arith.select %eq3A_642, %broadcast_in_dim3A_647, %select_n3A_579 : vector<16xi1>, vector<16xf32>
      %mul3A_649 = arith.constant 16 : i32
      %mul3A_650 = arith.muli %scan3A_28, %mul3A_649 : i32
      %add3A_651 = arith.constant 9 : i32
      %add3A_652 = arith.addi %mul3A_650, %add3A_651 : i32
      %broadcast_in_dim3A_653 = arith.constant 0.000000e+00 : f32
      %broadcast_in_dim3A_654 = vector.broadcast %broadcast_in_dim3A_653 : f32 to vector<16xf32>
      %mul3A_655 = arith.constant 3 : i32
      %mul3A_656 = arith.muli %mul3A_655, %add3A_652 : i32
      %add3A_657 = arith.constant 0 : i32
      %add3A_658 = arith.addi %mul3A_656, %add3A_657 : i32
      %get3A_659 = arith.index_cast %add3A_658 : i32 to index
      %get3A_660 = arith.constant 0 : index
      %get3A_661 = tpu.vector_load %arg8[%get3A_659, %get3A_660] {strides = array<i32>} : memref<1536x32xf32, #tpu.memory_space<vmem>>, vector<16xf32>,
      %mul3A_662 = arith.mulf %get3A_661, %get3A_7 : vector<16xf32>
      %add3A_663 = arith.addf %broadcast_in_dim3A_654, %mul3A_662 : vector<16xf32>
      %mul3A_664 = arith.constant 3 : i32
      %mul3A_665 = arith.muli %mul3A_664, %add3A_652 : i32
      %add3A_666 = arith.constant 0 : i32
      %add3A_667 = arith.addi %mul3A_665, %add3A_666 : i32
      %get3A_668 = arith.index_cast %add3A_667 : i32 to index
      %get3A_669 = arith.constant 16 : index
      %get3A_670 = tpu.vector_load %arg8[%get3A_668, %get3A_669] {strides = array<i32>} : memref<1536x32xf32, #tpu.memory_space<vmem>>, vector<16xf32>,
      %mul3A_671 = arith.mulf %get3A_670, %get3A_9 : vector<16xf32>
      %add3A_672 = arith.addf %add3A_663, %mul3A_671 : vector<16xf32>
      %mul3A_673 = arith.constant 3 : i32
      %mul3A_674 = arith.muli %mul3A_673, %add3A_652 : i32
      %add3A_675 = arith.constant 1 : i32
      %add3A_676 = arith.addi %mul3A_674, %add3A_675 : i32
      %get3A_677 = arith.index_cast %add3A_676 : i32 to index
      %get3A_678 = arith.constant 0 : index
      %get3A_679 = tpu.vector_load %arg8[%get3A_677, %get3A_678] {strides = array<i32>} : memref<1536x32xf32, #tpu.memory_space<vmem>>, vector<16xf32>,
      %mul3A_680 = arith.mulf %get3A_679, %get3A_11 : vector<16xf32>
      %add3A_681 = arith.addf %add3A_672, %mul3A_680 : vector<16xf32>
      %mul3A_682 = arith.constant 3 : i32
      %mul3A_683 = arith.muli %mul3A_682, %add3A_652 : i32
      %add3A_684 = arith.constant 1 : i32
      %add3A_685 = arith.addi %mul3A_683, %add3A_684 : i32
      %get3A_686 = arith.index_cast %add3A_685 : i32 to index
      %get3A_687 = arith.constant 16 : index
      %get3A_688 = tpu.vector_load %arg8[%get3A_686, %get3A_687] {strides = array<i32>} : memref<1536x32xf32, #tpu.memory_space<vmem>>, vector<16xf32>,
      %mul3A_689 = arith.mulf %get3A_688, %get3A_13 : vector<16xf32>
      %add3A_690 = arith.addf %add3A_681, %mul3A_689 : vector<16xf32>
      %mul3A_691 = arith.constant 3 : i32
      %mul3A_692 = arith.muli %mul3A_691, %add3A_652 : i32
      %add3A_693 = arith.constant 2 : i32
      %add3A_694 = arith.addi %mul3A_692, %add3A_693 : i32
      %get3A_695 = arith.index_cast %add3A_694 : i32 to index
      %get3A_696 = arith.constant 0 : index
      %get3A_697 = tpu.vector_load %arg8[%get3A_695, %get3A_696] {strides = array<i32>} : memref<1536x32xf32, #tpu.memory_space<vmem>>, vector<16xf32>,
      %mul3A_698 = arith.mulf %get3A_697, %get3A_15 : vector<16xf32>
      %add3A_699 = arith.addf %add3A_690, %mul3A_698 : vector<16xf32>
      %mul3A_700 = arith.constant 3 : i32
      %mul3A_701 = arith.muli %mul3A_700, %add3A_652 : i32
      %add3A_702 = arith.constant 2 : i32
      %add3A_703 = arith.addi %mul3A_701, %add3A_702 : i32
      %get3A_704 = arith.index_cast %add3A_703 : i32 to index
      %get3A_705 = arith.constant 16 : index
      %get3A_706 = tpu.vector_load %arg8[%get3A_704, %get3A_705] {strides = array<i32>} : memref<1536x32xf32, #tpu.memory_space<vmem>>, vector<16xf32>,
      %mul3A_707 = arith.mulf %get3A_706, %get3A_17 : vector<16xf32>
      %add3A_708 = arith.addf %add3A_699, %mul3A_707 : vector<16xf32>
      %eq3A_709 = arith.constant 9 : i32
      %eq3A_710 = vector.broadcast %eq3A_709 : i32 to vector<16xi32>
      %eq3A_711 = arith.cmpi eq, %iota3A, %eq3A_710 : vector<16xi32>
      %reduce_sum3A_712 = arith.constant true
      %reduce_sum3A_713 = vector.broadcast %reduce_sum3A_712 : i1 to vector<16xi1>
      %reduce_sum3A_714 = tpu.scan <sum>, %add3A_708 masked %reduce_sum3A_713 : vector<16xf32>, vector<16xi1> -> vector<16xf32>
      %reduce_sum3A_715 = vector.extract %reduce_sum3A_714[15] : f32 from vector<16xf32>
      %broadcast_in_dim3A_716 = vector.broadcast %reduce_sum3A_715 : f32 to vector<16xf32>
      %select_n3A_717 = arith.select %eq3A_711, %broadcast_in_dim3A_716, %select_n3A_648 : vector<16xi1>, vector<16xf32>
      %mul3A_718 = arith.constant 16 : i32
      %mul3A_719 = arith.muli %scan3A_28, %mul3A_718 : i32
      %add3A_720 = arith.constant 10 : i32
      %add3A_721 = arith.addi %mul3A_719, %add3A_720 : i32
      %broadcast_in_dim3A_722 = arith.constant 0.000000e+00 : f32
      %broadcast_in_dim3A_723 = vector.broadcast %broadcast_in_dim3A_722 : f32 to vector<16xf32>
      %mul3A_724 = arith.constant 3 : i32
      %mul3A_725 = arith.muli %mul3A_724, %add3A_721 : i32
      %add3A_726 = arith.constant 0 : i32
      %add3A_727 = arith.addi %mul3A_725, %add3A_726 : i32
      %get3A_728 = arith.index_cast %add3A_727 : i32 to index
      %get3A_729 = arith.constant 0 : index
      %get3A_730 = tpu.vector_load %arg8[%get3A_728, %get3A_729] {strides = array<i32>} : memref<1536x32xf32, #tpu.memory_space<vmem>>, vector<16xf32>,
      %mul3A_731 = arith.mulf %get3A_730, %get3A_7 : vector<16xf32>
      %add3A_732 = arith.addf %broadcast_in_dim3A_723, %mul3A_731 : vector<16xf32>
      %mul3A_733 = arith.constant 3 : i32
      %mul3A_734 = arith.muli %mul3A_733, %add3A_721 : i32
      %add3A_735 = arith.constant 0 : i32
      %add3A_736 = arith.addi %mul3A_734, %add3A_735 : i32
      %get3A_737 = arith.index_cast %add3A_736 : i32 to index
      %get3A_738 = arith.constant 16 : index
      %get3A_739 = tpu.vector_load %arg8[%get3A_737, %get3A_738] {strides = array<i32>} : memref<1536x32xf32, #tpu.memory_space<vmem>>, vector<16xf32>,
      %mul3A_740 = arith.mulf %get3A_739, %get3A_9 : vector<16xf32>
      %add3A_741 = arith.addf %add3A_732, %mul3A_740 : vector<16xf32>
      %mul3A_742 = arith.constant 3 : i32
      %mul3A_743 = arith.muli %mul3A_742, %add3A_721 : i32
      %add3A_744 = arith.constant 1 : i32
      %add3A_745 = arith.addi %mul3A_743, %add3A_744 : i32
      %get3A_746 = arith.index_cast %add3A_745 : i32 to index
      %get3A_747 = arith.constant 0 : index
      %get3A_748 = tpu.vector_load %arg8[%get3A_746, %get3A_747] {strides = array<i32>} : memref<1536x32xf32, #tpu.memory_space<vmem>>, vector<16xf32>,
      %mul3A_749 = arith.mulf %get3A_748, %get3A_11 : vector<16xf32>
      %add3A_750 = arith.addf %add3A_741, %mul3A_749 : vector<16xf32>
      %mul3A_751 = arith.constant 3 : i32
      %mul3A_752 = arith.muli %mul3A_751, %add3A_721 : i32
      %add3A_753 = arith.constant 1 : i32
      %add3A_754 = arith.addi %mul3A_752, %add3A_753 : i32
      %get3A_755 = arith.index_cast %add3A_754 : i32 to index
      %get3A_756 = arith.constant 16 : index
      %get3A_757 = tpu.vector_load %arg8[%get3A_755, %get3A_756] {strides = array<i32>} : memref<1536x32xf32, #tpu.memory_space<vmem>>, vector<16xf32>,
      %mul3A_758 = arith.mulf %get3A_757, %get3A_13 : vector<16xf32>
      %add3A_759 = arith.addf %add3A_750, %mul3A_758 : vector<16xf32>
      %mul3A_760 = arith.constant 3 : i32
      %mul3A_761 = arith.muli %mul3A_760, %add3A_721 : i32
      %add3A_762 = arith.constant 2 : i32
      %add3A_763 = arith.addi %mul3A_761, %add3A_762 : i32
      %get3A_764 = arith.index_cast %add3A_763 : i32 to index
      %get3A_765 = arith.constant 0 : index
      %get3A_766 = tpu.vector_load %arg8[%get3A_764, %get3A_765] {strides = array<i32>} : memref<1536x32xf32, #tpu.memory_space<vmem>>, vector<16xf32>,
      %mul3A_767 = arith.mulf %get3A_766, %get3A_15 : vector<16xf32>
      %add3A_768 = arith.addf %add3A_759, %mul3A_767 : vector<16xf32>
      %mul3A_769 = arith.constant 3 : i32
      %mul3A_770 = arith.muli %mul3A_769, %add3A_721 : i32
      %add3A_771 = arith.constant 2 : i32
      %add3A_772 = arith.addi %mul3A_770, %add3A_771 : i32
      %get3A_773 = arith.index_cast %add3A_772 : i32 to index
      %get3A_774 = arith.constant 16 : index
      %get3A_775 = tpu.vector_load %arg8[%get3A_773, %get3A_774] {strides = array<i32>} : memref<1536x32xf32, #tpu.memory_space<vmem>>, vector<16xf32>,
      %mul3A_776 = arith.mulf %get3A_775, %get3A_17 : vector<16xf32>
      %add3A_777 = arith.addf %add3A_768, %mul3A_776 : vector<16xf32>
      %eq3A_778 = arith.constant 10 : i32
      %eq3A_779 = vector.broadcast %eq3A_778 : i32 to vector<16xi32>
      %eq3A_780 = arith.cmpi eq, %iota3A, %eq3A_779 : vector<16xi32>
      %reduce_sum3A_781 = arith.constant true
      %reduce_sum3A_782 = vector.broadcast %reduce_sum3A_781 : i1 to vector<16xi1>
      %reduce_sum3A_783 = tpu.scan <sum>, %add3A_777 masked %reduce_sum3A_782 : vector<16xf32>, vector<16xi1> -> vector<16xf32>
      %reduce_sum3A_784 = vector.extract %reduce_sum3A_783[15] : f32 from vector<16xf32>
      %broadcast_in_dim3A_785 = vector.broadcast %reduce_sum3A_784 : f32 to vector<16xf32>
      %select_n3A_786 = arith.select %eq3A_780, %broadcast_in_dim3A_785, %select_n3A_717 : vector<16xi1>, vector<16xf32>
      %mul3A_787 = arith.constant 16 : i32
      %mul3A_788 = arith.muli %scan3A_28, %mul3A_787 : i32
      %add3A_789 = arith.constant 11 : i32
      %add3A_790 = arith.addi %mul3A_788, %add3A_789 : i32
      %broadcast_in_dim3A_791 = arith.constant 0.000000e+00 : f32
      %broadcast_in_dim3A_792 = vector.broadcast %broadcast_in_dim3A_791 : f32 to vector<16xf32>
      %mul3A_793 = arith.constant 3 : i32
      %mul3A_794 = arith.muli %mul3A_793, %add3A_790 : i32
      %add3A_795 = arith.constant 0 : i32
      %add3A_796 = arith.addi %mul3A_794, %add3A_795 : i32
      %get3A_797 = arith.index_cast %add3A_796 : i32 to index
      %get3A_798 = arith.constant 0 : index
      %get3A_799 = tpu.vector_load %arg8[%get3A_797, %get3A_798] {strides = array<i32>} : memref<1536x32xf32, #tpu.memory_space<vmem>>, vector<16xf32>,
      %mul3A_800 = arith.mulf %get3A_799, %get3A_7 : vector<16xf32>
      %add3A_801 = arith.addf %broadcast_in_dim3A_792, %mul3A_800 : vector<16xf32>
      %mul3A_802 = arith.constant 3 : i32
      %mul3A_803 = arith.muli %mul3A_802, %add3A_790 : i32
      %add3A_804 = arith.constant 0 : i32
      %add3A_805 = arith.addi %mul3A_803, %add3A_804 : i32
      %get3A_806 = arith.index_cast %add3A_805 : i32 to index
      %get3A_807 = arith.constant 16 : index
      %get3A_808 = tpu.vector_load %arg8[%get3A_806, %get3A_807] {strides = array<i32>} : memref<1536x32xf32, #tpu.memory_space<vmem>>, vector<16xf32>,
      %mul3A_809 = arith.mulf %get3A_808, %get3A_9 : vector<16xf32>
      %add3A_810 = arith.addf %add3A_801, %mul3A_809 : vector<16xf32>
      %mul3A_811 = arith.constant 3 : i32
      %mul3A_812 = arith.muli %mul3A_811, %add3A_790 : i32
      %add3A_813 = arith.constant 1 : i32
      %add3A_814 = arith.addi %mul3A_812, %add3A_813 : i32
      %get3A_815 = arith.index_cast %add3A_814 : i32 to index
      %get3A_816 = arith.constant 0 : index
      %get3A_817 = tpu.vector_load %arg8[%get3A_815, %get3A_816] {strides = array<i32>} : memref<1536x32xf32, #tpu.memory_space<vmem>>, vector<16xf32>,
      %mul3A_818 = arith.mulf %get3A_817, %get3A_11 : vector<16xf32>
      %add3A_819 = arith.addf %add3A_810, %mul3A_818 : vector<16xf32>
      %mul3A_820 = arith.constant 3 : i32
      %mul3A_821 = arith.muli %mul3A_820, %add3A_790 : i32
      %add3A_822 = arith.constant 1 : i32
      %add3A_823 = arith.addi %mul3A_821, %add3A_822 : i32
      %get3A_824 = arith.index_cast %add3A_823 : i32 to index
      %get3A_825 = arith.constant 16 : index
      %get3A_826 = tpu.vector_load %arg8[%get3A_824, %get3A_825] {strides = array<i32>} : memref<1536x32xf32, #tpu.memory_space<vmem>>, vector<16xf32>,
      %mul3A_827 = arith.mulf %get3A_826, %get3A_13 : vector<16xf32>
      %add3A_828 = arith.addf %add3A_819, %mul3A_827 : vector<16xf32>
      %mul3A_829 = arith.constant 3 : i32
      %mul3A_830 = arith.muli %mul3A_829, %add3A_790 : i32
      %add3A_831 = arith.constant 2 : i32
      %add3A_832 = arith.addi %mul3A_830, %add3A_831 : i32
      %get3A_833 = arith.index_cast %add3A_832 : i32 to index
      %get3A_834 = arith.constant 0 : index
      %get3A_835 = tpu.vector_load %arg8[%get3A_833, %get3A_834] {strides = array<i32>} : memref<1536x32xf32, #tpu.memory_space<vmem>>, vector<16xf32>,
      %mul3A_836 = arith.mulf %get3A_835, %get3A_15 : vector<16xf32>
      %add3A_837 = arith.addf %add3A_828, %mul3A_836 : vector<16xf32>
      %mul3A_838 = arith.constant 3 : i32
      %mul3A_839 = arith.muli %mul3A_838, %add3A_790 : i32
      %add3A_840 = arith.constant 2 : i32
      %add3A_841 = arith.addi %mul3A_839, %add3A_840 : i32
      %get3A_842 = arith.index_cast %add3A_841 : i32 to index
      %get3A_843 = arith.constant 16 : index
      %get3A_844 = tpu.vector_load %arg8[%get3A_842, %get3A_843] {strides = array<i32>} : memref<1536x32xf32, #tpu.memory_space<vmem>>, vector<16xf32>,
      %mul3A_845 = arith.mulf %get3A_844, %get3A_17 : vector<16xf32>
      %add3A_846 = arith.addf %add3A_837, %mul3A_845 : vector<16xf32>
      %eq3A_847 = arith.constant 11 : i32
      %eq3A_848 = vector.broadcast %eq3A_847 : i32 to vector<16xi32>
      %eq3A_849 = arith.cmpi eq, %iota3A, %eq3A_848 : vector<16xi32>
      %reduce_sum3A_850 = arith.constant true
      %reduce_sum3A_851 = vector.broadcast %reduce_sum3A_850 : i1 to vector<16xi1>
      %reduce_sum3A_852 = tpu.scan <sum>, %add3A_846 masked %reduce_sum3A_851 : vector<16xf32>, vector<16xi1> -> vector<16xf32>
      %reduce_sum3A_853 = vector.extract %reduce_sum3A_852[15] : f32 from vector<16xf32>
      %broadcast_in_dim3A_854 = vector.broadcast %reduce_sum3A_853 : f32 to vector<16xf32>
      %select_n3A_855 = arith.select %eq3A_849, %broadcast_in_dim3A_854, %select_n3A_786 : vector<16xi1>, vector<16xf32>
      %mul3A_856 = arith.constant 16 : i32
      %mul3A_857 = arith.muli %scan3A_28, %mul3A_856 : i32
      %add3A_858 = arith.constant 12 : i32
      %add3A_859 = arith.addi %mul3A_857, %add3A_858 : i32
      %broadcast_in_dim3A_860 = arith.constant 0.000000e+00 : f32
      %broadcast_in_dim3A_861 = vector.broadcast %broadcast_in_dim3A_860 : f32 to vector<16xf32>
      %mul3A_862 = arith.constant 3 : i32
      %mul3A_863 = arith.muli %mul3A_862, %add3A_859 : i32
      %add3A_864 = arith.constant 0 : i32
      %add3A_865 = arith.addi %mul3A_863, %add3A_864 : i32
      %get3A_866 = arith.index_cast %add3A_865 : i32 to index
      %get3A_867 = arith.constant 0 : index
      %get3A_868 = tpu.vector_load %arg8[%get3A_866, %get3A_867] {strides = array<i32>} : memref<1536x32xf32, #tpu.memory_space<vmem>>, vector<16xf32>,
      %mul3A_869 = arith.mulf %get3A_868, %get3A_7 : vector<16xf32>
      %add3A_870 = arith.addf %broadcast_in_dim3A_861, %mul3A_869 : vector<16xf32>
      %mul3A_871 = arith.constant 3 : i32
      %mul3A_872 = arith.muli %mul3A_871, %add3A_859 : i32
      %add3A_873 = arith.constant 0 : i32
      %add3A_874 = arith.addi %mul3A_872, %add3A_873 : i32
      %get3A_875 = arith.index_cast %add3A_874 : i32 to index
      %get3A_876 = arith.constant 16 : index
      %get3A_877 = tpu.vector_load %arg8[%get3A_875, %get3A_876] {strides = array<i32>} : memref<1536x32xf32, #tpu.memory_space<vmem>>, vector<16xf32>,
      %mul3A_878 = arith.mulf %get3A_877, %get3A_9 : vector<16xf32>
      %add3A_879 = arith.addf %add3A_870, %mul3A_878 : vector<16xf32>
      %mul3A_880 = arith.constant 3 : i32
      %mul3A_881 = arith.muli %mul3A_880, %add3A_859 : i32
      %add3A_882 = arith.constant 1 : i32
      %add3A_883 = arith.addi %mul3A_881, %add3A_882 : i32
      %get3A_884 = arith.index_cast %add3A_883 : i32 to index
      %get3A_885 = arith.constant 0 : index
      %get3A_886 = tpu.vector_load %arg8[%get3A_884, %get3A_885] {strides = array<i32>} : memref<1536x32xf32, #tpu.memory_space<vmem>>, vector<16xf32>,
      %mul3A_887 = arith.mulf %get3A_886, %get3A_11 : vector<16xf32>
      %add3A_888 = arith.addf %add3A_879, %mul3A_887 : vector<16xf32>
      %mul3A_889 = arith.constant 3 : i32
      %mul3A_890 = arith.muli %mul3A_889, %add3A_859 : i32
      %add3A_891 = arith.constant 1 : i32
      %add3A_892 = arith.addi %mul3A_890, %add3A_891 : i32
      %get3A_893 = arith.index_cast %add3A_892 : i32 to index
      %get3A_894 = arith.constant 16 : index
      %get3A_895 = tpu.vector_load %arg8[%get3A_893, %get3A_894] {strides = array<i32>} : memref<1536x32xf32, #tpu.memory_space<vmem>>, vector<16xf32>,
      %mul3A_896 = arith.mulf %get3A_895, %get3A_13 : vector<16xf32>
      %add3A_897 = arith.addf %add3A_888, %mul3A_896 : vector<16xf32>
      %mul3A_898 = arith.constant 3 : i32
      %mul3A_899 = arith.muli %mul3A_898, %add3A_859 : i32
      %add3A_900 = arith.constant 2 : i32
      %add3A_901 = arith.addi %mul3A_899, %add3A_900 : i32
      %get3A_902 = arith.index_cast %add3A_901 : i32 to index
      %get3A_903 = arith.constant 0 : index
      %get3A_904 = tpu.vector_load %arg8[%get3A_902, %get3A_903] {strides = array<i32>} : memref<1536x32xf32, #tpu.memory_space<vmem>>, vector<16xf32>,
      %mul3A_905 = arith.mulf %get3A_904, %get3A_15 : vector<16xf32>
      %add3A_906 = arith.addf %add3A_897, %mul3A_905 : vector<16xf32>
      %mul3A_907 = arith.constant 3 : i32
      %mul3A_908 = arith.muli %mul3A_907, %add3A_859 : i32
      %add3A_909 = arith.constant 2 : i32
      %add3A_910 = arith.addi %mul3A_908, %add3A_909 : i32
      %get3A_911 = arith.index_cast %add3A_910 : i32 to index
      %get3A_912 = arith.constant 16 : index
      %get3A_913 = tpu.vector_load %arg8[%get3A_911, %get3A_912] {strides = array<i32>} : memref<1536x32xf32, #tpu.memory_space<vmem>>, vector<16xf32>,
      %mul3A_914 = arith.mulf %get3A_913, %get3A_17 : vector<16xf32>
      %add3A_915 = arith.addf %add3A_906, %mul3A_914 : vector<16xf32>
      %eq3A_916 = arith.constant 12 : i32
      %eq3A_917 = vector.broadcast %eq3A_916 : i32 to vector<16xi32>
      %eq3A_918 = arith.cmpi eq, %iota3A, %eq3A_917 : vector<16xi32>
      %reduce_sum3A_919 = arith.constant true
      %reduce_sum3A_920 = vector.broadcast %reduce_sum3A_919 : i1 to vector<16xi1>
      %reduce_sum3A_921 = tpu.scan <sum>, %add3A_915 masked %reduce_sum3A_920 : vector<16xf32>, vector<16xi1> -> vector<16xf32>
      %reduce_sum3A_922 = vector.extract %reduce_sum3A_921[15] : f32 from vector<16xf32>
      %broadcast_in_dim3A_923 = vector.broadcast %reduce_sum3A_922 : f32 to vector<16xf32>
      %select_n3A_924 = arith.select %eq3A_918, %broadcast_in_dim3A_923, %select_n3A_855 : vector<16xi1>, vector<16xf32>
      %mul3A_925 = arith.constant 16 : i32
      %mul3A_926 = arith.muli %scan3A_28, %mul3A_925 : i32
      %add3A_927 = arith.constant 13 : i32
      %add3A_928 = arith.addi %mul3A_926, %add3A_927 : i32
      %broadcast_in_dim3A_929 = arith.constant 0.000000e+00 : f32
      %broadcast_in_dim3A_930 = vector.broadcast %broadcast_in_dim3A_929 : f32 to vector<16xf32>
      %mul3A_931 = arith.constant 3 : i32
      %mul3A_932 = arith.muli %mul3A_931, %add3A_928 : i32
      %add3A_933 = arith.constant 0 : i32
      %add3A_934 = arith.addi %mul3A_932, %add3A_933 : i32
      %get3A_935 = arith.index_cast %add3A_934 : i32 to index
      %get3A_936 = arith.constant 0 : index
      %get3A_937 = tpu.vector_load %arg8[%get3A_935, %get3A_936] {strides = array<i32>} : memref<1536x32xf32, #tpu.memory_space<vmem>>, vector<16xf32>,
      %mul3A_938 = arith.mulf %get3A_937, %get3A_7 : vector<16xf32>
      %add3A_939 = arith.addf %broadcast_in_dim3A_930, %mul3A_938 : vector<16xf32>
      %mul3A_940 = arith.constant 3 : i32
      %mul3A_941 = arith.muli %mul3A_940, %add3A_928 : i32
      %add3A_942 = arith.constant 0 : i32
      %add3A_943 = arith.addi %mul3A_941, %add3A_942 : i32
      %get3A_944 = arith.index_cast %add3A_943 : i32 to index
      %get3A_945 = arith.constant 16 : index
      %get3A_946 = tpu.vector_load %arg8[%get3A_944, %get3A_945] {strides = array<i32>} : memref<1536x32xf32, #tpu.memory_space<vmem>>, vector<16xf32>,
      %mul3A_947 = arith.mulf %get3A_946, %get3A_9 : vector<16xf32>
      %add3A_948 = arith.addf %add3A_939, %mul3A_947 : vector<16xf32>
      %mul3A_949 = arith.constant 3 : i32
      %mul3A_950 = arith.muli %mul3A_949, %add3A_928 : i32
      %add3A_951 = arith.constant 1 : i32
      %add3A_952 = arith.addi %mul3A_950, %add3A_951 : i32
      %get3A_953 = arith.index_cast %add3A_952 : i32 to index
      %get3A_954 = arith.constant 0 : index
      %get3A_955 = tpu.vector_load %arg8[%get3A_953, %get3A_954] {strides = array<i32>} : memref<1536x32xf32, #tpu.memory_space<vmem>>, vector<16xf32>,
      %mul3A_956 = arith.mulf %get3A_955, %get3A_11 : vector<16xf32>
      %add3A_957 = arith.addf %add3A_948, %mul3A_956 : vector<16xf32>
      %mul3A_958 = arith.constant 3 : i32
      %mul3A_959 = arith.muli %mul3A_958, %add3A_928 : i32
      %add3A_960 = arith.constant 1 : i32
      %add3A_961 = arith.addi %mul3A_959, %add3A_960 : i32
      %get3A_962 = arith.index_cast %add3A_961 : i32 to index
      %get3A_963 = arith.constant 16 : index
      %get3A_964 = tpu.vector_load %arg8[%get3A_962, %get3A_963] {strides = array<i32>} : memref<1536x32xf32, #tpu.memory_space<vmem>>, vector<16xf32>,
      %mul3A_965 = arith.mulf %get3A_964, %get3A_13 : vector<16xf32>
      %add3A_966 = arith.addf %add3A_957, %mul3A_965 : vector<16xf32>
      %mul3A_967 = arith.constant 3 : i32
      %mul3A_968 = arith.muli %mul3A_967, %add3A_928 : i32
      %add3A_969 = arith.constant 2 : i32
      %add3A_970 = arith.addi %mul3A_968, %add3A_969 : i32
      %get3A_971 = arith.index_cast %add3A_970 : i32 to index
      %get3A_972 = arith.constant 0 : index
      %get3A_973 = tpu.vector_load %arg8[%get3A_971, %get3A_972] {strides = array<i32>} : memref<1536x32xf32, #tpu.memory_space<vmem>>, vector<16xf32>,
      %mul3A_974 = arith.mulf %get3A_973, %get3A_15 : vector<16xf32>
      %add3A_975 = arith.addf %add3A_966, %mul3A_974 : vector<16xf32>
      %mul3A_976 = arith.constant 3 : i32
      %mul3A_977 = arith.muli %mul3A_976, %add3A_928 : i32
      %add3A_978 = arith.constant 2 : i32
      %add3A_979 = arith.addi %mul3A_977, %add3A_978 : i32
      %get3A_980 = arith.index_cast %add3A_979 : i32 to index
      %get3A_981 = arith.constant 16 : index
      %get3A_982 = tpu.vector_load %arg8[%get3A_980, %get3A_981] {strides = array<i32>} : memref<1536x32xf32, #tpu.memory_space<vmem>>, vector<16xf32>,
      %mul3A_983 = arith.mulf %get3A_982, %get3A_17 : vector<16xf32>
      %add3A_984 = arith.addf %add3A_975, %mul3A_983 : vector<16xf32>
      %eq3A_985 = arith.constant 13 : i32
      %eq3A_986 = vector.broadcast %eq3A_985 : i32 to vector<16xi32>
      %eq3A_987 = arith.cmpi eq, %iota3A, %eq3A_986 : vector<16xi32>
      %reduce_sum3A_988 = arith.constant true
      %reduce_sum3A_989 = vector.broadcast %reduce_sum3A_988 : i1 to vector<16xi1>
      %reduce_sum3A_990 = tpu.scan <sum>, %add3A_984 masked %reduce_sum3A_989 : vector<16xf32>, vector<16xi1> -> vector<16xf32>
      %reduce_sum3A_991 = vector.extract %reduce_sum3A_990[15] : f32 from vector<16xf32>
      %broadcast_in_dim3A_992 = vector.broadcast %reduce_sum3A_991 : f32 to vector<16xf32>
      %select_n3A_993 = arith.select %eq3A_987, %broadcast_in_dim3A_992, %select_n3A_924 : vector<16xi1>, vector<16xf32>
      %mul3A_994 = arith.constant 16 : i32
      %mul3A_995 = arith.muli %scan3A_28, %mul3A_994 : i32
      %add3A_996 = arith.constant 14 : i32
      %add3A_997 = arith.addi %mul3A_995, %add3A_996 : i32
      %broadcast_in_dim3A_998 = arith.constant 0.000000e+00 : f32
      %broadcast_in_dim3A_999 = vector.broadcast %broadcast_in_dim3A_998 : f32 to vector<16xf32>
      %mul3A_1000 = arith.constant 3 : i32
      %mul3A_1001 = arith.muli %mul3A_1000, %add3A_997 : i32
      %add3A_1002 = arith.constant 0 : i32
      %add3A_1003 = arith.addi %mul3A_1001, %add3A_1002 : i32
      %get3A_1004 = arith.index_cast %add3A_1003 : i32 to index
      %get3A_1005 = arith.constant 0 : index
      %get3A_1006 = tpu.vector_load %arg8[%get3A_1004, %get3A_1005] {strides = array<i32>} : memref<1536x32xf32, #tpu.memory_space<vmem>>, vector<16xf32>,
      %mul3A_1007 = arith.mulf %get3A_1006, %get3A_7 : vector<16xf32>
      %add3A_1008 = arith.addf %broadcast_in_dim3A_999, %mul3A_1007 : vector<16xf32>
      %mul3A_1009 = arith.constant 3 : i32
      %mul3A_1010 = arith.muli %mul3A_1009, %add3A_997 : i32
      %add3A_1011 = arith.constant 0 : i32
      %add3A_1012 = arith.addi %mul3A_1010, %add3A_1011 : i32
      %get3A_1013 = arith.index_cast %add3A_1012 : i32 to index
      %get3A_1014 = arith.constant 16 : index
      %get3A_1015 = tpu.vector_load %arg8[%get3A_1013, %get3A_1014] {strides = array<i32>} : memref<1536x32xf32, #tpu.memory_space<vmem>>, vector<16xf32>,
      %mul3A_1016 = arith.mulf %get3A_1015, %get3A_9 : vector<16xf32>
      %add3A_1017 = arith.addf %add3A_1008, %mul3A_1016 : vector<16xf32>
      %mul3A_1018 = arith.constant 3 : i32
      %mul3A_1019 = arith.muli %mul3A_1018, %add3A_997 : i32
      %add3A_1020 = arith.constant 1 : i32
      %add3A_1021 = arith.addi %mul3A_1019, %add3A_1020 : i32
      %get3A_1022 = arith.index_cast %add3A_1021 : i32 to index
      %get3A_1023 = arith.constant 0 : index
      %get3A_1024 = tpu.vector_load %arg8[%get3A_1022, %get3A_1023] {strides = array<i32>} : memref<1536x32xf32, #tpu.memory_space<vmem>>, vector<16xf32>,
      %mul3A_1025 = arith.mulf %get3A_1024, %get3A_11 : vector<16xf32>
      %add3A_1026 = arith.addf %add3A_1017, %mul3A_1025 : vector<16xf32>
      %mul3A_1027 = arith.constant 3 : i32
      %mul3A_1028 = arith.muli %mul3A_1027, %add3A_997 : i32
      %add3A_1029 = arith.constant 1 : i32
      %add3A_1030 = arith.addi %mul3A_1028, %add3A_1029 : i32
      %get3A_1031 = arith.index_cast %add3A_1030 : i32 to index
      %get3A_1032 = arith.constant 16 : index
      %get3A_1033 = tpu.vector_load %arg8[%get3A_1031, %get3A_1032] {strides = array<i32>} : memref<1536x32xf32, #tpu.memory_space<vmem>>, vector<16xf32>,
      %mul3A_1034 = arith.mulf %get3A_1033, %get3A_13 : vector<16xf32>
      %add3A_1035 = arith.addf %add3A_1026, %mul3A_1034 : vector<16xf32>
      %mul3A_1036 = arith.constant 3 : i32
      %mul3A_1037 = arith.muli %mul3A_1036, %add3A_997 : i32
      %add3A_1038 = arith.constant 2 : i32
      %add3A_1039 = arith.addi %mul3A_1037, %add3A_1038 : i32
      %get3A_1040 = arith.index_cast %add3A_1039 : i32 to index
      %get3A_1041 = arith.constant 0 : index
      %get3A_1042 = tpu.vector_load %arg8[%get3A_1040, %get3A_1041] {strides = array<i32>} : memref<1536x32xf32, #tpu.memory_space<vmem>>, vector<16xf32>,
      %mul3A_1043 = arith.mulf %get3A_1042, %get3A_15 : vector<16xf32>
      %add3A_1044 = arith.addf %add3A_1035, %mul3A_1043 : vector<16xf32>
      %mul3A_1045 = arith.constant 3 : i32
      %mul3A_1046 = arith.muli %mul3A_1045, %add3A_997 : i32
      %add3A_1047 = arith.constant 2 : i32
      %add3A_1048 = arith.addi %mul3A_1046, %add3A_1047 : i32
      %get3A_1049 = arith.index_cast %add3A_1048 : i32 to index
      %get3A_1050 = arith.constant 16 : index
      %get3A_1051 = tpu.vector_load %arg8[%get3A_1049, %get3A_1050] {strides = array<i32>} : memref<1536x32xf32, #tpu.memory_space<vmem>>, vector<16xf32>,
      %mul3A_1052 = arith.mulf %get3A_1051, %get3A_17 : vector<16xf32>
      %add3A_1053 = arith.addf %add3A_1044, %mul3A_1052 : vector<16xf32>
      %eq3A_1054 = arith.constant 14 : i32
      %eq3A_1055 = vector.broadcast %eq3A_1054 : i32 to vector<16xi32>
      %eq3A_1056 = arith.cmpi eq, %iota3A, %eq3A_1055 : vector<16xi32>
      %reduce_sum3A_1057 = arith.constant true
      %reduce_sum3A_1058 = vector.broadcast %reduce_sum3A_1057 : i1 to vector<16xi1>
      %reduce_sum3A_1059 = tpu.scan <sum>, %add3A_1053 masked %reduce_sum3A_1058 : vector<16xf32>, vector<16xi1> -> vector<16xf32>
      %reduce_sum3A_1060 = vector.extract %reduce_sum3A_1059[15] : f32 from vector<16xf32>
      %broadcast_in_dim3A_1061 = vector.broadcast %reduce_sum3A_1060 : f32 to vector<16xf32>
      %select_n3A_1062 = arith.select %eq3A_1056, %broadcast_in_dim3A_1061, %select_n3A_993 : vector<16xi1>, vector<16xf32>
      %mul3A_1063 = arith.constant 16 : i32
      %mul3A_1064 = arith.muli %scan3A_28, %mul3A_1063 : i32
      %add3A_1065 = arith.constant 15 : i32
      %add3A_1066 = arith.addi %mul3A_1064, %add3A_1065 : i32
      %broadcast_in_dim3A_1067 = arith.constant 0.000000e+00 : f32
      %broadcast_in_dim3A_1068 = vector.broadcast %broadcast_in_dim3A_1067 : f32 to vector<16xf32>
      %mul3A_1069 = arith.constant 3 : i32
      %mul3A_1070 = arith.muli %mul3A_1069, %add3A_1066 : i32
      %add3A_1071 = arith.constant 0 : i32
      %add3A_1072 = arith.addi %mul3A_1070, %add3A_1071 : i32
      %get3A_1073 = arith.index_cast %add3A_1072 : i32 to index
      %get3A_1074 = arith.constant 0 : index
      %get3A_1075 = tpu.vector_load %arg8[%get3A_1073, %get3A_1074] {strides = array<i32>} : memref<1536x32xf32, #tpu.memory_space<vmem>>, vector<16xf32>,
      %mul3A_1076 = arith.mulf %get3A_1075, %get3A_7 : vector<16xf32>
      %add3A_1077 = arith.addf %broadcast_in_dim3A_1068, %mul3A_1076 : vector<16xf32>
      %mul3A_1078 = arith.constant 3 : i32
      %mul3A_1079 = arith.muli %mul3A_1078, %add3A_1066 : i32
      %add3A_1080 = arith.constant 0 : i32
      %add3A_1081 = arith.addi %mul3A_1079, %add3A_1080 : i32
      %get3A_1082 = arith.index_cast %add3A_1081 : i32 to index
      %get3A_1083 = arith.constant 16 : index
      %get3A_1084 = tpu.vector_load %arg8[%get3A_1082, %get3A_1083] {strides = array<i32>} : memref<1536x32xf32, #tpu.memory_space<vmem>>, vector<16xf32>,
      %mul3A_1085 = arith.mulf %get3A_1084, %get3A_9 : vector<16xf32>
      %add3A_1086 = arith.addf %add3A_1077, %mul3A_1085 : vector<16xf32>
      %mul3A_1087 = arith.constant 3 : i32
      %mul3A_1088 = arith.muli %mul3A_1087, %add3A_1066 : i32
      %add3A_1089 = arith.constant 1 : i32
      %add3A_1090 = arith.addi %mul3A_1088, %add3A_1089 : i32
      %get3A_1091 = arith.index_cast %add3A_1090 : i32 to index
      %get3A_1092 = arith.constant 0 : index
      %get3A_1093 = tpu.vector_load %arg8[%get3A_1091, %get3A_1092] {strides = array<i32>} : memref<1536x32xf32, #tpu.memory_space<vmem>>, vector<16xf32>,
      %mul3A_1094 = arith.mulf %get3A_1093, %get3A_11 : vector<16xf32>
      %add3A_1095 = arith.addf %add3A_1086, %mul3A_1094 : vector<16xf32>
      %mul3A_1096 = arith.constant 3 : i32
      %mul3A_1097 = arith.muli %mul3A_1096, %add3A_1066 : i32
      %add3A_1098 = arith.constant 1 : i32
      %add3A_1099 = arith.addi %mul3A_1097, %add3A_1098 : i32
      %get3A_1100 = arith.index_cast %add3A_1099 : i32 to index
      %get3A_1101 = arith.constant 16 : index
      %get3A_1102 = tpu.vector_load %arg8[%get3A_1100, %get3A_1101] {strides = array<i32>} : memref<1536x32xf32, #tpu.memory_space<vmem>>, vector<16xf32>,
      %mul3A_1103 = arith.mulf %get3A_1102, %get3A_13 : vector<16xf32>
      %add3A_1104 = arith.addf %add3A_1095, %mul3A_1103 : vector<16xf32>
      %mul3A_1105 = arith.constant 3 : i32
      %mul3A_1106 = arith.muli %mul3A_1105, %add3A_1066 : i32
      %add3A_1107 = arith.constant 2 : i32
      %add3A_1108 = arith.addi %mul3A_1106, %add3A_1107 : i32
      %get3A_1109 = arith.index_cast %add3A_1108 : i32 to index
      %get3A_1110 = arith.constant 0 : index
      %get3A_1111 = tpu.vector_load %arg8[%get3A_1109, %get3A_1110] {strides = array<i32>} : memref<1536x32xf32, #tpu.memory_space<vmem>>, vector<16xf32>,
      %mul3A_1112 = arith.mulf %get3A_1111, %get3A_15 : vector<16xf32>
      %add3A_1113 = arith.addf %add3A_1104, %mul3A_1112 : vector<16xf32>
      %mul3A_1114 = arith.constant 3 : i32
      %mul3A_1115 = arith.muli %mul3A_1114, %add3A_1066 : i32
      %add3A_1116 = arith.constant 2 : i32
      %add3A_1117 = arith.addi %mul3A_1115, %add3A_1116 : i32
      %get3A_1118 = arith.index_cast %add3A_1117 : i32 to index
      %get3A_1119 = arith.constant 16 : index
      %get3A_1120 = tpu.vector_load %arg8[%get3A_1118, %get3A_1119] {strides = array<i32>} : memref<1536x32xf32, #tpu.memory_space<vmem>>, vector<16xf32>,
      %mul3A_1121 = arith.mulf %get3A_1120, %get3A_17 : vector<16xf32>
      %add3A_1122 = arith.addf %add3A_1113, %mul3A_1121 : vector<16xf32>
      %eq3A_1123 = arith.constant 15 : i32
      %eq3A_1124 = vector.broadcast %eq3A_1123 : i32 to vector<16xi32>
      %eq3A_1125 = arith.cmpi eq, %iota3A, %eq3A_1124 : vector<16xi32>
      %reduce_sum3A_1126 = arith.constant true
      %reduce_sum3A_1127 = vector.broadcast %reduce_sum3A_1126 : i1 to vector<16xi1>
      %reduce_sum3A_1128 = tpu.scan <sum>, %add3A_1122 masked %reduce_sum3A_1127 : vector<16xf32>, vector<16xi1> -> vector<16xf32>
      %reduce_sum3A_1129 = vector.extract %reduce_sum3A_1128[15] : f32 from vector<16xf32>
      %broadcast_in_dim3A_1130 = vector.broadcast %reduce_sum3A_1129 : f32 to vector<16xf32>
      %select_n3A_1131 = arith.select %eq3A_1125, %broadcast_in_dim3A_1130, %select_n3A_1062 : vector<16xi1>, vector<16xf32>
      %add3A_1132 = arith.addf %select_n3A_1131, %get3A_19 : vector<16xf32>
      %mul3A_1133 = arith.constant 16 : i32
      %mul3A_1134 = arith.muli %scan3A_28, %mul3A_1133 : i32
      %swap3A = arith.index_cast %mul3A_1134 : i32 to index
      %swap3A_1135 = tpu.vector_load %arg11[%swap3A] {strides = array<i32>} : memref<512xf32, #tpu.memory_space<vmem>>, vector<16xf32>,
      tpu.vector_store %arg11[%swap3A], %add3A_1132 {strides = array<i32>} : memref<512xf32, #tpu.memory_space<vmem>>, vector<16xf32>,
      %scan3A_1136 = arith.constant 0 : i32
      scf.yield %scan3A_1136 : i32
    }
    %scan3A_25 = arith.constant 32 : i32
    %mul3A_26 = arith.constant 512 : i32
    %mul3A_27 = arith.muli %add3A, %mul3A_26 : i32
    "tpu.region"() ({
      %run_scoped3A = tpu.sem_alloc : memref<!tpu.dma_semaphore, #tpu.memory_space<semaphore_mem>>
      %dma_start3A_28 = tpu.memref_slice %arg6[%mul3A_27] : memref<16384xf32, #tpu.memory_space<hbm>> -> memref<512xf32, #tpu.memory_space<hbm>>
      %dma_start3A_29 = tpu.memref_slice %arg6[%mul3A_27] : memref<16384xf32, #tpu.memory_space<hbm>> -> memref<512xf32, #tpu.memory_space<hbm>>
      tpu.enqueue_dma source(%arg11 : memref<512xf32, #tpu.memory_space<vmem>>) target(%dma_start3A_29 : memref<512xf32, #tpu.memory_space<hbm>>) target_semaphore(%run_scoped3A : memref<!tpu.dma_semaphore, #tpu.memory_space<semaphore_mem>>)
      %dma_wait3A_30 = tpu.memref_slice %arg6[%mul3A_27] : memref<16384xf32, #tpu.memory_space<hbm>> -> memref<512xf32, #tpu.memory_space<hbm>>
      %dma_wait3A_31 = tpu.memref_slice %arg6[%mul3A_27] : memref<16384xf32, #tpu.memory_space<hbm>> -> memref<512xf32, #tpu.memory_space<hbm>>
      tpu.wait_dma2 semaphore(%run_scoped3A : memref<!tpu.dma_semaphore, #tpu.memory_space<semaphore_mem>>) src(%arg11 : memref<512xf32, #tpu.memory_space<vmem>>) dst(%dma_wait3A_31 : memref<512xf32, #tpu.memory_space<hbm>>)
      tpu.yield
    }) : () -> ()
    return
  }
}

#map = affine_map<(d0, d1) -> (0, 0)>
#map1 = affine_map<(d0, d1) -> (0)>
module attributes {stable_mosaic.version = 14 : i64} {
  func.func @body(%arg0: i32, %arg1: i32, %arg2: memref<50000x16xf32, #tpu.memory_space<hbm>>, %arg3: memref<50000x16xf32, #tpu.memory_space<hbm>>, %arg4: memref<800000xi32, #tpu.memory_space<hbm>>, %arg5: memref<800000xi32, #tpu.memory_space<hbm>>, %arg6: memref<100096x16xf32, #tpu.memory_space<hbm>>, %arg7: memref<50048x16xf32, #tpu.memory_space<vmem_shared>>, %arg8: memref<1000xi32, #tpu.memory_space<vmem>>, %arg9: memref<1000xi32, #tpu.memory_space<vmem>>, %arg10: memref<1000xi32, #tpu.memory_space<vmem>>, %arg11: memref<1000xi32, #tpu.memory_space<vmem>>, %arg12: memref<1000x16xf32, #tpu.memory_space<vmem>>, %arg13: memref<1000x16xf32, #tpu.memory_space<vmem>>, %arg14: memref<!tpu.dma_semaphore, #tpu.memory_space<semaphore_mem>>, %arg15: memref<!tpu.dma_semaphore, #tpu.memory_space<semaphore_mem>>, %arg16: memref<!tpu.dma_semaphore, #tpu.memory_space<semaphore_mem>>, %arg17: memref<!tpu.dma_semaphore, #tpu.memory_space<semaphore_mem>>) attributes {dimension_semantics = [#tpu.dimension_semantics<core_parallel>, #tpu.dimension_semantics<subcore_parallel>], iteration_bounds = array<i64: 2, 16>, scalar_prefetch = 0 : i64, scratch_operands = 11 : i64, tpu.core_type = #tpu.core_type<sc_vector_subcore>, window_params = [{transform_indices = #map}, {transform_indices = #map}, {transform_indices = #map1}, {transform_indices = #map1}, {transform_indices = #map}]} {
    %mul3A = arith.constant 3128 : i32
    %mul3A_0 = arith.muli %arg1, %mul3A : i32
    %mul3A_1 = arith.constant 50000 : i32
    %mul3A_2 = arith.muli %arg1, %mul3A_1 : i32
    %scan3A = arith.constant 0 : i32
    %scan3A_3 = arith.constant 0 : i32
    %scan3A_4 = arith.constant 1000 : i32
    %scan3A_5 = arith.addi %scan3A_3, %scan3A_4 : i32
    %scan3A_6 = arith.constant 1 : i32
    %scan3A_7 = scf.for %scan3A_31 = %scan3A_3 to %scan3A_5 step %scan3A_6 iter_args(%scan3A_32 = %scan3A) -> (i32)  : i32 {
      %broadcast_in_dim3A = arith.constant 0.000000e+00 : f32
      %broadcast_in_dim3A_33 = vector.broadcast %broadcast_in_dim3A : f32 to vector<16xf32>
      %swap3A = arith.index_cast %scan3A_31 : i32 to index
      %swap3A_34 = arith.constant 0 : index
      %swap3A_35 = tpu.vector_load %arg12[%swap3A, %swap3A_34] {strides = array<i32>} : memref<1000x16xf32, #tpu.memory_space<vmem>>, vector<1x16xf32>,
      %swap3A_36 = vector.shape_cast %swap3A_35 : vector<1x16xf32> to vector<16xf32>
      %swap3A_37 = vector.shape_cast %broadcast_in_dim3A_33 : vector<16xf32> to vector<1x16xf32>
      tpu.vector_store %arg12[%swap3A, %swap3A_34], %swap3A_37 {strides = array<i32>} : memref<1000x16xf32, #tpu.memory_space<vmem>>, vector<1x16xf32>,
      %scan3A_38 = arith.constant 0 : i32
      scf.yield %scan3A_38 : i32
    }
    %scan3A_8 = arith.constant 1000 : i32
    %add3A = arith.constant 0 : i32
    %add3A_9 = arith.addi %mul3A_0, %add3A : i32
    "tpu.region"() ({
      %run_scoped3A = tpu.sem_alloc : memref<!tpu.dma_semaphore, #tpu.memory_space<semaphore_mem>>
      %dma_start3A = arith.constant 0 : i32
      %dma_start3A_31 = tpu.memref_slice %arg7[%add3A_9, %dma_start3A] : memref<50048x16xf32, #tpu.memory_space<vmem_shared>> -> memref<1000x16xf32, #tpu.memory_space<vmem_shared>>
      %dma_start3A_32 = arith.constant 0 : i32
      %dma_start3A_33 = tpu.memref_slice %arg7[%add3A_9, %dma_start3A_32] : memref<50048x16xf32, #tpu.memory_space<vmem_shared>> -> memref<1000x16xf32, #tpu.memory_space<vmem_shared>>
      tpu.enqueue_dma source(%arg12 : memref<1000x16xf32, #tpu.memory_space<vmem>>) target(%dma_start3A_33 : memref<1000x16xf32, #tpu.memory_space<vmem_shared>>) target_semaphore(%run_scoped3A : memref<!tpu.dma_semaphore, #tpu.memory_space<semaphore_mem>>)
      %dma_wait3A = arith.constant 0 : i32
      %dma_wait3A_34 = tpu.memref_slice %arg7[%add3A_9, %dma_wait3A] : memref<50048x16xf32, #tpu.memory_space<vmem_shared>> -> memref<1000x16xf32, #tpu.memory_space<vmem_shared>>
      %dma_wait3A_35 = arith.constant 0 : i32
      %dma_wait3A_36 = tpu.memref_slice %arg7[%add3A_9, %dma_wait3A_35] : memref<50048x16xf32, #tpu.memory_space<vmem_shared>> -> memref<1000x16xf32, #tpu.memory_space<vmem_shared>>
      tpu.wait_dma2 semaphore(%run_scoped3A : memref<!tpu.dma_semaphore, #tpu.memory_space<semaphore_mem>>) src(%arg12 : memref<1000x16xf32, #tpu.memory_space<vmem>>) dst(%dma_wait3A_36 : memref<1000x16xf32, #tpu.memory_space<vmem_shared>>)
      tpu.yield
    }) : () -> ()
    %add3A_10 = arith.constant 1000 : i32
    %add3A_11 = arith.addi %mul3A_0, %add3A_10 : i32
    "tpu.region"() ({
      %run_scoped3A = tpu.sem_alloc : memref<!tpu.dma_semaphore, #tpu.memory_space<semaphore_mem>>
      %dma_start3A = arith.constant 0 : i32
      %dma_start3A_31 = tpu.memref_slice %arg7[%add3A_11, %dma_start3A] : memref<50048x16xf32, #tpu.memory_space<vmem_shared>> -> memref<1000x16xf32, #tpu.memory_space<vmem_shared>>
      %dma_start3A_32 = arith.constant 0 : i32
      %dma_start3A_33 = tpu.memref_slice %arg7[%add3A_11, %dma_start3A_32] : memref<50048x16xf32, #tpu.memory_space<vmem_shared>> -> memref<1000x16xf32, #tpu.memory_space<vmem_shared>>
      tpu.enqueue_dma source(%arg12 : memref<1000x16xf32, #tpu.memory_space<vmem>>) target(%dma_start3A_33 : memref<1000x16xf32, #tpu.memory_space<vmem_shared>>) target_semaphore(%run_scoped3A : memref<!tpu.dma_semaphore, #tpu.memory_space<semaphore_mem>>)
      %dma_wait3A = arith.constant 0 : i32
      %dma_wait3A_34 = tpu.memref_slice %arg7[%add3A_11, %dma_wait3A] : memref<50048x16xf32, #tpu.memory_space<vmem_shared>> -> memref<1000x16xf32, #tpu.memory_space<vmem_shared>>
      %dma_wait3A_35 = arith.constant 0 : i32
      %dma_wait3A_36 = tpu.memref_slice %arg7[%add3A_11, %dma_wait3A_35] : memref<50048x16xf32, #tpu.memory_space<vmem_shared>> -> memref<1000x16xf32, #tpu.memory_space<vmem_shared>>
      tpu.wait_dma2 semaphore(%run_scoped3A : memref<!tpu.dma_semaphore, #tpu.memory_space<semaphore_mem>>) src(%arg12 : memref<1000x16xf32, #tpu.memory_space<vmem>>) dst(%dma_wait3A_36 : memref<1000x16xf32, #tpu.memory_space<vmem_shared>>)
      tpu.yield
    }) : () -> ()
    %add3A_12 = arith.constant 2000 : i32
    %add3A_13 = arith.addi %mul3A_0, %add3A_12 : i32
    "tpu.region"() ({
      %run_scoped3A = tpu.sem_alloc : memref<!tpu.dma_semaphore, #tpu.memory_space<semaphore_mem>>
      %dma_start3A = arith.constant 0 : i32
      %dma_start3A_31 = tpu.memref_slice %arg7[%add3A_13, %dma_start3A] : memref<50048x16xf32, #tpu.memory_space<vmem_shared>> -> memref<1000x16xf32, #tpu.memory_space<vmem_shared>>
      %dma_start3A_32 = arith.constant 0 : i32
      %dma_start3A_33 = tpu.memref_slice %arg7[%add3A_13, %dma_start3A_32] : memref<50048x16xf32, #tpu.memory_space<vmem_shared>> -> memref<1000x16xf32, #tpu.memory_space<vmem_shared>>
      tpu.enqueue_dma source(%arg12 : memref<1000x16xf32, #tpu.memory_space<vmem>>) target(%dma_start3A_33 : memref<1000x16xf32, #tpu.memory_space<vmem_shared>>) target_semaphore(%run_scoped3A : memref<!tpu.dma_semaphore, #tpu.memory_space<semaphore_mem>>)
      %dma_wait3A = arith.constant 0 : i32
      %dma_wait3A_34 = tpu.memref_slice %arg7[%add3A_13, %dma_wait3A] : memref<50048x16xf32, #tpu.memory_space<vmem_shared>> -> memref<1000x16xf32, #tpu.memory_space<vmem_shared>>
      %dma_wait3A_35 = arith.constant 0 : i32
      %dma_wait3A_36 = tpu.memref_slice %arg7[%add3A_13, %dma_wait3A_35] : memref<50048x16xf32, #tpu.memory_space<vmem_shared>> -> memref<1000x16xf32, #tpu.memory_space<vmem_shared>>
      tpu.wait_dma2 semaphore(%run_scoped3A : memref<!tpu.dma_semaphore, #tpu.memory_space<semaphore_mem>>) src(%arg12 : memref<1000x16xf32, #tpu.memory_space<vmem>>) dst(%dma_wait3A_36 : memref<1000x16xf32, #tpu.memory_space<vmem_shared>>)
      tpu.yield
    }) : () -> ()
    %add3A_14 = arith.constant 3000 : i32
    %add3A_15 = arith.addi %mul3A_0, %add3A_14 : i32
    "tpu.region"() ({
      %run_scoped3A = tpu.sem_alloc : memref<!tpu.dma_semaphore, #tpu.memory_space<semaphore_mem>>
      %dma_start3A = arith.constant 0 : i32
      %dma_start3A_31 = arith.constant 0 : i32
      %dma_start3A_32 = tpu.memref_slice %arg12[%dma_start3A, %dma_start3A_31] : memref<1000x16xf32, #tpu.memory_space<vmem>> -> memref<128x16xf32, #tpu.memory_space<vmem>>
      %dma_start3A_33 = arith.constant 0 : i32
      %dma_start3A_34 = tpu.memref_slice %arg7[%add3A_15, %dma_start3A_33] : memref<50048x16xf32, #tpu.memory_space<vmem_shared>> -> memref<128x16xf32, #tpu.memory_space<vmem_shared>>
      %dma_start3A_35 = arith.constant 0 : i32
      %dma_start3A_36 = tpu.memref_slice %arg7[%add3A_15, %dma_start3A_35] : memref<50048x16xf32, #tpu.memory_space<vmem_shared>> -> memref<128x16xf32, #tpu.memory_space<vmem_shared>>
      %dma_start3A_37 = arith.constant 0 : i32
      %dma_start3A_38 = arith.constant 0 : i32
      %dma_start3A_39 = tpu.memref_slice %arg12[%dma_start3A_37, %dma_start3A_38] : memref<1000x16xf32, #tpu.memory_space<vmem>> -> memref<128x16xf32, #tpu.memory_space<vmem>>
      tpu.enqueue_dma source(%dma_start3A_39 : memref<128x16xf32, #tpu.memory_space<vmem>>) target(%dma_start3A_36 : memref<128x16xf32, #tpu.memory_space<vmem_shared>>) target_semaphore(%run_scoped3A : memref<!tpu.dma_semaphore, #tpu.memory_space<semaphore_mem>>)
      %dma_wait3A = arith.constant 0 : i32
      %dma_wait3A_40 = arith.constant 0 : i32
      %dma_wait3A_41 = tpu.memref_slice %arg12[%dma_wait3A, %dma_wait3A_40] : memref<1000x16xf32, #tpu.memory_space<vmem>> -> memref<128x16xf32, #tpu.memory_space<vmem>>
      %dma_wait3A_42 = arith.constant 0 : i32
      %dma_wait3A_43 = tpu.memref_slice %arg7[%add3A_15, %dma_wait3A_42] : memref<50048x16xf32, #tpu.memory_space<vmem_shared>> -> memref<128x16xf32, #tpu.memory_space<vmem_shared>>
      %dma_wait3A_44 = arith.constant 0 : i32
      %dma_wait3A_45 = tpu.memref_slice %arg7[%add3A_15, %dma_wait3A_44] : memref<50048x16xf32, #tpu.memory_space<vmem_shared>> -> memref<128x16xf32, #tpu.memory_space<vmem_shared>>
      %dma_wait3A_46 = arith.constant 0 : i32
      %dma_wait3A_47 = arith.constant 0 : i32
      %dma_wait3A_48 = tpu.memref_slice %arg12[%dma_wait3A_46, %dma_wait3A_47] : memref<1000x16xf32, #tpu.memory_space<vmem>> -> memref<128x16xf32, #tpu.memory_space<vmem>>
      tpu.wait_dma2 semaphore(%run_scoped3A : memref<!tpu.dma_semaphore, #tpu.memory_space<semaphore_mem>>) src(%dma_wait3A_48 : memref<128x16xf32, #tpu.memory_space<vmem>>) dst(%dma_wait3A_45 : memref<128x16xf32, #tpu.memory_space<vmem_shared>>)
      tpu.yield
    }) : () -> ()
    %barrier3A = arith.constant 0 : index
    tpu.barrier barrier_id(%barrier3A)
    %eq3A = arith.constant 0 : i32
    %eq3A_16 = arith.cmpi eq, %arg0, %eq3A : i32
    %convert_element_type3A = arith.extui %eq3A_16 : i1 to i32
    %cond3A = arith.constant 0 : i32
    %cond3A_17 = arith.cmpi ne, %convert_element_type3A, %cond3A : i32
    scf.if %cond3A_17 {
      %add3A_31 = arith.constant 0 : i32
      %add3A_32 = arith.addi %mul3A_2, %add3A_31 : i32
      "tpu.region"() ({
        %run_scoped3A = tpu.sem_alloc : memref<!tpu.dma_semaphore, #tpu.memory_space<semaphore_mem>>
        %dma_start3A_49 = tpu.memref_slice %arg4[%add3A_32] : memref<800000xi32, #tpu.memory_space<hbm>> -> memref<1000xi32, #tpu.memory_space<hbm>>
        %dma_start3A_50 = tpu.memref_slice %arg4[%add3A_32] : memref<800000xi32, #tpu.memory_space<hbm>> -> memref<1000xi32, #tpu.memory_space<hbm>>
        tpu.enqueue_dma source(%dma_start3A_50 : memref<1000xi32, #tpu.memory_space<hbm>>) target(%arg8 : memref<1000xi32, #tpu.memory_space<vmem>>) target_semaphore(%run_scoped3A : memref<!tpu.dma_semaphore, #tpu.memory_space<semaphore_mem>>)
        %dma_wait3A = tpu.memref_slice %arg4[%add3A_32] : memref<800000xi32, #tpu.memory_space<hbm>> -> memref<1000xi32, #tpu.memory_space<hbm>>
        %dma_wait3A_51 = tpu.memref_slice %arg4[%add3A_32] : memref<800000xi32, #tpu.memory_space<hbm>> -> memref<1000xi32, #tpu.memory_space<hbm>>
        tpu.wait_dma2 semaphore(%run_scoped3A : memref<!tpu.dma_semaphore, #tpu.memory_space<semaphore_mem>>) src(%dma_wait3A_51 : memref<1000xi32, #tpu.memory_space<hbm>>) dst(%arg8 : memref<1000xi32, #tpu.memory_space<vmem>>)
        tpu.yield
      }) : () -> ()
      %add3A_33 = arith.constant 0 : i32
      %add3A_34 = arith.addi %mul3A_2, %add3A_33 : i32
      "tpu.region"() ({
        %run_scoped3A = tpu.sem_alloc : memref<!tpu.dma_semaphore, #tpu.memory_space<semaphore_mem>>
        %dma_start3A_49 = tpu.memref_slice %arg5[%add3A_34] : memref<800000xi32, #tpu.memory_space<hbm>> -> memref<1000xi32, #tpu.memory_space<hbm>>
        %dma_start3A_50 = tpu.memref_slice %arg5[%add3A_34] : memref<800000xi32, #tpu.memory_space<hbm>> -> memref<1000xi32, #tpu.memory_space<hbm>>
        tpu.enqueue_dma source(%dma_start3A_50 : memref<1000xi32, #tpu.memory_space<hbm>>) target(%arg10 : memref<1000xi32, #tpu.memory_space<vmem>>) target_semaphore(%run_scoped3A : memref<!tpu.dma_semaphore, #tpu.memory_space<semaphore_mem>>)
        %dma_wait3A = tpu.memref_slice %arg5[%add3A_34] : memref<800000xi32, #tpu.memory_space<hbm>> -> memref<1000xi32, #tpu.memory_space<hbm>>
        %dma_wait3A_51 = tpu.memref_slice %arg5[%add3A_34] : memref<800000xi32, #tpu.memory_space<hbm>> -> memref<1000xi32, #tpu.memory_space<hbm>>
        tpu.wait_dma2 semaphore(%run_scoped3A : memref<!tpu.dma_semaphore, #tpu.memory_space<semaphore_mem>>) src(%dma_wait3A_51 : memref<1000xi32, #tpu.memory_space<hbm>>) dst(%arg10 : memref<1000xi32, #tpu.memory_space<vmem>>)
        tpu.yield
      }) : () -> ()
      %dma_start3A = arith.constant 0 : i32
      %dma_start3A_35 = arith.constant 0 : i32
      %dma_start3A_36 = tpu.memref_slice %arg2[%dma_start3A, %dma_start3A_35] : memref<50000x16xf32, #tpu.memory_space<hbm>> -> memref<50000x16xf32, #tpu.memory_space<hbm>>
      tpu.enqueue_indirect_dma source(%dma_start3A_36 : memref<50000x16xf32, #tpu.memory_space<hbm>>) target(%arg12 : memref<1000x16xf32, #tpu.memory_space<vmem>>) offsets(%arg8 : memref<1000xi32, #tpu.memory_space<vmem>>) semaphore(%arg14 : memref<!tpu.dma_semaphore, #tpu.memory_space<semaphore_mem>>)
      %add3A_37 = arith.constant 1000 : i32
      %add3A_38 = arith.addi %mul3A_2, %add3A_37 : i32
      "tpu.region"() ({
        %run_scoped3A = tpu.sem_alloc : memref<!tpu.dma_semaphore, #tpu.memory_space<semaphore_mem>>
        %dma_start3A_49 = tpu.memref_slice %arg4[%add3A_38] : memref<800000xi32, #tpu.memory_space<hbm>> -> memref<1000xi32, #tpu.memory_space<hbm>>
        %dma_start3A_50 = tpu.memref_slice %arg4[%add3A_38] : memref<800000xi32, #tpu.memory_space<hbm>> -> memref<1000xi32, #tpu.memory_space<hbm>>
        tpu.enqueue_dma source(%dma_start3A_50 : memref<1000xi32, #tpu.memory_space<hbm>>) target(%arg9 : memref<1000xi32, #tpu.memory_space<vmem>>) target_semaphore(%run_scoped3A : memref<!tpu.dma_semaphore, #tpu.memory_space<semaphore_mem>>)
        %dma_wait3A = tpu.memref_slice %arg4[%add3A_38] : memref<800000xi32, #tpu.memory_space<hbm>> -> memref<1000xi32, #tpu.memory_space<hbm>>
        %dma_wait3A_51 = tpu.memref_slice %arg4[%add3A_38] : memref<800000xi32, #tpu.memory_space<hbm>> -> memref<1000xi32, #tpu.memory_space<hbm>>
        tpu.wait_dma2 semaphore(%run_scoped3A : memref<!tpu.dma_semaphore, #tpu.memory_space<semaphore_mem>>) src(%dma_wait3A_51 : memref<1000xi32, #tpu.memory_space<hbm>>) dst(%arg9 : memref<1000xi32, #tpu.memory_space<vmem>>)
        tpu.yield
      }) : () -> ()
      %add3A_39 = arith.constant 1000 : i32
      %add3A_40 = arith.addi %mul3A_2, %add3A_39 : i32
      "tpu.region"() ({
        %run_scoped3A = tpu.sem_alloc : memref<!tpu.dma_semaphore, #tpu.memory_space<semaphore_mem>>
        %dma_start3A_49 = tpu.memref_slice %arg5[%add3A_40] : memref<800000xi32, #tpu.memory_space<hbm>> -> memref<1000xi32, #tpu.memory_space<hbm>>
        %dma_start3A_50 = tpu.memref_slice %arg5[%add3A_40] : memref<800000xi32, #tpu.memory_space<hbm>> -> memref<1000xi32, #tpu.memory_space<hbm>>
        tpu.enqueue_dma source(%dma_start3A_50 : memref<1000xi32, #tpu.memory_space<hbm>>) target(%arg11 : memref<1000xi32, #tpu.memory_space<vmem>>) target_semaphore(%run_scoped3A : memref<!tpu.dma_semaphore, #tpu.memory_space<semaphore_mem>>)
        %dma_wait3A = tpu.memref_slice %arg5[%add3A_40] : memref<800000xi32, #tpu.memory_space<hbm>> -> memref<1000xi32, #tpu.memory_space<hbm>>
        %dma_wait3A_51 = tpu.memref_slice %arg5[%add3A_40] : memref<800000xi32, #tpu.memory_space<hbm>> -> memref<1000xi32, #tpu.memory_space<hbm>>
        tpu.wait_dma2 semaphore(%run_scoped3A : memref<!tpu.dma_semaphore, #tpu.memory_space<semaphore_mem>>) src(%dma_wait3A_51 : memref<1000xi32, #tpu.memory_space<hbm>>) dst(%arg11 : memref<1000xi32, #tpu.memory_space<vmem>>)
        tpu.yield
      }) : () -> ()
      %dma_start3A_41 = arith.constant 0 : i32
      %dma_start3A_42 = arith.constant 0 : i32
      %dma_start3A_43 = tpu.memref_slice %arg2[%dma_start3A_41, %dma_start3A_42] : memref<50000x16xf32, #tpu.memory_space<hbm>> -> memref<50000x16xf32, #tpu.memory_space<hbm>>
      tpu.enqueue_indirect_dma source(%dma_start3A_43 : memref<50000x16xf32, #tpu.memory_space<hbm>>) target(%arg13 : memref<1000x16xf32, #tpu.memory_space<vmem>>) offsets(%arg9 : memref<1000xi32, #tpu.memory_space<vmem>>) semaphore(%arg15 : memref<!tpu.dma_semaphore, #tpu.memory_space<semaphore_mem>>)
      %scan3A_44 = arith.constant 0 : i32
      %scan3A_45 = arith.constant 25 : i32
      %scan3A_46 = arith.addi %scan3A_44, %scan3A_45 : i32
      %scan3A_47 = arith.constant 1 : i32
      scf.for %scan3A_49 = %scan3A_44 to %scan3A_46 step %scan3A_47  : i32 {
        %mul3A_50 = arith.constant 2 : i32
        %mul3A_51 = arith.muli %scan3A_49, %mul3A_50 : i32
        %add3A_52 = arith.constant 0 : i32
        %add3A_53 = arith.addi %add3A_52, %mul3A_51 : i32
        %add3A_54 = arith.constant 0 : i32
        %add3A_55 = arith.addi %add3A_53, %add3A_54 : i32
        %dma_wait3A = arith.constant 0 : i32
        %dma_wait3A_56 = arith.constant 0 : i32
        %dma_wait3A_57 = tpu.memref_slice %arg2[%dma_wait3A, %dma_wait3A_56] : memref<50000x16xf32, #tpu.memory_space<hbm>> -> memref<1000x16xf32, #tpu.memory_space<hbm>>
        %dma_wait3A_58 = arith.constant 0 : i32
        %dma_wait3A_59 = arith.constant 0 : i32
        %dma_wait3A_60 = tpu.memref_slice %arg2[%dma_wait3A_58, %dma_wait3A_59] : memref<50000x16xf32, #tpu.memory_space<hbm>> -> memref<1000x16xf32, #tpu.memory_space<hbm>>
        tpu.wait_dma2 semaphore(%arg14 : memref<!tpu.dma_semaphore, #tpu.memory_space<semaphore_mem>>) src(%dma_wait3A_60 : memref<1000x16xf32, #tpu.memory_space<hbm>>) dst(%arg12 : memref<1000x16xf32, #tpu.memory_space<vmem>>)
        %dma_start3A_61 = arith.constant 0 : i32
        %dma_start3A_62 = arith.constant 0 : i32
        %dma_start3A_63 = tpu.memref_slice %arg7[%dma_start3A_61, %dma_start3A_62] : memref<50048x16xf32, #tpu.memory_space<vmem_shared>> -> memref<50048x16xf32, #tpu.memory_space<vmem_shared>>
        tpu.enqueue_indirect_dma source(%arg12 : memref<1000x16xf32, #tpu.memory_space<vmem>>) target(%dma_start3A_63 : memref<50048x16xf32, #tpu.memory_space<vmem_shared>>) offsets(%arg10 : memref<1000xi32, #tpu.memory_space<vmem>>) semaphore(%arg16 : memref<!tpu.dma_semaphore, #tpu.memory_space<semaphore_mem>>) {add = true}
        %add3A_64 = arith.constant 2 : i32
        %add3A_65 = arith.addi %add3A_55, %add3A_64 : i32
        %lt3A = arith.constant 50 : i32
        %lt3A_66 = arith.cmpi slt, %add3A_65, %lt3A : i32
        %convert_element_type3A_67 = arith.extui %lt3A_66 : i1 to i32
        %cond3A_68 = arith.constant 0 : i32
        %cond3A_69 = arith.cmpi ne, %convert_element_type3A_67, %cond3A_68 : i32
        scf.if %cond3A_69 {
          %add3A_108 = arith.constant 2 : i32
          %add3A_109 = arith.addi %add3A_55, %add3A_108 : i32
          %mul3A_110 = arith.constant 1000 : i32
          %mul3A_111 = arith.muli %add3A_109, %mul3A_110 : i32
          %add3A_112 = arith.addi %mul3A_2, %mul3A_111 : i32
          "tpu.region"() ({
            %run_scoped3A = tpu.sem_alloc : memref<!tpu.dma_semaphore, #tpu.memory_space<semaphore_mem>>
            %dma_start3A_113 = tpu.memref_slice %arg4[%add3A_112] : memref<800000xi32, #tpu.memory_space<hbm>> -> memref<1000xi32, #tpu.memory_space<hbm>>
            %dma_start3A_114 = tpu.memref_slice %arg4[%add3A_112] : memref<800000xi32, #tpu.memory_space<hbm>> -> memref<1000xi32, #tpu.memory_space<hbm>>
            tpu.enqueue_dma source(%dma_start3A_114 : memref<1000xi32, #tpu.memory_space<hbm>>) target(%arg8 : memref<1000xi32, #tpu.memory_space<vmem>>) target_semaphore(%run_scoped3A : memref<!tpu.dma_semaphore, #tpu.memory_space<semaphore_mem>>)
            %dma_wait3A_115 = tpu.memref_slice %arg4[%add3A_112] : memref<800000xi32, #tpu.memory_space<hbm>> -> memref<1000xi32, #tpu.memory_space<hbm>>
            %dma_wait3A_116 = tpu.memref_slice %arg4[%add3A_112] : memref<800000xi32, #tpu.memory_space<hbm>> -> memref<1000xi32, #tpu.memory_space<hbm>>
            tpu.wait_dma2 semaphore(%run_scoped3A : memref<!tpu.dma_semaphore, #tpu.memory_space<semaphore_mem>>) src(%dma_wait3A_116 : memref<1000xi32, #tpu.memory_space<hbm>>) dst(%arg8 : memref<1000xi32, #tpu.memory_space<vmem>>)
            tpu.yield
          }) : () -> ()
        } else {
        }
        %dma_wait3A_70 = arith.constant 0 : i32
        %dma_wait3A_71 = arith.constant 0 : i32
        %dma_wait3A_72 = tpu.memref_slice %arg7[%dma_wait3A_70, %dma_wait3A_71] : memref<50048x16xf32, #tpu.memory_space<vmem_shared>> -> memref<50048x16xf32, #tpu.memory_space<vmem_shared>>
        tpu.wait_indirect_dma semaphore(%arg16 : memref<!tpu.dma_semaphore, #tpu.memory_space<semaphore_mem>>) src(%arg12 : memref<1000x16xf32, #tpu.memory_space<vmem>>) dst(%dma_wait3A_72 : memref<50048x16xf32, #tpu.memory_space<vmem_shared>>)
        %add3A_73 = arith.constant 2 : i32
        %add3A_74 = arith.addi %add3A_55, %add3A_73 : i32
        %lt3A_75 = arith.constant 50 : i32
        %lt3A_76 = arith.cmpi slt, %add3A_74, %lt3A_75 : i32
        %convert_element_type3A_77 = arith.extui %lt3A_76 : i1 to i32
        %cond3A_78 = arith.constant 0 : i32
        %cond3A_79 = arith.cmpi ne, %convert_element_type3A_77, %cond3A_78 : i32
        scf.if %cond3A_79 {
          %add3A_108 = arith.constant 2 : i32
          %add3A_109 = arith.addi %add3A_55, %add3A_108 : i32
          %mul3A_110 = arith.constant 1000 : i32
          %mul3A_111 = arith.muli %add3A_109, %mul3A_110 : i32
          %add3A_112 = arith.addi %mul3A_2, %mul3A_111 : i32
          "tpu.region"() ({
            %run_scoped3A = tpu.sem_alloc : memref<!tpu.dma_semaphore, #tpu.memory_space<semaphore_mem>>
            %dma_start3A_116 = tpu.memref_slice %arg5[%add3A_112] : memref<800000xi32, #tpu.memory_space<hbm>> -> memref<1000xi32, #tpu.memory_space<hbm>>
            %dma_start3A_117 = tpu.memref_slice %arg5[%add3A_112] : memref<800000xi32, #tpu.memory_space<hbm>> -> memref<1000xi32, #tpu.memory_space<hbm>>
            tpu.enqueue_dma source(%dma_start3A_117 : memref<1000xi32, #tpu.memory_space<hbm>>) target(%arg10 : memref<1000xi32, #tpu.memory_space<vmem>>) target_semaphore(%run_scoped3A : memref<!tpu.dma_semaphore, #tpu.memory_space<semaphore_mem>>)
            %dma_wait3A_118 = tpu.memref_slice %arg5[%add3A_112] : memref<800000xi32, #tpu.memory_space<hbm>> -> memref<1000xi32, #tpu.memory_space<hbm>>
            %dma_wait3A_119 = tpu.memref_slice %arg5[%add3A_112] : memref<800000xi32, #tpu.memory_space<hbm>> -> memref<1000xi32, #tpu.memory_space<hbm>>
            tpu.wait_dma2 semaphore(%run_scoped3A : memref<!tpu.dma_semaphore, #tpu.memory_space<semaphore_mem>>) src(%dma_wait3A_119 : memref<1000xi32, #tpu.memory_space<hbm>>) dst(%arg10 : memref<1000xi32, #tpu.memory_space<vmem>>)
            tpu.yield
          }) : () -> ()
          %dma_start3A_113 = arith.constant 0 : i32
          %dma_start3A_114 = arith.constant 0 : i32
          %dma_start3A_115 = tpu.memref_slice %arg2[%dma_start3A_113, %dma_start3A_114] : memref<50000x16xf32, #tpu.memory_space<hbm>> -> memref<50000x16xf32, #tpu.memory_space<hbm>>
          tpu.enqueue_indirect_dma source(%dma_start3A_115 : memref<50000x16xf32, #tpu.memory_space<hbm>>) target(%arg12 : memref<1000x16xf32, #tpu.memory_space<vmem>>) offsets(%arg8 : memref<1000xi32, #tpu.memory_space<vmem>>) semaphore(%arg14 : memref<!tpu.dma_semaphore, #tpu.memory_space<semaphore_mem>>)
        } else {
        }
        %add3A_80 = arith.constant 1 : i32
        %add3A_81 = arith.addi %add3A_53, %add3A_80 : i32
        %dma_wait3A_82 = arith.constant 0 : i32
        %dma_wait3A_83 = arith.constant 0 : i32
        %dma_wait3A_84 = tpu.memref_slice %arg2[%dma_wait3A_82, %dma_wait3A_83] : memref<50000x16xf32, #tpu.memory_space<hbm>> -> memref<1000x16xf32, #tpu.memory_space<hbm>>
        %dma_wait3A_85 = arith.constant 0 : i32
        %dma_wait3A_86 = arith.constant 0 : i32
        %dma_wait3A_87 = tpu.memref_slice %arg2[%dma_wait3A_85, %dma_wait3A_86] : memref<50000x16xf32, #tpu.memory_space<hbm>> -> memref<1000x16xf32, #tpu.memory_space<hbm>>
        tpu.wait_dma2 semaphore(%arg15 : memref<!tpu.dma_semaphore, #tpu.memory_space<semaphore_mem>>) src(%dma_wait3A_87 : memref<1000x16xf32, #tpu.memory_space<hbm>>) dst(%arg13 : memref<1000x16xf32, #tpu.memory_space<vmem>>)
        %dma_start3A_88 = arith.constant 0 : i32
        %dma_start3A_89 = arith.constant 0 : i32
        %dma_start3A_90 = tpu.memref_slice %arg7[%dma_start3A_88, %dma_start3A_89] : memref<50048x16xf32, #tpu.memory_space<vmem_shared>> -> memref<50048x16xf32, #tpu.memory_space<vmem_shared>>
        tpu.enqueue_indirect_dma source(%arg13 : memref<1000x16xf32, #tpu.memory_space<vmem>>) target(%dma_start3A_90 : memref<50048x16xf32, #tpu.memory_space<vmem_shared>>) offsets(%arg11 : memref<1000xi32, #tpu.memory_space<vmem>>) semaphore(%arg17 : memref<!tpu.dma_semaphore, #tpu.memory_space<semaphore_mem>>) {add = true}
        %add3A_91 = arith.constant 2 : i32
        %add3A_92 = arith.addi %add3A_81, %add3A_91 : i32
        %lt3A_93 = arith.constant 50 : i32
        %lt3A_94 = arith.cmpi slt, %add3A_92, %lt3A_93 : i32
        %convert_element_type3A_95 = arith.extui %lt3A_94 : i1 to i32
        %cond3A_96 = arith.constant 0 : i32
        %cond3A_97 = arith.cmpi ne, %convert_element_type3A_95, %cond3A_96 : i32
        scf.if %cond3A_97 {
          %add3A_108 = arith.constant 2 : i32
          %add3A_109 = arith.addi %add3A_81, %add3A_108 : i32
          %mul3A_110 = arith.constant 1000 : i32
          %mul3A_111 = arith.muli %add3A_109, %mul3A_110 : i32
          %add3A_112 = arith.addi %mul3A_2, %mul3A_111 : i32
          "tpu.region"() ({
            %run_scoped3A = tpu.sem_alloc : memref<!tpu.dma_semaphore, #tpu.memory_space<semaphore_mem>>
            %dma_start3A_113 = tpu.memref_slice %arg4[%add3A_112] : memref<800000xi32, #tpu.memory_space<hbm>> -> memref<1000xi32, #tpu.memory_space<hbm>>
            %dma_start3A_114 = tpu.memref_slice %arg4[%add3A_112] : memref<800000xi32, #tpu.memory_space<hbm>> -> memref<1000xi32, #tpu.memory_space<hbm>>
            tpu.enqueue_dma source(%dma_start3A_114 : memref<1000xi32, #tpu.memory_space<hbm>>) target(%arg9 : memref<1000xi32, #tpu.memory_space<vmem>>) target_semaphore(%run_scoped3A : memref<!tpu.dma_semaphore, #tpu.memory_space<semaphore_mem>>)
            %dma_wait3A_115 = tpu.memref_slice %arg4[%add3A_112] : memref<800000xi32, #tpu.memory_space<hbm>> -> memref<1000xi32, #tpu.memory_space<hbm>>
            %dma_wait3A_116 = tpu.memref_slice %arg4[%add3A_112] : memref<800000xi32, #tpu.memory_space<hbm>> -> memref<1000xi32, #tpu.memory_space<hbm>>
            tpu.wait_dma2 semaphore(%run_scoped3A : memref<!tpu.dma_semaphore, #tpu.memory_space<semaphore_mem>>) src(%dma_wait3A_116 : memref<1000xi32, #tpu.memory_space<hbm>>) dst(%arg9 : memref<1000xi32, #tpu.memory_space<vmem>>)
            tpu.yield
          }) : () -> ()
        } else {
        }
        %dma_wait3A_98 = arith.constant 0 : i32
        %dma_wait3A_99 = arith.constant 0 : i32
        %dma_wait3A_100 = tpu.memref_slice %arg7[%dma_wait3A_98, %dma_wait3A_99] : memref<50048x16xf32, #tpu.memory_space<vmem_shared>> -> memref<50048x16xf32, #tpu.memory_space<vmem_shared>>
        tpu.wait_indirect_dma semaphore(%arg17 : memref<!tpu.dma_semaphore, #tpu.memory_space<semaphore_mem>>) src(%arg13 : memref<1000x16xf32, #tpu.memory_space<vmem>>) dst(%dma_wait3A_100 : memref<50048x16xf32, #tpu.memory_space<vmem_shared>>)
        %add3A_101 = arith.constant 2 : i32
        %add3A_102 = arith.addi %add3A_81, %add3A_101 : i32
        %lt3A_103 = arith.constant 50 : i32
        %lt3A_104 = arith.cmpi slt, %add3A_102, %lt3A_103 : i32
        %convert_element_type3A_105 = arith.extui %lt3A_104 : i1 to i32
        %cond3A_106 = arith.constant 0 : i32
        %cond3A_107 = arith.cmpi ne, %convert_element_type3A_105, %cond3A_106 : i32
        scf.if %cond3A_107 {
          %add3A_108 = arith.constant 2 : i32
          %add3A_109 = arith.addi %add3A_81, %add3A_108 : i32
          %mul3A_110 = arith.constant 1000 : i32
          %mul3A_111 = arith.muli %add3A_109, %mul3A_110 : i32
          %add3A_112 = arith.addi %mul3A_2, %mul3A_111 : i32
          "tpu.region"() ({
            %run_scoped3A = tpu.sem_alloc : memref<!tpu.dma_semaphore, #tpu.memory_space<semaphore_mem>>
            %dma_start3A_116 = tpu.memref_slice %arg5[%add3A_112] : memref<800000xi32, #tpu.memory_space<hbm>> -> memref<1000xi32, #tpu.memory_space<hbm>>
            %dma_start3A_117 = tpu.memref_slice %arg5[%add3A_112] : memref<800000xi32, #tpu.memory_space<hbm>> -> memref<1000xi32, #tpu.memory_space<hbm>>
            tpu.enqueue_dma source(%dma_start3A_117 : memref<1000xi32, #tpu.memory_space<hbm>>) target(%arg11 : memref<1000xi32, #tpu.memory_space<vmem>>) target_semaphore(%run_scoped3A : memref<!tpu.dma_semaphore, #tpu.memory_space<semaphore_mem>>)
            %dma_wait3A_118 = tpu.memref_slice %arg5[%add3A_112] : memref<800000xi32, #tpu.memory_space<hbm>> -> memref<1000xi32, #tpu.memory_space<hbm>>
            %dma_wait3A_119 = tpu.memref_slice %arg5[%add3A_112] : memref<800000xi32, #tpu.memory_space<hbm>> -> memref<1000xi32, #tpu.memory_space<hbm>>
            tpu.wait_dma2 semaphore(%run_scoped3A : memref<!tpu.dma_semaphore, #tpu.memory_space<semaphore_mem>>) src(%dma_wait3A_119 : memref<1000xi32, #tpu.memory_space<hbm>>) dst(%arg11 : memref<1000xi32, #tpu.memory_space<vmem>>)
            tpu.yield
          }) : () -> ()
          %dma_start3A_113 = arith.constant 0 : i32
          %dma_start3A_114 = arith.constant 0 : i32
          %dma_start3A_115 = tpu.memref_slice %arg2[%dma_start3A_113, %dma_start3A_114] : memref<50000x16xf32, #tpu.memory_space<hbm>> -> memref<50000x16xf32, #tpu.memory_space<hbm>>
          tpu.enqueue_indirect_dma source(%dma_start3A_115 : memref<50000x16xf32, #tpu.memory_space<hbm>>) target(%arg13 : memref<1000x16xf32, #tpu.memory_space<vmem>>) offsets(%arg9 : memref<1000xi32, #tpu.memory_space<vmem>>) semaphore(%arg15 : memref<!tpu.dma_semaphore, #tpu.memory_space<semaphore_mem>>)
        } else {
        }
      }
      %scan3A_48 = arith.constant 25 : i32
    } else {
    }
    %eq3A_18 = arith.constant 1 : i32
    %eq3A_19 = arith.cmpi eq, %arg0, %eq3A_18 : i32
    %convert_element_type3A_20 = arith.extui %eq3A_19 : i1 to i32
    %cond3A_21 = arith.constant 0 : i32
    %cond3A_22 = arith.cmpi ne, %convert_element_type3A_20, %cond3A_21 : i32
    scf.if %cond3A_22 {
      %add3A_31 = arith.constant 0 : i32
      %add3A_32 = arith.addi %mul3A_2, %add3A_31 : i32
      "tpu.region"() ({
        %run_scoped3A = tpu.sem_alloc : memref<!tpu.dma_semaphore, #tpu.memory_space<semaphore_mem>>
        %dma_start3A_49 = tpu.memref_slice %arg4[%add3A_32] : memref<800000xi32, #tpu.memory_space<hbm>> -> memref<1000xi32, #tpu.memory_space<hbm>>
        %dma_start3A_50 = tpu.memref_slice %arg4[%add3A_32] : memref<800000xi32, #tpu.memory_space<hbm>> -> memref<1000xi32, #tpu.memory_space<hbm>>
        tpu.enqueue_dma source(%dma_start3A_50 : memref<1000xi32, #tpu.memory_space<hbm>>) target(%arg8 : memref<1000xi32, #tpu.memory_space<vmem>>) target_semaphore(%run_scoped3A : memref<!tpu.dma_semaphore, #tpu.memory_space<semaphore_mem>>)
        %dma_wait3A = tpu.memref_slice %arg4[%add3A_32] : memref<800000xi32, #tpu.memory_space<hbm>> -> memref<1000xi32, #tpu.memory_space<hbm>>
        %dma_wait3A_51 = tpu.memref_slice %arg4[%add3A_32] : memref<800000xi32, #tpu.memory_space<hbm>> -> memref<1000xi32, #tpu.memory_space<hbm>>
        tpu.wait_dma2 semaphore(%run_scoped3A : memref<!tpu.dma_semaphore, #tpu.memory_space<semaphore_mem>>) src(%dma_wait3A_51 : memref<1000xi32, #tpu.memory_space<hbm>>) dst(%arg8 : memref<1000xi32, #tpu.memory_space<vmem>>)
        tpu.yield
      }) : () -> ()
      %add3A_33 = arith.constant 0 : i32
      %add3A_34 = arith.addi %mul3A_2, %add3A_33 : i32
      "tpu.region"() ({
        %run_scoped3A = tpu.sem_alloc : memref<!tpu.dma_semaphore, #tpu.memory_space<semaphore_mem>>
        %dma_start3A_49 = tpu.memref_slice %arg5[%add3A_34] : memref<800000xi32, #tpu.memory_space<hbm>> -> memref<1000xi32, #tpu.memory_space<hbm>>
        %dma_start3A_50 = tpu.memref_slice %arg5[%add3A_34] : memref<800000xi32, #tpu.memory_space<hbm>> -> memref<1000xi32, #tpu.memory_space<hbm>>
        tpu.enqueue_dma source(%dma_start3A_50 : memref<1000xi32, #tpu.memory_space<hbm>>) target(%arg10 : memref<1000xi32, #tpu.memory_space<vmem>>) target_semaphore(%run_scoped3A : memref<!tpu.dma_semaphore, #tpu.memory_space<semaphore_mem>>)
        %dma_wait3A = tpu.memref_slice %arg5[%add3A_34] : memref<800000xi32, #tpu.memory_space<hbm>> -> memref<1000xi32, #tpu.memory_space<hbm>>
        %dma_wait3A_51 = tpu.memref_slice %arg5[%add3A_34] : memref<800000xi32, #tpu.memory_space<hbm>> -> memref<1000xi32, #tpu.memory_space<hbm>>
        tpu.wait_dma2 semaphore(%run_scoped3A : memref<!tpu.dma_semaphore, #tpu.memory_space<semaphore_mem>>) src(%dma_wait3A_51 : memref<1000xi32, #tpu.memory_space<hbm>>) dst(%arg10 : memref<1000xi32, #tpu.memory_space<vmem>>)
        tpu.yield
      }) : () -> ()
      %dma_start3A = arith.constant 0 : i32
      %dma_start3A_35 = arith.constant 0 : i32
      %dma_start3A_36 = tpu.memref_slice %arg3[%dma_start3A, %dma_start3A_35] : memref<50000x16xf32, #tpu.memory_space<hbm>> -> memref<50000x16xf32, #tpu.memory_space<hbm>>
      tpu.enqueue_indirect_dma source(%dma_start3A_36 : memref<50000x16xf32, #tpu.memory_space<hbm>>) target(%arg12 : memref<1000x16xf32, #tpu.memory_space<vmem>>) offsets(%arg8 : memref<1000xi32, #tpu.memory_space<vmem>>) semaphore(%arg14 : memref<!tpu.dma_semaphore, #tpu.memory_space<semaphore_mem>>)
      %add3A_37 = arith.constant 1000 : i32
      %add3A_38 = arith.addi %mul3A_2, %add3A_37 : i32
      "tpu.region"() ({
        %run_scoped3A = tpu.sem_alloc : memref<!tpu.dma_semaphore, #tpu.memory_space<semaphore_mem>>
        %dma_start3A_49 = tpu.memref_slice %arg4[%add3A_38] : memref<800000xi32, #tpu.memory_space<hbm>> -> memref<1000xi32, #tpu.memory_space<hbm>>
        %dma_start3A_50 = tpu.memref_slice %arg4[%add3A_38] : memref<800000xi32, #tpu.memory_space<hbm>> -> memref<1000xi32, #tpu.memory_space<hbm>>
        tpu.enqueue_dma source(%dma_start3A_50 : memref<1000xi32, #tpu.memory_space<hbm>>) target(%arg9 : memref<1000xi32, #tpu.memory_space<vmem>>) target_semaphore(%run_scoped3A : memref<!tpu.dma_semaphore, #tpu.memory_space<semaphore_mem>>)
        %dma_wait3A = tpu.memref_slice %arg4[%add3A_38] : memref<800000xi32, #tpu.memory_space<hbm>> -> memref<1000xi32, #tpu.memory_space<hbm>>
        %dma_wait3A_51 = tpu.memref_slice %arg4[%add3A_38] : memref<800000xi32, #tpu.memory_space<hbm>> -> memref<1000xi32, #tpu.memory_space<hbm>>
        tpu.wait_dma2 semaphore(%run_scoped3A : memref<!tpu.dma_semaphore, #tpu.memory_space<semaphore_mem>>) src(%dma_wait3A_51 : memref<1000xi32, #tpu.memory_space<hbm>>) dst(%arg9 : memref<1000xi32, #tpu.memory_space<vmem>>)
        tpu.yield
      }) : () -> ()
      %add3A_39 = arith.constant 1000 : i32
      %add3A_40 = arith.addi %mul3A_2, %add3A_39 : i32
      "tpu.region"() ({
        %run_scoped3A = tpu.sem_alloc : memref<!tpu.dma_semaphore, #tpu.memory_space<semaphore_mem>>
        %dma_start3A_49 = tpu.memref_slice %arg5[%add3A_40] : memref<800000xi32, #tpu.memory_space<hbm>> -> memref<1000xi32, #tpu.memory_space<hbm>>
        %dma_start3A_50 = tpu.memref_slice %arg5[%add3A_40] : memref<800000xi32, #tpu.memory_space<hbm>> -> memref<1000xi32, #tpu.memory_space<hbm>>
        tpu.enqueue_dma source(%dma_start3A_50 : memref<1000xi32, #tpu.memory_space<hbm>>) target(%arg11 : memref<1000xi32, #tpu.memory_space<vmem>>) target_semaphore(%run_scoped3A : memref<!tpu.dma_semaphore, #tpu.memory_space<semaphore_mem>>)
        %dma_wait3A = tpu.memref_slice %arg5[%add3A_40] : memref<800000xi32, #tpu.memory_space<hbm>> -> memref<1000xi32, #tpu.memory_space<hbm>>
        %dma_wait3A_51 = tpu.memref_slice %arg5[%add3A_40] : memref<800000xi32, #tpu.memory_space<hbm>> -> memref<1000xi32, #tpu.memory_space<hbm>>
        tpu.wait_dma2 semaphore(%run_scoped3A : memref<!tpu.dma_semaphore, #tpu.memory_space<semaphore_mem>>) src(%dma_wait3A_51 : memref<1000xi32, #tpu.memory_space<hbm>>) dst(%arg11 : memref<1000xi32, #tpu.memory_space<vmem>>)
        tpu.yield
      }) : () -> ()
      %dma_start3A_41 = arith.constant 0 : i32
      %dma_start3A_42 = arith.constant 0 : i32
      %dma_start3A_43 = tpu.memref_slice %arg3[%dma_start3A_41, %dma_start3A_42] : memref<50000x16xf32, #tpu.memory_space<hbm>> -> memref<50000x16xf32, #tpu.memory_space<hbm>>
      tpu.enqueue_indirect_dma source(%dma_start3A_43 : memref<50000x16xf32, #tpu.memory_space<hbm>>) target(%arg13 : memref<1000x16xf32, #tpu.memory_space<vmem>>) offsets(%arg9 : memref<1000xi32, #tpu.memory_space<vmem>>) semaphore(%arg15 : memref<!tpu.dma_semaphore, #tpu.memory_space<semaphore_mem>>)
      %scan3A_44 = arith.constant 0 : i32
      %scan3A_45 = arith.constant 25 : i32
      %scan3A_46 = arith.addi %scan3A_44, %scan3A_45 : i32
      %scan3A_47 = arith.constant 1 : i32
      scf.for %scan3A_49 = %scan3A_44 to %scan3A_46 step %scan3A_47  : i32 {
        %mul3A_50 = arith.constant 2 : i32
        %mul3A_51 = arith.muli %scan3A_49, %mul3A_50 : i32
        %add3A_52 = arith.constant 0 : i32
        %add3A_53 = arith.addi %add3A_52, %mul3A_51 : i32
        %add3A_54 = arith.constant 0 : i32
        %add3A_55 = arith.addi %add3A_53, %add3A_54 : i32
        %dma_wait3A = arith.constant 0 : i32
        %dma_wait3A_56 = arith.constant 0 : i32
        %dma_wait3A_57 = tpu.memref_slice %arg3[%dma_wait3A, %dma_wait3A_56] : memref<50000x16xf32, #tpu.memory_space<hbm>> -> memref<1000x16xf32, #tpu.memory_space<hbm>>
        %dma_wait3A_58 = arith.constant 0 : i32
        %dma_wait3A_59 = arith.constant 0 : i32
        %dma_wait3A_60 = tpu.memref_slice %arg3[%dma_wait3A_58, %dma_wait3A_59] : memref<50000x16xf32, #tpu.memory_space<hbm>> -> memref<1000x16xf32, #tpu.memory_space<hbm>>
        tpu.wait_dma2 semaphore(%arg14 : memref<!tpu.dma_semaphore, #tpu.memory_space<semaphore_mem>>) src(%dma_wait3A_60 : memref<1000x16xf32, #tpu.memory_space<hbm>>) dst(%arg12 : memref<1000x16xf32, #tpu.memory_space<vmem>>)
        %dma_start3A_61 = arith.constant 0 : i32
        %dma_start3A_62 = arith.constant 0 : i32
        %dma_start3A_63 = tpu.memref_slice %arg7[%dma_start3A_61, %dma_start3A_62] : memref<50048x16xf32, #tpu.memory_space<vmem_shared>> -> memref<50048x16xf32, #tpu.memory_space<vmem_shared>>
        tpu.enqueue_indirect_dma source(%arg12 : memref<1000x16xf32, #tpu.memory_space<vmem>>) target(%dma_start3A_63 : memref<50048x16xf32, #tpu.memory_space<vmem_shared>>) offsets(%arg10 : memref<1000xi32, #tpu.memory_space<vmem>>) semaphore(%arg16 : memref<!tpu.dma_semaphore, #tpu.memory_space<semaphore_mem>>) {add = true}
        %add3A_64 = arith.constant 2 : i32
        %add3A_65 = arith.addi %add3A_55, %add3A_64 : i32
        %lt3A = arith.constant 50 : i32
        %lt3A_66 = arith.cmpi slt, %add3A_65, %lt3A : i32
        %convert_element_type3A_67 = arith.extui %lt3A_66 : i1 to i32
        %cond3A_68 = arith.constant 0 : i32
        %cond3A_69 = arith.cmpi ne, %convert_element_type3A_67, %cond3A_68 : i32
        scf.if %cond3A_69 {
          %add3A_108 = arith.constant 2 : i32
          %add3A_109 = arith.addi %add3A_55, %add3A_108 : i32
          %mul3A_110 = arith.constant 1000 : i32
          %mul3A_111 = arith.muli %add3A_109, %mul3A_110 : i32
          %add3A_112 = arith.addi %mul3A_2, %mul3A_111 : i32
          "tpu.region"() ({
            %run_scoped3A = tpu.sem_alloc : memref<!tpu.dma_semaphore, #tpu.memory_space<semaphore_mem>>
            %dma_start3A_113 = tpu.memref_slice %arg4[%add3A_112] : memref<800000xi32, #tpu.memory_space<hbm>> -> memref<1000xi32, #tpu.memory_space<hbm>>
            %dma_start3A_114 = tpu.memref_slice %arg4[%add3A_112] : memref<800000xi32, #tpu.memory_space<hbm>> -> memref<1000xi32, #tpu.memory_space<hbm>>
            tpu.enqueue_dma source(%dma_start3A_114 : memref<1000xi32, #tpu.memory_space<hbm>>) target(%arg8 : memref<1000xi32, #tpu.memory_space<vmem>>) target_semaphore(%run_scoped3A : memref<!tpu.dma_semaphore, #tpu.memory_space<semaphore_mem>>)
            %dma_wait3A_115 = tpu.memref_slice %arg4[%add3A_112] : memref<800000xi32, #tpu.memory_space<hbm>> -> memref<1000xi32, #tpu.memory_space<hbm>>
            %dma_wait3A_116 = tpu.memref_slice %arg4[%add3A_112] : memref<800000xi32, #tpu.memory_space<hbm>> -> memref<1000xi32, #tpu.memory_space<hbm>>
            tpu.wait_dma2 semaphore(%run_scoped3A : memref<!tpu.dma_semaphore, #tpu.memory_space<semaphore_mem>>) src(%dma_wait3A_116 : memref<1000xi32, #tpu.memory_space<hbm>>) dst(%arg8 : memref<1000xi32, #tpu.memory_space<vmem>>)
            tpu.yield
          }) : () -> ()
        } else {
        }
        %dma_wait3A_70 = arith.constant 0 : i32
        %dma_wait3A_71 = arith.constant 0 : i32
        %dma_wait3A_72 = tpu.memref_slice %arg7[%dma_wait3A_70, %dma_wait3A_71] : memref<50048x16xf32, #tpu.memory_space<vmem_shared>> -> memref<50048x16xf32, #tpu.memory_space<vmem_shared>>
        tpu.wait_indirect_dma semaphore(%arg16 : memref<!tpu.dma_semaphore, #tpu.memory_space<semaphore_mem>>) src(%arg12 : memref<1000x16xf32, #tpu.memory_space<vmem>>) dst(%dma_wait3A_72 : memref<50048x16xf32, #tpu.memory_space<vmem_shared>>)
        %add3A_73 = arith.constant 2 : i32
        %add3A_74 = arith.addi %add3A_55, %add3A_73 : i32
        %lt3A_75 = arith.constant 50 : i32
        %lt3A_76 = arith.cmpi slt, %add3A_74, %lt3A_75 : i32
        %convert_element_type3A_77 = arith.extui %lt3A_76 : i1 to i32
        %cond3A_78 = arith.constant 0 : i32
        %cond3A_79 = arith.cmpi ne, %convert_element_type3A_77, %cond3A_78 : i32
        scf.if %cond3A_79 {
          %add3A_108 = arith.constant 2 : i32
          %add3A_109 = arith.addi %add3A_55, %add3A_108 : i32
          %mul3A_110 = arith.constant 1000 : i32
          %mul3A_111 = arith.muli %add3A_109, %mul3A_110 : i32
          %add3A_112 = arith.addi %mul3A_2, %mul3A_111 : i32
          "tpu.region"() ({
            %run_scoped3A = tpu.sem_alloc : memref<!tpu.dma_semaphore, #tpu.memory_space<semaphore_mem>>
            %dma_start3A_116 = tpu.memref_slice %arg5[%add3A_112] : memref<800000xi32, #tpu.memory_space<hbm>> -> memref<1000xi32, #tpu.memory_space<hbm>>
            %dma_start3A_117 = tpu.memref_slice %arg5[%add3A_112] : memref<800000xi32, #tpu.memory_space<hbm>> -> memref<1000xi32, #tpu.memory_space<hbm>>
            tpu.enqueue_dma source(%dma_start3A_117 : memref<1000xi32, #tpu.memory_space<hbm>>) target(%arg10 : memref<1000xi32, #tpu.memory_space<vmem>>) target_semaphore(%run_scoped3A : memref<!tpu.dma_semaphore, #tpu.memory_space<semaphore_mem>>)
            %dma_wait3A_118 = tpu.memref_slice %arg5[%add3A_112] : memref<800000xi32, #tpu.memory_space<hbm>> -> memref<1000xi32, #tpu.memory_space<hbm>>
            %dma_wait3A_119 = tpu.memref_slice %arg5[%add3A_112] : memref<800000xi32, #tpu.memory_space<hbm>> -> memref<1000xi32, #tpu.memory_space<hbm>>
            tpu.wait_dma2 semaphore(%run_scoped3A : memref<!tpu.dma_semaphore, #tpu.memory_space<semaphore_mem>>) src(%dma_wait3A_119 : memref<1000xi32, #tpu.memory_space<hbm>>) dst(%arg10 : memref<1000xi32, #tpu.memory_space<vmem>>)
            tpu.yield
          }) : () -> ()
          %dma_start3A_113 = arith.constant 0 : i32
          %dma_start3A_114 = arith.constant 0 : i32
          %dma_start3A_115 = tpu.memref_slice %arg3[%dma_start3A_113, %dma_start3A_114] : memref<50000x16xf32, #tpu.memory_space<hbm>> -> memref<50000x16xf32, #tpu.memory_space<hbm>>
          tpu.enqueue_indirect_dma source(%dma_start3A_115 : memref<50000x16xf32, #tpu.memory_space<hbm>>) target(%arg12 : memref<1000x16xf32, #tpu.memory_space<vmem>>) offsets(%arg8 : memref<1000xi32, #tpu.memory_space<vmem>>) semaphore(%arg14 : memref<!tpu.dma_semaphore, #tpu.memory_space<semaphore_mem>>)
        } else {
        }
        %add3A_80 = arith.constant 1 : i32
        %add3A_81 = arith.addi %add3A_53, %add3A_80 : i32
        %dma_wait3A_82 = arith.constant 0 : i32
        %dma_wait3A_83 = arith.constant 0 : i32
        %dma_wait3A_84 = tpu.memref_slice %arg3[%dma_wait3A_82, %dma_wait3A_83] : memref<50000x16xf32, #tpu.memory_space<hbm>> -> memref<1000x16xf32, #tpu.memory_space<hbm>>
        %dma_wait3A_85 = arith.constant 0 : i32
        %dma_wait3A_86 = arith.constant 0 : i32
        %dma_wait3A_87 = tpu.memref_slice %arg3[%dma_wait3A_85, %dma_wait3A_86] : memref<50000x16xf32, #tpu.memory_space<hbm>> -> memref<1000x16xf32, #tpu.memory_space<hbm>>
        tpu.wait_dma2 semaphore(%arg15 : memref<!tpu.dma_semaphore, #tpu.memory_space<semaphore_mem>>) src(%dma_wait3A_87 : memref<1000x16xf32, #tpu.memory_space<hbm>>) dst(%arg13 : memref<1000x16xf32, #tpu.memory_space<vmem>>)
        %dma_start3A_88 = arith.constant 0 : i32
        %dma_start3A_89 = arith.constant 0 : i32
        %dma_start3A_90 = tpu.memref_slice %arg7[%dma_start3A_88, %dma_start3A_89] : memref<50048x16xf32, #tpu.memory_space<vmem_shared>> -> memref<50048x16xf32, #tpu.memory_space<vmem_shared>>
        tpu.enqueue_indirect_dma source(%arg13 : memref<1000x16xf32, #tpu.memory_space<vmem>>) target(%dma_start3A_90 : memref<50048x16xf32, #tpu.memory_space<vmem_shared>>) offsets(%arg11 : memref<1000xi32, #tpu.memory_space<vmem>>) semaphore(%arg17 : memref<!tpu.dma_semaphore, #tpu.memory_space<semaphore_mem>>) {add = true}
        %add3A_91 = arith.constant 2 : i32
        %add3A_92 = arith.addi %add3A_81, %add3A_91 : i32
        %lt3A_93 = arith.constant 50 : i32
        %lt3A_94 = arith.cmpi slt, %add3A_92, %lt3A_93 : i32
        %convert_element_type3A_95 = arith.extui %lt3A_94 : i1 to i32
        %cond3A_96 = arith.constant 0 : i32
        %cond3A_97 = arith.cmpi ne, %convert_element_type3A_95, %cond3A_96 : i32
        scf.if %cond3A_97 {
          %add3A_108 = arith.constant 2 : i32
          %add3A_109 = arith.addi %add3A_81, %add3A_108 : i32
          %mul3A_110 = arith.constant 1000 : i32
          %mul3A_111 = arith.muli %add3A_109, %mul3A_110 : i32
          %add3A_112 = arith.addi %mul3A_2, %mul3A_111 : i32
          "tpu.region"() ({
            %run_scoped3A = tpu.sem_alloc : memref<!tpu.dma_semaphore, #tpu.memory_space<semaphore_mem>>
            %dma_start3A_113 = tpu.memref_slice %arg4[%add3A_112] : memref<800000xi32, #tpu.memory_space<hbm>> -> memref<1000xi32, #tpu.memory_space<hbm>>
            %dma_start3A_114 = tpu.memref_slice %arg4[%add3A_112] : memref<800000xi32, #tpu.memory_space<hbm>> -> memref<1000xi32, #tpu.memory_space<hbm>>
            tpu.enqueue_dma source(%dma_start3A_114 : memref<1000xi32, #tpu.memory_space<hbm>>) target(%arg9 : memref<1000xi32, #tpu.memory_space<vmem>>) target_semaphore(%run_scoped3A : memref<!tpu.dma_semaphore, #tpu.memory_space<semaphore_mem>>)
            %dma_wait3A_115 = tpu.memref_slice %arg4[%add3A_112] : memref<800000xi32, #tpu.memory_space<hbm>> -> memref<1000xi32, #tpu.memory_space<hbm>>
            %dma_wait3A_116 = tpu.memref_slice %arg4[%add3A_112] : memref<800000xi32, #tpu.memory_space<hbm>> -> memref<1000xi32, #tpu.memory_space<hbm>>
            tpu.wait_dma2 semaphore(%run_scoped3A : memref<!tpu.dma_semaphore, #tpu.memory_space<semaphore_mem>>) src(%dma_wait3A_116 : memref<1000xi32, #tpu.memory_space<hbm>>) dst(%arg9 : memref<1000xi32, #tpu.memory_space<vmem>>)
            tpu.yield
          }) : () -> ()
        } else {
        }
        %dma_wait3A_98 = arith.constant 0 : i32
        %dma_wait3A_99 = arith.constant 0 : i32
        %dma_wait3A_100 = tpu.memref_slice %arg7[%dma_wait3A_98, %dma_wait3A_99] : memref<50048x16xf32, #tpu.memory_space<vmem_shared>> -> memref<50048x16xf32, #tpu.memory_space<vmem_shared>>
        tpu.wait_indirect_dma semaphore(%arg17 : memref<!tpu.dma_semaphore, #tpu.memory_space<semaphore_mem>>) src(%arg13 : memref<1000x16xf32, #tpu.memory_space<vmem>>) dst(%dma_wait3A_100 : memref<50048x16xf32, #tpu.memory_space<vmem_shared>>)
        %add3A_101 = arith.constant 2 : i32
        %add3A_102 = arith.addi %add3A_81, %add3A_101 : i32
        %lt3A_103 = arith.constant 50 : i32
        %lt3A_104 = arith.cmpi slt, %add3A_102, %lt3A_103 : i32
        %convert_element_type3A_105 = arith.extui %lt3A_104 : i1 to i32
        %cond3A_106 = arith.constant 0 : i32
        %cond3A_107 = arith.cmpi ne, %convert_element_type3A_105, %cond3A_106 : i32
        scf.if %cond3A_107 {
          %add3A_108 = arith.constant 2 : i32
          %add3A_109 = arith.addi %add3A_81, %add3A_108 : i32
          %mul3A_110 = arith.constant 1000 : i32
          %mul3A_111 = arith.muli %add3A_109, %mul3A_110 : i32
          %add3A_112 = arith.addi %mul3A_2, %mul3A_111 : i32
          "tpu.region"() ({
            %run_scoped3A = tpu.sem_alloc : memref<!tpu.dma_semaphore, #tpu.memory_space<semaphore_mem>>
            %dma_start3A_116 = tpu.memref_slice %arg5[%add3A_112] : memref<800000xi32, #tpu.memory_space<hbm>> -> memref<1000xi32, #tpu.memory_space<hbm>>
            %dma_start3A_117 = tpu.memref_slice %arg5[%add3A_112] : memref<800000xi32, #tpu.memory_space<hbm>> -> memref<1000xi32, #tpu.memory_space<hbm>>
            tpu.enqueue_dma source(%dma_start3A_117 : memref<1000xi32, #tpu.memory_space<hbm>>) target(%arg11 : memref<1000xi32, #tpu.memory_space<vmem>>) target_semaphore(%run_scoped3A : memref<!tpu.dma_semaphore, #tpu.memory_space<semaphore_mem>>)
            %dma_wait3A_118 = tpu.memref_slice %arg5[%add3A_112] : memref<800000xi32, #tpu.memory_space<hbm>> -> memref<1000xi32, #tpu.memory_space<hbm>>
            %dma_wait3A_119 = tpu.memref_slice %arg5[%add3A_112] : memref<800000xi32, #tpu.memory_space<hbm>> -> memref<1000xi32, #tpu.memory_space<hbm>>
            tpu.wait_dma2 semaphore(%run_scoped3A : memref<!tpu.dma_semaphore, #tpu.memory_space<semaphore_mem>>) src(%dma_wait3A_119 : memref<1000xi32, #tpu.memory_space<hbm>>) dst(%arg11 : memref<1000xi32, #tpu.memory_space<vmem>>)
            tpu.yield
          }) : () -> ()
          %dma_start3A_113 = arith.constant 0 : i32
          %dma_start3A_114 = arith.constant 0 : i32
          %dma_start3A_115 = tpu.memref_slice %arg3[%dma_start3A_113, %dma_start3A_114] : memref<50000x16xf32, #tpu.memory_space<hbm>> -> memref<50000x16xf32, #tpu.memory_space<hbm>>
          tpu.enqueue_indirect_dma source(%dma_start3A_115 : memref<50000x16xf32, #tpu.memory_space<hbm>>) target(%arg13 : memref<1000x16xf32, #tpu.memory_space<vmem>>) offsets(%arg9 : memref<1000xi32, #tpu.memory_space<vmem>>) semaphore(%arg15 : memref<!tpu.dma_semaphore, #tpu.memory_space<semaphore_mem>>)
        } else {
        }
      }
      %scan3A_48 = arith.constant 25 : i32
    } else {
    }
    %barrier3A_23 = arith.constant 0 : index
    tpu.barrier barrier_id(%barrier3A_23)
    %mul3A_24 = arith.constant 1 : i32
    %mul3A_25 = arith.muli %arg0, %mul3A_24 : i32
    %add3A_26 = arith.constant 0 : i32
    %add3A_27 = arith.addi %mul3A_25, %add3A_26 : i32
    %mul3A_28 = arith.constant 50048 : i32
    %mul3A_29 = arith.muli %add3A_27, %mul3A_28 : i32
    %add3A_30 = arith.addi %mul3A_29, %mul3A_0 : i32
    "tpu.region"() ({
      %run_scoped3A = tpu.sem_alloc : memref<!tpu.dma_semaphore, #tpu.memory_space<semaphore_mem>>
      %dma_start3A = arith.constant 0 : i32
      %dma_start3A_31 = tpu.memref_slice %arg6[%add3A_30, %dma_start3A] : memref<100096x16xf32, #tpu.memory_space<hbm>> -> memref<3128x16xf32, #tpu.memory_space<hbm>>
      %dma_start3A_32 = arith.constant 0 : i32
      %dma_start3A_33 = tpu.memref_slice %arg7[%mul3A_0, %dma_start3A_32] : memref<50048x16xf32, #tpu.memory_space<vmem_shared>> -> memref<3128x16xf32, #tpu.memory_space<vmem_shared>>
      tpu.enqueue_dma source(%dma_start3A_33 : memref<3128x16xf32, #tpu.memory_space<vmem_shared>>) target(%dma_start3A_31 : memref<3128x16xf32, #tpu.memory_space<hbm>>) target_semaphore(%run_scoped3A : memref<!tpu.dma_semaphore, #tpu.memory_space<semaphore_mem>>)
      %dma_wait3A = arith.constant 0 : i32
      %dma_wait3A_34 = tpu.memref_slice %arg6[%add3A_30, %dma_wait3A] : memref<100096x16xf32, #tpu.memory_space<hbm>> -> memref<3128x16xf32, #tpu.memory_space<hbm>>
      %dma_wait3A_35 = arith.constant 0 : i32
      %dma_wait3A_36 = tpu.memref_slice %arg7[%mul3A_0, %dma_wait3A_35] : memref<50048x16xf32, #tpu.memory_space<vmem_shared>> -> memref<3128x16xf32, #tpu.memory_space<vmem_shared>>
      tpu.wait_dma2 semaphore(%run_scoped3A : memref<!tpu.dma_semaphore, #tpu.memory_space<semaphore_mem>>) src(%dma_wait3A_36 : memref<3128x16xf32, #tpu.memory_space<vmem_shared>>) dst(%dma_wait3A_34 : memref<3128x16xf32, #tpu.memory_space<hbm>>)
      tpu.yield
    }) : () -> ()
    return
  }
}

module attributes {stable_mosaic.version = 14 : i64} {
  func.func @_prep_body(%arg0: i32, %arg1: memref<1024x64xf32, #tpu.memory_space<vmem>>, %arg2: memref<64x64xf32, #tpu.memory_space<vmem>>, %arg3: memref<64x64xf32, #tpu.memory_space<vmem>>, %arg4: memref<1x64xf32, #tpu.memory_space<vmem>>, %arg5: memref<1024x16xf32, #tpu.memory_space<vmem>>, %arg6: memref<1024x16xf32, #tpu.memory_space<vmem>>, %arg7: memref<1024x16xf32, #tpu.memory_space<vmem>>, %arg8: memref<1024x16xf32, #tpu.memory_space<vmem>>, %arg9: memref<1024x64xf32, #tpu.memory_space<vmem>>) attributes {dimension_semantics = [#tpu.dimension_semantics<arbitrary>], iteration_bounds = array<i64: 49>, scalar_prefetch = 0 : i64, scratch_operands = 0 : i64, tpu.core_type = #tpu.core_type<tc>, window_params = [{transform_indices = @transform_0, window_bounds = array<i64: 1024, 64>}, {pipeline_mode = #tpu.pipeline_mode<synchronous>, transform_indices = @transform_1, window_bounds = array<i64: 64, 64>}, {pipeline_mode = #tpu.pipeline_mode<synchronous>, transform_indices = @transform_2, window_bounds = array<i64: 64, 64>}, {pipeline_mode = #tpu.pipeline_mode<synchronous>, transform_indices = @transform_3, window_bounds = array<i64: 1, 64>}, {transform_indices = @transform_4, window_bounds = array<i64: 1024, 16>}, {transform_indices = @transform_5, window_bounds = array<i64: 1024, 16>}, {transform_indices = @transform_6, window_bounds = array<i64: 1024, 16>}, {transform_indices = @transform_7, window_bounds = array<i64: 1024, 16>}, {transform_indices = @transform_8, window_bounds = array<i64: 1024, 64>}]} {
    %get3A = arith.constant 0 : index
    %get3A_0 = arith.constant 0 : index
    %get3A_1 = vector.load %arg1[%get3A, %get3A_0] : memref<1024x64xf32, #tpu.memory_space<vmem>>, vector<1024x64xf32>
    %get3A_2 = arith.constant 0 : index
    %get3A_3 = arith.constant 0 : index
    %get3A_4 = vector.load %arg2[%get3A_2, %get3A_3] : memref<64x64xf32, #tpu.memory_space<vmem>>, vector<64x64xf32>
    %dot_general3A = arith.constant dense<0.000000e+00> : vector<1024x64xf32>
    %dot_general3A_5 = tpu.matmul %get3A_1, %get3A_4, %dot_general3A {dimension_numbers = #tpu.dot_dimension_numbers<[1], [0], [0], [1], [0, 0, 1, 1], [], []>, transpose_lhs_hint = false} : vector<1024x64xf32>, vector<64x64xf32>, vector<1024x64xf32> -> vector<1024x64xf32>
    %slice3A = vector.extract_strided_slice %dot_general3A_5 {offsets = [0, 0], sizes = [1024, 16], strides = [1, 1]} : vector<1024x64xf32> to vector<1024x16xf32>
    %swap3A = arith.constant 0 : index
    %swap3A_6 = arith.constant 0 : index
    %swap3A_7 = vector.load %arg5[%swap3A, %swap3A_6] : memref<1024x16xf32, #tpu.memory_space<vmem>>, vector<1024x16xf32>
    tpu.vector_store %arg5[%swap3A, %swap3A_6], %slice3A {strides = array<i32>} : memref<1024x16xf32, #tpu.memory_space<vmem>>, vector<1024x16xf32>,
    %slice3A_8 = vector.extract_strided_slice %dot_general3A_5 {offsets = [0, 16], sizes = [1024, 16], strides = [1, 1]} : vector<1024x64xf32> to vector<1024x16xf32>
    %swap3A_9 = arith.constant 0 : index
    %swap3A_10 = arith.constant 0 : index
    %swap3A_11 = vector.load %arg6[%swap3A_9, %swap3A_10] : memref<1024x16xf32, #tpu.memory_space<vmem>>, vector<1024x16xf32>
    tpu.vector_store %arg6[%swap3A_9, %swap3A_10], %slice3A_8 {strides = array<i32>} : memref<1024x16xf32, #tpu.memory_space<vmem>>, vector<1024x16xf32>,
    %slice3A_12 = vector.extract_strided_slice %dot_general3A_5 {offsets = [0, 32], sizes = [1024, 16], strides = [1, 1]} : vector<1024x64xf32> to vector<1024x16xf32>
    %swap3A_13 = arith.constant 0 : index
    %swap3A_14 = arith.constant 0 : index
    %swap3A_15 = vector.load %arg7[%swap3A_13, %swap3A_14] : memref<1024x16xf32, #tpu.memory_space<vmem>>, vector<1024x16xf32>
    tpu.vector_store %arg7[%swap3A_13, %swap3A_14], %slice3A_12 {strides = array<i32>} : memref<1024x16xf32, #tpu.memory_space<vmem>>, vector<1024x16xf32>,
    %slice3A_16 = vector.extract_strided_slice %dot_general3A_5 {offsets = [0, 48], sizes = [1024, 16], strides = [1, 1]} : vector<1024x64xf32> to vector<1024x16xf32>
    %swap3A_17 = arith.constant 0 : index
    %swap3A_18 = arith.constant 0 : index
    %swap3A_19 = vector.load %arg8[%swap3A_17, %swap3A_18] : memref<1024x16xf32, #tpu.memory_space<vmem>>, vector<1024x16xf32>
    tpu.vector_store %arg8[%swap3A_17, %swap3A_18], %slice3A_16 {strides = array<i32>} : memref<1024x16xf32, #tpu.memory_space<vmem>>, vector<1024x16xf32>,
    %get3A_20 = arith.constant 0 : index
    %get3A_21 = arith.constant 0 : index
    %get3A_22 = vector.load %arg3[%get3A_20, %get3A_21] : memref<64x64xf32, #tpu.memory_space<vmem>>, vector<64x64xf32>
    %dot_general3A_23 = arith.constant dense<0.000000e+00> : vector<1024x64xf32>
    %dot_general3A_24 = tpu.matmul %get3A_1, %get3A_22, %dot_general3A_23 {dimension_numbers = #tpu.dot_dimension_numbers<[1], [0], [0], [1], [0, 0, 1, 1], [], []>, transpose_lhs_hint = false} : vector<1024x64xf32>, vector<64x64xf32>, vector<1024x64xf32> -> vector<1024x64xf32>
    %get3A_25 = arith.constant 0 : index
    %get3A_26 = arith.constant 0 : index
    %get3A_27 = vector.load %arg4[%get3A_25, %get3A_26] : memref<1x64xf32, #tpu.memory_space<vmem>>, vector<1x64xf32>
    %add3A = vector.broadcast %get3A_27 : vector<1x64xf32> to vector<1024x64xf32>
    %add3A_28 = arith.addf %dot_general3A_24, %add3A : vector<1024x64xf32>
    %swap3A_29 = arith.constant 0 : index
    %swap3A_30 = arith.constant 0 : index
    %swap3A_31 = vector.load %arg9[%swap3A_29, %swap3A_30] : memref<1024x64xf32, #tpu.memory_space<vmem>>, vector<1024x64xf32>
    tpu.vector_store %arg9[%swap3A_29, %swap3A_30], %add3A_28 {strides = array<i32>} : memref<1024x64xf32, #tpu.memory_space<vmem>>, vector<1024x64xf32>,
    return
  }
  func.func @transform_0(%arg0: i32) -> (i32, i32) {
    %c0_i32 = arith.constant 0 : i32
    %c0_i32_0 = arith.constant 0 : i32
    return %arg0, %c0_i32 : i32, i32
  }
  func.func @transform_1(%arg0: i32) -> (i32, i32) {
    %c0_i32 = arith.constant 0 : i32
    %c0_i32_0 = arith.constant 0 : i32
    %c0_i32_1 = arith.constant 0 : i32
    return %c0_i32, %c0_i32_0 : i32, i32
  }
  func.func @transform_2(%arg0: i32) -> (i32, i32) {
    %c0_i32 = arith.constant 0 : i32
    %c0_i32_0 = arith.constant 0 : i32
    %c0_i32_1 = arith.constant 0 : i32
    return %c0_i32, %c0_i32_0 : i32, i32
  }
  func.func @transform_3(%arg0: i32) -> (i32, i32) {
    %c0_i32 = arith.constant 0 : i32
    %c0_i32_0 = arith.constant 0 : i32
    %c0_i32_1 = arith.constant 0 : i32
    return %c0_i32, %c0_i32_0 : i32, i32
  }
  func.func @transform_4(%arg0: i32) -> (i32, i32) {
    %c0_i32 = arith.constant 0 : i32
    %c0_i32_0 = arith.constant 0 : i32
    return %arg0, %c0_i32 : i32, i32
  }
  func.func @transform_5(%arg0: i32) -> (i32, i32) {
    %c0_i32 = arith.constant 0 : i32
    %c0_i32_0 = arith.constant 0 : i32
    return %arg0, %c0_i32 : i32, i32
  }
  func.func @transform_6(%arg0: i32) -> (i32, i32) {
    %c0_i32 = arith.constant 0 : i32
    %c0_i32_0 = arith.constant 0 : i32
    return %arg0, %c0_i32 : i32, i32
  }
  func.func @transform_7(%arg0: i32) -> (i32, i32) {
    %c0_i32 = arith.constant 0 : i32
    %c0_i32_0 = arith.constant 0 : i32
    return %arg0, %c0_i32 : i32, i32
  }
  func.func @transform_8(%arg0: i32) -> (i32, i32) {
    %c0_i32 = arith.constant 0 : i32
    %c0_i32_0 = arith.constant 0 : i32
    return %arg0, %c0_i32 : i32, i32
  }
}

module attributes {stable_mosaic.version = 14 : i64} {
  func.func @_mid_body(%arg0: i32, %arg1: memref<4x1024x16xf32, #tpu.memory_space<vmem>>, %arg2: memref<2x1024xf32, #tpu.memory_space<vmem>>, %arg3: memref<1024x64xf32, #tpu.memory_space<vmem>>, %arg4: memref<64x32xf32, #tpu.memory_space<vmem>>, %arg5: memref<64x32xf32, #tpu.memory_space<vmem>>, %arg6: memref<1x32xf32, #tpu.memory_space<vmem>>, %arg7: memref<1024x16xf32, #tpu.memory_space<vmem>>, %arg8: memref<1024x16xf32, #tpu.memory_space<vmem>>, %arg9: memref<1024x32xf32, #tpu.memory_space<vmem>>, %arg10: memref<1024xf32, #tpu.memory_space<vmem>>) attributes {dimension_semantics = [#tpu.dimension_semantics<arbitrary>], iteration_bounds = array<i64: 49>, scalar_prefetch = 0 : i64, scratch_operands = 0 : i64, tpu.core_type = #tpu.core_type<tc>, window_params = [{transform_indices = @transform_0, window_bounds = array<i64: 4, 1024, 16>}, {transform_indices = @transform_1, window_bounds = array<i64: 2, 1024>}, {transform_indices = @transform_2, window_bounds = array<i64: 1024, 64>}, {pipeline_mode = #tpu.pipeline_mode<synchronous>, transform_indices = @transform_3, window_bounds = array<i64: 64, 32>}, {pipeline_mode = #tpu.pipeline_mode<synchronous>, transform_indices = @transform_4, window_bounds = array<i64: 64, 32>}, {pipeline_mode = #tpu.pipeline_mode<synchronous>, transform_indices = @transform_5, window_bounds = array<i64: 1, 32>}, {transform_indices = @transform_6, window_bounds = array<i64: 1024, 16>}, {transform_indices = @transform_7, window_bounds = array<i64: 1024, 16>}, {transform_indices = @transform_8, window_bounds = array<i64: 1024, 32>}, {transform_indices = @transform_9, window_bounds = array<i64: 1024>}]} {
    %get3A = arith.constant 0 : index
    %get3A_0 = arith.constant 0 : index
    %get3A_1 = vector.load %arg2[%get3A, %get3A_0] : memref<2x1024xf32, #tpu.memory_space<vmem>>, vector<1x1024xf32>
    %get3A_2 = vector.shape_cast %get3A_1 : vector<1x1024xf32> to vector<1024xf32>
    %get3A_3 = arith.constant 1 : index
    %get3A_4 = arith.constant 0 : index
    %get3A_5 = vector.load %arg2[%get3A_3, %get3A_4] : memref<2x1024xf32, #tpu.memory_space<vmem>>, vector<1x1024xf32>
    %get3A_6 = vector.shape_cast %get3A_5 : vector<1x1024xf32> to vector<1024xf32>
    %add3A = arith.addf %get3A_2, %get3A_6 : vector<1024xf32>
    %max3A = arith.constant 1.000000e+00 : f32
    %max3A_7 = vector.broadcast %max3A : f32 to vector<1024xf32>
    %max3A_8 = arith.maximumf %add3A, %max3A_7 : vector<1024xf32>
    %div3A = arith.constant 1.000000e+00 : f32
    %div3A_9 = vector.broadcast %div3A : f32 to vector<1024xf32>
    %div3A_10 = arith.divf %div3A_9, %max3A_8 : vector<1024xf32>
    %get3A_11 = arith.constant 0 : index
    %get3A_12 = arith.constant 0 : index
    %get3A_13 = arith.constant 0 : index
    %get3A_14 = vector.load %arg1[%get3A_11, %get3A_12, %get3A_13] : memref<4x1024x16xf32, #tpu.memory_space<vmem>>, vector<1x1024x16xf32>
    %get3A_15 = vector.shape_cast %get3A_14 : vector<1x1024x16xf32> to vector<1024x16xf32>
    %get3A_16 = arith.constant 1 : index
    %get3A_17 = arith.constant 0 : index
    %get3A_18 = arith.constant 0 : index
    %get3A_19 = vector.load %arg1[%get3A_16, %get3A_17, %get3A_18] : memref<4x1024x16xf32, #tpu.memory_space<vmem>>, vector<1x1024x16xf32>
    %get3A_20 = vector.shape_cast %get3A_19 : vector<1x1024x16xf32> to vector<1024x16xf32>
    %get3A_21 = arith.constant 2 : index
    %get3A_22 = arith.constant 0 : index
    %get3A_23 = arith.constant 0 : index
    %get3A_24 = vector.load %arg1[%get3A_21, %get3A_22, %get3A_23] : memref<4x1024x16xf32, #tpu.memory_space<vmem>>, vector<1x1024x16xf32>
    %get3A_25 = vector.shape_cast %get3A_24 : vector<1x1024x16xf32> to vector<1024x16xf32>
    %get3A_26 = arith.constant 3 : index
    %get3A_27 = arith.constant 0 : index
    %get3A_28 = arith.constant 0 : index
    %get3A_29 = vector.load %arg1[%get3A_26, %get3A_27, %get3A_28] : memref<4x1024x16xf32, #tpu.memory_space<vmem>>, vector<1x1024x16xf32>
    %get3A_30 = vector.shape_cast %get3A_29 : vector<1x1024x16xf32> to vector<1024x16xf32>
    %concatenate3A = tpu.concatenate %get3A_15, %get3A_20, %get3A_25, %get3A_30 in 1 : vector<1024x16xf32>, vector<1024x16xf32>, vector<1024x16xf32>, vector<1024x16xf32> -> vector<1024x64xf32>
    %broadcast_in_dim3A = vector.shape_cast %div3A_10 : vector<1024xf32> to vector<1024x1xf32>
    %mul3A = vector.broadcast %broadcast_in_dim3A : vector<1024x1xf32> to vector<1024x64xf32>
    %mul3A_31 = arith.mulf %concatenate3A, %mul3A : vector<1024x64xf32>
    %get3A_32 = arith.constant 0 : index
    %get3A_33 = arith.constant 0 : index
    %get3A_34 = vector.load %arg3[%get3A_32, %get3A_33] : memref<1024x64xf32, #tpu.memory_space<vmem>>, vector<1024x64xf32>
    %add3A_35 = arith.addf %mul3A_31, %get3A_34 : vector<1024x64xf32>
    %max3A_36 = arith.constant 0.000000e+00 : f32
    %max3A_37 = vector.broadcast %max3A_36 : f32 to vector<1024x64xf32>
    %max3A_38 = arith.maximumf %add3A_35, %max3A_37 : vector<1024x64xf32>
    %get3A_39 = arith.constant 0 : index
    %get3A_40 = arith.constant 0 : index
    %get3A_41 = vector.load %arg4[%get3A_39, %get3A_40] : memref<64x32xf32, #tpu.memory_space<vmem>>, vector<64x32xf32>
    %dot_general3A = arith.constant dense<0.000000e+00> : vector<1024x32xf32>
    %dot_general3A_42 = tpu.matmul %max3A_38, %get3A_41, %dot_general3A {dimension_numbers = #tpu.dot_dimension_numbers<[1], [0], [0], [1], [0, 0, 1, 1], [], []>, transpose_lhs_hint = false} : vector<1024x64xf32>, vector<64x32xf32>, vector<1024x32xf32> -> vector<1024x32xf32>
    %slice3A = vector.extract_strided_slice %dot_general3A_42 {offsets = [0, 0], sizes = [1024, 16], strides = [1, 1]} : vector<1024x32xf32> to vector<1024x16xf32>
    %swap3A = arith.constant 0 : index
    %swap3A_43 = arith.constant 0 : index
    %swap3A_44 = vector.load %arg7[%swap3A, %swap3A_43] : memref<1024x16xf32, #tpu.memory_space<vmem>>, vector<1024x16xf32>
    tpu.vector_store %arg7[%swap3A, %swap3A_43], %slice3A {strides = array<i32>} : memref<1024x16xf32, #tpu.memory_space<vmem>>, vector<1024x16xf32>,
    %slice3A_45 = vector.extract_strided_slice %dot_general3A_42 {offsets = [0, 16], sizes = [1024, 16], strides = [1, 1]} : vector<1024x32xf32> to vector<1024x16xf32>
    %swap3A_46 = arith.constant 0 : index
    %swap3A_47 = arith.constant 0 : index
    %swap3A_48 = vector.load %arg8[%swap3A_46, %swap3A_47] : memref<1024x16xf32, #tpu.memory_space<vmem>>, vector<1024x16xf32>
    tpu.vector_store %arg8[%swap3A_46, %swap3A_47], %slice3A_45 {strides = array<i32>} : memref<1024x16xf32, #tpu.memory_space<vmem>>, vector<1024x16xf32>,
    %get3A_49 = arith.constant 0 : index
    %get3A_50 = arith.constant 0 : index
    %get3A_51 = vector.load %arg5[%get3A_49, %get3A_50] : memref<64x32xf32, #tpu.memory_space<vmem>>, vector<64x32xf32>
    %dot_general3A_52 = arith.constant dense<0.000000e+00> : vector<1024x32xf32>
    %dot_general3A_53 = tpu.matmul %max3A_38, %get3A_51, %dot_general3A_52 {dimension_numbers = #tpu.dot_dimension_numbers<[1], [0], [0], [1], [0, 0, 1, 1], [], []>, transpose_lhs_hint = false} : vector<1024x64xf32>, vector<64x32xf32>, vector<1024x32xf32> -> vector<1024x32xf32>
    %get3A_54 = arith.constant 0 : index
    %get3A_55 = arith.constant 0 : index
    %get3A_56 = vector.load %arg6[%get3A_54, %get3A_55] : memref<1x32xf32, #tpu.memory_space<vmem>>, vector<1x32xf32>
    %add3A_57 = vector.broadcast %get3A_56 : vector<1x32xf32> to vector<1024x32xf32>
    %add3A_58 = arith.addf %dot_general3A_53, %add3A_57 : vector<1024x32xf32>
    %swap3A_59 = arith.constant 0 : index
    %swap3A_60 = arith.constant 0 : index
    %swap3A_61 = vector.load %arg9[%swap3A_59, %swap3A_60] : memref<1024x32xf32, #tpu.memory_space<vmem>>, vector<1024x32xf32>
    tpu.vector_store %arg9[%swap3A_59, %swap3A_60], %add3A_58 {strides = array<i32>} : memref<1024x32xf32, #tpu.memory_space<vmem>>, vector<1024x32xf32>,
    %swap3A_62 = arith.constant 0 : index
    %swap3A_63 = vector.load %arg10[%swap3A_62] : memref<1024xf32, #tpu.memory_space<vmem>>, vector<1024xf32>
    tpu.vector_store %arg10[%swap3A_62], %div3A_10 {strides = array<i32>} : memref<1024xf32, #tpu.memory_space<vmem>>, vector<1024xf32>,
    return
  }
  func.func @transform_0(%arg0: i32) -> (i32, i32, i32) {
    %c0_i32 = arith.constant 0 : i32
    %c0_i32_0 = arith.constant 0 : i32
    %c0_i32_1 = arith.constant 0 : i32
    return %c0_i32, %arg0, %c0_i32_0 : i32, i32, i32
  }
  func.func @transform_1(%arg0: i32) -> (i32, i32) {
    %c0_i32 = arith.constant 0 : i32
    %c0_i32_0 = arith.constant 0 : i32
    return %c0_i32, %arg0 : i32, i32
  }
  func.func @transform_2(%arg0: i32) -> (i32, i32) {
    %c0_i32 = arith.constant 0 : i32
    %c0_i32_0 = arith.constant 0 : i32
    return %arg0, %c0_i32 : i32, i32
  }
  func.func @transform_3(%arg0: i32) -> (i32, i32) {
    %c0_i32 = arith.constant 0 : i32
    %c0_i32_0 = arith.constant 0 : i32
    %c0_i32_1 = arith.constant 0 : i32
    return %c0_i32, %c0_i32_0 : i32, i32
  }
  func.func @transform_4(%arg0: i32) -> (i32, i32) {
    %c0_i32 = arith.constant 0 : i32
    %c0_i32_0 = arith.constant 0 : i32
    %c0_i32_1 = arith.constant 0 : i32
    return %c0_i32, %c0_i32_0 : i32, i32
  }
  func.func @transform_5(%arg0: i32) -> (i32, i32) {
    %c0_i32 = arith.constant 0 : i32
    %c0_i32_0 = arith.constant 0 : i32
    %c0_i32_1 = arith.constant 0 : i32
    return %c0_i32, %c0_i32_0 : i32, i32
  }
  func.func @transform_6(%arg0: i32) -> (i32, i32) {
    %c0_i32 = arith.constant 0 : i32
    %c0_i32_0 = arith.constant 0 : i32
    return %arg0, %c0_i32 : i32, i32
  }
  func.func @transform_7(%arg0: i32) -> (i32, i32) {
    %c0_i32 = arith.constant 0 : i32
    %c0_i32_0 = arith.constant 0 : i32
    return %arg0, %c0_i32 : i32, i32
  }
  func.func @transform_8(%arg0: i32) -> (i32, i32) {
    %c0_i32 = arith.constant 0 : i32
    %c0_i32_0 = arith.constant 0 : i32
    return %arg0, %c0_i32 : i32, i32
  }
  func.func @transform_9(%arg0: i32) -> i32 {
    %c0_i32 = arith.constant 0 : i32
    return %arg0 : i32
  }
}

module attributes {stable_mosaic.version = 14 : i64} {
  func.func @_post_body(%arg0: i32, %arg1: memref<2x1024x16xf32, #tpu.memory_space<vmem>>, %arg2: memref<1024xf32, #tpu.memory_space<vmem>>, %arg3: memref<1024x32xf32, #tpu.memory_space<vmem>>, %arg4: memref<1024x32xf32, #tpu.memory_space<vmem>>) attributes {dimension_semantics = [#tpu.dimension_semantics<arbitrary>], iteration_bounds = array<i64: 49>, scalar_prefetch = 0 : i64, scratch_operands = 0 : i64, tpu.core_type = #tpu.core_type<tc>, window_params = [{transform_indices = @transform_0, window_bounds = array<i64: 2, 1024, 16>}, {transform_indices = @transform_1, window_bounds = array<i64: 1024>}, {transform_indices = @transform_2, window_bounds = array<i64: 1024, 32>}, {transform_indices = @transform_3, window_bounds = array<i64: 1024, 32>}]} {
    %get3A = arith.constant 0 : index
    %get3A_0 = arith.constant 0 : index
    %get3A_1 = arith.constant 0 : index
    %get3A_2 = vector.load %arg1[%get3A, %get3A_0, %get3A_1] : memref<2x1024x16xf32, #tpu.memory_space<vmem>>, vector<1x1024x16xf32>
    %get3A_3 = vector.shape_cast %get3A_2 : vector<1x1024x16xf32> to vector<1024x16xf32>
    %get3A_4 = arith.constant 1 : index
    %get3A_5 = arith.constant 0 : index
    %get3A_6 = arith.constant 0 : index
    %get3A_7 = vector.load %arg1[%get3A_4, %get3A_5, %get3A_6] : memref<2x1024x16xf32, #tpu.memory_space<vmem>>, vector<1x1024x16xf32>
    %get3A_8 = vector.shape_cast %get3A_7 : vector<1x1024x16xf32> to vector<1024x16xf32>
    %concatenate3A = tpu.concatenate %get3A_3, %get3A_8 in 1 : vector<1024x16xf32>, vector<1024x16xf32> -> vector<1024x32xf32>
    %get3A_9 = arith.constant 0 : index
    %get3A_10 = vector.load %arg2[%get3A_9] : memref<1024xf32, #tpu.memory_space<vmem>>, vector<1024xf32>
    %broadcast_in_dim3A = vector.shape_cast %get3A_10 : vector<1024xf32> to vector<1024x1xf32>
    %mul3A = vector.broadcast %broadcast_in_dim3A : vector<1024x1xf32> to vector<1024x32xf32>
    %mul3A_11 = arith.mulf %concatenate3A, %mul3A : vector<1024x32xf32>
    %get3A_12 = arith.constant 0 : index
    %get3A_13 = arith.constant 0 : index
    %get3A_14 = vector.load %arg3[%get3A_12, %get3A_13] : memref<1024x32xf32, #tpu.memory_space<vmem>>, vector<1024x32xf32>
    %add3A = arith.addf %mul3A_11, %get3A_14 : vector<1024x32xf32>
    %swap3A = arith.constant 0 : index
    %swap3A_15 = arith.constant 0 : index
    %swap3A_16 = vector.load %arg4[%swap3A, %swap3A_15] : memref<1024x32xf32, #tpu.memory_space<vmem>>, vector<1024x32xf32>
    tpu.vector_store %arg4[%swap3A, %swap3A_15], %add3A {strides = array<i32>} : memref<1024x32xf32, #tpu.memory_space<vmem>>, vector<1024x32xf32>,
    return
  }
  func.func @transform_0(%arg0: i32) -> (i32, i32, i32) {
    %c0_i32 = arith.constant 0 : i32
    %c0_i32_0 = arith.constant 0 : i32
    %c0_i32_1 = arith.constant 0 : i32
    return %c0_i32, %arg0, %c0_i32_0 : i32, i32, i32
  }
  func.func @transform_1(%arg0: i32) -> i32 {
    %c0_i32 = arith.constant 0 : i32
    return %arg0 : i32
  }
  func.func @transform_2(%arg0: i32) -> (i32, i32) {
    %c0_i32 = arith.constant 0 : i32
    %c0_i32_0 = arith.constant 0 : i32
    return %arg0, %c0_i32 : i32, i32
  }
  func.func @transform_3(%arg0: i32) -> (i32, i32) {
    %c0_i32 = arith.constant 0 : i32
    %c0_i32_0 = arith.constant 0 : i32
    return %arg0, %c0_i32 : i32, i32
  }
}

</mosaic_0001>

<sc_bundles>
// kernel: kernel.11.cloned.1.call-start
scs
__scs_entry_jumppad:
0x0: {  	(pc) =	sbr.rel $0x88, $3  }
0x1: {  	(tag) =	ssettag $0x0;
	lr =	simm.s32 $0x1  }
0x2: {  	[smem:$0x3F96] =	sst lr;
	_ =	strace $0xD0000000  }
0x3: {  	_ = 	snop  }
0x4: {  	_ = 	snop  }
0x5: {  	_ = 	snop  }
0x6: {  	_ = 	snop  }
0x7: {  	_ = 	snop  }
__scs_overlays_trampoline_lowered:
0x8: {  	[smem:$0x3FA5] =	sst s0  }
0x9: {  	[smem:$0x3FA6] =	sst s1  }
0xa: {  	[smem:$0x3FA7] =	sst s2  }
0xb: {  	[smem:$0x3FA8] =	sst s3  }
0xc: {  	[smem:$0x3FA9] =	sst s4  }
0xd: {  	[smem:$0x3FAA] =	sst s5  }
0xe: {  	[smem:$0x3FAB] =	sst s6  }
0xf: {  	[smem:$0x3FAC] =	sst s7  }
0x10: {  	[smem:$0x3FAD] =	sst s8  }
0x11: {  	[smem:$0x3FAE] =	sst s9;
	s0 =	simm.s32 @!p0 $0x0  }
0x12: {  	s1 =	sld [smem:$0x3F94];
	s0 =	simm.s32 @p0 $0x1  }
0x13: {  	[smem:$0x3FAF] =	sst s0;
	s0 =	simm.s32 @!p1 $0x0  }
0x14: {  	s2 =	sld [smem:$0x3F93];
	s0 =	simm.s32 @p1 $0x1  }
0x15: {  	[smem:$0x3FB0] =	sst s0;
	s0 =	simm.s32 @!p2 $0x0  }
0x16: {  	s3 =	sld [smem:$0x3FDB];
	s0 =	simm.s32 @p2 $0x1  }
0x17: {  	s4 =	simm.s32 $0x1BF5;
	[smem:$0x3FB2] =	sst s0  }
0x18: {  	s0 =	sld [smem:$0x3F95];
	_ =	swait.ge [sflag:s4], $0x0  }
0x19: {  	s7 =	sld [smem:$0x3F96]  }
0x1a: {  	s8 =	sadd.s32 $0xFFFFE003, lr  }
0x1b: {  	s9 =	sadd.s32 $0xFFFFFEF7, lr;
	s5 =	simm.s32 $0xFFFFFFFF;
	p2 =	slt.u32 s8, $0xFFFFF086  }
0x1c: {  	p1 =	slt.u32 s9, $0xF7A;
	s5 =	simm.s32 @!p2 $0x0  }
0x1d: {  	s5 =	simm.s32 @p1 $0x1;
	p0 =	seq.s32 s7, s2  }
0x1e: {  	s7 =	smul.u32 @!p0 $0xF7A, s2;
	p2 =	seq.s32 @!p0 s5, $0x0  }
0x1f: {  	s9 =	smul.u32 $0xF7A, s1;
	s8 =	simm.s32 @!p0 $0x1BF5;
	p2 =	por !p2, p0  }
0x20: {  	[sflag:s8] =	ssyncset.s32 @!p0 $0xFFFFF086;
	s6 =	sadd.s32 @!p0 s3, s7;
	s7 =	simm.s32 @!p0 $0x108  }
0x21: {  	s3 =	sadd.s32 s3, s9;
	s6 =	sadd.s32 @!p0 $0x88, s6;
	s7 =	simm.s32 @p2 $0x1082  }
0x22: {  	[simem:s7], [sflag:s8] =	dma.local @!p0 [hbm:s6], $0xF7A  }
0x23: {  	s9 =	sor.u32 $0xD0000000, s2;
	s6 =	simm.s32 $0x108;
	_ =	swait.ge @!p0 [sflag:s8], $0x0  }
0x24: {  	s3 =	sadd.s32 $0x88, s3;
	s6 =	simm.s32 @!p1 $0x1082;
	[sflag:s4] =	ssyncset.s32 $0xFFFFF086  }
0x25: {  	[simem:s6], [sflag:s4] =	dma.local [hbm:s3], $0xF7A  }
0x26: {  	[smem:$0x3F96] =	sst s1;
	(tag) =	ssettag s2;
	_ =	strace s9  }
0x27: {  	s1 =	sld [smem:$0x3FA6]  }
0x28: {  	s2 =	sld [smem:$0x3FA7]  }
0x29: {  	s4 =	sld [smem:$0x3FA9]  }
0x2a: {  	p0 =	seq.s32 s5, $0x0;
	s5 =	sld [smem:$0x3FAA]  }
0x2b: {  	s6 =	sld [smem:$0x3FAB]  }
0x2c: {  	s7 =	sld [smem:$0x3FAC]  }
0x2d: {  	s3 =	simm.s32 $0x108;
	s8 =	sld [smem:$0x3FAD]  }
0x2e: {  	s3 =	simm.s32 @!p0 $0x1082;
	s9 =	sld [smem:$0x3FAE]  }
0x2f: {  	lr =	sadd.s32 s0, s3;
	s0 =	sld [smem:$0x3FA5]  }
0x30: {  	s3 =	sld [smem:$0x3FA8]  }
0x31: {  	[smem:$0x3FB1] =	sst s10  }
0x32: {  	s10 =	sld [smem:$0x3FAF];
	_ =	sdelay $0x3  }
0x33: {  	p0 =	seq.s32 s10, $0x1;
	s10 =	sld [smem:$0x3FB1];
	_ =	sdelay $0x3  }
0x34: {  	[smem:$0x3FB1] =	sst s10  }
0x35: {  	s10 =	sld [smem:$0x3FB0];
	_ =	sdelay $0x3  }
0x36: {  	p1 =	seq.s32 s10, $0x1;
	s10 =	sld [smem:$0x3FB1];
	_ =	sdelay $0x3  }
0x37: {  	[smem:$0x3FB1] =	sst s10  }
0x38: {  	s10 =	sld [smem:$0x3FB2]  }
0x39: {  	_ = 	snop;
	(pc) =	sbr.ind lr, $3  }
0x3a: {  	_ = 	snop  }
0x3b: {  	_ = 	snop  }
0x3c: {  	p2 =	seq.s32 s10, $0x1;
	s10 =	sld [smem:$0x3FB1]  }
0x3d: {  	_ =	shalt  }
0x3e: {  	_ =	shalt  }
0x3f: {  	_ =	shalt  }
0x40: {  	_ =	shalt  }
0x41: {  	_ =	shalt  }
0x42: {  	_ =	shalt  }
0x43: {  	_ =	shalt  }
0x44: {  	_ =	shalt  }
0x45: {  	_ =	shalt  }
0x46: {  	_ =	shalt  }
0x47: {  	_ =	shalt  }
0x48: {  	_ =	shalt  }
0x49: {  	_ =	shalt  }
0x4a: {  	_ =	shalt  }
0x4b: {  	_ =	shalt  }
0x4c: {  	_ =	shalt  }
0x4d: {  	_ =	shalt  }
0x4e: {  	_ =	shalt  }
0x4f: {  	_ =	shalt  }
0x50: {  	_ =	shalt  }
0x51: {  	_ =	shalt  }
0x52: {  	_ =	shalt  }
0x53: {  	_ =	shalt  }
0x54: {  	_ =	shalt  }
0x55: {  	_ =	shalt  }
0x56: {  	_ =	shalt  }
0x57: {  	_ =	shalt  }
0x58: {  	_ =	shalt  }
0x59: {  	_ =	shalt  }
0x5a: {  	_ =	shalt  }
0x5b: {  	_ =	shalt  }
0x5c: {  	_ =	shalt  }
0x5d: {  	_ =	shalt  }
0x5e: {  	_ =	shalt  }
0x5f: {  	_ =	shalt  }
0x60: {  	_ =	shalt  }
0x61: {  	_ =	shalt  }
0x62: {  	_ =	shalt  }
0x63: {  	_ =	shalt  }
0x64: {  	_ =	shalt  }
0x65: {  	_ =	shalt  }
0x66: {  	_ =	shalt  }
0x67: {  	_ =	shalt  }
0x68: {  	_ =	shalt  }
0x69: {  	_ =	shalt  }
0x6a: {  	_ =	shalt  }
0x6b: {  	_ =	shalt  }
0x6c: {  	_ =	shalt  }
0x6d: {  	_ =	shalt  }
0x6e: {  	_ =	shalt  }
0x6f: {  	_ =	shalt  }
0x70: {  	_ =	shalt  }
0x71: {  	_ =	shalt  }
0x72: {  	_ =	shalt  }
0x73: {  	_ =	shalt  }
0x74: {  	_ =	shalt  }
0x75: {  	_ =	shalt  }
0x76: {  	_ =	shalt  }
0x77: {  	_ =	shalt  }
0x78: {  	_ =	shalt  }
0x79: {  	_ =	shalt  }
0x7a: {  	_ =	shalt  }
0x7b: {  	_ =	shalt  }
0x7c: {  	_ =	shalt  }
0x7d: {  	_ =	shalt  }
0x7e: {  	_ =	shalt  }
0x7f: {  	_ =	shalt  }
0x80: {  	_ =	shalt  }
0x81: {  	_ =	shalt  }
0x82: {  	_ =	shalt  }
0x83: {  	_ =	shalt  }
0x84: {  	_ =	shalt  }
0x85: {  	_ =	shalt  }
0x86: {  	_ =	shalt  }
0x87: {  	_ =	shalt  }
.Lfunc_end0:
.L_simem_size_0:
called_computation.1_lowered:
.L_overlay_start_0:
0x88: {  	s2 =	sld [smem:$0x3FD9]  }
0x89: {  	s3 =	sld [smem:$0x3FFE];
	_ =	sdelay $0x1  }
0x8a: {  	s1 =	srdreg.scid  }
0x8b: {  	s0 =	sand.u32 $0x1, s1  }
0x8c: {  	s14 =	sshll.u32 s0, $0xA;
	s2 =	sadd.s32 s3, s2  }
0x8d: {  	s2 =	sadd.s32 s2, s14  }
0x8e: {  	[smem:$0x3FBD] =	sst s2  }
0x8f: {  	_ = 	snop  }
0x90: {  	s2 =	sld [smem:$0x3FD0];
	_ =	sdelay $0x2  }
0x91: {  	s15 =	simm.s32 $0xA;
	s4 =	simm.s32 $0x10  }
0x92: {  	[smem:s4], [sflag:s15] =	dma.local [hbm:s2], $0x1  }
0x93: {  	_ =	swait.eq [sflag:s15], $0x1  }
0x94: {  	[sflag:s15] =	ssyncset.done $0x0  }
0x95: {  	[sflag:s15] =	ssyncadd.s32 $0xFFFFFFFF  }
0x96: {  	s16 =	sld [smem:$0x10];
	(tm) =	ssettm $0x1  }
0x97: {  	s17 =	sld [smem:$0x3FFB];
	_ =	sdelay $0x3  }
0x98: {  	_ =	strace s17  }
0x99: {  	s3 =	sld [smem:$0x3FFC];
	_ =	sdelay $0x3  }
0x9a: {  	_ =	strace s3  }
0x9b: {  	s3 =	sld [smem:$0x3FFD];
	_ =	sdelay $0x3  }
0x9c: {  	_ =	strace s3  }
0x9d: {  	_ =	strace $0x8FFFFFFF  }
0x9e: {  	s18 =	sld [smem:$0x3FDB];
	_ =	sdelay $0x1  }
0x9f: {  	s19 =	simm.s32 $_scs_section_size  }
0xa0: {  	s5 =	simm.s32 $_size__tile_overlayer_lowered;
	s6 =	simm.s32 $_tile_overlayer_lowered  }
0xa1: {  	s22 =	simm.s32 $0x1BFF;
	s21 =	sshll.u32 s6, $0x1;
	s3 =	sadd.s32 s19, s18  }
0xa2: {  	s7 =	simm.s32 $0x0;
	s20 =	sshll.u32 s5, $0x1;
	s5 =	sadd.s32 s21, s3  }
0xa3: {  	[timem:s7], [sflag:s22] =	dma.local [hbm:s5], s20  }
0xa4: {  	_ =	swait.ge [sflag:s22], s20  }
0xa5: {  	s4 =	ssub.s32 $0x0, s20;
	[sflag:s22] =	ssyncset.done $0x0  }
0xa6: {  	[sflag:s22] =	ssyncadd.s32 s4;
	_ =	sdelay $0x1  }
0xa7: {  	s23 =	simm.s32 $0x1B8B  }
0xa8: {  	_ =	swait.ge [sflag:s23], $0x1  }
0xa9: {  	[sflag:s23] =	ssyncset.done $0x0  }
0xaa: {  	s25 =	simm.s32 $0x1B8E;
	s24 =	sld [smem:$0x3FFE];
	[sflag:s23] =	ssyncadd.s32 $0xFFFFFFFF  }
0xab: {  	s26 =	simm.s32 $execute0_lowered;
	[smem:$0x3FD2] =	sst s25  }
0xac: {  	s5 =	sshll.u32 s26, $0x1;
	_ =	strace $0x80000049;
	[dreg:$0x1] =	wrdreg $0xFFFFFFFF  }
0xad: {  	s28 =	simm.s32 $_size_execute0_lowered;
	s3 =	sadd.s32 s3, s5;
	[dreg:$0x0] =	wrdreg $0x0  }
0xae: {  	s5 =	sshll.u32 s28, $0x1;
	[dreg:$0x2] =	wrdreg s3  }
0xaf: {  	[dreg:$0x3] =	wrdreg s5  }
0xb0: {  	[dreg:$0x4] =	wrdreg $0xC0  }
0xb1: {  	_ =	task [dreg:s7], $0x5FFFF  }
0xb2: {  	[dreg:$0x1] =	wrdreg $0xFFFFFFFF  }
0xb3: {  	[dreg:$0x0] =	wrdreg $0x60  }
0xb4: {  	[dreg:$0x2] =	wrdreg s24  }
0xb5: {  	[dreg:$0x3] =	wrdreg s16  }
0xb6: {  	[dreg:$0x4] =	wrdreg $0x0  }
0xb7: {  	[dreg:$0x5] =	wrdreg $0x9  }
0xb8: {  	_ =	task.clear_ibuf [dreg:s7], $0x6FFFF;
	_ =	strace $0x90000049  }
0xb9: {  	s29 =	simm.s32 $0x9;
	_ =	strace $0x8000004B  }
0xba: {  	_ =	swait.ge [sflag:s29], $0x1  }
0xbb: {  	[sflag:s29] =	ssyncadd.s32 $0xFFFFFFFF  }
0xbc: {  	_ =	strace $0x9000004B  }
0xbd: {  	_ =	sfence  }
0xbe: {  	s30 =	sld [smem:$0x0];
	_ =	sdelay $0x2  }
0xbf: {  	s31 =	sshll.u32 s1, $0xD;
	s1 =	sshrl.u32 s1, $0x2  }
0xc0: {  	s3 =	sand.u32 $0x4000, s31;
	s1 =	sadd.s32 s1, s30  }
0xc1: {  	s0 =	sor.u32 s3, s0;
	s1 =	sshll.u32 s1, $0x11  }
0xc2: {  	s0 =	sor.u32 s1, s0  }
0xc3: {  	s0 =	sadd.s32 $0x8F2B, s0  }
0xc4: {  	[sflag:s0] =	ssyncadd.remote.s32 $0x1  }
0xc5: {  	_ =	sfence.sel $0xFFFF  }
0xc6: {  	[dreg:$0x0] =	wrdreg $0xFFFFFFFF;
	(pc) =	sbr.abs _section_cstart, $3  }
0xc7: {  	[dreg:$0x1] =	wrdreg $0xFFFFFFFF  }
0xc8: {  	_ =	task.clear_ibuf [dreg:s7], $0x2FFFF;
	_ =	strace $0x9FFFFFFF  }
0xc9: {  	(tm) =	ssettm $0x7FFFFFFF  }
tec
execute0_lowered:
.L_overlay_start_1:
0x0: {  	(tag) =	ssettag $0x1  }
0x1: {  	s0 =	rddreg [dreg:$0x0]  }
0x2: {  	s2 =	rddreg [dreg:$0x1]  }
0x3: {  	s1 =	rddreg [dreg:$0x2];
	s3 =	simm.s32 $0x0  }
0x4: {  	s18 =	stileid.u32;
	s6 =	srdreg.scid;
	s19 =	simm.s32 $0x5  }
0x5: {  	s20 =	simm.s32 $0xC380;
	s21 =	simm.s32 $0xCB50;
	s22 =	simm.s32 $0x3E8  }
0x6: {  	s28 =	simm.s32 $0x3;
	s29 =	simm.s32 $0x2;
	s30 =	simm.s32 $0x4  }
0x7: {  	s31 =	simm.s32 $0x0;
	[smem:$0x7FF] =	sst s3;
	s7 =	smul.u32 $0x30E00, s18  }
0x8: {  	s4 =	sadd.s32 $0x1E600, s0;
	s5 =	sadd.s32 $0x5E00, s0;
	s13 =	smul.u32 $0x1870, s18  }
0x9: {  	s17 =	sadd.s32 $0x67E00, s0;
	s10 =	sand.u32 $0x1, s6;
	s11 =	smul.u32 $0xC350, s18  }
0xa: {  	s0 =	sadd.s32 $0x4F600, s0;
	s18 =	smul.u32 $0x186A, s18;
	_ =	strace $0x8000004A  }
0xb: {  	s8 =	ssub.s32 $0x2, s10;
	p0 =	seq.s32 s10, $0x1;
	s16 =	smul.u32 $0x18700, s10  }
0xc: {  	s23 =	sshrl.u32 s7, $0x2;
	s24 =	sshrl.u32 s8, $0x1;
	s12 =	sshrl.u32 s11, $0x3  }
0xd: {  	s14 =	sadd.s32 $0x3E8, s11;
	s6 =	sadd.s32 s23, s1;
	s15 =	ssub.s32 s8, s24  }
0xe: {  	s10 =	sadd.s32 s17, s12;
	s11 =	sadd.s32 s0, s12;
	s14 =	sshrl.u32 s14, $0x3  }
0xf: {  	s16 =	sadd.s32 s13, s16;
	s23 =	simm.s32 $0xC768;
	s24 =	simm.s32 $0xCF38  }
.Ltmp0:
0x10: {  	s25 =	sadd.s32 $0x3E80, s6;
	s26 =	sadd.s32 $0x7D00, s6;
	(pc) =	sbr.rel .LBB2_1-.Ltmp0, $4  }
0x11: {  	s9 =	sadd.s32 $0xBB80, s6;
	s12 =	sadd.s32 s17, s14;
	s13 =	sadd.s32 s0, s14  }
0x12: {  	s14 =	sadd.s32 s2, s16;
	s15 =	smax.u32 s15, $0x1;
	s16 =	sadd.s32 s18, s0  }
0x13: {  	s17 =	sadd.s32 s18, s17;
	s18 =	simm.s32 $0xD320;
	[dreg:$0x4] =	wrdreg s25  }
0x14: {  	v0 =	vimm.f32 $0.0e+00;
	[dreg:$0x5] =	wrdreg s26;
	s25 =	simm.s32 $0x111A0;
	s26 =	simm.s32 $0x1  }
.LBB2_6:
0x15: {  	[tilespmem:s25], [sflag:$0x2] =	stream.indirect.gather [hbm4b:s4+s22], $0x10, s23, s22, $0xb8;
	[tilespmem:$0x15020] =	vst v63  }
.LBB2_10:
0x16: {  	_ =	swait.ge [sflag:s26], $0x3E80  }
0x17: {  	[sflag:s26] =	ssyncset.done $0x0  }
0x18: {  	[sflag:s26] =	ssyncadd.s32 $0xFFFFC180  }
0x19: {  	[spmem:s1] =	stream.indirect.scatter.add.f32 [tilespmem:s18], [sflag:$0x3], $0x10, s21, s22, $0xb8;
	[tilespmem:$0x15020] =	vst v63  }
0x1a: {  	_ =	swait.ge [sflag:s28], $0x3E80  }
0x1b: {  	[sflag:s28] =	ssyncset.done $0x0  }
0x1c: {  	[sflag:s28] =	ssyncadd.s32 $0xFFFFC180  }
0x1d: {  	_ =	swait.ge [sflag:s29], $0x3E80  }
0x1e: {  	[sflag:s29] =	ssyncset.done $0x0  }
0x1f: {  	[sflag:s29] =	ssyncadd.s32 $0xFFFFC180  }
0x20: {  	[spmem:s1] =	stream.indirect.scatter.add.f32 [tilespmem:s25], [sflag:$0x4], $0x10, s24, s22, $0xb8;
	[tilespmem:$0x15020] =	vst v63  }
0x21: {  	s0 =	stileid.u32;
	_ =	swait.ge [sflag:s30], $0x3E80  }
0x22: {  	s2 =	sshrl.u32 s6, $0x3;
	s31 =	sadd.s32 $0x1, s31;
	[sflag:s30] =	ssyncset.done $0x0  }
0x23: {  	s0 =	sshll.u32 s0, $0x6;
	p1 =	sne.s32 s31, s15;
	[sflag:s30] =	ssyncadd.s32 $0xFFFFC180  }
.Ltmp1:
0x24: {  	s0 =	sor.u32 $0x1C05, s0;
	[bflag:$0x0] =	sbarrier.arrive $0xFFFF;
	(pc) =	sbr.rel @!p1 .LBB2_11-.Ltmp1, $4  }
0x25: {  	[hbm:s14], [sflag:s0] =	dma.local [spmem:s2], $0x1870  }
0x26: {  	_ =	swait.ge [sflag:s19], $0x1870  }
0x27: {  	[sflag:s19] =	ssyncset.done $0x0  }
0x28: {  	[sflag:s19] =	ssyncadd.s32 $0xFFFFE790  }
.LBB2_1:
0x29: {  	s0 =	simm.s32 $0x40;
	s2 =	simm.s32 $0x0  }
.LBB2_2:
0x2a: {  	p1 =	sne.s32 s0, $0xF9C0;
	[tilespmem:s2+$0xD320] =	vst v0;
	s2 =	smov.u32 s0;
	s0 =	sadd.s32 $0x40, s0  }
.Ltmp2:
0x2b: {  	(pc) =	sbr.rel @p1 .LBB2_2-.Ltmp2, $2  }
0x2c: {  	_ =	sdelay $0x2  }
0x2d: {  	s2 =	sshra.s32 s2, $0x2  }
0x2e: {  	[tilespmem:s2+$0xD320] =	vst v0  }
0x2f: {  	[spmem:s6] =	stream.linear.scatter [tilespmem:s18], [sflag:$0x5], $0x3E80, $0x38;
	[tilespmem:$0x15020] =	vst v63  }
0x30: {  	_ =	swait.ge [sflag:s19], $0x3E80  }
0x31: {  	[sflag:s19] =	ssyncset.done $0x0  }
0x32: {  	s0 =	rddreg [dreg:$0x4];
	[sflag:s19] =	ssyncadd.s32 $0xFFFFC180  }
0x33: {  	[spmem:s0] =	stream.linear.scatter [tilespmem:s18], [sflag:$0x5], $0x3E80, $0x38;
	[tilespmem:$0x15020] =	vst v63  }
0x34: {  	_ =	swait.ge [sflag:s19], $0x3E80  }
0x35: {  	[sflag:s19] =	ssyncset.done $0x0  }
0x36: {  	s8 =	rddreg [dreg:$0x5];
	[sflag:s19] =	ssyncadd.s32 $0xFFFFC180  }
0x37: {  	[spmem:s8] =	stream.linear.scatter [tilespmem:s18], [sflag:$0x5], $0x3E80, $0x38;
	[tilespmem:$0x15020] =	vst v63  }
0x38: {  	_ =	swait.ge [sflag:s19], $0x3E80  }
0x39: {  	[sflag:s19] =	ssyncset.done $0x0  }
0x3a: {  	[sflag:s19] =	ssyncadd.s32 $0xFFFFC180  }
0x3b: {  	[spmem:s9] =	stream.linear.scatter [tilespmem:s18], [sflag:$0x5], $0x800, $0x38;
	[tilespmem:$0x15020] =	vst v63  }
0x3c: {  	_ =	swait.ge [sflag:s19], $0x800  }
0x3d: {  	[sflag:s19] =	ssyncset.done $0x0  }
0x3e: {  	[sflag:s19] =	ssyncadd.s32 $0xFFFFF800  }
0x3f: {  	[bflag:$0x0] =	sbarrier.arrive $0xFFFF  }
0x40: {  	[tilespmem:s20], [sflag:$0x5] =	stream.linear.gather [hbm4b:s10+s3], $0x3E8, $0x38;
	[tilespmem:$0x15020] =	vst v63  }
0x41: {  	_ =	swait.ge [sflag:s19], $0x3E8  }
0x42: {  	[sflag:s19] =	ssyncset.done $0x0  }
.Ltmp3:
0x43: {  	[sflag:s19] =	ssyncadd.s32 $0xFFFFFC18;
	(pc) =	sbr.rel @!p0 .LBB2_4-.Ltmp3, $4  }
0x44: {  	[tilespmem:s21], [sflag:$0x5] =	stream.linear.gather [hbm4b:s11+s3], $0x3E8, $0x38;
	[tilespmem:$0x15020] =	vst v63  }
0x45: {  	_ =	swait.ge [sflag:s19], $0x3E8  }
0x46: {  	[sflag:s19] =	ssyncset.done $0x0  }
0x47: {  	[sflag:s19] =	ssyncadd.s32 $0xFFFFFC18  }
0x48: {  	[tilespmem:s18], [sflag:$0x1] =	stream.indirect.gather [hbm4b:s5+s22], $0x10, s20, s22, $0xb8;
	[tilespmem:$0x15020] =	vst v63  }
0x49: {  	_ = 	snop  }
0x4a: {  	[tilespmem:s23], [sflag:$0x5] =	stream.linear.gather [hbm4b:s12+s3], $0x3E8, $0x38;
	[tilespmem:$0x15020] =	vst v63  }
0x4b: {  	_ =	swait.ge [sflag:s19], $0x3E8  }
0x4c: {  	[sflag:s19] =	ssyncset.done $0x0  }
0x4d: {  	[sflag:s19] =	ssyncadd.s32 $0xFFFFFC18  }
0x4e: {  	[tilespmem:s24], [sflag:$0x5] =	stream.linear.gather [hbm4b:s13+s3], $0x3E8, $0x38;
	[tilespmem:$0x15020] =	vst v63  }
0x4f: {  	_ =	swait.ge [sflag:s19], $0x3E8  }
0x50: {  	[sflag:s19] =	ssyncset.done $0x0  }
0x51: {  	[sflag:s19] =	ssyncadd.s32 $0xFFFFFC18  }
0x52: {  	[tilespmem:s25], [sflag:$0x2] =	stream.indirect.gather [hbm4b:s5+s22], $0x10, s23, s22, $0xb8;
	[tilespmem:$0x15020] =	vst v63  }
0x53: {  	_ =	swait.ge [sflag:s26], $0x3E80  }
0x54: {  	[sflag:s26] =	ssyncset.done $0x0  }
0x55: {  	s0 =	sadd.s32 $0xFFFFE890, s17;
	[sflag:s26] =	ssyncadd.s32 $0xFFFFC180  }
0x56: {  	[spmem:s1] =	stream.indirect.scatter.add.f32 [tilespmem:s18], [sflag:$0x3], $0x10, s21, s22, $0xb8;
	[tilespmem:$0x15020] =	vst v63  }
0x57: {  	s2 =	sadd.s32 $0x186A, s0  }
0x58: {  	[tilespmem:s20], [sflag:$0x5] =	stream.linear.gather [hbm4b:s2+s3], $0x3E8, $0x38;
	[tilespmem:$0x15020] =	vst v63  }
0x59: {  	_ =	swait.ge [sflag:s19], $0x3E8  }
0x5a: {  	[sflag:s19] =	ssyncset.done $0x0  }
0x5b: {  	[sflag:s19] =	ssyncadd.s32 $0xFFFFFC18  }
0x5c: {  	_ =	swait.ge [sflag:s28], $0x3E80  }
0x5d: {  	s8 =	sadd.s32 $0xFFFFE890, s16;
	[sflag:s28] =	ssyncset.done $0x0  }
0x5e: {  	s7 =	sadd.s32 $0x186A, s8;
	[sflag:s28] =	ssyncadd.s32 $0xFFFFC180  }
0x5f: {  	[tilespmem:s21], [sflag:$0x5] =	stream.linear.gather [hbm4b:s7+s3], $0x3E8, $0x38;
	[tilespmem:$0x15020] =	vst v63  }
0x60: {  	_ =	swait.ge [sflag:s19], $0x3E8  }
0x61: {  	[sflag:s19] =	ssyncset.done $0x0  }
0x62: {  	[sflag:s19] =	ssyncadd.s32 $0xFFFFFC18  }
0x63: {  	[tilespmem:s18], [sflag:$0x1] =	stream.indirect.gather [hbm4b:s5+s22], $0x10, s20, s22, $0xb8;
	[tilespmem:$0x15020] =	vst v63  }
0x64: {  	_ =	swait.ge [sflag:s29], $0x3E80  }
0x65: {  	[sflag:s29] =	ssyncset.done $0x0  }
0x66: {  	[sflag:s29] =	ssyncadd.s32 $0xFFFFC180  }
0x67: {  	[spmem:s1] =	stream.indirect.scatter.add.f32 [tilespmem:s25], [sflag:$0x4], $0x10, s24, s22, $0xb8;
	[tilespmem:$0x15020] =	vst v63  }
0x68: {  	s0 =	sadd.s32 $0x18E7, s0  }
0x69: {  	[tilespmem:s23], [sflag:$0x5] =	stream.linear.gather [hbm4b:s0+s3], $0x3E8, $0x38;
	[tilespmem:$0x15020] =	vst v63  }
0x6a: {  	_ =	swait.ge [sflag:s19], $0x3E8  }
0x6b: {  	[sflag:s19] =	ssyncset.done $0x0  }
0x6c: {  	[sflag:s19] =	ssyncadd.s32 $0xFFFFFC18  }
0x6d: {  	_ =	swait.ge [sflag:s30], $0x3E80  }
0x6e: {  	[sflag:s30] =	ssyncset.done $0x0  }
0x6f: {  	s8 =	sadd.s32 $0x18E7, s8;
	[sflag:s30] =	ssyncadd.s32 $0xFFFFC180  }
0x70: {  	[tilespmem:s24], [sflag:$0x5] =	stream.linear.gather [hbm4b:s8+s3], $0x3E8, $0x38;
	[tilespmem:$0x15020] =	vst v63  }
0x71: {  	_ =	swait.ge [sflag:s19], $0x3E8  }
0x72: {  	[sflag:s19] =	ssyncset.done $0x0  }
0x73: {  	s0 =	simm.s32 $0xFFFFE98A;
	[sflag:s19] =	ssyncadd.s32 $0xFFFFFC18  }
.LBB2_8:
0x74: {  	[tilespmem:s25], [sflag:$0x2] =	stream.indirect.gather [hbm4b:s5+s22], $0x10, s23, s22, $0xb8;
	[tilespmem:$0x15020] =	vst v63  }
0x75: {  	s2 =	smov.u32 s0  }
0x76: {  	p1 =	sne.s32 s0, $0xFFFFFF06;
	s0 =	sadd.s32 $0xFA, s0;
	_ =	swait.ge [sflag:s26], $0x3E80  }
0x77: {  	[sflag:s26] =	ssyncset.done $0x0  }
0x78: {  	s7 =	sadd.s32 s2, s17;
	[sflag:s26] =	ssyncadd.s32 $0xFFFFC180  }
0x79: {  	[spmem:s1] =	stream.indirect.scatter.add.f32 [tilespmem:s18], [sflag:$0x3], $0x10, s21, s22, $0xb8;
	[tilespmem:$0x15020] =	vst v63  }
0x7a: {  	s8 =	sadd.s32 $0x186A, s7  }
0x7b: {  	[tilespmem:s20], [sflag:$0x5] =	stream.linear.gather [hbm4b:s8+s3], $0x3E8, $0x38;
	[tilespmem:$0x15020] =	vst v63  }
0x7c: {  	_ =	swait.ge [sflag:s19], $0x3E8  }
0x7d: {  	[sflag:s19] =	ssyncset.done $0x0  }
0x7e: {  	[sflag:s19] =	ssyncadd.s32 $0xFFFFFC18  }
0x7f: {  	_ =	swait.ge [sflag:s28], $0x3E80  }
0x80: {  	s2 =	sadd.s32 s2, s16;
	[sflag:s28] =	ssyncset.done $0x0  }
0x81: {  	s8 =	sadd.s32 $0x186A, s2;
	[sflag:s28] =	ssyncadd.s32 $0xFFFFC180  }
0x82: {  	[tilespmem:s21], [sflag:$0x5] =	stream.linear.gather [hbm4b:s8+s3], $0x3E8, $0x38;
	[tilespmem:$0x15020] =	vst v63  }
0x83: {  	_ =	swait.ge [sflag:s19], $0x3E8  }
0x84: {  	[sflag:s19] =	ssyncset.done $0x0  }
0x85: {  	[sflag:s19] =	ssyncadd.s32 $0xFFFFFC18  }
0x86: {  	[tilespmem:s18], [sflag:$0x1] =	stream.indirect.gather [hbm4b:s5+s22], $0x10, s20, s22, $0xb8;
	[tilespmem:$0x15020] =	vst v63  }
0x87: {  	_ =	swait.ge [sflag:s29], $0x3E80  }
0x88: {  	[sflag:s29] =	ssyncset.done $0x0  }
0x89: {  	[sflag:s29] =	ssyncadd.s32 $0xFFFFC180  }
0x8a: {  	[spmem:s1] =	stream.indirect.scatter.add.f32 [tilespmem:s25], [sflag:$0x4], $0x10, s24, s22, $0xb8;
	[tilespmem:$0x15020] =	vst v63  }
0x8b: {  	s7 =	sadd.s32 $0x18E7, s7  }
0x8c: {  	[tilespmem:s23], [sflag:$0x5] =	stream.linear.gather [hbm4b:s7+s3], $0x3E8, $0x38;
	[tilespmem:$0x15020] =	vst v63  }
0x8d: {  	_ =	swait.ge [sflag:s19], $0x3E8  }
0x8e: {  	[sflag:s19] =	ssyncset.done $0x0  }
0x8f: {  	[sflag:s19] =	ssyncadd.s32 $0xFFFFFC18  }
0x90: {  	_ =	swait.ge [sflag:s30], $0x3E80  }
0x91: {  	[sflag:s30] =	ssyncset.done $0x0  }
.Ltmp4:
0x92: {  	s2 =	sadd.s32 $0x18E7, s2;
	[sflag:s30] =	ssyncadd.s32 $0xFFFFC180;
	(pc) =	sbr.rel @p1 .LBB2_8-.Ltmp4, $4  }
0x93: {  	[tilespmem:s24], [sflag:$0x5] =	stream.linear.gather [hbm4b:s2+s3], $0x3E8, $0x38;
	[tilespmem:$0x15020] =	vst v63  }
0x94: {  	_ =	swait.ge [sflag:s19], $0x3E8  }
0x95: {  	[sflag:s19] =	ssyncset.done $0x0  }
0x96: {  	[sflag:s19] =	ssyncadd.s32 $0xFFFFFC18  }
.Ltmp5:
0x97: {  	(pc) =	sbr.rel .LBB2_10-.Ltmp5, $2  }
0x98: {  	_ =	sdelay $0x2  }
0x99: {  	[tilespmem:s25], [sflag:$0x2] =	stream.indirect.gather [hbm4b:s5+s22], $0x10, s23, s22, $0xb8;
	[tilespmem:$0x15020] =	vst v63  }
.LBB2_4:
0x9a: {  	[tilespmem:s18], [sflag:$0x1] =	stream.indirect.gather [hbm4b:s4+s22], $0x10, s20, s22, $0xb8;
	[tilespmem:$0x15020] =	vst v63  }
0x9b: {  	_ = 	snop  }
0x9c: {  	[tilespmem:s23], [sflag:$0x5] =	stream.linear.gather [hbm4b:s12+s3], $0x3E8, $0x38;
	[tilespmem:$0x15020] =	vst v63  }
0x9d: {  	_ =	swait.ge [sflag:s19], $0x3E8  }
0x9e: {  	[sflag:s19] =	ssyncset.done $0x0  }
0x9f: {  	[sflag:s19] =	ssyncadd.s32 $0xFFFFFC18  }
0xa0: {  	[tilespmem:s24], [sflag:$0x5] =	stream.linear.gather [hbm4b:s13+s3], $0x3E8, $0x38;
	[tilespmem:$0x15020] =	vst v63  }
0xa1: {  	_ =	swait.ge [sflag:s19], $0x3E8  }
0xa2: {  	[sflag:s19] =	ssyncset.done $0x0  }
0xa3: {  	[sflag:s19] =	ssyncadd.s32 $0xFFFFFC18  }
0xa4: {  	[tilespmem:s25], [sflag:$0x2] =	stream.indirect.gather [hbm4b:s4+s22], $0x10, s23, s22, $0xb8;
	[tilespmem:$0x15020] =	vst v63  }
0xa5: {  	_ =	swait.ge [sflag:s26], $0x3E80  }
0xa6: {  	[sflag:s26] =	ssyncset.done $0x0  }
0xa7: {  	s0 =	sadd.s32 $0xFFFFE890, s17;
	[sflag:s26] =	ssyncadd.s32 $0xFFFFC180  }
0xa8: {  	[spmem:s1] =	stream.indirect.scatter.add.f32 [tilespmem:s18], [sflag:$0x3], $0x10, s21, s22, $0xb8;
	[tilespmem:$0x15020] =	vst v63  }
0xa9: {  	s2 =	sadd.s32 $0x186A, s0  }
0xaa: {  	[tilespmem:s20], [sflag:$0x5] =	stream.linear.gather [hbm4b:s2+s3], $0x3E8, $0x38;
	[tilespmem:$0x15020] =	vst v63  }
0xab: {  	_ =	swait.ge [sflag:s19], $0x3E8  }
0xac: {  	[sflag:s19] =	ssyncset.done $0x0  }
0xad: {  	[sflag:s19] =	ssyncadd.s32 $0xFFFFFC18  }
0xae: {  	_ =	swait.ge [sflag:s28], $0x3E80  }
0xaf: {  	s8 =	sadd.s32 $0xFFFFE890, s16;
	[sflag:s28] =	ssyncset.done $0x0  }
0xb0: {  	s7 =	sadd.s32 $0x186A, s8;
	[sflag:s28] =	ssyncadd.s32 $0xFFFFC180  }
0xb1: {  	[tilespmem:s21], [sflag:$0x5] =	stream.linear.gather [hbm4b:s7+s3], $0x3E8, $0x38;
	[tilespmem:$0x15020] =	vst v63  }
0xb2: {  	_ =	swait.ge [sflag:s19], $0x3E8  }
0xb3: {  	[sflag:s19] =	ssyncset.done $0x0  }
0xb4: {  	[sflag:s19] =	ssyncadd.s32 $0xFFFFFC18  }
0xb5: {  	[tilespmem:s18], [sflag:$0x1] =	stream.indirect.gather [hbm4b:s4+s22], $0x10, s20, s22, $0xb8;
	[tilespmem:$0x15020] =	vst v63  }
0xb6: {  	_ =	swait.ge [sflag:s29], $0x3E80  }
0xb7: {  	[sflag:s29] =	ssyncset.done $0x0  }
0xb8: {  	[sflag:s29] =	ssyncadd.s32 $0xFFFFC180  }
0xb9: {  	[spmem:s1] =	stream.indirect.scatter.add.f32 [tilespmem:s25], [sflag:$0x4], $0x10, s24, s22, $0xb8;
	[tilespmem:$0x15020] =	vst v63  }
0xba: {  	s0 =	sadd.s32 $0x18E7, s0  }
0xbb: {  	[tilespmem:s23], [sflag:$0x5] =	stream.linear.gather [hbm4b:s0+s3], $0x3E8, $0x38;
	[tilespmem:$0x15020] =	vst v63  }
0xbc: {  	_ =	swait.ge [sflag:s19], $0x3E8  }
0xbd: {  	[sflag:s19] =	ssyncset.done $0x0  }
0xbe: {  	[sflag:s19] =	ssyncadd.s32 $0xFFFFFC18  }
0xbf: {  	_ =	swait.ge [sflag:s30], $0x3E80  }
0xc0: {  	[sflag:s30] =	ssyncset.done $0x0  }
0xc1: {  	s8 =	sadd.s32 $0x18E7, s8;
	[sflag:s30] =	ssyncadd.s32 $0xFFFFC180  }
0xc2: {  	[tilespmem:s24], [sflag:$0x5] =	stream.linear.gather [hbm4b:s8+s3], $0x3E8, $0x38;
	[tilespmem:$0x15020] =	vst v63  }
0xc3: {  	_ =	swait.ge [sflag:s19], $0x3E8  }
0xc4: {  	[sflag:s19] =	ssyncset.done $0x0  }
0xc5: {  	s0 =	simm.s32 $0xFFFFE98A;
	[sflag:s19] =	ssyncadd.s32 $0xFFFFFC18  }
.LBB2_5:
0xc6: {  	[tilespmem:s25], [sflag:$0x2] =	stream.indirect.gather [hbm4b:s4+s22], $0x10, s23, s22, $0xb8;
	[tilespmem:$0x15020] =	vst v63  }
0xc7: {  	s2 =	smov.u32 s0  }
0xc8: {  	p1 =	seq.s32 s0, $0xFFFFFF06;
	s0 =	sadd.s32 $0xFA, s0;
	_ =	swait.ge [sflag:s26], $0x3E80  }
0xc9: {  	[sflag:s26] =	ssyncset.done $0x0  }
0xca: {  	s7 =	sadd.s32 s2, s17;
	[sflag:s26] =	ssyncadd.s32 $0xFFFFC180  }
0xcb: {  	[spmem:s1] =	stream.indirect.scatter.add.f32 [tilespmem:s18], [sflag:$0x3], $0x10, s21, s22, $0xb8;
	[tilespmem:$0x15020] =	vst v63  }
0xcc: {  	s8 =	sadd.s32 $0x186A, s7  }
0xcd: {  	[tilespmem:s20], [sflag:$0x5] =	stream.linear.gather [hbm4b:s8+s3], $0x3E8, $0x38;
	[tilespmem:$0x15020] =	vst v63  }
0xce: {  	_ =	swait.ge [sflag:s19], $0x3E8  }
0xcf: {  	[sflag:s19] =	ssyncset.done $0x0  }
0xd0: {  	[sflag:s19] =	ssyncadd.s32 $0xFFFFFC18  }
0xd1: {  	_ =	swait.ge [sflag:s28], $0x3E80  }
0xd2: {  	s2 =	sadd.s32 s2, s16;
	[sflag:s28] =	ssyncset.done $0x0  }
0xd3: {  	s8 =	sadd.s32 $0x186A, s2;
	[sflag:s28] =	ssyncadd.s32 $0xFFFFC180  }
0xd4: {  	[tilespmem:s21], [sflag:$0x5] =	stream.linear.gather [hbm4b:s8+s3], $0x3E8, $0x38;
	[tilespmem:$0x15020] =	vst v63  }
0xd5: {  	_ =	swait.ge [sflag:s19], $0x3E8  }
0xd6: {  	[sflag:s19] =	ssyncset.done $0x0  }
0xd7: {  	[sflag:s19] =	ssyncadd.s32 $0xFFFFFC18  }
0xd8: {  	[tilespmem:s18], [sflag:$0x1] =	stream.indirect.gather [hbm4b:s4+s22], $0x10, s20, s22, $0xb8;
	[tilespmem:$0x15020] =	vst v63  }
0xd9: {  	_ =	swait.ge [sflag:s29], $0x3E80  }
0xda: {  	[sflag:s29] =	ssyncset.done $0x0  }
0xdb: {  	[sflag:s29] =	ssyncadd.s32 $0xFFFFC180  }
0xdc: {  	[spmem:s1] =	stream.indirect.scatter.add.f32 [tilespmem:s25], [sflag:$0x4], $0x10, s24, s22, $0xb8;
	[tilespmem:$0x15020] =	vst v63  }
0xdd: {  	s7 =	sadd.s32 $0x18E7, s7  }
0xde: {  	[tilespmem:s23], [sflag:$0x5] =	stream.linear.gather [hbm4b:s7+s3], $0x3E8, $0x38;
	[tilespmem:$0x15020] =	vst v63  }
0xdf: {  	_ =	swait.ge [sflag:s19], $0x3E8  }
0xe0: {  	[sflag:s19] =	ssyncset.done $0x0  }
0xe1: {  	[sflag:s19] =	ssyncadd.s32 $0xFFFFFC18  }
0xe2: {  	_ =	swait.ge [sflag:s30], $0x3E80  }
0xe3: {  	[sflag:s30] =	ssyncset.done $0x0  }
.Ltmp6:
0xe4: {  	s2 =	sadd.s32 $0x18E7, s2;
	[sflag:s30] =	ssyncadd.s32 $0xFFFFC180;
	(pc) =	sbr.rel @!p1 .LBB2_5-.Ltmp6, $4  }
0xe5: {  	[tilespmem:s24], [sflag:$0x5] =	stream.linear.gather [hbm4b:s2+s3], $0x3E8, $0x38;
	[tilespmem:$0x15020] =	vst v63  }
0xe6: {  	_ =	swait.ge [sflag:s19], $0x3E8  }
0xe7: {  	[sflag:s19] =	ssyncset.done $0x0  }
0xe8: {  	[sflag:s19] =	ssyncadd.s32 $0xFFFFFC18  }
.Ltmp7:
0xe9: {  	_ = 	snop;
	(pc) =	sbr.rel .LBB2_6-.Ltmp7, $1  }
0xea: {  	_ =	sdelay $0x3  }
.LBB2_11:
0xeb: {  	_ =	sfence.sel $0x180000  }
0xec: {  	[bflag:$0x0] =	sbarrier.arrive $0xFFFF  }
0xed: {  	_ =	strace $0x9000004A  }
0xee: {  	s0 =	stileid.u32;
	[bflag:$0x2] =	sbarrier.arrive $0xFFFF  }
0xef: {  	p0 =	sne.s32 s0, $0x0;
	s0 =	rddreg [dreg:$0x3]  }
0xf0: {  	s0 =	sadd.s32 @!p0 $0x100000, s0  }
0xf1: {  	[sflag:s0] =	ssyncadd.tile.s32 @!p0 $0x1;
	_ =	shalt  }
.Lfunc_end2:
_tile_overlayer_lowered:
.L_overlay_start_2:
0xf2: {  	(tag) =	ssettag $0x2  }
0xf3: {  	s0 =	rddreg [dreg:$0x0];
	s2 =	stileid.u32  }
0xf4: {  	s1 =	rddreg [dreg:$0x1];
	p0 =	sne.s32 s2, $0x0  }
0xf5: {  	s3 =	rddreg [dreg:$0x2];
	[bflag:$0x3] =	sbarrier.arrive $0xFFFF;
	s2 =	simm.s32 @!p0 $0x1C05  }
0xf6: {  	[timem:s3], [sflag:s2] =	dma.local @!p0 [hbm:s0], s1  }
0xf7: {  	s0 =	simm.s32 @!p0 $0x5  }
0xf8: {  	_ =	swait.ge @!p0 [sflag:s0], s1  }
0xf9: {  	s1 =	ssub.s32 @!p0 $0x0, s1;
	[sflag:s0] =	ssyncset.done @!p0 $0x0  }
0xfa: {  	[sflag:s0] =	ssyncadd.s32 @!p0 s1  }
0xfb: {  	[bflag:$0x3] =	sbarrier.arrive $0xFFFF  }
0xfc: {  	_ =	shalt  }

// kernel: kernel.14.cloned.1.call-start
scs
__scs_entry_jumppad:
0x0: {  	(pc) =	sbr.rel $0x88, $3  }
0x1: {  	(tag) =	ssettag $0x0;
	lr =	simm.s32 $0x1  }
0x2: {  	[smem:$0x3F96] =	sst lr;
	_ =	strace $0xD0000000  }
0x3: {  	_ = 	snop  }
0x4: {  	_ = 	snop  }
0x5: {  	_ = 	snop  }
0x6: {  	_ = 	snop  }
0x7: {  	_ = 	snop  }
__scs_overlays_trampoline_lowered:
0x8: {  	[smem:$0x3FA5] =	sst s0  }
0x9: {  	[smem:$0x3FA6] =	sst s1  }
0xa: {  	[smem:$0x3FA7] =	sst s2  }
0xb: {  	[smem:$0x3FA8] =	sst s3  }
0xc: {  	[smem:$0x3FA9] =	sst s4  }
0xd: {  	[smem:$0x3FAA] =	sst s5  }
0xe: {  	[smem:$0x3FAB] =	sst s6  }
0xf: {  	[smem:$0x3FAC] =	sst s7  }
0x10: {  	[smem:$0x3FAD] =	sst s8  }
0x11: {  	[smem:$0x3FAE] =	sst s9;
	s0 =	simm.s32 @!p0 $0x0  }
0x12: {  	s1 =	sld [smem:$0x3F94];
	s0 =	simm.s32 @p0 $0x1  }
0x13: {  	[smem:$0x3FAF] =	sst s0;
	s0 =	simm.s32 @!p1 $0x0  }
0x14: {  	s2 =	sld [smem:$0x3F93];
	s0 =	simm.s32 @p1 $0x1  }
0x15: {  	[smem:$0x3FB0] =	sst s0;
	s0 =	simm.s32 @!p2 $0x0  }
0x16: {  	s3 =	sld [smem:$0x3FDB];
	s0 =	simm.s32 @p2 $0x1  }
0x17: {  	s4 =	simm.s32 $0x1BF5;
	[smem:$0x3FB2] =	sst s0  }
0x18: {  	s0 =	sld [smem:$0x3F95];
	_ =	swait.ge [sflag:s4], $0x0  }
0x19: {  	s7 =	sld [smem:$0x3F96]  }
0x1a: {  	s8 =	sadd.s32 $0xFFFFE003, lr  }
0x1b: {  	s9 =	sadd.s32 $0xFFFFFEF7, lr;
	s5 =	simm.s32 $0xFFFFFFFF;
	p2 =	slt.u32 s8, $0xFFFFF086  }
0x1c: {  	p1 =	slt.u32 s9, $0xF7A;
	s5 =	simm.s32 @!p2 $0x0  }
0x1d: {  	s5 =	simm.s32 @p1 $0x1;
	p0 =	seq.s32 s7, s2  }
0x1e: {  	s7 =	smul.u32 @!p0 $0xF7A, s2;
	p2 =	seq.s32 @!p0 s5, $0x0  }
0x1f: {  	s9 =	smul.u32 $0xF7A, s1;
	s8 =	simm.s32 @!p0 $0x1BF5;
	p2 =	por !p2, p0  }
0x20: {  	[sflag:s8] =	ssyncset.s32 @!p0 $0xFFFFF086;
	s6 =	sadd.s32 @!p0 s3, s7;
	s7 =	simm.s32 @!p0 $0x108  }
0x21: {  	s3 =	sadd.s32 s3, s9;
	s6 =	sadd.s32 @!p0 $0x88, s6;
	s7 =	simm.s32 @p2 $0x1082  }
0x22: {  	[simem:s7], [sflag:s8] =	dma.local @!p0 [hbm:s6], $0xF7A  }
0x23: {  	s9 =	sor.u32 $0xD0000000, s2;
	s6 =	simm.s32 $0x108;
	_ =	swait.ge @!p0 [sflag:s8], $0x0  }
0x24: {  	s3 =	sadd.s32 $0x88, s3;
	s6 =	simm.s32 @!p1 $0x1082;
	[sflag:s4] =	ssyncset.s32 $0xFFFFF086  }
0x25: {  	[simem:s6], [sflag:s4] =	dma.local [hbm:s3], $0xF7A  }
0x26: {  	[smem:$0x3F96] =	sst s1;
	(tag) =	ssettag s2;
	_ =	strace s9  }
0x27: {  	s1 =	sld [smem:$0x3FA6]  }
0x28: {  	s2 =	sld [smem:$0x3FA7]  }
0x29: {  	s4 =	sld [smem:$0x3FA9]  }
0x2a: {  	p0 =	seq.s32 s5, $0x0;
	s5 =	sld [smem:$0x3FAA]  }
0x2b: {  	s6 =	sld [smem:$0x3FAB]  }
0x2c: {  	s7 =	sld [smem:$0x3FAC]  }
0x2d: {  	s3 =	simm.s32 $0x108;
	s8 =	sld [smem:$0x3FAD]  }
0x2e: {  	s3 =	simm.s32 @!p0 $0x1082;
	s9 =	sld [smem:$0x3FAE]  }
0x2f: {  	lr =	sadd.s32 s0, s3;
	s0 =	sld [smem:$0x3FA5]  }
0x30: {  	s3 =	sld [smem:$0x3FA8]  }
0x31: {  	[smem:$0x3FB1] =	sst s10  }
0x32: {  	s10 =	sld [smem:$0x3FAF];
	_ =	sdelay $0x3  }
0x33: {  	p0 =	seq.s32 s10, $0x1;
	s10 =	sld [smem:$0x3FB1];
	_ =	sdelay $0x3  }
0x34: {  	[smem:$0x3FB1] =	sst s10  }
0x35: {  	s10 =	sld [smem:$0x3FB0];
	_ =	sdelay $0x3  }
0x36: {  	p1 =	seq.s32 s10, $0x1;
	s10 =	sld [smem:$0x3FB1];
	_ =	sdelay $0x3  }
0x37: {  	[smem:$0x3FB1] =	sst s10  }
0x38: {  	s10 =	sld [smem:$0x3FB2]  }
0x39: {  	_ = 	snop;
	(pc) =	sbr.ind lr, $3  }
0x3a: {  	_ = 	snop  }
0x3b: {  	_ = 	snop  }
0x3c: {  	p2 =	seq.s32 s10, $0x1;
	s10 =	sld [smem:$0x3FB1]  }
0x3d: {  	_ =	shalt  }
0x3e: {  	_ =	shalt  }
0x3f: {  	_ =	shalt  }
0x40: {  	_ =	shalt  }
0x41: {  	_ =	shalt  }
0x42: {  	_ =	shalt  }
0x43: {  	_ =	shalt  }
0x44: {  	_ =	shalt  }
0x45: {  	_ =	shalt  }
0x46: {  	_ =	shalt  }
0x47: {  	_ =	shalt  }
0x48: {  	_ =	shalt  }
0x49: {  	_ =	shalt  }
0x4a: {  	_ =	shalt  }
0x4b: {  	_ =	shalt  }
0x4c: {  	_ =	shalt  }
0x4d: {  	_ =	shalt  }
0x4e: {  	_ =	shalt  }
0x4f: {  	_ =	shalt  }
0x50: {  	_ =	shalt  }
0x51: {  	_ =	shalt  }
0x52: {  	_ =	shalt  }
0x53: {  	_ =	shalt  }
0x54: {  	_ =	shalt  }
0x55: {  	_ =	shalt  }
0x56: {  	_ =	shalt  }
0x57: {  	_ =	shalt  }
0x58: {  	_ =	shalt  }
0x59: {  	_ =	shalt  }
0x5a: {  	_ =	shalt  }
0x5b: {  	_ =	shalt  }
0x5c: {  	_ =	shalt  }
0x5d: {  	_ =	shalt  }
0x5e: {  	_ =	shalt  }
0x5f: {  	_ =	shalt  }
0x60: {  	_ =	shalt  }
0x61: {  	_ =	shalt  }
0x62: {  	_ =	shalt  }
0x63: {  	_ =	shalt  }
0x64: {  	_ =	shalt  }
0x65: {  	_ =	shalt  }
0x66: {  	_ =	shalt  }
0x67: {  	_ =	shalt  }
0x68: {  	_ =	shalt  }
0x69: {  	_ =	shalt  }
0x6a: {  	_ =	shalt  }
0x6b: {  	_ =	shalt  }
0x6c: {  	_ =	shalt  }
0x6d: {  	_ =	shalt  }
0x6e: {  	_ =	shalt  }
0x6f: {  	_ =	shalt  }
0x70: {  	_ =	shalt  }
0x71: {  	_ =	shalt  }
0x72: {  	_ =	shalt  }
0x73: {  	_ =	shalt  }
0x74: {  	_ =	shalt  }
0x75: {  	_ =	shalt  }
0x76: {  	_ =	shalt  }
0x77: {  	_ =	shalt  }
0x78: {  	_ =	shalt  }
0x79: {  	_ =	shalt  }
0x7a: {  	_ =	shalt  }
0x7b: {  	_ =	shalt  }
0x7c: {  	_ =	shalt  }
0x7d: {  	_ =	shalt  }
0x7e: {  	_ =	shalt  }
0x7f: {  	_ =	shalt  }
0x80: {  	_ =	shalt  }
0x81: {  	_ =	shalt  }
0x82: {  	_ =	shalt  }
0x83: {  	_ =	shalt  }
0x84: {  	_ =	shalt  }
0x85: {  	_ =	shalt  }
0x86: {  	_ =	shalt  }
0x87: {  	_ =	shalt  }
.Lfunc_end0:
.L_simem_size_0:
called_computation.2_lowered:
.L_overlay_start_0:
0x88: {  	s2 =	sld [smem:$0x3FD9]  }
0x89: {  	s3 =	sld [smem:$0x3FFE];
	_ =	sdelay $0x1  }
0x8a: {  	s1 =	srdreg.scid  }
0x8b: {  	s0 =	sand.u32 $0x1, s1  }
0x8c: {  	s14 =	sshll.u32 s0, $0xA;
	s2 =	sadd.s32 s3, s2  }
0x8d: {  	s2 =	sadd.s32 s2, s14  }
0x8e: {  	[smem:$0x3FBD] =	sst s2  }
0x8f: {  	_ = 	snop  }
0x90: {  	s2 =	sld [smem:$0x3FD0];
	_ =	sdelay $0x2  }
0x91: {  	s4 =	simm.s32 $0xA;
	s5 =	simm.s32 $0x10;
	s15 =	sld [smem:$0x3FC0]  }
0x92: {  	[smem:s5], [sflag:s4] =	dma.local [hbm:s2], $0x1  }
0x93: {  	_ =	swait.eq [sflag:s4], $0x1  }
0x94: {  	[sflag:s4] =	ssyncset.done $0x0  }
0x95: {  	[sflag:s4] =	ssyncadd.s32 $0xFFFFFFFF  }
0x96: {  	s16 =	sld [smem:$0x11];
	(tm) =	ssettm $0x1  }
0x97: {  	s17 =	sld [smem:$0x3FFB];
	_ =	sdelay $0x3  }
0x98: {  	_ =	strace s17  }
0x99: {  	s4 =	sld [smem:$0x3FFC];
	_ =	sdelay $0x3  }
0x9a: {  	_ =	strace s4  }
0x9b: {  	s4 =	sld [smem:$0x3FFD];
	_ =	sdelay $0x3  }
0x9c: {  	_ =	strace s4  }
0x9d: {  	_ =	strace $0x8FFFFFFF  }
0x9e: {  	s18 =	sld [smem:$0x3FDB];
	_ =	sdelay $0x1  }
0x9f: {  	s19 =	simm.s32 $_scs_section_size  }
0xa0: {  	s6 =	simm.s32 $_size__tile_overlayer_lowered;
	s7 =	simm.s32 $_tile_overlayer_lowered  }
0xa1: {  	s22 =	simm.s32 $0x1BFF;
	s21 =	sshll.u32 s7, $0x1;
	s4 =	sadd.s32 s19, s18  }
0xa2: {  	s8 =	simm.s32 $0x0;
	s20 =	sshll.u32 s6, $0x1;
	s6 =	sadd.s32 s21, s4  }
0xa3: {  	[timem:s8], [sflag:s22] =	dma.local [hbm:s6], s20  }
0xa4: {  	_ =	swait.ge [sflag:s22], s20  }
0xa5: {  	s5 =	ssub.s32 $0x0, s20;
	[sflag:s22] =	ssyncset.done $0x0  }
0xa6: {  	[sflag:s22] =	ssyncadd.s32 s5;
	_ =	sdelay $0x1  }
0xa7: {  	s23 =	simm.s32 $0x1B8B  }
0xa8: {  	_ =	swait.ge [sflag:s23], $0x1  }
0xa9: {  	[sflag:s23] =	ssyncset.done $0x0  }
0xaa: {  	s25 =	simm.s32 $0x1B8E;
	s24 =	sld [smem:$0x3FFE];
	[sflag:s23] =	ssyncadd.s32 $0xFFFFFFFF  }
0xab: {  	s26 =	simm.s32 $execute0_lowered;
	[smem:$0x3FD2] =	sst s25  }
0xac: {  	s6 =	sshll.u32 s26, $0x1;
	_ =	strace $0x8000004C;
	[dreg:$0x1] =	wrdreg $0xFFFFFFFF  }
0xad: {  	s28 =	simm.s32 $_size_execute0_lowered;
	s4 =	sadd.s32 s4, s6;
	[dreg:$0x0] =	wrdreg $0x0  }
0xae: {  	s6 =	sshll.u32 s28, $0x1;
	[dreg:$0x2] =	wrdreg s4  }
0xaf: {  	[dreg:$0x3] =	wrdreg s6  }
0xb0: {  	[dreg:$0x4] =	wrdreg $0xC0  }
0xb1: {  	_ =	task [dreg:s8], $0x5FFFF  }
0xb2: {  	[dreg:$0x1] =	wrdreg $0xFFFFFFFF  }
0xb3: {  	[dreg:$0x0] =	wrdreg $0x60  }
0xb4: {  	[dreg:$0x2] =	wrdreg s24  }
0xb5: {  	[dreg:$0x3] =	wrdreg s15  }
0xb6: {  	[dreg:$0x4] =	wrdreg s16  }
0xb7: {  	[dreg:$0x5] =	wrdreg $0x9  }
0xb8: {  	_ =	task.clear_ibuf [dreg:s8], $0x6FFFF;
	_ =	strace $0x9000004C  }
0xb9: {  	s29 =	simm.s32 $0x9;
	_ =	strace $0x8000004E  }
0xba: {  	_ =	swait.ge [sflag:s29], $0x1  }
0xbb: {  	[sflag:s29] =	ssyncadd.s32 $0xFFFFFFFF  }
0xbc: {  	_ =	strace $0x9000004E  }
0xbd: {  	_ =	sfence  }
0xbe: {  	s30 =	sld [smem:$0x0];
	_ =	sdelay $0x2  }
0xbf: {  	s31 =	sshll.u32 s1, $0xD;
	s1 =	sshrl.u32 s1, $0x2  }
0xc0: {  	s3 =	sand.u32 $0x4000, s31;
	s1 =	sadd.s32 s1, s30  }
0xc1: {  	s0 =	sor.u32 s3, s0;
	s1 =	sshll.u32 s1, $0x11  }
0xc2: {  	s0 =	sor.u32 s1, s0  }
0xc3: {  	s0 =	sadd.s32 $0x8F2B, s0  }
0xc4: {  	[sflag:s0] =	ssyncadd.remote.s32 $0x1  }
0xc5: {  	_ =	sfence.sel $0xFFFF  }
0xc6: {  	[dreg:$0x0] =	wrdreg $0xFFFFFFFF;
	(pc) =	sbr.abs _section_cstart, $3  }
0xc7: {  	[dreg:$0x1] =	wrdreg $0xFFFFFFFF  }
0xc8: {  	_ =	task.clear_ibuf [dreg:s8], $0x2FFFF;
	_ =	strace $0x9FFFFFFF  }
0xc9: {  	(tm) =	ssettm $0x7FFFFFFF  }
tec
execute0_lowered:
.L_overlay_start_1:
0x0: {  	(tag) =	ssettag $0x1  }
0x1: {  	s5 =	rddreg [dreg:$0x0]  }
0x2: {  	s2 =	rddreg [dreg:$0x1];
	s1 =	srdreg.scid  }
0x3: {  	s0 =	stileid.u32;
	s7 =	rddreg [dreg:$0x2];
	s3 =	simm.s32 $0x0  }
0x4: {  	s11 =	simm.s32 $0xC660;
	s12 =	simm.s32 $0x600;
	s13 =	simm.s32 $0x1  }
0x5: {  	s14 =	simm.s32 $0xC670;
	s6 =	sand.u32 $0x1, s1;
	s1 =	rddreg [dreg:$0x3]  }
0x6: {  	s15 =	simm.s32 $0x0;
	s4 =	sshll.u32 s0, $0x1;
	[smem:$0x7FF] =	sst s3  }
0x7: {  	vm0 =	vmmov $0x1;
	vm1 =	vmmov $0x3;
	vm2 =	vmmov $0x7;
	s8 =	sor.u32 s6, s4;
	_ =	strace $0x8000004D;
	s6 =	ssub.s32 $0x2, s6  }
0x8: {  	vm3 =	vmmov $0xf;
	vm4 =	vmmov $0x1f;
	vm5 =	vmmov $0x3f;
	s9 =	smul.u32 $0xC0, s8;
	s10 =	sshrl.u32 s6, $0x1;
	s8 =	sshll.u32 s8, $0x6  }
0x9: {  	vm6 =	vmmov $0x7f;
	vm7 =	vmmov $0xff;
	vm8 =	vmmov $0x1ff;
	s4 =	sadd.s32 $0x5E00, s5;
	s10 =	ssub.s32 s6, s10;
	s7 =	sadd.s32 s7, s8  }
0xa: {  	vm9 =	vmmov $0x3ff;
	vm10 =	vmmov $0x7ff;
	vm11 =	vmmov $0xfff;
	s9 =	sadd.s32 s9, s5;
	s5 =	sadd.s32 $0x36C00, s5;
	s8 =	smax.u32 s10, $0x1  }
0xb: {  	vm12 =	vmmov $0x1fff;
	vm13 =	vmmov $0x3fff;
	vm14 =	vmmov $0x7fff;
	s10 =	simm.s32 $0x2;
	s6 =	sadd.s32 $0x36E00, s9;
	s9 =	simm.s32 $0xC600  }
.LBB2_1:
0xc: {  	[tilespmem:s9], [sflag:$0x2] =	stream.linear.gather [hbm4b:s2+s3], $0x60, $0x38;
	[tilespmem:$0xC870] =	vst v63  }
0xd: {  	_ =	swait.ge [sflag:s10], $0x60  }
0xe: {  	[sflag:s10] =	ssyncset.done $0x0  }
0xf: {  	[sflag:s10] =	ssyncadd.s32 $0xFFFFFFA0  }
0x10: {  	[tilespmem:s11], [sflag:$0x2] =	stream.linear.gather [hbm4b:s5+s3], $0x10, $0x38;
	[tilespmem:$0xC870] =	vst v63  }
0x11: {  	_ =	swait.ge [sflag:s10], $0x10  }
0x12: {  	[sflag:s10] =	ssyncset.done $0x0  }
0x13: {  	[sflag:s10] =	ssyncadd.s32 $0xFFFFFFF0  }
0x14: {  	[tilespmem:s3], [sflag:$0x2] =	stream.linear.gather [hbm4b:s6+s3], $0x600, $0x38;
	[tilespmem:$0xC870] =	vst v63  }
0x15: {  	_ =	swait.ge [sflag:s10], $0x600  }
0x16: {  	[sflag:s10] =	ssyncset.done $0x0  }
0x17: {  	[sflag:s10] =	ssyncadd.s32 $0xFFFFFA00  }
0x18: {  	[tilespmem:s12], [sflag:$0x1] =	stream.indirect.gather [hbm4b:s4+s12], $0x20, s3, s12, $0xb8;
	[tilespmem:$0xC870] =	vst v63  }
0x19: {  	_ =	swait.ge [sflag:s13], $0xC000  }
0x1a: {  	[sflag:s13] =	ssyncset.done $0x0  }
0x1b: {  	[sflag:s13] =	ssyncadd.s32 $0xFFFF4000  }
0x1c: {  	v6 =	vld [tilespmem:$0xC600]  }
0x1d: {  	v5 =	vld [tilespmem:$0xC610]  }
0x1e: {  	v4 =	vld [tilespmem:$0xC620]  }
0x1f: {  	v3 =	vld [tilespmem:$0xC630]  }
0x20: {  	v2 =	vld [tilespmem:$0xC640]  }
0x21: {  	v1 =	vld [tilespmem:$0xC650]  }
0x22: {  	s16 =	simm.s32 $0x900;
	v0 =	vld [tilespmem:$0xC660]  }
0x23: {  	v8 =	vld [tilespmem:s16+$0x290]  }
0x24: {  	v9 =	vld [tilespmem:s16+$0x280]  }
0x25: {  	v7 =	vld [tilespmem:s16+$0x2C0]  }
0x26: {  	v10 =	vld [tilespmem:s16+$0x1D0]  }
0x27: {  	v11 =	vld [tilespmem:s16+$0x270]  }
0x28: {  	v12 =	vld [tilespmem:s16+$0x2B0]  }
0x29: {  	v13 =	vld [tilespmem:s16+$0x170]  }
0x2a: {  	v14 =	vld [tilespmem:s16+$0x1C0]  }
0x2b: {  	v15 =	vld [tilespmem:s16+$0x260]  }
0x2c: {  	v16 =	vld [tilespmem:s16+$0x2A0]  }
0x2d: {  	v17 =	vld [tilespmem:s16+$0x160]  }
0x2e: {  	v18 =	vld [tilespmem:s16+$0x1B0]  }
0x2f: {  	v19 =	vld [tilespmem:s16+$0x200]  }
0x30: {  	v20 =	vld [tilespmem:s16+$0x250]  }
0x31: {  	v21 =	vld [tilespmem:s16+$0xB0]  }
0x32: {  	v22 =	vld [tilespmem:s16+$0x150]  }
0x33: {  	v23 =	vld [tilespmem:s16+$0x1A0]  }
0x34: {  	v24 =	vld [tilespmem:s16+$0x1F0]  }
0x35: {  	v25 =	vld [tilespmem:s16+$0x240]  }
0x36: {  	v26 =	vld [tilespmem:s16+$0x50]  }
0x37: {  	v27 =	vld [tilespmem:s16+$0xA0]  }
0x38: {  	v28 =	vld [tilespmem:s16+$0x140]  }
0x39: {  	v29 =	vld [tilespmem:s16+$0x190]  }
0x3a: {  	v30 =	vld [tilespmem:s16+$0x1E0]  }
0x3b: {  	v31 =	vld [tilespmem:s16+$0x40]  }
0x3c: {  	v32 =	vld [tilespmem:s16+$0x90]  }
0x3d: {  	v33 =	vld [tilespmem:s16+$0xE0]  }
0x3e: {  	v34 =	vld [tilespmem:s16+$0x130]  }
0x3f: {  	v35 =	vld [tilespmem:s16+$0x180]  }
0x40: {  	v36 =	vld [tilespmem:s16+$0xFFFFFF90]  }
0x41: {  	v37 =	vld [tilespmem:s16+$0x30]  }
0x42: {  	v38 =	vld [tilespmem:s16+$0x80]  }
0x43: {  	v39 =	vld [tilespmem:s16+$0xD0]  }
0x44: {  	v40 =	vld [tilespmem:s16+$0x120];
	v43 =	vmul.f32 v9, v2  }
0x45: {  	v41 =	vld [tilespmem:s16+$0xFFFFFF30];
	v44 =	vmul.f32 v8, v1;
	v46 =	vmul.f32 v10, v1  }
0x46: {  	v42 =	vld [tilespmem:s16+$0xFFFFFF80];
	v9 =	vmul.f32 v25, v6;
	v11 =	vmul.f32 v11, v3  }
0x47: {  	v45 =	vld [tilespmem:s16+$0x20];
	v8 =	vmul.f32 v12, v5;
	v48 =	vmul.f32 v13, v1  }
0x48: {  	v47 =	vld [tilespmem:s16+$0xC0];
	v10 =	vmul.f32 v20, v5;
	v13 =	vmul.f32 v14, v2  }
0x49: {  	v49 =	vld [tilespmem:s16+$0xFFFFFF20];
	v12 =	vmul.f32 v15, v4;
	v15 =	vmul.f32 v17, v2  }
0x4a: {  	v50 =	vld [tilespmem:s16+$0xFFFFFFC0];
	v18 =	vmul.f32 v18, v3;
	v51 =	vmul.f32 v21, v1  }
0x4b: {  	v56 =	vld [tilespmem:s16+$0x10];
	v20 =	vmul.f32 v29, v5;
	v21 =	vmul.f32 v22, v3;
	v9 =	vadd.f32 $0.0e+00, v9  }
0x4c: {  	v14 =	vld [tilespmem:s16+$0xFFFFFF70];
	v22 =	vmul.f32 v23, v4;
	v34 =	vmul.f32 v34, v5  }
0x4d: {  	v23 =	vld [tilespmem:s16+$0xFFFFFF10];
	v26 =	vmul.f32 v26, v1;
	v31 =	vmul.f32 v31, v2;
	v17 =	vadd.f32 v10, v9  }
0x4e: {  	v57 =	vld [tilespmem:s16+$0xFFFFFF60];
	v9 =	vmul.f32 v16, v6;
	v16 =	vmul.f32 v35, v6  }
0x4f: {  	v10 =	vmul.f32 v19, v4;
	v19 =	vmul.f32 v40, v6;
	v12 =	vadd.f32 v12, v17;
	v17 =	vld [tilespmem:s16+$0x60]  }
0x50: {  	v58 =	vld [tilespmem:s16+$0xFFFFFFB0];
	v37 =	vmul.f32 v37, v3;
	v42 =	vmul.f32 v42, v2;
	v16 =	vadd.f32 $0.0e+00, v16  }
0x51: {  	v25 =	vld [tilespmem:s16+$0x70];
	v35 =	vmul.f32 v56, v5;
	v14 =	vmul.f32 v14, v3;
	v19 =	vadd.f32 $0.0e+00, v19  }
0x52: {  	v59 =	vld [tilespmem:s16+$0xFFFFFF50];
	v55 =	vmul.f32 v23, v3;
	v12 =	vadd.f32 v11, v12;
	v16 =	vadd.f32 v20, v16  }
0x53: {  	v60 =	vld [tilespmem:s16+$0xFFFFFF40];
	v11 =	vmul.f32 v24, v5;
	v19 =	vadd.f32 v34, v19;
	v20 =	vmul.f32 v28, v4  }
0x54: {  	v61 =	vld [tilespmem:s16+$0xFFFFFD50];
	v24 =	vmul.f32 v27, v2;
	v16 =	vadd.f32 v22, v16;
	v17 =	vmul.f32 v17, v6  }
0x55: {  	v12 =	vadd.f32 v43, v12;
	v22 =	vld [tilespmem:s16+$0x0];
	v19 =	vadd.f32 v20, v19;
	v20 =	vmul.f32 v41, v1  }
0x56: {  	v62 =	vld [tilespmem:s16+$0xFFFFFE00];
	v16 =	vadd.f32 v18, v16;
	v18 =	vmul.f32 v25, v5;
	v17 =	vadd.f32 $0.0e+00, v17  }
0x57: {  	v63 =	vld [tilespmem:s16+$0xFFFFFEF0];
	v27 =	vadd.f32 v44, v12;
	v12 =	vmul.f32 v30, v6;
	v19 =	vadd.f32 v21, v19  }
0x58: {  	v29 =	vld [tilespmem:s16+$0xFFFFFE70];
	v16 =	vadd.f32 v13, v16;
	v17 =	vadd.f32 v18, v17;
	v18 =	vmul.f32 v38, v4  }
0x59: {  	v56 =	vld [tilespmem:s16+$0xFFFFFE20];
	v25 =	vmul.f32 v32, v3;
	v44 =	vmul.f32 v36, v1;
	v19 =	vadd.f32 v15, v19  }
0x5a: {  	v34 =	vld [tilespmem:s16+$0xFFFFFF00];
	v36 =	vadd.f32 v46, v16;
	v16 =	vadd.f32 v18, v17;
	v17 =	vmul.f32 v22, v6  }
0x5b: {  	v32 =	vmul.f32 v59, v5;
	v59 =	vld [tilespmem:s16+$0xFFFFFDC0];
	v13 =	vmul.f32 v33, v4;
	v41 =	vadd.f32 v48, v19  }
0x5c: {  	v33 =	vmul.f32 v60, v6;
	v22 =	vld [tilespmem:s16+$0xFFFFFEE0];
	v19 =	vadd.f32 v25, v16;
	v25 =	vadd.f32 $0.0e+00, v17  }
0x5d: {  	v28 =	vld [tilespmem:s16+$0xFFFFFE10];
	v21 =	vmul.f32 v49, v2;
	v15 =	vmul.f32 v39, v5  }
0x5e: {  	v30 =	vld [tilespmem:s16+$0xFFFFFE60];
	v33 =	vadd.f32 $0.0e+00, v33;
	v18 =	vmul.f32 v45, v4;
	v25 =	vadd.f32 v35, v25  }
0x5f: {  	(xrf2) =	vadd.scan.msk.f32 $0xffff, v27;
	v27 =	vld [tilespmem:s16+$0xFFFFFDF0];
	v60 =	vmul.f32 v34, v4;
	v19 =	vadd.f32 v24, v19;
	v24 =	vmul.f32 v29, v1  }
0x60: {  	v34 =	vld [tilespmem:s16+$0xFFFFFDD0];
	v29 =	vmul.f32 v57, v4;
	v23 =	vadd.f32 v18, v25;
	v25 =	vadd.f32 v32, v33  }
0x61: {  	v45 =	vld [tilespmem:s16+$0xFFFFFE50];
	v39 =	vmul.f32 v59, v6;
	v22 =	vmul.f32 v22, v6;
	v54 =	vadd.f32 v51, v19  }
0x62: {  	(xrf2) =	vadd.scan.msk.f32 $0xffff, v36;
	v19 =	vmul.f32 v28, v1;
	v18 =	vmul.f32 v58, v5;
	v28 =	vld [tilespmem:s16+$0xFFFFFE30];
	v33 =	vadd.f32 v29, v25  }
0x63: {  	v38 =	vld [tilespmem:s16+$0xFFFFFFA0];
	v58 =	vmul.f32 v63, v5;
	v22 =	vadd.f32 $0.0e+00, v22;
	v23 =	vadd.f32 v37, v23  }
0x64: {  	v16 =	vmul.f32 v47, v6;
	v17 =	vmul.f32 v50, v4;
	v57 =	vld [tilespmem:s16+$0xFFFFFE40];
	v14 =	vadd.f32 v14, v33  }
0x65: {  	v48 =	vld [tilespmem:s16+$0xFFFFFD40];
	(xrf2) =	vadd.scan.msk.f32 $0xffff, v41;
	v25 =	vmul.f32 v30, v2;
	v30 =	vadd.f32 v31, v23;
	v31 =	vadd.f32 v58, v22  }
0x66: {  	v36 =	vld [tilespmem:s16+$0xFFFFFD10];
	v22 =	vmul.f32 v61, v1;
	v61 =	vmul.f32 v56, v6;
	v14 =	vadd.f32 v42, v14  }
0x67: {  	v35 =	vld [tilespmem:s16+$0xFFFFFD00];
	v32 =	vmul.f32 v45, v3;
	v63 =	vmul.f32 v28, v5;
	v31 =	vadd.f32 v60, v31  }
0x68: {  	(xrf2) =	vadd.scan.msk.f32 $0xffff, v54;
	v33 =	vld [tilespmem:s16+$0xFFFFFDE0];
	v30 =	vadd.f32 v26, v30;
	v26 =	vmul.f32 v62, v2;
	v62 =	vadd.f32 $0.0e+00, v61  }
0x69: {  	v29 =	vld [tilespmem:s16+$0xFFFFFD30];
	v41 =	vmul.f32 v57, v4;
	v23 =	vmul.f32 v38, v6;
	v38 =	vadd.f32 v55, v31  }
0x6a: {  	s18 =	simm.s32 $0x40;
	s17 =	simm.s32 $0x0;
	v37 =	vld [tilespmem:s16+$0xFFFFFD60];
	v28 =	vmul.f32 v48, v2;
	v31 =	vadd.f32 v44, v14;
	v40 =	vadd.f32 v63, v62;
	v14, _, _ =	vpop (xrf2)  }
.LBB2_2:
0x6b: {  	p0 =	sne.s32 s18, $0x7C0;
	v42 =	vld [tilespmem:s16+$0xFFFFFD20];
	v39 =	vadd.f32 $0.0e+00, v39;
	v34 =	vmul.f32 v34, v5;
	v38 =	vadd.f32 v21, v38;
	(xrf2) =	vadd.scan.msk.f32 $0xffff, v30  }
0x6c: {  	v27 =	vmul.f32 v27, v3;
	v30 =	vmul.f32 v35, v6;
	v35 =	vld [tilespmem:s16+$0xFFFFFD70];
	v40 =	vadd.f32 v41, v40;
	v21, _, _ =	vpop (xrf2)  }
0x6d: {  	v34 =	vadd.f32 v34, v39;
	v33 =	vmul.f32 v33, v4;
	v39 =	vld [tilespmem:s16+$0xFFFFFE80];
	v38 =	vadd.f32 v20, v38  }
0x6e: {  	v30 =	vadd.f32 $0.0e+00, v30;
	v36 =	vmul.f32 v36, v5;
	v41 =	vld [tilespmem:s16+$0xFFFFFD80];
	v32 =	vadd.f32 v32, v40;
	(xrf2) =	vadd.scan.msk.f32 $0xffff, v31  }
0x6f: {  	v29 =	vmul.f32 v29, v3;
	v31 =	vmul.f32 v37, v6;
	v33 =	vadd.f32 v33, v34;
	v34 =	vld [tilespmem:s16+$0xFFFFFE90];
	v20, _, _ =	vpop (xrf2)  }
0x70: {  	v30 =	vadd.f32 v36, v30;
	v36 =	vmul.f32 v42, v4;
	v37 =	vld [tilespmem:s16+$0xFFFFFD90];
	v25 =	vadd.f32 v25, v32  }
0x71: {  	v31 =	vadd.f32 $0.0e+00, v31;
	v32 =	vmul.f32 v35, v5;
	v27 =	vadd.f32 v27, v33;
	v33 =	vld [tilespmem:s16+$0xFFFFFEA0];
	(xrf2) =	vadd.scan.msk.f32 $0xffff, v38  }
0x72: {  	v30 =	vadd.f32 v36, v30;
	v35 =	vld [tilespmem:s16+$0xFFFFFDA0];
	v25 =	vadd.f32 v24, v25;
	v36 =	vmul.f32 v39, v6;
	v24, _, _ =	vpop (xrf2)  }
0x73: {  	v31 =	vadd.f32 v32, v31;
	v38 =	vmul.f32 v41, v4;
	v26 =	vadd.f32 v26, v27;
	v27 =	vld [tilespmem:s16+$0xFFFFFEB0]  }
0x74: {  	v29 =	vadd.f32 v29, v30;
	v30 =	vld [tilespmem:s16+$0xFFFFFDB0];
	v36 =	vadd.f32 $0.0e+00, v36;
	v34 =	vmul.f32 v34, v5;
	(xrf2) =	vadd.scan.msk.f32 $0xffff, v25  }
0x75: {  	v25 =	vadd.f32 v38, v31;
	v31 =	vmul.f32 v37, v3;
	v19 =	vadd.f32 v19, v26;
	v26 =	vld [tilespmem:s16+$0xFFFFFEC0];
	v32, _, _ =	vpop (xrf2)  }
0x76: {  	v28 =	vadd.f32 v28, v29;
	v36 =	vadd.f32 v34, v36;
	v33 =	vmul.f32 v33, v4;
	v34 =	vld [tilespmem:s16+$0xFFFFFFD0]  }
0x77: {  	v23 =	vadd.f32 $0.0e+00, v23;
	v25 =	vadd.f32 v31, v25;
	v31 =	vmul.f32 v35, v2;
	v35 =	vld [tilespmem:s16+$0xFFFFFED0];
	(xrf2) =	vadd.scan.msk.f32 $0xffff, v19  }
0x78: {  	v19 =	vadd.f32 v22, v28;
	v22 =	vadd.f32 v33, v36;
	v27 =	vmul.f32 v27, v3;
	v28 =	vld [tilespmem:s16+$0xFFFFFFE0];
	v29, _, _ =	vpop (xrf2)  }
0x79: {  	v18 =	vadd.f32 v18, v23;
	v25 =	vadd.f32 v31, v25;
	v31 =	vmul.f32 v30, v1;
	v23 =	vld [tilespmem:s16+$0xF0]  }
0x7a: {  	v16 =	vadd.f32 $0.0e+00, v16;
	v22 =	vadd.f32 v27, v22;
	v26 =	vmul.f32 v26, v2;
	v27 =	vld [tilespmem:s16+$0xFFFFFFF0];
	(xrf2) =	vadd.scan.msk.f32 $0xffff, v19  }
0x7b: {  	v17 =	vadd.f32 v17, v18;
	v19 =	vadd.f32 v31, v25;
	v18 =	vmul.f32 v34, v3;
	v25 =	vld [tilespmem:s16+$0x100];
	v30, _, _ =	vpop (xrf2)  }
0x7c: {  	v15 =	vadd.f32 v15, v16;
	v22 =	vadd.f32 v26, v22;
	v26 =	vmul.f32 v35, v1;
	v16 =	vld [tilespmem:s16+$0x210]  }
0x7d: {  	v12 =	vadd.f32 $0.0e+00, v12;
	v17 =	vadd.f32 v18, v17;
	v18 =	vmul.f32 v28, v2;
	v28 =	vld [tilespmem:s16+$0x110];
	(xrf2) =	vadd.scan.msk.f32 $0xffff, v19  }
0x7e: {  	v13 =	vadd.f32 v13, v15;
	v19 =	vadd.f32 v26, v22;
	v15 =	vmul.f32 v23, v3;
	v22 =	vld [tilespmem:s16+$0x220];
	v23, _, _ =	vpop (xrf2)  }
0x7f: {  	v11 =	vadd.f32 v11, v12;
	v17 =	vadd.f32 v18, v17;
	v18 =	vmul.f32 v27, v1;
	v12 =	vld [tilespmem:s16+$0x2D0]  }
0x80: {  	v9 =	vadd.f32 $0.0e+00, v9;
	v13 =	vadd.f32 v15, v13;
	v15 =	vmul.f32 v25, v2;
	v25 =	vld [tilespmem:s16+$0x230];
	(xrf2) =	vadd.scan.msk.f32 $0xffff, v19  }
0x81: {  	v10 =	vadd.f32 v10, v11;
	v17 =	vadd.f32 v18, v17;
	v11 =	vmul.f32 v16, v3;
	v16, _, _ =	vpop (xrf2)  }
0x82: {  	v7 =	vmul.f32 v7, v4;
	v13 =	vadd.f32 v15, v13;
	v19 =	vmul.f32 v28, v1;
	v18 =	vld [tilespmem:s16+$0x2E0]  }
0x83: {  	v8 =	vadd.f32 v8, v9;
	v10 =	vadd.f32 v11, v10;
	v11 =	vmul.f32 v22, v2;
	(xrf2) =	vadd.scan.msk.f32 $0xffff, v17  }
0x84: {  	v9 =	vadd.f32 v19, v13;
	v12 =	vmul.f32 v12, v3;
	v13 =	vld [tilespmem:s16+$0x2F0];
	v15, _, _ =	vpop (xrf2)  }
0x85: {  	v7 =	vadd.f32 v7, v8;
	v17 =	vadd.f32 v11, v10;
	v11 =	vmul.f32 v25, v1  }
0x86: {  	(xrf2) =	vadd.scan.msk.f32 $0xffff, v9  }
0x87: {  	v7 =	vadd.f32 v12, v7;
	v8 =	vadd.f32 v11, v17;
	v9 =	vmul.f32 v18, v2;
	v10, _, _ =	vpop (xrf2)  }
0x88: {  	v15 =	vbroadcast v15, $0xF;
	v10 =	vbroadcast v10, $0xF  }
0x89: {  	v12 =	vbroadcast v16, $0xF;
	v7 =	vadd.f32 v9, v7;
	v9 =	vmul.f32 v13, v1;
	(xrf2) =	vadd.scan.msk.f32 $0xffff, v8  }
0x8a: {  	v8 =	vsel vm0, v15, v10;
	v10 =	vbroadcast v23, $0xF;
	v11, _, _ =	vpop (xrf2)  }
0x8b: {  	v8 =	vsel vm1, v8, v12;
	v12 =	vbroadcast v11, $0xF;
	v7 =	vadd.f32 v9, v7  }
0x8c: {  	v9 =	vbroadcast v30, $0xF;
	v8 =	vsel vm2, v8, v10  }
0x8d: {  	v8 =	vsel vm3, v8, v12;
	v12 =	vbroadcast v29, $0xF;
	v11, _, _ =	vpop (xrf2);
	(xrf2) =	vadd.scan.msk.f32 $0xffff, v7  }
0x8e: {  	v7 =	vsel vm4, v8, v9;
	v8 =	vbroadcast v11, $0xF  }
0x8f: {  	v9 =	vbroadcast v32, $0xF;
	v7 =	vsel vm5, v7, v12  }
0x90: {  	v7 =	vsel vm6, v7, v8;
	v8 =	vbroadcast v24, $0xF;
	v10, _, _ =	vpop (xrf2)  }
0x91: {  	v7 =	vsel vm7, v7, v9;
	v9 =	vbroadcast v10, $0xF  }
0x92: {  	v7 =	vsel vm8, v7, v8;
	v8 =	vbroadcast v20, $0xF  }
0x93: {  	v7 =	vsel vm9, v7, v9;
	v9 =	vbroadcast v21, $0xF;
	v10, _, _ =	vpop (xrf2)  }
0x94: {  	v7 =	vsel vm10, v7, v8;
	v10 =	vbroadcast v10, $0xF  }
0x95: {  	v7 =	vsel vm11, v7, v9;
	v9 =	vbroadcast v14, $0xF  }
0x96: {  	v7 =	vsel vm12, v7, v10  }
0x97: {  	v7 =	vsel vm13, v7, v9;
	v8, _, _ =	vpop (xrf2)  }
0x98: {  	v7 =	vsel vm14, v7, v8  }
0x99: {  	v7 =	vadd.f32 v7, v0  }
0x9a: {  	s19 =	sshra.s32 s17, $0x2;
	s17 =	smov.u32 s18  }
0x9b: {  	s16 =	sadd.s32 $0x600, s16;
	[tilespmem:s19+$0xC670] =	vst v7  }
0x9c: {  	v8 =	vld [tilespmem:s16+$0x290]  }
0x9d: {  	v9 =	vld [tilespmem:s16+$0x280]  }
0x9e: {  	v7 =	vld [tilespmem:s16+$0x2C0]  }
0x9f: {  	v10 =	vld [tilespmem:s16+$0x1D0]  }
0xa0: {  	v11 =	vld [tilespmem:s16+$0x270]  }
0xa1: {  	v12 =	vld [tilespmem:s16+$0x2B0]  }
0xa2: {  	v13 =	vld [tilespmem:s16+$0x170]  }
0xa3: {  	v14 =	vld [tilespmem:s16+$0x1C0]  }
0xa4: {  	v15 =	vld [tilespmem:s16+$0x260]  }
0xa5: {  	v16 =	vld [tilespmem:s16+$0x2A0]  }
0xa6: {  	v17 =	vld [tilespmem:s16+$0x160]  }
0xa7: {  	v18 =	vld [tilespmem:s16+$0x1B0]  }
0xa8: {  	v19 =	vld [tilespmem:s16+$0x200]  }
0xa9: {  	v20 =	vld [tilespmem:s16+$0x250]  }
0xaa: {  	v21 =	vld [tilespmem:s16+$0xB0]  }
0xab: {  	v22 =	vld [tilespmem:s16+$0x150]  }
0xac: {  	v23 =	vld [tilespmem:s16+$0x1A0]  }
0xad: {  	v24 =	vld [tilespmem:s16+$0x1F0]  }
0xae: {  	v25 =	vld [tilespmem:s16+$0x240]  }
0xaf: {  	v26 =	vld [tilespmem:s16+$0x50]  }
0xb0: {  	v27 =	vld [tilespmem:s16+$0xA0]  }
0xb1: {  	v28 =	vld [tilespmem:s16+$0x140]  }
0xb2: {  	v29 =	vld [tilespmem:s16+$0x190]  }
0xb3: {  	v30 =	vld [tilespmem:s16+$0x1E0]  }
0xb4: {  	v31 =	vld [tilespmem:s16+$0x40]  }
0xb5: {  	v32 =	vld [tilespmem:s16+$0x90]  }
0xb6: {  	v33 =	vld [tilespmem:s16+$0xE0]  }
0xb7: {  	v34 =	vld [tilespmem:s16+$0x130]  }
0xb8: {  	v35 =	vld [tilespmem:s16+$0x180]  }
0xb9: {  	v36 =	vld [tilespmem:s16+$0xFFFFFF90]  }
0xba: {  	v37 =	vld [tilespmem:s16+$0x30]  }
0xbb: {  	v38 =	vld [tilespmem:s16+$0x80]  }
0xbc: {  	v39 =	vld [tilespmem:s16+$0xD0]  }
0xbd: {  	v40 =	vld [tilespmem:s16+$0x120]  }
0xbe: {  	v41 =	vld [tilespmem:s16+$0xFFFFFF30]  }
0xbf: {  	v44 =	vmul.f32 v8, v1;
	v43 =	vmul.f32 v9, v2;
	v42 =	vld [tilespmem:s16+$0xFFFFFF80]  }
0xc0: {  	v46 =	vmul.f32 v10, v1;
	v9 =	vmul.f32 v25, v6;
	v45 =	vld [tilespmem:s16+$0x20]  }
0xc1: {  	v11 =	vmul.f32 v11, v3;
	v8 =	vmul.f32 v12, v5;
	v25 =	vld [tilespmem:s16+$0x70]  }
0xc2: {  	v48 =	vmul.f32 v13, v1;
	v10 =	vmul.f32 v20, v5;
	v9 =	vadd.f32 $0.0e+00, v9;
	v47 =	vld [tilespmem:s16+$0xC0]  }
0xc3: {  	v13 =	vmul.f32 v14, v2;
	v12 =	vmul.f32 v15, v4;
	v49 =	vld [tilespmem:s16+$0xFFFFFF20]  }
0xc4: {  	v15 =	vmul.f32 v17, v2;
	v17 =	vadd.f32 v10, v9;
	v9 =	vmul.f32 v16, v6;
	v14 =	vld [tilespmem:s16+$0xFFFFFF70]  }
0xc5: {  	v18 =	vmul.f32 v18, v3;
	v16 =	vmul.f32 v35, v6;
	v50 =	vld [tilespmem:s16+$0xFFFFFFC0]  }
0xc6: {  	v51 =	vmul.f32 v21, v1;
	v10 =	vmul.f32 v19, v4;
	v12 =	vadd.f32 v12, v17;
	v35 =	vld [tilespmem:s16+$0x10]  }
0xc7: {  	v20 =	vmul.f32 v29, v5;
	v16 =	vadd.f32 $0.0e+00, v16;
	v19 =	vmul.f32 v40, v6;
	v17 =	vld [tilespmem:s16+$0x60]  }
0xc8: {  	v21 =	vmul.f32 v22, v3;
	v22 =	vmul.f32 v23, v4;
	v12 =	vadd.f32 v11, v12;
	v29 =	vld [tilespmem:s16+$0xFFFFFE70]  }
0xc9: {  	v34 =	vmul.f32 v34, v5;
	v16 =	vadd.f32 v20, v16;
	v19 =	vadd.f32 $0.0e+00, v19;
	v23 =	vld [tilespmem:s16+$0xFFFFFF10]  }
0xca: {  	v26 =	vmul.f32 v26, v1;
	v11 =	vmul.f32 v24, v5;
	v12 =	vadd.f32 v43, v12;
	v40 =	vld [tilespmem:s16+$0xFFFFFF60]  }
0xcb: {  	v20 =	vmul.f32 v28, v4;
	v16 =	vadd.f32 v22, v16;
	v19 =	vadd.f32 v34, v19;
	v43 =	vld [tilespmem:s16+$0xFFFFFFB0]  }
0xcc: {  	v24 =	vmul.f32 v27, v2;
	v27 =	vadd.f32 v44, v12;
	v22 =	vld [tilespmem:s16+$0x0];
	v17 =	vmul.f32 v17, v6  }
0xcd: {  	v12 =	vmul.f32 v30, v6;
	v16 =	vadd.f32 v18, v16;
	v19 =	vadd.f32 v20, v19;
	v28 =	vld [tilespmem:s16+$0xFFFFFE10]  }
0xce: {  	v31 =	vmul.f32 v31, v2;
	v18 =	vmul.f32 v25, v5;
	v30 =	vld [tilespmem:s16+$0xFFFFFE60];
	v17 =	vadd.f32 $0.0e+00, v17  }
0xcf: {  	v25 =	vmul.f32 v32, v3;
	v16 =	vadd.f32 v13, v16;
	v19 =	vadd.f32 v21, v19;
	v34 =	vld [tilespmem:s16+$0xFFFFFF00]  }
0xd0: {  	v13 =	vmul.f32 v33, v4;
	v32 =	vld [tilespmem:s16+$0xFFFFFF50];
	v17 =	vadd.f32 v18, v17;
	v18 =	vmul.f32 v38, v4  }
0xd1: {  	v44 =	vmul.f32 v36, v1;
	v36 =	vadd.f32 v46, v16;
	v19 =	vadd.f32 v15, v19;
	v33 =	vld [tilespmem:s16+$0xFFFFFF40]  }
0xd2: {  	v37 =	vmul.f32 v37, v3;
	v15 =	vmul.f32 v39, v5;
	v38 =	vld [tilespmem:s16+$0xFFFFFFA0];
	v16 =	vadd.f32 v18, v17  }
0xd3: {  	v20 =	vmul.f32 v41, v1;
	v17 =	vmul.f32 v22, v6;
	v22 =	vadd.f32 v48, v19;
	v39 =	vld [tilespmem:s16+$0xFFFFFD50]  }
0xd4: {  	v42 =	vmul.f32 v42, v2;
	v18 =	vmul.f32 v45, v4;
	v41 =	vld [tilespmem:s16+$0xFFFFFE00];
	v19 =	vadd.f32 v25, v16  }
0xd5: {  	v35 =	vmul.f32 v35, v5;
	v45 =	vadd.f32 $0.0e+00, v17;
	v16 =	vmul.f32 v47, v6;
	v25 =	vld [tilespmem:s16+$0xFFFFFEE0]  }
0xd6: {  	v21 =	vmul.f32 v49, v2;
	v46 =	vld [tilespmem:s16+$0xFFFFFE50];
	v33 =	vmul.f32 v33, v6;
	v19 =	vadd.f32 v24, v19  }
0xd7: {  	v14 =	vmul.f32 v14, v3;
	v17 =	vmul.f32 v50, v4;
	v35 =	vadd.f32 v35, v45;
	v47 =	vld [tilespmem:s16+$0xFFFFFEF0]  }
0xd8: {  	v32 =	vmul.f32 v32, v5;
	v45 =	vld [tilespmem:s16+$0xFFFFFD40];
	v33 =	vadd.f32 $0.0e+00, v33;
	v48 =	vadd.f32 v51, v19;
	(xrf2) =	vadd.scan.msk.f32 $0xffff, v27  }
0xd9: {  	v49 =	vmul.f32 v23, v3;
	v24 =	vmul.f32 v29, v1;
	v23 =	vadd.f32 v18, v35;
	v27 =	vld [tilespmem:s16+$0xFFFFFDF0]  }
0xda: {  	v35 =	vld [tilespmem:s16+$0xFFFFFE20];
	v25 =	vmul.f32 v25, v6;
	v29 =	vadd.f32 v32, v33;
	v32 =	vmul.f32 v40, v4  }
0xdb: {  	v19 =	vmul.f32 v28, v1;
	v18 =	vmul.f32 v43, v5;
	v23 =	vadd.f32 v37, v23;
	v50 =	vld [tilespmem:s16+$0xFFFFFE40];
	(xrf2) =	vadd.scan.msk.f32 $0xffff, v36  }
0xdc: {  	v28 =	vld [tilespmem:s16+$0xFFFFFE30];
	v33 =	vadd.f32 $0.0e+00, v25;
	v36 =	vmul.f32 v47, v5;
	v32 =	vadd.f32 v32, v29  }
0xdd: {  	v40 =	vmul.f32 v34, v4;
	v25 =	vmul.f32 v30, v2;
	v30 =	vadd.f32 v31, v23;
	v37 =	vld [tilespmem:s16+$0xFFFFFDC0]  }
0xde: {  	v23 =	vmul.f32 v38, v6;
	v29 =	vld [tilespmem:s16+$0xFFFFFD30];
	v31 =	vadd.f32 v36, v33;
	v14 =	vadd.f32 v14, v32;
	(xrf2) =	vadd.scan.msk.f32 $0xffff, v22  }
.Ltmp0:
0xdf: {  	v22 =	vmul.f32 v39, v1;
	v30 =	vadd.f32 v26, v30;
	v34 =	vld [tilespmem:s16+$0xFFFFFDD0];
	v32 =	vmul.f32 v35, v6;
	(pc) =	sbr.rel @p0 .LBB2_2-.Ltmp0, $4  }
0xe0: {  	v26 =	vmul.f32 v41, v2;
	v35 =	vld [tilespmem:s16+$0xFFFFFD00];
	v31 =	vadd.f32 v40, v31;
	v42 =	vadd.f32 v42, v14  }
0xe1: {  	v33 =	vld [tilespmem:s16+$0xFFFFFDE0];
	v40 =	vadd.f32 $0.0e+00, v32;
	v41 =	vmul.f32 v28, v5;
	v32 =	vmul.f32 v46, v3;
	(xrf2) =	vadd.scan.msk.f32 $0xffff, v48  }
0xe2: {  	v36 =	vld [tilespmem:s16+$0xFFFFFD10];
	v39 =	vmul.f32 v37, v6;
	v38 =	vadd.f32 v49, v31;
	v31 =	vadd.f32 v44, v42;
	v14, _, _ =	vpop (xrf2)  }
0xe3: {  	s18 =	sadd.s32 $0x40, s18;
	v28 =	vmul.f32 v45, v2;
	v37 =	vld [tilespmem:s16+$0xFFFFFD60];
	v40 =	vadd.f32 v41, v40;
	v41 =	vmul.f32 v50, v4  }
0xe4: {  	v42 =	vld [tilespmem:s16+$0xFFFFFD20];
	v39 =	vadd.f32 $0.0e+00, v39;
	v34 =	vmul.f32 v34, v5;
	v21 =	vadd.f32 v21, v38  }
0xe5: {  	v46 =	vld [tilespmem:s16+$0xFFFFFD70];
	v27 =	vmul.f32 v27, v3;
	v23 =	vadd.f32 $0.0e+00, v23;
	v16 =	vadd.f32 $0.0e+00, v16  }
0xe6: {  	v47 =	vld [tilespmem:s16+$0xFFFFFE80];
	v35 =	vmul.f32 v35, v6;
	v40 =	vadd.f32 v41, v40;
	v34 =	vadd.f32 v34, v39  }
0xe7: {  	v50 =	vld [tilespmem:s16+$0xFFFFFD80];
	v33 =	vmul.f32 v33, v4;
	v20 =	vadd.f32 v20, v21;
	v18 =	vadd.f32 v18, v23  }
0xe8: {  	v51 =	vld [tilespmem:s16+$0xFFFFFE90];
	v48 =	vadd.f32 $0.0e+00, v35;
	v49 =	vmul.f32 v36, v5;
	v37 =	vmul.f32 v37, v6  }
0xe9: {  	v29 =	vmul.f32 v29, v3;
	v53 =	vld [tilespmem:s16+$0xFFFFFD90];
	v32 =	vadd.f32 v32, v40;
	v33 =	vadd.f32 v33, v34  }
0xea: {  	v56 =	vld [tilespmem:s16+$0xFFFFFEA0];
	v21 =	vadd.f32 v49, v48;
	v55 =	vmul.f32 v46, v5;
	v54 =	vadd.f32 $0.0e+00, v37  }
0xeb: {  	v57 =	vld [tilespmem:s16+$0xFFFFFDA0];
	v52 =	vmul.f32 v42, v4;
	v25 =	vadd.f32 v25, v32;
	v58 =	vmul.f32 v47, v6  }
0xec: {  	v61 =	vld [tilespmem:s16+$0xFFFFFEB0];
	v60 =	vmul.f32 v50, v4;
	v27 =	vadd.f32 v27, v33;
	v59 =	vadd.f32 v55, v54  }
0xed: {  	v62 =	vld [tilespmem:s16+$0xFFFFFDB0];
	v63 =	vmul.f32 v51, v5;
	v21 =	vadd.f32 v52, v21;
	v6 =	vadd.f32 $0.0e+00, v58  }
0xee: {  	v36 =	vmul.f32 v53, v3;
	v37 =	vld [tilespmem:s16+$0xFFFFFEC0];
	v24 =	vadd.f32 v24, v25;
	v25 =	vadd.f32 v60, v59  }
0xef: {  	v39 =	vld [tilespmem:s16+$0xFFFFFFD0];
	v38 =	vmul.f32 v56, v4;
	v21 =	vadd.f32 v29, v21;
	v5 =	vadd.f32 v63, v6  }
0xf0: {  	(xrf2) =	vadd.scan.msk.f32 $0xffff, v30;
	v41 =	vld [tilespmem:s16+$0xFFFFFED0];
	v40 =	vmul.f32 v57, v2;
	v26 =	vadd.f32 v26, v27;
	v25 =	vadd.f32 v36, v25  }
0xf1: {  	v43 =	vld [tilespmem:s16+$0xFFFFFFE0];
	(xrf2) =	vadd.scan.msk.f32 $0xffff, v31;
	v42 =	vmul.f32 v61, v3;
	v21 =	vadd.f32 v28, v21;
	v5 =	vadd.f32 v38, v5  }
0xf2: {  	(xrf2) =	vadd.scan.msk.f32 $0xffff, v20;
	v45 =	vmul.f32 v62, v1;
	v46 =	vld [tilespmem:s16+$0xF0];
	v19 =	vadd.f32 v19, v26;
	v44 =	vadd.f32 v40, v25  }
0xf3: {  	v48 =	vld [tilespmem:s16+$0xFFFFFFF0];
	(xrf2) =	vadd.scan.msk.f32 $0xffff, v24;
	v47 =	vmul.f32 v37, v2;
	v21 =	vadd.f32 v22, v21;
	v5 =	vadd.f32 v42, v5  }
0xf4: {  	v17 =	vadd.f32 v17, v18;
	v51 =	vld [tilespmem:s16+$0x100];
	v50 =	vmul.f32 v39, v3;
	(xrf2) =	vadd.scan.msk.f32 $0xffff, v19;
	v49 =	vadd.f32 v45, v44  }
0xf5: {  	v15 =	vadd.f32 v15, v16;
	v53 =	vld [tilespmem:s16+$0x210];
	v52 =	vmul.f32 v41, v1;
	(xrf2) =	vadd.scan.msk.f32 $0xffff, v21;
	v5 =	vadd.f32 v47, v5  }
0xf6: {  	v12 =	vadd.f32 $0.0e+00, v12;
	v54 =	vmul.f32 v43, v2;
	v55 =	vld [tilespmem:s16+$0x110];
	v17 =	vadd.f32 v50, v17;
	(xrf2) =	vadd.scan.msk.f32 $0xffff, v49  }
0xf7: {  	v56 =	vadd.f32 v13, v15;
	v58 =	vld [tilespmem:s16+$0x220];
	v57 =	vmul.f32 v46, v3;
	v19, _, _ =	vpop (xrf2);
	v5 =	vadd.f32 v52, v5  }
0xf8: {  	v11 =	vadd.f32 v11, v12;
	v61 =	vld [tilespmem:s16+$0x2D0];
	v60 =	vmul.f32 v48, v1;
	v17 =	vadd.f32 v54, v17;
	v59, _, _ =	vpop (xrf2)  }
0xf9: {  	v9 =	vadd.f32 $0.0e+00, v9;
	v24 =	vld [tilespmem:s16+$0x230];
	v63 =	vmul.f32 v51, v2;
	v6 =	vadd.f32 v57, v56;
	v62, _, _ =	vpop (xrf2);
	(xrf2) =	vadd.scan.msk.f32 $0xffff, v5  }
0xfa: {  	v10 =	vadd.f32 v10, v11;
	v26 =	vmul.f32 v53, v3;
	v17 =	vadd.f32 v60, v17;
	v25, _, _ =	vpop (xrf2)  }
0xfb: {  	v30 =	vld [tilespmem:s16+$0x2E0];
	v8 =	vadd.f32 v8, v9;
	v28 =	vmul.f32 v55, v1;
	v6 =	vadd.f32 v63, v6;
	v27, _, _ =	vpop (xrf2)  }
0xfc: {  	v29 =	vmul.f32 v7, v4;
	v10 =	vadd.f32 v26, v10;
	v32 =	vmul.f32 v58, v2;
	v31, _, _ =	vpop (xrf2);
	(xrf2) =	vadd.scan.msk.f32 $0xffff, v17  }
0xfd: {  	v35 =	vld [tilespmem:s16+$0x2F0];
	v34 =	vmul.f32 v61, v3;
	v6 =	vadd.f32 v28, v6;
	v33, _, _ =	vpop (xrf2)  }
0xfe: {  	v4 =	vadd.f32 v29, v8;
	v10 =	vadd.f32 v32, v10;
	v37 =	vmul.f32 v24, v1;
	v36, _, _ =	vpop (xrf2)  }
0xff: {  	(xrf2) =	vadd.scan.msk.f32 $0xffff, v6;
	v38, _, _ =	vpop (xrf2)  }
0x100: {  	v3 =	vadd.f32 v34, v4;
	v40 =	vmul.f32 v30, v2;
	v39 =	vadd.f32 v37, v10;
	v41, _, _ =	vpop (xrf2)  }
0x101: {  	v42 =	vbroadcast v38, $0xF;
	v4 =	vbroadcast v41, $0xF  }
0x102: {  	v2 =	vadd.f32 v40, v3;
	v44 =	vmul.f32 v35, v1;
	(xrf2) =	vadd.scan.msk.f32 $0xffff, v39;
	v43 =	vbroadcast v36, $0xF  }
0x103: {  	v46 =	vbroadcast v33, $0xF;
	v47, _, _ =	vpop (xrf2);
	v45 =	vsel vm0, v42, v4  }
0x104: {  	v1 =	vadd.f32 v44, v2;
	v6 =	vbroadcast v47, $0xF;
	v3 =	vsel vm1, v45, v43  }
0x105: {  	v49 =	vbroadcast v31, $0xF;
	v48 =	vsel vm2, v3, v46  }
0x106: {  	v50 =	vbroadcast v27, $0xF;
	(xrf2) =	vadd.scan.msk.f32 $0xffff, v1;
	v51, _, _ =	vpop (xrf2);
	v2 =	vsel vm3, v48, v6  }
0x107: {  	v53 =	vbroadcast v51, $0xF;
	v52 =	vsel vm4, v2, v49  }
0x108: {  	v54 =	vbroadcast v25, $0xF;
	v1 =	vsel vm5, v52, v50  }
0x109: {  	v55 =	vbroadcast v62, $0xF;
	v56, _, _ =	vpop (xrf2);
	v1 =	vsel vm6, v1, v53  }
0x10a: {  	v57 =	vbroadcast v56, $0xF;
	v1 =	vsel vm7, v1, v54  }
0x10b: {  	v58 =	vbroadcast v59, $0xF;
	v1 =	vsel vm8, v1, v55  }
0x10c: {  	v59 =	vbroadcast v19, $0xF;
	v60, _, _ =	vpop (xrf2);
	v1 =	vsel vm9, v1, v57  }
0x10d: {  	v61 =	vbroadcast v60, $0xF;
	v1 =	vsel vm10, v1, v58  }
0x10e: {  	v62 =	vbroadcast v14, $0xF;
	v1 =	vsel vm11, v1, v59  }
0x10f: {  	v1 =	vsel vm12, v1, v61  }
0x110: {  	v63, _, _ =	vpop (xrf2);
	v1 =	vsel vm13, v1, v62  }
0x111: {  	v1 =	vsel vm14, v1, v63  }
0x112: {  	s15 =	sadd.s32 $0x1, s15;
	v0 =	vadd.f32 v1, v0  }
0x113: {  	s31 =	sshra.s32 s17, $0x2;
	p0 =	sne.s32 s15, s8  }
.Ltmp1:
0x114: {  	[tilespmem:s31+$0xC670] =	vst v0;
	(pc) =	sbr.rel @p0 .LBB2_1-.Ltmp1, $4  }
0x115: {  	[hbm4b:s7+s3] =	stream.linear.scatter [tilespmem:s14], [sflag:$0x2], $0x200, $0x38;
	[tilespmem:$0xC870] =	vst v63  }
0x116: {  	_ =	swait.ge [sflag:s10], $0x200  }
0x117: {  	[sflag:s10] =	ssyncset.done $0x0  }
0x118: {  	[sflag:s10] =	ssyncadd.s32 $0xFFFFFE00  }
0x119: {  	_ =	sfence.sel $0x180000  }
0x11a: {  	[bflag:$0x0] =	sbarrier.arrive $0xFFFF  }
0x11b: {  	p0 =	sne.s32 s0, $0x0;
	_ =	strace $0x9000004D  }
0x11c: {  	s0 =	sadd.s32 @!p0 $0x100000, s1;
	[bflag:$0x2] =	sbarrier.arrive $0xFFFF  }
0x11d: {  	[sflag:s0] =	ssyncadd.tile.s32 @!p0 $0x1;
	_ =	shalt  }
.Lfunc_end2:
_tile_overlayer_lowered:
.L_overlay_start_2:
0x11e: {  	(tag) =	ssettag $0x2  }
0x11f: {  	s0 =	rddreg [dreg:$0x0];
	s2 =	stileid.u32  }
0x120: {  	s1 =	rddreg [dreg:$0x1];
	p0 =	sne.s32 s2, $0x0  }
0x121: {  	s3 =	rddreg [dreg:$0x2];
	[bflag:$0x3] =	sbarrier.arrive $0xFFFF;
	s2 =	simm.s32 @!p0 $0x1C02  }
0x122: {  	[timem:s3], [sflag:s2] =	dma.local @!p0 [hbm:s0], s1  }
0x123: {  	s0 =	simm.s32 @!p0 $0x2  }
0x124: {  	_ =	swait.ge @!p0 [sflag:s0], s1  }
0x125: {  	s1 =	ssub.s32 @!p0 $0x0, s1;
	[sflag:s0] =	ssyncset.done @!p0 $0x0  }
0x126: {  	[sflag:s0] =	ssyncadd.s32 @!p0 s1  }
0x127: {  	[bflag:$0x3] =	sbarrier.arrive $0xFFFF  }
0x128: {  	_ =	shalt  }

// kernel: kernel.8.cloned.1.call-start
scs
__scs_entry_jumppad:
0x0: {  	(pc) =	sbr.rel $0x88, $3  }
0x1: {  	(tag) =	ssettag $0x0;
	lr =	simm.s32 $0x1  }
0x2: {  	[smem:$0x3F96] =	sst lr;
	_ =	strace $0xD0000000  }
0x3: {  	_ = 	snop  }
0x4: {  	_ = 	snop  }
0x5: {  	_ = 	snop  }
0x6: {  	_ = 	snop  }
0x7: {  	_ = 	snop  }
__scs_overlays_trampoline_lowered:
0x8: {  	[smem:$0x3FA5] =	sst s0  }
0x9: {  	[smem:$0x3FA6] =	sst s1  }
0xa: {  	[smem:$0x3FA7] =	sst s2  }
0xb: {  	[smem:$0x3FA8] =	sst s3  }
0xc: {  	[smem:$0x3FA9] =	sst s4  }
0xd: {  	[smem:$0x3FAA] =	sst s5  }
0xe: {  	[smem:$0x3FAB] =	sst s6  }
0xf: {  	[smem:$0x3FAC] =	sst s7  }
0x10: {  	[smem:$0x3FAD] =	sst s8  }
0x11: {  	[smem:$0x3FAE] =	sst s9;
	s0 =	simm.s32 @!p0 $0x0  }
0x12: {  	s1 =	sld [smem:$0x3F94];
	s0 =	simm.s32 @p0 $0x1  }
0x13: {  	[smem:$0x3FAF] =	sst s0;
	s0 =	simm.s32 @!p1 $0x0  }
0x14: {  	s2 =	sld [smem:$0x3F93];
	s0 =	simm.s32 @p1 $0x1  }
0x15: {  	[smem:$0x3FB0] =	sst s0;
	s0 =	simm.s32 @!p2 $0x0  }
0x16: {  	s3 =	sld [smem:$0x3FDB];
	s0 =	simm.s32 @p2 $0x1  }
0x17: {  	s4 =	simm.s32 $0x1BF5;
	[smem:$0x3FB2] =	sst s0  }
0x18: {  	s0 =	sld [smem:$0x3F95];
	_ =	swait.ge [sflag:s4], $0x0  }
0x19: {  	s7 =	sld [smem:$0x3F96]  }
0x1a: {  	s8 =	sadd.s32 $0xFFFFE003, lr  }
0x1b: {  	s9 =	sadd.s32 $0xFFFFFEF7, lr;
	s5 =	simm.s32 $0xFFFFFFFF;
	p2 =	slt.u32 s8, $0xFFFFF086  }
0x1c: {  	p1 =	slt.u32 s9, $0xF7A;
	s5 =	simm.s32 @!p2 $0x0  }
0x1d: {  	s5 =	simm.s32 @p1 $0x1;
	p0 =	seq.s32 s7, s2  }
0x1e: {  	s7 =	smul.u32 @!p0 $0xF7A, s2;
	p2 =	seq.s32 @!p0 s5, $0x0  }
0x1f: {  	s9 =	smul.u32 $0xF7A, s1;
	s8 =	simm.s32 @!p0 $0x1BF5;
	p2 =	por !p2, p0  }
0x20: {  	[sflag:s8] =	ssyncset.s32 @!p0 $0xFFFFF086;
	s6 =	sadd.s32 @!p0 s3, s7;
	s7 =	simm.s32 @!p0 $0x108  }
0x21: {  	s3 =	sadd.s32 s3, s9;
	s6 =	sadd.s32 @!p0 $0x88, s6;
	s7 =	simm.s32 @p2 $0x1082  }
0x22: {  	[simem:s7], [sflag:s8] =	dma.local @!p0 [hbm:s6], $0xF7A  }
0x23: {  	s9 =	sor.u32 $0xD0000000, s2;
	s6 =	simm.s32 $0x108;
	_ =	swait.ge @!p0 [sflag:s8], $0x0  }
0x24: {  	s3 =	sadd.s32 $0x88, s3;
	s6 =	simm.s32 @!p1 $0x1082;
	[sflag:s4] =	ssyncset.s32 $0xFFFFF086  }
0x25: {  	[simem:s6], [sflag:s4] =	dma.local [hbm:s3], $0xF7A  }
0x26: {  	[smem:$0x3F96] =	sst s1;
	(tag) =	ssettag s2;
	_ =	strace s9  }
0x27: {  	s1 =	sld [smem:$0x3FA6]  }
0x28: {  	s2 =	sld [smem:$0x3FA7]  }
0x29: {  	s4 =	sld [smem:$0x3FA9]  }
0x2a: {  	p0 =	seq.s32 s5, $0x0;
	s5 =	sld [smem:$0x3FAA]  }
0x2b: {  	s6 =	sld [smem:$0x3FAB]  }
0x2c: {  	s7 =	sld [smem:$0x3FAC]  }
0x2d: {  	s3 =	simm.s32 $0x108;
	s8 =	sld [smem:$0x3FAD]  }
0x2e: {  	s3 =	simm.s32 @!p0 $0x1082;
	s9 =	sld [smem:$0x3FAE]  }
0x2f: {  	lr =	sadd.s32 s0, s3;
	s0 =	sld [smem:$0x3FA5]  }
0x30: {  	s3 =	sld [smem:$0x3FA8]  }
0x31: {  	[smem:$0x3FB1] =	sst s10  }
0x32: {  	s10 =	sld [smem:$0x3FAF];
	_ =	sdelay $0x3  }
0x33: {  	p0 =	seq.s32 s10, $0x1;
	s10 =	sld [smem:$0x3FB1];
	_ =	sdelay $0x3  }
0x34: {  	[smem:$0x3FB1] =	sst s10  }
0x35: {  	s10 =	sld [smem:$0x3FB0];
	_ =	sdelay $0x3  }
0x36: {  	p1 =	seq.s32 s10, $0x1;
	s10 =	sld [smem:$0x3FB1];
	_ =	sdelay $0x3  }
0x37: {  	[smem:$0x3FB1] =	sst s10  }
0x38: {  	s10 =	sld [smem:$0x3FB2]  }
0x39: {  	_ = 	snop;
	(pc) =	sbr.ind lr, $3  }
0x3a: {  	_ = 	snop  }
0x3b: {  	_ = 	snop  }
0x3c: {  	p2 =	seq.s32 s10, $0x1;
	s10 =	sld [smem:$0x3FB1]  }
0x3d: {  	_ =	shalt  }
0x3e: {  	_ =	shalt  }
0x3f: {  	_ =	shalt  }
0x40: {  	_ =	shalt  }
0x41: {  	_ =	shalt  }
0x42: {  	_ =	shalt  }
0x43: {  	_ =	shalt  }
0x44: {  	_ =	shalt  }
0x45: {  	_ =	shalt  }
0x46: {  	_ =	shalt  }
0x47: {  	_ =	shalt  }
0x48: {  	_ =	shalt  }
0x49: {  	_ =	shalt  }
0x4a: {  	_ =	shalt  }
0x4b: {  	_ =	shalt  }
0x4c: {  	_ =	shalt  }
0x4d: {  	_ =	shalt  }
0x4e: {  	_ =	shalt  }
0x4f: {  	_ =	shalt  }
0x50: {  	_ =	shalt  }
0x51: {  	_ =	shalt  }
0x52: {  	_ =	shalt  }
0x53: {  	_ =	shalt  }
0x54: {  	_ =	shalt  }
0x55: {  	_ =	shalt  }
0x56: {  	_ =	shalt  }
0x57: {  	_ =	shalt  }
0x58: {  	_ =	shalt  }
0x59: {  	_ =	shalt  }
0x5a: {  	_ =	shalt  }
0x5b: {  	_ =	shalt  }
0x5c: {  	_ =	shalt  }
0x5d: {  	_ =	shalt  }
0x5e: {  	_ =	shalt  }
0x5f: {  	_ =	shalt  }
0x60: {  	_ =	shalt  }
0x61: {  	_ =	shalt  }
0x62: {  	_ =	shalt  }
0x63: {  	_ =	shalt  }
0x64: {  	_ =	shalt  }
0x65: {  	_ =	shalt  }
0x66: {  	_ =	shalt  }
0x67: {  	_ =	shalt  }
0x68: {  	_ =	shalt  }
0x69: {  	_ =	shalt  }
0x6a: {  	_ =	shalt  }
0x6b: {  	_ =	shalt  }
0x6c: {  	_ =	shalt  }
0x6d: {  	_ =	shalt  }
0x6e: {  	_ =	shalt  }
0x6f: {  	_ =	shalt  }
0x70: {  	_ =	shalt  }
0x71: {  	_ =	shalt  }
0x72: {  	_ =	shalt  }
0x73: {  	_ =	shalt  }
0x74: {  	_ =	shalt  }
0x75: {  	_ =	shalt  }
0x76: {  	_ =	shalt  }
0x77: {  	_ =	shalt  }
0x78: {  	_ =	shalt  }
0x79: {  	_ =	shalt  }
0x7a: {  	_ =	shalt  }
0x7b: {  	_ =	shalt  }
0x7c: {  	_ =	shalt  }
0x7d: {  	_ =	shalt  }
0x7e: {  	_ =	shalt  }
0x7f: {  	_ =	shalt  }
0x80: {  	_ =	shalt  }
0x81: {  	_ =	shalt  }
0x82: {  	_ =	shalt  }
0x83: {  	_ =	shalt  }
0x84: {  	_ =	shalt  }
0x85: {  	_ =	shalt  }
0x86: {  	_ =	shalt  }
0x87: {  	_ =	shalt  }
.Lfunc_end0:
.L_simem_size_0:
called_computation_lowered:
.L_overlay_start_0:
0x88: {  	s2 =	sld [smem:$0x3FD9]  }
0x89: {  	s3 =	sld [smem:$0x3FFE];
	_ =	sdelay $0x1  }
0x8a: {  	s1 =	srdreg.scid  }
0x8b: {  	s0 =	sand.u32 $0x1, s1  }
0x8c: {  	s14 =	sshll.u32 s0, $0xA;
	s2 =	sadd.s32 s3, s2  }
0x8d: {  	s2 =	sadd.s32 s2, s14  }
0x8e: {  	[smem:$0x3FBD] =	sst s2  }
0x8f: {  	_ = 	snop  }
0x90: {  	s2 =	sld [smem:$0x3FD0];
	_ =	sdelay $0x2  }
0x91: {  	s15 =	simm.s32 $0xA;
	s4 =	simm.s32 $0x10  }
0x92: {  	[smem:s4], [sflag:s15] =	dma.local [hbm:s2], $0x1  }
0x93: {  	_ =	swait.eq [sflag:s15], $0x1  }
0x94: {  	[sflag:s15] =	ssyncset.done $0x0  }
0x95: {  	[sflag:s15] =	ssyncadd.s32 $0xFFFFFFFF  }
0x96: {  	s16 =	sld [smem:$0x10];
	(tm) =	ssettm $0x1  }
0x97: {  	s17 =	sld [smem:$0x3FFB];
	_ =	sdelay $0x3  }
0x98: {  	_ =	strace s17  }
0x99: {  	s3 =	sld [smem:$0x3FFC];
	_ =	sdelay $0x3  }
0x9a: {  	_ =	strace s3  }
0x9b: {  	s3 =	sld [smem:$0x3FFD];
	_ =	sdelay $0x3  }
0x9c: {  	_ =	strace s3  }
0x9d: {  	_ =	strace $0x8FFFFFFF  }
0x9e: {  	s18 =	sld [smem:$0x3FDB];
	_ =	sdelay $0x1  }
0x9f: {  	s19 =	simm.s32 $_scs_section_size  }
0xa0: {  	s5 =	simm.s32 $_size__tile_overlayer_lowered;
	s6 =	simm.s32 $_tile_overlayer_lowered  }
0xa1: {  	s22 =	simm.s32 $0x1BFF;
	s21 =	sshll.u32 s6, $0x1;
	s3 =	sadd.s32 s19, s18  }
0xa2: {  	s7 =	simm.s32 $0x0;
	s20 =	sshll.u32 s5, $0x1;
	s5 =	sadd.s32 s21, s3  }
0xa3: {  	[timem:s7], [sflag:s22] =	dma.local [hbm:s5], s20  }
0xa4: {  	_ =	swait.ge [sflag:s22], s20  }
0xa5: {  	s4 =	ssub.s32 $0x0, s20;
	[sflag:s22] =	ssyncset.done $0x0  }
0xa6: {  	[sflag:s22] =	ssyncadd.s32 s4;
	_ =	sdelay $0x1  }
0xa7: {  	s23 =	simm.s32 $0x1B8B  }
0xa8: {  	_ =	swait.ge [sflag:s23], $0x1  }
0xa9: {  	[sflag:s23] =	ssyncset.done $0x0  }
0xaa: {  	s25 =	simm.s32 $0x1B8E;
	s24 =	sld [smem:$0x3FFE];
	[sflag:s23] =	ssyncadd.s32 $0xFFFFFFFF  }
0xab: {  	s26 =	simm.s32 $execute0_lowered;
	[smem:$0x3FD2] =	sst s25  }
0xac: {  	s5 =	sshll.u32 s26, $0x1;
	_ =	strace $0x80000046;
	[dreg:$0x1] =	wrdreg $0xFFFFFFFF  }
0xad: {  	s28 =	simm.s32 $_size_execute0_lowered;
	s3 =	sadd.s32 s3, s5;
	[dreg:$0x0] =	wrdreg $0x0  }
0xae: {  	s5 =	sshll.u32 s28, $0x1;
	[dreg:$0x2] =	wrdreg s3  }
0xaf: {  	[dreg:$0x3] =	wrdreg s5  }
0xb0: {  	[dreg:$0x4] =	wrdreg $0xC0  }
0xb1: {  	_ =	task [dreg:s7], $0x5FFFF  }
0xb2: {  	[dreg:$0x1] =	wrdreg $0xFFFFFFFF  }
0xb3: {  	[dreg:$0x0] =	wrdreg $0x60  }
0xb4: {  	[dreg:$0x2] =	wrdreg s16  }
0xb5: {  	[dreg:$0x3] =	wrdreg s24  }
0xb6: {  	[dreg:$0x4] =	wrdreg $0x0  }
0xb7: {  	[dreg:$0x5] =	wrdreg $0x150200  }
0xb8: {  	[dreg:$0x6] =	wrdreg $0x9  }
0xb9: {  	_ =	task.clear_ibuf [dreg:s7], $0x7FFFF;
	_ =	strace $0x90000046  }
0xba: {  	s29 =	simm.s32 $0x9;
	_ =	strace $0x80000048  }
0xbb: {  	_ =	swait.ge [sflag:s29], $0x1  }
0xbc: {  	[sflag:s29] =	ssyncadd.s32 $0xFFFFFFFF  }
0xbd: {  	_ =	strace $0x90000048  }
0xbe: {  	_ =	sfence  }
0xbf: {  	s30 =	sld [smem:$0x0];
	_ =	sdelay $0x2  }
0xc0: {  	s31 =	sshll.u32 s1, $0xD;
	s1 =	sshrl.u32 s1, $0x2  }
0xc1: {  	s3 =	sand.u32 $0x4000, s31;
	s1 =	sadd.s32 s1, s30  }
0xc2: {  	s0 =	sor.u32 s3, s0;
	s1 =	sshll.u32 s1, $0x11  }
0xc3: {  	s0 =	sor.u32 s1, s0  }
0xc4: {  	s0 =	sadd.s32 $0x8F2B, s0  }
0xc5: {  	[sflag:s0] =	ssyncadd.remote.s32 $0x1  }
0xc6: {  	_ =	sfence.sel $0xFFFF  }
0xc7: {  	[dreg:$0x0] =	wrdreg $0xFFFFFFFF;
	(pc) =	sbr.abs _section_cstart, $3  }
0xc8: {  	[dreg:$0x1] =	wrdreg $0xFFFFFFFF  }
0xc9: {  	_ =	task.clear_ibuf [dreg:s7], $0x2FFFF;
	_ =	strace $0x9FFFFFFF  }
0xca: {  	(tm) =	ssettm $0x7FFFFFFF  }
0xcb: {  	_ =	shalt  }
tec
execute0_lowered:
.L_overlay_start_1:
0x0: {  	(tag) =	ssettag $0x1  }
0x1: {  	s1 =	rddreg [dreg:$0x0]  }
0x2: {  	s0 =	rddreg [dreg:$0x1]  }
0x3: {  	s2 =	rddreg [dreg:$0x2]  }
0x4: {  	s4 =	rddreg [dreg:$0x3]  }
0x5: {  	s5 =	simm.s32 $0x0;
	s3 =	srdreg.scid;
	s17 =	stileid.u32  }
0x6: {  	s28 =	simm.s32 $0xD320;
	s29 =	simm.s32 $0x6;
	s31 =	simm.s32 $0xC380  }
0x7: {  	[smem:$0x7FF] =	sst s5;
	s3 =	sand.u32 $0x1, s3;
	s10 =	smul.u32 $0xC38, s17  }
0x8: {  	s6 =	sadd.s32 $0x36E00, s0;
	s7 =	sadd.s32 $0x1E600, s0;
	s14 =	smul.u32 $0x30E00, s17  }
0x9: {  	s8 =	sadd.s32 $0x5E00, s0;
	s12 =	sadd.s32 $0x67E00, s0;
	s21 =	smul.u32 $0xC350, s17  }
0xa: {  	s13 =	sadd.s32 $0x4F600, s0;
	p1 =	sgt.u32 s17, $0x7;
	s9 =	smul.u32 $0x18700, s3  }
0xb: {  	p2 =	slt.u32 s17, $0x8;
	_ =	strace $0x80000047;
	s11 =	smul.u32 $0xC380, s3  }
0xc: {  	s20 =	ssub.s32 $0x2, s3;
	p0 =	sne.s32 s3, $0x0;
	s25 =	sshrl.u32 s21, $0x3  }
0xd: {  	s14 =	sshrl.u32 s14, $0x2;
	s9 =	sadd.s32 s10, s9;
	s26 =	sadd.s32 s12, s25  }
0xe: {  	s19 =	sadd.s32 s10, s11;
	s18 =	sadd.s32 s14, s2;
	[dreg:$0xb] =	wrdreg s26  }
0xf: {  	s14 =	sadd.s32 $0x3E8, s21;
	s22 =	sadd.s32 $0x7D00, s18;
	[dreg:$0x5] =	wrdreg s18  }
0x10: {  	s9 =	sshll.u32 s9, $0x1;
	s23 =	sadd.s32 $0xBB80, s18;
	[dreg:$0x8] =	wrdreg s22  }
0x11: {  	s30 =	sadd.s32 $0x3E80, s18;
	s15 =	sadd.s32 s9, s0;
	[dreg:$0x9] =	wrdreg s23  }
0x12: {  	s9 =	sshrl.u32 s19, $0x3;
	s19 =	sshrl.u32 s14, $0x3;
	[dreg:$0x6] =	wrdreg s30  }
0x13: {  	s0 =	sadd.s32 s9, s0;
	s9 =	sadd.s32 s10, s4;
	s10 =	sadd.s32 s13, s25  }
0x14: {  	s16 =	sshrl.u32 s20, $0x1;
	s21 =	sadd.s32 s12, s19;
	[dreg:$0xc] =	wrdreg s10  }
0x15: {  	s16 =	ssub.s32 s20, s16;
	s23 =	sadd.s32 $0x80600, s15;
	[dreg:$0xd] =	wrdreg s21  }
0x16: {  	s3 =	simm.s32 $0x3E8;
	s25 =	smax.u32 s16, $0x1;
	[dreg:$0x10] =	wrdreg s23  }
0x17: {  	s20 =	smul.u32 $0x186A, s17;
	s14 =	simm.s32 $0xC768;
	[dreg:$0x13] =	wrdreg s25  }
0x18: {  	s24 =	sadd.s32 $0x400, s9;
	s10 =	sadd.s32 s13, s19;
	[dreg:$0x7] =	wrdreg s9  }
0x19: {  	s19 =	sadd.s32 s20, s13;
	s20 =	sadd.s32 s20, s12;
	[dreg:$0xa] =	wrdreg s24  }
0x1a: {  	s22 =	sadd.s32 $0x800, s9;
	s0 =	sadd.s32 $0xE2200, s0;
	[dreg:$0xe] =	wrdreg s10  }
.Ltmp0:
0x1b: {  	s26 =	sadd.s32 $0xC00, s9;
	[dreg:$0xf] =	wrdreg s22;
	(pc) =	sbr.rel .LBB2_1-.Ltmp0, $4  }
0x1c: {  	s21 =	simm.s32 $0xCF38;
	s23 =	simm.s32 $0x1;
	[dreg:$0x11] =	wrdreg s0  }
0x1d: {  	s25 =	simm.s32 $0x4;
	s24 =	sadd.s32 $0x98D00, s15;
	[dreg:$0x14] =	wrdreg s26  }
0x1e: {  	s0 =	simm.s32 $0xCB50;
	s22 =	simm.s32 $0x111A0;
	s26 =	simm.s32 $0x3  }
0x1f: {  	v0 =	vimm.f32 $0.0e+00;
	v1 =	vimm.f32 $1.000000000e+00;
	s10 =	simm.s32 $0x0;
	[dreg:$0x12] =	wrdreg s24;
	s24 =	simm.s32 $0x2  }
.LBB2_22:
0x20: {  	[tilespmem:s22], [sflag:$0x2] =	stream.indirect.gather [hbm4b:s8+s3], $0x10, s14, s3, $0xb8;
	[tilespmem:$0x16458] =	vst v63  }
.LBB2_23:
0x21: {  	_ =	swait.ge [sflag:s23], $0x3E80  }
0x22: {  	[sflag:s23] =	ssyncset.done $0x0  }
0x23: {  	[sflag:s23] =	ssyncadd.s32 $0xFFFFC180  }
0x24: {  	[spmem:s2] =	stream.indirect.scatter.add.f32 [tilespmem:s28], [sflag:$0x3], $0x10, s0, s3, $0xb8;
	[tilespmem:$0x16458] =	vst v63  }
0x25: {  	_ =	swait.ge [sflag:s26], $0x3E80  }
0x26: {  	[sflag:s26] =	ssyncset.done $0x0  }
0x27: {  	[sflag:s26] =	ssyncadd.s32 $0xFFFFC180  }
0x28: {  	_ =	swait.ge [sflag:s24], $0x3E80  }
0x29: {  	[sflag:s24] =	ssyncset.done $0x0  }
0x2a: {  	[sflag:s24] =	ssyncadd.s32 $0xFFFFC180  }
0x2b: {  	[spmem:s2] =	stream.indirect.scatter.add.f32 [tilespmem:s22], [sflag:$0x4], $0x10, s21, s3, $0xb8;
	[tilespmem:$0x16458] =	vst v63  }
0x2c: {  	_ =	swait.ge [sflag:s25], $0x3E80  }
0x2d: {  	[sflag:s25] =	ssyncset.done $0x0  }
0x2e: {  	[sflag:s25] =	ssyncadd.s32 $0xFFFFC180  }
0x2f: {  	[bflag:$0x0] =	sbarrier.arrive $0xFFFF  }
0x30: {  	s9 =	rddreg [dreg:$0x12]  }
0x31: {  	[hbm:s9], [sflag:s12] =	dma.local [spmem:s13], $0x1870  }
0x32: {  	_ =	swait.ge [sflag:s29], $0x1870  }
0x33: {  	s10 =	sadd.s32 $0x1, s10;
	s17 =	rddreg [dreg:$0x13]  }
0x34: {  	p3 =	sne.s32 s10, s17  }
.Ltmp1:
0x35: {  	_ = 	snop;
	(pc) =	sbr.rel @!p3 .LBB2_24-.Ltmp1, $3  }
0x36: {  	_ =	sdelay $0x1  }
0x37: {  	[sflag:s29] =	ssyncset.done $0x0  }
0x38: {  	[sflag:s29] =	ssyncadd.s32 $0xFFFFE790  }
.LBB2_1:
0x39: {  	s12 =	simm.s32 $0x40;
	s13 =	simm.s32 $0x0  }
.LBB2_2:
0x3a: {  	p3 =	sne.s32 s12, $0xFC0;
	[tilespmem:s13+$0x16058] =	vst v0;
	s13 =	smov.u32 s12;
	s12 =	sadd.s32 $0x40, s12  }
.Ltmp2:
0x3b: {  	(pc) =	sbr.rel @p3 .LBB2_2-.Ltmp2, $2  }
0x3c: {  	_ =	sdelay $0x2  }
0x3d: {  	s13 =	sshra.s32 s13, $0x2  }
0x3e: {  	[tilespmem:s13+$0x16058] =	vst v0;
	s12 =	simm.s32 $0x40;
	s13 =	simm.s32 $0x0  }
.LBB2_4:
0x3f: {  	p3 =	sne.s32 s12, $0xFC0;
	[tilespmem:s13+$0x15C58] =	vst v1;
	s13 =	smov.u32 s12;
	s12 =	sadd.s32 $0x40, s12  }
.Ltmp3:
0x40: {  	(pc) =	sbr.rel @p3 .LBB2_4-.Ltmp3, $2  }
0x41: {  	_ =	sdelay $0x2  }
0x42: {  	s13 =	sshra.s32 s13, $0x2  }
0x43: {  	[tilespmem:s13+$0x15C58] =	vst v1;
	s12 =	simm.s32 $0x40;
	s13 =	simm.s32 $0x0  }
.LBB2_6:
0x44: {  	p3 =	sne.s32 s12, $0xF9C0;
	[tilespmem:s13+$0xD320] =	vst v0;
	s13 =	smov.u32 s12;
	s12 =	sadd.s32 $0x40, s12  }
.Ltmp4:
0x45: {  	(pc) =	sbr.rel @p3 .LBB2_6-.Ltmp4, $2  }
0x46: {  	_ =	sdelay $0x2  }
0x47: {  	s13 =	sshra.s32 s13, $0x2  }
0x48: {  	[tilespmem:s13+$0xD320] =	vst v0  }
0x49: {  	[spmem:s18] =	stream.linear.scatter [tilespmem:s28], [sflag:$0x6], $0x3E80, $0x38;
	[tilespmem:$0x16458] =	vst v63  }
0x4a: {  	_ =	swait.ge [sflag:s29], $0x3E80  }
0x4b: {  	[sflag:s29] =	ssyncset.done $0x0  }
0x4c: {  	[sflag:s29] =	ssyncadd.s32 $0xFFFFC180  }
0x4d: {  	[spmem:s30] =	stream.linear.scatter [tilespmem:s28], [sflag:$0x6], $0x3E80, $0x38;
	[tilespmem:$0x16458] =	vst v63  }
0x4e: {  	_ =	swait.ge [sflag:s29], $0x3E80  }
0x4f: {  	[sflag:s29] =	ssyncset.done $0x0  }
0x50: {  	s9 =	rddreg [dreg:$0x8];
	[sflag:s29] =	ssyncadd.s32 $0xFFFFC180  }
0x51: {  	[spmem:s9] =	stream.linear.scatter [tilespmem:s28], [sflag:$0x6], $0x3E80, $0x38;
	[tilespmem:$0x16458] =	vst v63  }
0x52: {  	_ =	swait.ge [sflag:s29], $0x3E80  }
0x53: {  	[sflag:s29] =	ssyncset.done $0x0  }
0x54: {  	s12 =	rddreg [dreg:$0x9];
	[sflag:s29] =	ssyncadd.s32 $0xFFFFC180  }
0x55: {  	[spmem:s12] =	stream.linear.scatter [tilespmem:s28], [sflag:$0x6], $0x800, $0x38;
	[tilespmem:$0x16458] =	vst v63  }
0x56: {  	_ =	swait.ge [sflag:s29], $0x800  }
0x57: {  	[sflag:s29] =	ssyncset.done $0x0  }
0x58: {  	s11 =	simm.s32 $0x16058;
	s13 =	rddreg [dreg:$0x7];
	[sflag:s29] =	ssyncadd.s32 $0xFFFFF800  }
0x59: {  	[spmem:s13] =	stream.linear.scatter [tilespmem:s11], [sflag:$0x6], $0x400, $0x38;
	[tilespmem:$0x16458] =	vst v63  }
0x5a: {  	_ =	swait.ge [sflag:s29], $0x400  }
0x5b: {  	[sflag:s29] =	ssyncset.done $0x0  }
0x5c: {  	s15 =	rddreg [dreg:$0xa];
	[sflag:s29] =	ssyncadd.s32 $0xFFFFFC00  }
0x5d: {  	[spmem:s15] =	stream.linear.scatter [tilespmem:s11], [sflag:$0x6], $0x400, $0x38;
	[tilespmem:$0x16458] =	vst v63  }
0x5e: {  	_ =	swait.ge [sflag:s29], $0x400  }
0x5f: {  	[sflag:s29] =	ssyncset.done $0x0  }
0x60: {  	s16 =	rddreg [dreg:$0xf];
	[sflag:s29] =	ssyncadd.s32 $0xFFFFFC00  }
0x61: {  	[spmem:s16] =	stream.linear.scatter [tilespmem:s11], [sflag:$0x6], $0x400, $0x38;
	[tilespmem:$0x16458] =	vst v63  }
0x62: {  	_ =	swait.ge [sflag:s29], $0x400  }
0x63: {  	[sflag:s29] =	ssyncset.done $0x0  }
0x64: {  	s17 =	rddreg [dreg:$0x14];
	[sflag:s29] =	ssyncadd.s32 $0xFFFFFC00  }
0x65: {  	[spmem:s17] =	stream.linear.scatter [tilespmem:s11], [sflag:$0x6], $0x38, $0x38;
	[tilespmem:$0x16458] =	vst v63  }
0x66: {  	_ =	swait.ge [sflag:s29], $0x38  }
0x67: {  	[sflag:s29] =	ssyncset.done $0x0  }
0x68: {  	[sflag:s29] =	ssyncadd.s32 $0xFFFFFFC8  }
0x69: {  	[bflag:$0x0] =	sbarrier.arrive $0xFFFF  }
0x6a: {  	s18 =	rddreg [dreg:$0xb]  }
0x6b: {  	[tilespmem:s31], [sflag:$0x6] =	stream.linear.gather [hbm4b:s18+s5], $0x3E8, $0x38;
	[tilespmem:$0x16458] =	vst v63  }
0x6c: {  	_ =	swait.ge [sflag:s29], $0x3E8  }
0x6d: {  	[sflag:s29] =	ssyncset.done $0x0  }
.Ltmp5:
0x6e: {  	s30 =	rddreg [dreg:$0xc];
	[sflag:s29] =	ssyncadd.s32 $0xFFFFFC18;
	(pc) =	sbr.rel @p0 .LBB2_11-.Ltmp5, $4  }
0x6f: {  	[tilespmem:s0], [sflag:$0x6] =	stream.linear.gather [hbm4b:s30+s5], $0x3E8, $0x38;
	[tilespmem:$0x16458] =	vst v63  }
0x70: {  	_ =	swait.ge [sflag:s29], $0x3E8  }
0x71: {  	[sflag:s29] =	ssyncset.done $0x0  }
0x72: {  	[sflag:s29] =	ssyncadd.s32 $0xFFFFFC18  }
0x73: {  	[tilespmem:s28], [sflag:$0x1] =	stream.indirect.gather [hbm4b:s1+s3], $0x10, s31, s3, $0xb8;
	[tilespmem:$0x16458] =	vst v63  }
0x74: {  	s9 =	rddreg [dreg:$0xd]  }
0x75: {  	[tilespmem:s14], [sflag:$0x6] =	stream.linear.gather [hbm4b:s9+s5], $0x3E8, $0x38;
	[tilespmem:$0x16458] =	vst v63  }
0x76: {  	_ =	swait.ge [sflag:s29], $0x3E8  }
0x77: {  	[sflag:s29] =	ssyncset.done $0x0  }
0x78: {  	s30 =	rddreg [dreg:$0xe];
	[sflag:s29] =	ssyncadd.s32 $0xFFFFFC18  }
0x79: {  	[tilespmem:s21], [sflag:$0x6] =	stream.linear.gather [hbm4b:s30+s5], $0x3E8, $0x38;
	[tilespmem:$0x16458] =	vst v63  }
0x7a: {  	_ =	swait.ge [sflag:s29], $0x3E8  }
0x7b: {  	[sflag:s29] =	ssyncset.done $0x0  }
0x7c: {  	s12 =	simm.s32 $0xFFFFE890;
	[sflag:s29] =	ssyncadd.s32 $0xFFFFFC18  }
0x7d: {  	[tilespmem:s22], [sflag:$0x2] =	stream.indirect.gather [hbm4b:s1+s3], $0x10, s14, s3, $0xb8;
	[tilespmem:$0x16458] =	vst v63  }
.LBB2_9:
0x7e: {  	_ =	swait.ge [sflag:s23], $0x3E80  }
0x7f: {  	[sflag:s23] =	ssyncset.done $0x0  }
0x80: {  	[sflag:s23] =	ssyncadd.s32 $0xFFFFC180  }
0x81: {  	[spmem:s2] =	stream.indirect.scatter.add.f32 [tilespmem:s28], [sflag:$0x3], $0x10, s0, s3, $0xb8;
	[tilespmem:$0x16458] =	vst v63  }
0x82: {  	s13 =	simm.s32 @!p1 $0x3E8;
	s15 =	simm.s32 @!p1 $0xCB50;
	s16 =	simm.s32 @!p1 $0x15C58  }
0x83: {  	[spmem:s4] =	stream.indirect.scatter.add.f32 @!p1 [tilespmem:s16], [sflag:$0x5], $0x1, s15, s13, $0xb8;
	[tilespmem:$0x16458] =	vst v63  }
0x84: {  	s15 =	simm.s32 @!p1 $0x5  }
0x85: {  	_ =	swait.ge @!p1 [sflag:s15], $0x3E8  }
0x86: {  	p3 =	seq.s32 s12, $0x0;
	[sflag:s15] =	ssyncset.done @!p1 $0x0  }
0x87: {  	s17 =	simm.s32 @p3 $0x3;
	[sflag:s15] =	ssyncadd.s32 @!p1 $0xFFFFFC18  }
0x88: {  	_ =	swait.ge @p3 [sflag:s17], $0x3E80  }
0x89: {  	[sflag:s17] =	ssyncset.done @p3 $0x0  }
0x8a: {  	[sflag:s17] =	ssyncadd.s32 @p3 $0xFFFFC180;
	s17 =	sadd.s32 @!p3 s12, s20  }
0x8b: {  	s18 =	simm.s32 @!p3 $0x0;
	s30 =	simm.s32 @!p3 $0xC380;
	s17 =	sadd.s32 @!p3 $0x186A, s17  }
0x8c: {  	[tilespmem:s30], [sflag:$0x6] =	stream.linear.gather @!p3 [hbm4b:s17+s18], $0x3E8, $0x38;
	[tilespmem:$0x16458] =	vst v63  }
0x8d: {  	s17 =	simm.s32 @!p3 $0x6  }
0x8e: {  	_ =	swait.ge @!p3 [sflag:s17], $0x3E8  }
0x8f: {  	[sflag:s17] =	ssyncset.done @!p3 $0x0  }
0x90: {  	s11 =	simm.s32 @!p3 $0x3;
	[sflag:s17] =	ssyncadd.s32 @!p3 $0xFFFFFC18  }
0x91: {  	_ =	swait.ge @!p3 [sflag:s11], $0x3E80  }
0x92: {  	s9 =	sadd.s32 @!p3 s12, s19;
	[sflag:s11] =	ssyncset.done @!p3 $0x0  }
0x93: {  	s9 =	sadd.s32 @!p3 $0x186A, s9;
	[sflag:s11] =	ssyncadd.s32 @!p3 $0xFFFFC180;
	s11 =	simm.s32 @!p3 $0xCB50  }
0x94: {  	[tilespmem:s11], [sflag:$0x6] =	stream.linear.gather @!p3 [hbm4b:s9+s18], $0x3E8, $0x38;
	[tilespmem:$0x16458] =	vst v63  }
0x95: {  	_ =	swait.ge @!p3 [sflag:s17], $0x3E8  }
0x96: {  	[sflag:s17] =	ssyncset.done @!p3 $0x0  }
0x97: {  	s9 =	simm.s32 @!p3 $0x3E8;
	s11 =	simm.s32 @!p3 $0xD320;
	[sflag:s17] =	ssyncadd.s32 @!p3 $0xFFFFFC18  }
0x98: {  	[tilespmem:s11], [sflag:$0x1] =	stream.indirect.gather @!p3 [hbm4b:s1+s9], $0x10, s30, s9, $0xb8;
	[tilespmem:$0x16458] =	vst v63  }
0x99: {  	_ =	swait.ge [sflag:s24], $0x3E80  }
0x9a: {  	[sflag:s24] =	ssyncset.done $0x0  }
0x9b: {  	[sflag:s24] =	ssyncadd.s32 $0xFFFFC180  }
0x9c: {  	[spmem:s2] =	stream.indirect.scatter.add.f32 [tilespmem:s22], [sflag:$0x4], $0x10, s21, s3, $0xb8;
	[tilespmem:$0x16458] =	vst v63  }
.Ltmp6:
0x9d: {  	s9 =	simm.s32 @!p1 $0xCF38;
	(pc) =	sbr.rel @p3 .LBB2_14-.Ltmp6, $4  }
0x9e: {  	[spmem:s4] =	stream.indirect.scatter.add.f32 @!p1 [tilespmem:s16], [sflag:$0x5], $0x1, s9, s13, $0xb8;
	[tilespmem:$0x16458] =	vst v63  }
0x9f: {  	_ =	swait.ge @!p1 [sflag:s15], $0x3E8  }
0xa0: {  	[sflag:s15] =	ssyncset.done @!p1 $0x0  }
0xa1: {  	[sflag:s15] =	ssyncadd.s32 @!p1 $0xFFFFFC18  }
0xa2: {  	s9 =	sadd.s32 s12, s20  }
0xa3: {  	s9 =	sadd.s32 $0x18E7, s9  }
0xa4: {  	[tilespmem:s14], [sflag:$0x6] =	stream.linear.gather [hbm4b:s9+s5], $0x3E8, $0x38;
	[tilespmem:$0x16458] =	vst v63  }
0xa5: {  	_ =	swait.ge [sflag:s29], $0x3E8  }
0xa6: {  	[sflag:s29] =	ssyncset.done $0x0  }
0xa7: {  	[sflag:s29] =	ssyncadd.s32 $0xFFFFFC18  }
0xa8: {  	_ =	swait.ge [sflag:s25], $0x3E80  }
0xa9: {  	s30 =	sadd.s32 s12, s19;
	[sflag:s25] =	ssyncset.done $0x0  }
0xaa: {  	s9 =	sadd.s32 $0x18E7, s30;
	[sflag:s25] =	ssyncadd.s32 $0xFFFFC180  }
0xab: {  	[tilespmem:s21], [sflag:$0x6] =	stream.linear.gather [hbm4b:s9+s5], $0x3E8, $0x38;
	[tilespmem:$0x16458] =	vst v63  }
.Ltmp7:
0xac: {  	_ = 	snop;
	(pc) =	sbr.rel .LBB2_9-.Ltmp7, $4  }
0xad: {  	_ =	swait.ge [sflag:s29], $0x3E8  }
0xae: {  	[sflag:s29] =	ssyncset.done $0x0  }
0xaf: {  	s12 =	sadd.s32 $0xFA, s12;
	[sflag:s29] =	ssyncadd.s32 $0xFFFFFC18  }
0xb0: {  	[tilespmem:s22], [sflag:$0x2] =	stream.indirect.gather [hbm4b:s1+s3], $0x10, s14, s3, $0xb8;
	[tilespmem:$0x16458] =	vst v63  }
.LBB2_11:
0xb1: {  	[tilespmem:s28], [sflag:$0x1] =	stream.indirect.gather [hbm4b:s7+s3], $0x10, s31, s3, $0xb8;
	[tilespmem:$0x16458] =	vst v63  }
0xb2: {  	s9 =	rddreg [dreg:$0xd]  }
0xb3: {  	[tilespmem:s14], [sflag:$0x6] =	stream.linear.gather [hbm4b:s9+s5], $0x3E8, $0x38;
	[tilespmem:$0x16458] =	vst v63  }
0xb4: {  	_ =	swait.ge [sflag:s29], $0x3E8  }
0xb5: {  	[sflag:s29] =	ssyncset.done $0x0  }
0xb6: {  	s30 =	rddreg [dreg:$0xe];
	[sflag:s29] =	ssyncadd.s32 $0xFFFFFC18  }
0xb7: {  	[tilespmem:s21], [sflag:$0x6] =	stream.linear.gather [hbm4b:s30+s5], $0x3E8, $0x38;
	[tilespmem:$0x16458] =	vst v63  }
0xb8: {  	_ =	swait.ge [sflag:s29], $0x3E8  }
0xb9: {  	[sflag:s29] =	ssyncset.done $0x0  }
0xba: {  	s12 =	simm.s32 $0xFFFFE890;
	[sflag:s29] =	ssyncadd.s32 $0xFFFFFC18  }
0xbb: {  	[tilespmem:s22], [sflag:$0x2] =	stream.indirect.gather [hbm4b:s7+s3], $0x10, s14, s3, $0xb8;
	[tilespmem:$0x16458] =	vst v63  }
.LBB2_12:
0xbc: {  	_ =	swait.ge [sflag:s23], $0x3E80  }
0xbd: {  	[sflag:s23] =	ssyncset.done $0x0  }
0xbe: {  	[sflag:s23] =	ssyncadd.s32 $0xFFFFC180  }
0xbf: {  	[spmem:s2] =	stream.indirect.scatter.add.f32 [tilespmem:s28], [sflag:$0x3], $0x10, s0, s3, $0xb8;
	[tilespmem:$0x16458] =	vst v63  }
0xc0: {  	s9 =	simm.s32 @!p2 $0x3E8;
	s11 =	simm.s32 @!p2 $0xCB50;
	s13 =	simm.s32 @!p2 $0x15C58  }
0xc1: {  	[spmem:s4] =	stream.indirect.scatter.add.f32 @!p2 [tilespmem:s13], [sflag:$0x5], $0x1, s11, s9, $0xb8;
	[tilespmem:$0x16458] =	vst v63  }
0xc2: {  	s11 =	simm.s32 @!p2 $0x5  }
0xc3: {  	_ =	swait.ge @!p2 [sflag:s11], $0x3E8  }
0xc4: {  	p3 =	seq.s32 s12, $0x0;
	[sflag:s11] =	ssyncset.done @!p2 $0x0  }
0xc5: {  	s15 =	simm.s32 @p3 $0x3;
	[sflag:s11] =	ssyncadd.s32 @!p2 $0xFFFFFC18  }
0xc6: {  	_ =	swait.ge @p3 [sflag:s15], $0x3E80  }
0xc7: {  	[sflag:s15] =	ssyncset.done @p3 $0x0  }
0xc8: {  	[sflag:s15] =	ssyncadd.s32 @p3 $0xFFFFC180;
	s15 =	sadd.s32 @!p3 s12, s20  }
0xc9: {  	s16 =	simm.s32 @!p3 $0x0;
	s17 =	simm.s32 @!p3 $0xC380;
	s15 =	sadd.s32 @!p3 $0x186A, s15  }
0xca: {  	[tilespmem:s17], [sflag:$0x6] =	stream.linear.gather @!p3 [hbm4b:s15+s16], $0x3E8, $0x38;
	[tilespmem:$0x16458] =	vst v63  }
0xcb: {  	s15 =	simm.s32 @!p3 $0x6  }
0xcc: {  	_ =	swait.ge @!p3 [sflag:s15], $0x3E8  }
0xcd: {  	[sflag:s15] =	ssyncset.done @!p3 $0x0  }
0xce: {  	s18 =	simm.s32 @!p3 $0x3;
	[sflag:s15] =	ssyncadd.s32 @!p3 $0xFFFFFC18  }
0xcf: {  	_ =	swait.ge @!p3 [sflag:s18], $0x3E80  }
0xd0: {  	s30 =	sadd.s32 @!p3 s12, s19;
	[sflag:s18] =	ssyncset.done @!p3 $0x0  }
0xd1: {  	[sflag:s18] =	ssyncadd.s32 @!p3 $0xFFFFC180;
	s18 =	sadd.s32 @!p3 $0x186A, s30;
	s30 =	simm.s32 @!p3 $0xCB50  }
0xd2: {  	[tilespmem:s30], [sflag:$0x6] =	stream.linear.gather @!p3 [hbm4b:s18+s16], $0x3E8, $0x38;
	[tilespmem:$0x16458] =	vst v63  }
0xd3: {  	_ =	swait.ge @!p3 [sflag:s15], $0x3E8  }
0xd4: {  	[sflag:s15] =	ssyncset.done @!p3 $0x0  }
0xd5: {  	s16 =	simm.s32 @!p3 $0xD320;
	[sflag:s15] =	ssyncadd.s32 @!p3 $0xFFFFFC18;
	s15 =	simm.s32 @!p3 $0x3E8  }
0xd6: {  	[tilespmem:s16], [sflag:$0x1] =	stream.indirect.gather @!p3 [hbm4b:s7+s15], $0x10, s17, s15, $0xb8;
	[tilespmem:$0x16458] =	vst v63  }
0xd7: {  	_ =	swait.ge [sflag:s24], $0x3E80  }
0xd8: {  	[sflag:s24] =	ssyncset.done $0x0  }
0xd9: {  	[sflag:s24] =	ssyncadd.s32 $0xFFFFC180  }
0xda: {  	[spmem:s2] =	stream.indirect.scatter.add.f32 [tilespmem:s22], [sflag:$0x4], $0x10, s21, s3, $0xb8;
	[tilespmem:$0x16458] =	vst v63  }
.Ltmp8:
0xdb: {  	s15 =	simm.s32 @!p2 $0xCF38;
	(pc) =	sbr.rel @p3 .LBB2_14-.Ltmp8, $4  }
0xdc: {  	[spmem:s4] =	stream.indirect.scatter.add.f32 @!p2 [tilespmem:s13], [sflag:$0x5], $0x1, s15, s9, $0xb8;
	[tilespmem:$0x16458] =	vst v63  }
0xdd: {  	_ =	swait.ge @!p2 [sflag:s11], $0x3E8  }
0xde: {  	[sflag:s11] =	ssyncset.done @!p2 $0x0  }
0xdf: {  	[sflag:s11] =	ssyncadd.s32 @!p2 $0xFFFFFC18  }
0xe0: {  	s9 =	sadd.s32 s12, s20  }
0xe1: {  	s9 =	sadd.s32 $0x18E7, s9  }
0xe2: {  	[tilespmem:s14], [sflag:$0x6] =	stream.linear.gather [hbm4b:s9+s5], $0x3E8, $0x38;
	[tilespmem:$0x16458] =	vst v63  }
0xe3: {  	_ =	swait.ge [sflag:s29], $0x3E8  }
0xe4: {  	[sflag:s29] =	ssyncset.done $0x0  }
0xe5: {  	[sflag:s29] =	ssyncadd.s32 $0xFFFFFC18  }
0xe6: {  	_ =	swait.ge [sflag:s25], $0x3E80  }
0xe7: {  	s30 =	sadd.s32 s12, s19;
	[sflag:s25] =	ssyncset.done $0x0  }
0xe8: {  	s9 =	sadd.s32 $0x18E7, s30;
	[sflag:s25] =	ssyncadd.s32 $0xFFFFC180  }
0xe9: {  	[tilespmem:s21], [sflag:$0x6] =	stream.linear.gather [hbm4b:s9+s5], $0x3E8, $0x38;
	[tilespmem:$0x16458] =	vst v63  }
.Ltmp9:
0xea: {  	_ = 	snop;
	(pc) =	sbr.rel .LBB2_12-.Ltmp9, $4  }
0xeb: {  	_ =	swait.ge [sflag:s29], $0x3E8  }
0xec: {  	[sflag:s29] =	ssyncset.done $0x0  }
0xed: {  	s12 =	sadd.s32 $0xFA, s12;
	[sflag:s29] =	ssyncadd.s32 $0xFFFFFC18  }
0xee: {  	[tilespmem:s22], [sflag:$0x2] =	stream.indirect.gather [hbm4b:s7+s3], $0x10, s14, s3, $0xb8;
	[tilespmem:$0x16458] =	vst v63  }
.LBB2_14:
0xef: {  	_ =	swait.ge [sflag:s25], $0x3E80  }
0xf0: {  	[sflag:s25] =	ssyncset.done $0x0  }
0xf1: {  	[sflag:s25] =	ssyncadd.s32 $0xFFFFC180  }
0xf2: {  	s9 =	stileid.u32;
	[bflag:$0x0] =	sbarrier.arrive $0xFFFF  }
0xf3: {  	s9 =	sshll.u32 s9, $0x6;
	s18 =	rddreg [dreg:$0x5]  }
0xf4: {  	s12 =	sor.u32 $0x1C06, s9;
	s17 =	rddreg [dreg:$0x10];
	s13 =	sshrl.u32 s18, $0x3  }
0xf5: {  	[hbm:s17], [sflag:s12] =	dma.local [spmem:s13], $0x1870  }
0xf6: {  	_ =	swait.ge [sflag:s29], $0x1870  }
0xf7: {  	[sflag:s29] =	ssyncset.done $0x0;
	s30 =	rddreg [dreg:$0x7]  }
0xf8: {  	s11 =	rddreg [dreg:$0x11];
	[sflag:s29] =	ssyncadd.s32 $0xFFFFE790;
	s9 =	sshrl.u32 s30, $0x3  }
0xf9: {  	[hbm:s11], [sflag:s12] =	dma.local [spmem:s9], $0x187  }
0xfa: {  	_ =	swait.ge [sflag:s29], $0x187  }
0xfb: {  	[sflag:s29] =	ssyncset.done $0x0  }
0xfc: {  	s15 =	simm.s32 $0x40;
	s16 =	simm.s32 $0x0;
	[sflag:s29] =	ssyncadd.s32 $0xFFFFFE79  }
.LBB2_15:
0xfd: {  	p3 =	sne.s32 s15, $0xF9C0;
	[tilespmem:s16+$0xD320] =	vst v0;
	s9 =	smov.u32 s15;
	s15 =	sadd.s32 $0x40, s15  }
.Ltmp10:
0xfe: {  	(pc) =	sbr.rel @p3 .LBB2_15-.Ltmp10, $2  }
0xff: {  	_ =	sdelay $0x2  }
0x100: {  	s16 =	sshra.s32 s9, $0x2  }
0x101: {  	[tilespmem:s16+$0xD320] =	vst v0  }
0x102: {  	[spmem:s18] =	stream.linear.scatter [tilespmem:s28], [sflag:$0x6], $0x3E80, $0x38;
	[tilespmem:$0x16458] =	vst v63  }
0x103: {  	_ =	swait.ge [sflag:s29], $0x3E80  }
0x104: {  	[sflag:s29] =	ssyncset.done $0x0  }
0x105: {  	s30 =	rddreg [dreg:$0x6];
	[sflag:s29] =	ssyncadd.s32 $0xFFFFC180  }
0x106: {  	[spmem:s30] =	stream.linear.scatter [tilespmem:s28], [sflag:$0x6], $0x3E80, $0x38;
	[tilespmem:$0x16458] =	vst v63  }
0x107: {  	_ =	swait.ge [sflag:s29], $0x3E80  }
0x108: {  	[sflag:s29] =	ssyncset.done $0x0  }
0x109: {  	s9 =	rddreg [dreg:$0x8];
	[sflag:s29] =	ssyncadd.s32 $0xFFFFC180  }
0x10a: {  	[spmem:s9] =	stream.linear.scatter [tilespmem:s28], [sflag:$0x6], $0x3E80, $0x38;
	[tilespmem:$0x16458] =	vst v63  }
0x10b: {  	_ =	swait.ge [sflag:s29], $0x3E80  }
0x10c: {  	[sflag:s29] =	ssyncset.done $0x0  }
0x10d: {  	s15 =	rddreg [dreg:$0x9];
	[sflag:s29] =	ssyncadd.s32 $0xFFFFC180  }
0x10e: {  	[spmem:s15] =	stream.linear.scatter [tilespmem:s28], [sflag:$0x6], $0x800, $0x38;
	[tilespmem:$0x16458] =	vst v63  }
0x10f: {  	_ =	swait.ge [sflag:s29], $0x800  }
0x110: {  	[sflag:s29] =	ssyncset.done $0x0  }
0x111: {  	[sflag:s29] =	ssyncadd.s32 $0xFFFFF800  }
0x112: {  	[bflag:$0x0] =	sbarrier.arrive $0xFFFF  }
0x113: {  	s16 =	rddreg [dreg:$0xb]  }
0x114: {  	[tilespmem:s31], [sflag:$0x6] =	stream.linear.gather [hbm4b:s16+s5], $0x3E8, $0x38;
	[tilespmem:$0x16458] =	vst v63  }
0x115: {  	_ =	swait.ge [sflag:s29], $0x3E8  }
0x116: {  	[sflag:s29] =	ssyncset.done $0x0  }
.Ltmp11:
0x117: {  	s17 =	rddreg [dreg:$0xc];
	[sflag:s29] =	ssyncadd.s32 $0xFFFFFC18;
	(pc) =	sbr.rel @p0 .LBB2_20-.Ltmp11, $4  }
0x118: {  	[tilespmem:s0], [sflag:$0x6] =	stream.linear.gather [hbm4b:s17+s5], $0x3E8, $0x38;
	[tilespmem:$0x16458] =	vst v63  }
0x119: {  	_ =	swait.ge [sflag:s29], $0x3E8  }
0x11a: {  	[sflag:s29] =	ssyncset.done $0x0  }
0x11b: {  	[sflag:s29] =	ssyncadd.s32 $0xFFFFFC18  }
0x11c: {  	[tilespmem:s28], [sflag:$0x1] =	stream.indirect.gather [hbm4b:s6+s3], $0x10, s31, s3, $0xb8;
	[tilespmem:$0x16458] =	vst v63  }
0x11d: {  	s9 =	rddreg [dreg:$0xd]  }
0x11e: {  	[tilespmem:s14], [sflag:$0x6] =	stream.linear.gather [hbm4b:s9+s5], $0x3E8, $0x38;
	[tilespmem:$0x16458] =	vst v63  }
0x11f: {  	_ =	swait.ge [sflag:s29], $0x3E8  }
0x120: {  	[sflag:s29] =	ssyncset.done $0x0  }
0x121: {  	s16 =	rddreg [dreg:$0xe];
	[sflag:s29] =	ssyncadd.s32 $0xFFFFFC18  }
0x122: {  	[tilespmem:s21], [sflag:$0x6] =	stream.linear.gather [hbm4b:s16+s5], $0x3E8, $0x38;
	[tilespmem:$0x16458] =	vst v63  }
0x123: {  	_ =	swait.ge [sflag:s29], $0x3E8  }
0x124: {  	[sflag:s29] =	ssyncset.done $0x0  }
0x125: {  	[sflag:s29] =	ssyncadd.s32 $0xFFFFFC18  }
0x126: {  	[tilespmem:s22], [sflag:$0x2] =	stream.indirect.gather [hbm4b:s6+s3], $0x10, s14, s3, $0xb8;
	[tilespmem:$0x16458] =	vst v63  }
0x127: {  	_ =	swait.ge [sflag:s23], $0x3E80  }
0x128: {  	[sflag:s23] =	ssyncset.done $0x0  }
0x129: {  	s17 =	sadd.s32 $0xFFFFE890, s20;
	[sflag:s23] =	ssyncadd.s32 $0xFFFFC180  }
0x12a: {  	[spmem:s2] =	stream.indirect.scatter.add.f32 [tilespmem:s28], [sflag:$0x3], $0x10, s0, s3, $0xb8;
	[tilespmem:$0x16458] =	vst v63  }
0x12b: {  	s11 =	sadd.s32 $0x186A, s17  }
0x12c: {  	[tilespmem:s31], [sflag:$0x6] =	stream.linear.gather [hbm4b:s11+s5], $0x3E8, $0x38;
	[tilespmem:$0x16458] =	vst v63  }
0x12d: {  	_ =	swait.ge [sflag:s29], $0x3E8  }
0x12e: {  	[sflag:s29] =	ssyncset.done $0x0  }
0x12f: {  	[sflag:s29] =	ssyncadd.s32 $0xFFFFFC18  }
0x130: {  	_ =	swait.ge [sflag:s26], $0x3E80  }
0x131: {  	s16 =	sadd.s32 $0xFFFFE890, s19;
	[sflag:s26] =	ssyncset.done $0x0  }
0x132: {  	s15 =	sadd.s32 $0x186A, s16;
	[sflag:s26] =	ssyncadd.s32 $0xFFFFC180  }
0x133: {  	[tilespmem:s0], [sflag:$0x6] =	stream.linear.gather [hbm4b:s15+s5], $0x3E8, $0x38;
	[tilespmem:$0x16458] =	vst v63  }
0x134: {  	_ =	swait.ge [sflag:s29], $0x3E8  }
0x135: {  	[sflag:s29] =	ssyncset.done $0x0  }
0x136: {  	[sflag:s29] =	ssyncadd.s32 $0xFFFFFC18  }
0x137: {  	[tilespmem:s28], [sflag:$0x1] =	stream.indirect.gather [hbm4b:s6+s3], $0x10, s31, s3, $0xb8;
	[tilespmem:$0x16458] =	vst v63  }
0x138: {  	_ =	swait.ge [sflag:s24], $0x3E80  }
0x139: {  	[sflag:s24] =	ssyncset.done $0x0  }
0x13a: {  	[sflag:s24] =	ssyncadd.s32 $0xFFFFC180  }
0x13b: {  	[spmem:s2] =	stream.indirect.scatter.add.f32 [tilespmem:s22], [sflag:$0x4], $0x10, s21, s3, $0xb8;
	[tilespmem:$0x16458] =	vst v63  }
0x13c: {  	s9 =	sadd.s32 $0x18E7, s17  }
0x13d: {  	[tilespmem:s14], [sflag:$0x6] =	stream.linear.gather [hbm4b:s9+s5], $0x3E8, $0x38;
	[tilespmem:$0x16458] =	vst v63  }
0x13e: {  	_ =	swait.ge [sflag:s29], $0x3E8  }
0x13f: {  	[sflag:s29] =	ssyncset.done $0x0  }
0x140: {  	[sflag:s29] =	ssyncadd.s32 $0xFFFFFC18  }
0x141: {  	_ =	swait.ge [sflag:s25], $0x3E80  }
0x142: {  	[sflag:s25] =	ssyncset.done $0x0  }
0x143: {  	s17 =	sadd.s32 $0x18E7, s16;
	[sflag:s25] =	ssyncadd.s32 $0xFFFFC180  }
0x144: {  	[tilespmem:s21], [sflag:$0x6] =	stream.linear.gather [hbm4b:s17+s5], $0x3E8, $0x38;
	[tilespmem:$0x16458] =	vst v63  }
0x145: {  	_ =	swait.ge [sflag:s29], $0x3E8  }
0x146: {  	[sflag:s29] =	ssyncset.done $0x0  }
0x147: {  	s15 =	simm.s32 $0xFFFFE98A;
	[sflag:s29] =	ssyncadd.s32 $0xFFFFFC18  }
.LBB2_18:
0x148: {  	[tilespmem:s22], [sflag:$0x2] =	stream.indirect.gather [hbm4b:s6+s3], $0x10, s14, s3, $0xb8;
	[tilespmem:$0x16458] =	vst v63  }
0x149: {  	s9 =	smov.u32 s15  }
0x14a: {  	p3 =	seq.s32 s15, $0xFFFFFF06;
	s15 =	sadd.s32 $0xFA, s15;
	_ =	swait.ge [sflag:s23], $0x3E80  }
0x14b: {  	[sflag:s23] =	ssyncset.done $0x0  }
0x14c: {  	s11 =	sadd.s32 s9, s20;
	[sflag:s23] =	ssyncadd.s32 $0xFFFFC180  }
0x14d: {  	[spmem:s2] =	stream.indirect.scatter.add.f32 [tilespmem:s28], [sflag:$0x3], $0x10, s0, s3, $0xb8;
	[tilespmem:$0x16458] =	vst v63  }
0x14e: {  	s16 =	sadd.s32 $0x186A, s11  }
0x14f: {  	[tilespmem:s31], [sflag:$0x6] =	stream.linear.gather [hbm4b:s16+s5], $0x3E8, $0x38;
	[tilespmem:$0x16458] =	vst v63  }
0x150: {  	_ =	swait.ge [sflag:s29], $0x3E8  }
0x151: {  	[sflag:s29] =	ssyncset.done $0x0  }
0x152: {  	[sflag:s29] =	ssyncadd.s32 $0xFFFFFC18  }
0x153: {  	_ =	swait.ge [sflag:s26], $0x3E80  }
0x154: {  	s9 =	sadd.s32 s9, s19;
	[sflag:s26] =	ssyncset.done $0x0  }
0x155: {  	s16 =	sadd.s32 $0x186A, s9;
	[sflag:s26] =	ssyncadd.s32 $0xFFFFC180  }
0x156: {  	[tilespmem:s0], [sflag:$0x6] =	stream.linear.gather [hbm4b:s16+s5], $0x3E8, $0x38;
	[tilespmem:$0x16458] =	vst v63  }
0x157: {  	_ =	swait.ge [sflag:s29], $0x3E8  }
0x158: {  	[sflag:s29] =	ssyncset.done $0x0  }
0x159: {  	[sflag:s29] =	ssyncadd.s32 $0xFFFFFC18  }
0x15a: {  	[tilespmem:s28], [sflag:$0x1] =	stream.indirect.gather [hbm4b:s6+s3], $0x10, s31, s3, $0xb8;
	[tilespmem:$0x16458] =	vst v63  }
0x15b: {  	_ =	swait.ge [sflag:s24], $0x3E80  }
0x15c: {  	[sflag:s24] =	ssyncset.done $0x0  }
0x15d: {  	[sflag:s24] =	ssyncadd.s32 $0xFFFFC180  }
0x15e: {  	[spmem:s2] =	stream.indirect.scatter.add.f32 [tilespmem:s22], [sflag:$0x4], $0x10, s21, s3, $0xb8;
	[tilespmem:$0x16458] =	vst v63  }
0x15f: {  	s11 =	sadd.s32 $0x18E7, s11  }
0x160: {  	[tilespmem:s14], [sflag:$0x6] =	stream.linear.gather [hbm4b:s11+s5], $0x3E8, $0x38;
	[tilespmem:$0x16458] =	vst v63  }
0x161: {  	_ =	swait.ge [sflag:s29], $0x3E8  }
0x162: {  	[sflag:s29] =	ssyncset.done $0x0  }
0x163: {  	[sflag:s29] =	ssyncadd.s32 $0xFFFFFC18  }
0x164: {  	_ =	swait.ge [sflag:s25], $0x3E80  }
0x165: {  	[sflag:s25] =	ssyncset.done $0x0  }
.Ltmp12:
0x166: {  	s9 =	sadd.s32 $0x18E7, s9;
	[sflag:s25] =	ssyncadd.s32 $0xFFFFC180;
	(pc) =	sbr.rel @!p3 .LBB2_18-.Ltmp12, $4  }
0x167: {  	[tilespmem:s21], [sflag:$0x6] =	stream.linear.gather [hbm4b:s9+s5], $0x3E8, $0x38;
	[tilespmem:$0x16458] =	vst v63  }
0x168: {  	_ =	swait.ge [sflag:s29], $0x3E8  }
0x169: {  	[sflag:s29] =	ssyncset.done $0x0  }
0x16a: {  	[sflag:s29] =	ssyncadd.s32 $0xFFFFFC18  }
.Ltmp13:
0x16b: {  	(pc) =	sbr.rel .LBB2_23-.Ltmp13, $2  }
0x16c: {  	_ =	sdelay $0x2  }
0x16d: {  	[tilespmem:s22], [sflag:$0x2] =	stream.indirect.gather [hbm4b:s6+s3], $0x10, s14, s3, $0xb8;
	[tilespmem:$0x16458] =	vst v63  }
.LBB2_20:
0x16e: {  	[tilespmem:s28], [sflag:$0x1] =	stream.indirect.gather [hbm4b:s8+s3], $0x10, s31, s3, $0xb8;
	[tilespmem:$0x16458] =	vst v63  }
0x16f: {  	s9 =	rddreg [dreg:$0xd]  }
0x170: {  	[tilespmem:s14], [sflag:$0x6] =	stream.linear.gather [hbm4b:s9+s5], $0x3E8, $0x38;
	[tilespmem:$0x16458] =	vst v63  }
0x171: {  	_ =	swait.ge [sflag:s29], $0x3E8  }
0x172: {  	[sflag:s29] =	ssyncset.done $0x0  }
0x173: {  	s16 =	rddreg [dreg:$0xe];
	[sflag:s29] =	ssyncadd.s32 $0xFFFFFC18  }
0x174: {  	[tilespmem:s21], [sflag:$0x6] =	stream.linear.gather [hbm4b:s16+s5], $0x3E8, $0x38;
	[tilespmem:$0x16458] =	vst v63  }
0x175: {  	_ =	swait.ge [sflag:s29], $0x3E8  }
0x176: {  	[sflag:s29] =	ssyncset.done $0x0  }
0x177: {  	[sflag:s29] =	ssyncadd.s32 $0xFFFFFC18  }
0x178: {  	[tilespmem:s22], [sflag:$0x2] =	stream.indirect.gather [hbm4b:s8+s3], $0x10, s14, s3, $0xb8;
	[tilespmem:$0x16458] =	vst v63  }
0x179: {  	_ =	swait.ge [sflag:s23], $0x3E80  }
0x17a: {  	[sflag:s23] =	ssyncset.done $0x0  }
0x17b: {  	s17 =	sadd.s32 $0xFFFFE890, s20;
	[sflag:s23] =	ssyncadd.s32 $0xFFFFC180  }
0x17c: {  	[spmem:s2] =	stream.indirect.scatter.add.f32 [tilespmem:s28], [sflag:$0x3], $0x10, s0, s3, $0xb8;
	[tilespmem:$0x16458] =	vst v63  }
0x17d: {  	s11 =	sadd.s32 $0x186A, s17  }
0x17e: {  	[tilespmem:s31], [sflag:$0x6] =	stream.linear.gather [hbm4b:s11+s5], $0x3E8, $0x38;
	[tilespmem:$0x16458] =	vst v63  }
0x17f: {  	_ =	swait.ge [sflag:s29], $0x3E8  }
0x180: {  	[sflag:s29] =	ssyncset.done $0x0  }
0x181: {  	[sflag:s29] =	ssyncadd.s32 $0xFFFFFC18  }
0x182: {  	_ =	swait.ge [sflag:s26], $0x3E80  }
0x183: {  	s16 =	sadd.s32 $0xFFFFE890, s19;
	[sflag:s26] =	ssyncset.done $0x0  }
0x184: {  	s15 =	sadd.s32 $0x186A, s16;
	[sflag:s26] =	ssyncadd.s32 $0xFFFFC180  }
0x185: {  	[tilespmem:s0], [sflag:$0x6] =	stream.linear.gather [hbm4b:s15+s5], $0x3E8, $0x38;
	[tilespmem:$0x16458] =	vst v63  }
0x186: {  	_ =	swait.ge [sflag:s29], $0x3E8  }
0x187: {  	[sflag:s29] =	ssyncset.done $0x0  }
0x188: {  	[sflag:s29] =	ssyncadd.s32 $0xFFFFFC18  }
0x189: {  	[tilespmem:s28], [sflag:$0x1] =	stream.indirect.gather [hbm4b:s8+s3], $0x10, s31, s3, $0xb8;
	[tilespmem:$0x16458] =	vst v63  }
0x18a: {  	_ =	swait.ge [sflag:s24], $0x3E80  }
0x18b: {  	[sflag:s24] =	ssyncset.done $0x0  }
0x18c: {  	[sflag:s24] =	ssyncadd.s32 $0xFFFFC180  }
0x18d: {  	[spmem:s2] =	stream.indirect.scatter.add.f32 [tilespmem:s22], [sflag:$0x4], $0x10, s21, s3, $0xb8;
	[tilespmem:$0x16458] =	vst v63  }
0x18e: {  	s9 =	sadd.s32 $0x18E7, s17  }
0x18f: {  	[tilespmem:s14], [sflag:$0x6] =	stream.linear.gather [hbm4b:s9+s5], $0x3E8, $0x38;
	[tilespmem:$0x16458] =	vst v63  }
0x190: {  	_ =	swait.ge [sflag:s29], $0x3E8  }
0x191: {  	[sflag:s29] =	ssyncset.done $0x0  }
0x192: {  	[sflag:s29] =	ssyncadd.s32 $0xFFFFFC18  }
0x193: {  	_ =	swait.ge [sflag:s25], $0x3E80  }
0x194: {  	[sflag:s25] =	ssyncset.done $0x0  }
0x195: {  	s17 =	sadd.s32 $0x18E7, s16;
	[sflag:s25] =	ssyncadd.s32 $0xFFFFC180  }
0x196: {  	[tilespmem:s21], [sflag:$0x6] =	stream.linear.gather [hbm4b:s17+s5], $0x3E8, $0x38;
	[tilespmem:$0x16458] =	vst v63  }
0x197: {  	_ =	swait.ge [sflag:s29], $0x3E8  }
0x198: {  	[sflag:s29] =	ssyncset.done $0x0  }
0x199: {  	s15 =	simm.s32 $0xFFFFE98A;
	[sflag:s29] =	ssyncadd.s32 $0xFFFFFC18  }
.LBB2_21:
0x19a: {  	[tilespmem:s22], [sflag:$0x2] =	stream.indirect.gather [hbm4b:s8+s3], $0x10, s14, s3, $0xb8;
	[tilespmem:$0x16458] =	vst v63  }
0x19b: {  	s9 =	smov.u32 s15  }
0x19c: {  	p3 =	sne.s32 s15, $0xFFFFFF06;
	s15 =	sadd.s32 $0xFA, s15;
	_ =	swait.ge [sflag:s23], $0x3E80  }
0x19d: {  	[sflag:s23] =	ssyncset.done $0x0  }
0x19e: {  	s11 =	sadd.s32 s9, s20;
	[sflag:s23] =	ssyncadd.s32 $0xFFFFC180  }
0x19f: {  	[spmem:s2] =	stream.indirect.scatter.add.f32 [tilespmem:s28], [sflag:$0x3], $0x10, s0, s3, $0xb8;
	[tilespmem:$0x16458] =	vst v63  }
0x1a0: {  	s16 =	sadd.s32 $0x186A, s11  }
0x1a1: {  	[tilespmem:s31], [sflag:$0x6] =	stream.linear.gather [hbm4b:s16+s5], $0x3E8, $0x38;
	[tilespmem:$0x16458] =	vst v63  }
0x1a2: {  	_ =	swait.ge [sflag:s29], $0x3E8  }
0x1a3: {  	[sflag:s29] =	ssyncset.done $0x0  }
0x1a4: {  	[sflag:s29] =	ssyncadd.s32 $0xFFFFFC18  }
0x1a5: {  	_ =	swait.ge [sflag:s26], $0x3E80  }
0x1a6: {  	s9 =	sadd.s32 s9, s19;
	[sflag:s26] =	ssyncset.done $0x0  }
0x1a7: {  	s16 =	sadd.s32 $0x186A, s9;
	[sflag:s26] =	ssyncadd.s32 $0xFFFFC180  }
0x1a8: {  	[tilespmem:s0], [sflag:$0x6] =	stream.linear.gather [hbm4b:s16+s5], $0x3E8, $0x38;
	[tilespmem:$0x16458] =	vst v63  }
0x1a9: {  	_ =	swait.ge [sflag:s29], $0x3E8  }
0x1aa: {  	[sflag:s29] =	ssyncset.done $0x0  }
0x1ab: {  	[sflag:s29] =	ssyncadd.s32 $0xFFFFFC18  }
0x1ac: {  	[tilespmem:s28], [sflag:$0x1] =	stream.indirect.gather [hbm4b:s8+s3], $0x10, s31, s3, $0xb8;
	[tilespmem:$0x16458] =	vst v63  }
0x1ad: {  	_ =	swait.ge [sflag:s24], $0x3E80  }
0x1ae: {  	[sflag:s24] =	ssyncset.done $0x0  }
0x1af: {  	[sflag:s24] =	ssyncadd.s32 $0xFFFFC180  }
0x1b0: {  	[spmem:s2] =	stream.indirect.scatter.add.f32 [tilespmem:s22], [sflag:$0x4], $0x10, s21, s3, $0xb8;
	[tilespmem:$0x16458] =	vst v63  }
0x1b1: {  	s11 =	sadd.s32 $0x18E7, s11  }
0x1b2: {  	[tilespmem:s14], [sflag:$0x6] =	stream.linear.gather [hbm4b:s11+s5], $0x3E8, $0x38;
	[tilespmem:$0x16458] =	vst v63  }
0x1b3: {  	_ =	swait.ge [sflag:s29], $0x3E8  }
0x1b4: {  	[sflag:s29] =	ssyncset.done $0x0  }
0x1b5: {  	[sflag:s29] =	ssyncadd.s32 $0xFFFFFC18  }
0x1b6: {  	_ =	swait.ge [sflag:s25], $0x3E80  }
0x1b7: {  	[sflag:s25] =	ssyncset.done $0x0  }
.Ltmp14:
0x1b8: {  	s9 =	sadd.s32 $0x18E7, s9;
	[sflag:s25] =	ssyncadd.s32 $0xFFFFC180;
	(pc) =	sbr.rel @p3 .LBB2_21-.Ltmp14, $4  }
0x1b9: {  	[tilespmem:s21], [sflag:$0x6] =	stream.linear.gather [hbm4b:s9+s5], $0x3E8, $0x38;
	[tilespmem:$0x16458] =	vst v63  }
0x1ba: {  	_ =	swait.ge [sflag:s29], $0x3E8  }
0x1bb: {  	[sflag:s29] =	ssyncset.done $0x0  }
0x1bc: {  	[sflag:s29] =	ssyncadd.s32 $0xFFFFFC18  }
.Ltmp15:
0x1bd: {  	_ = 	snop;
	(pc) =	sbr.rel .LBB2_22-.Ltmp15, $1  }
0x1be: {  	_ =	sdelay $0x3  }
.LBB2_24:
0x1bf: {  	_ =	sfence.sel $0x180000  }
0x1c0: {  	[bflag:$0x0] =	sbarrier.arrive $0xFFFF  }
0x1c1: {  	_ =	strace $0x90000047  }
0x1c2: {  	s0 =	stileid.u32;
	[bflag:$0x2] =	sbarrier.arrive $0xFFFF  }
0x1c3: {  	p0 =	sne.s32 s0, $0x0;
	s0 =	rddreg [dreg:$0x4]  }
0x1c4: {  	s0 =	sadd.s32 @!p0 $0x100000, s0  }
0x1c5: {  	[sflag:s0] =	ssyncadd.tile.s32 @!p0 $0x1;
	_ =	shalt  }
.Lfunc_end2:
_tile_overlayer_lowered:
.L_overlay_start_2:
0x1c6: {  	(tag) =	ssettag $0x2  }
0x1c7: {  	s0 =	rddreg [dreg:$0x0];
	s2 =	stileid.u32  }
0x1c8: {  	s1 =	rddreg [dreg:$0x1];
	p0 =	sne.s32 s2, $0x0  }
0x1c9: {  	s3 =	rddreg [dreg:$0x2];
	[bflag:$0x3] =	sbarrier.arrive $0xFFFF;
	s2 =	simm.s32 @!p0 $0x1C06  }
0x1ca: {  	[timem:s3], [sflag:s2] =	dma.local @!p0 [hbm:s0], s1  }
0x1cb: {  	s0 =	simm.s32 @!p0 $0x6  }
0x1cc: {  	_ =	swait.ge @!p0 [sflag:s0], s1  }
0x1cd: {  	s1 =	ssub.s32 @!p0 $0x0, s1;
	[sflag:s0] =	ssyncset.done @!p0 $0x0  }
0x1ce: {  	[sflag:s0] =	ssyncadd.s32 @!p0 s1  }
0x1cf: {  	[bflag:$0x3] =	sbarrier.arrive $0xFFFF  }
0x1d0: {  	_ =	shalt  }

</sc_bundles>
